<compile_context>
chip_gen: v7x
topology: tpu7x:2x2x1
jax: 0.10.2.dev20260603
libtpu: 0.0.44.dev20260713+nightly
codegen_flags: <defaults>
</compile_context>

<pallas_src>
import functools

import jax
import jax.numpy as jnp
from jax import lax
from jax.experimental import pallas as pl
from jax.experimental.pallas import tpu as pltpu
from jax.experimental.pallas import tpu_sc as plsc

N = 10000
E = 320000
D = 128
H0 = 128
H1 = 64
G = 64

NC = 2
NS = 16
NW = NC * NS
NPAD = 10240
NPS = NPAD // NS
EPW = E // NW
CH = 80
NCH = EPW // CH
NB = 5


def _zero_vmem(ref, rows, width):
  zv = jnp.zeros((16,), jnp.float32)

  def body(i, _):
    for j in range(width // 16):
      ref[i, pl.ds(j * 16, 16)] = zv
    return 0

  lax.fori_loop(0, rows, body, 0)


def _fill_vmem_1d(ref, rows, val):
  v = jnp.full((16,), val, jnp.float32)

  def body(i, _):
    ref[pl.ds(i * 16, 16)] = v
    return 0

  lax.fori_loop(0, rows // 16, body, 0)


_MESH = plsc.VectorSubcoreMesh(
    core_axis_name="c", subcore_axis_name="s", num_cores=NC, num_subcores=NS
)


@functools.partial(
    pl.kernel,
    out_type=jax.ShapeDtypeStruct((NC, NPAD), jnp.float32),
    mesh=_MESH,
    scratch_types=[
        pltpu.VMEM((NCH, CH), jnp.int32),
        pltpu.VMEM((CH,), jnp.float32),
        pltpu.VMEM_SHARED((NPAD,), jnp.float32),
        pltpu.SemaphoreType.DMA,
    ],
)
def _deg_kernel(eidx_hbm, out_hbm, didxv, ones, acc, sem):
  c = lax.axis_index("c")
  s = lax.axis_index("s")
  _fill_vmem_1d(ones, CH, 0.0)
  for k in range(NPS // CH):
    pltpu.sync_copy(ones, acc.at[pl.ds(s * NPS + k * CH, CH)])
  plsc.subcore_barrier()
  _fill_vmem_1d(ones, CH, 1.0)

  w = c * NS + s
  pltpu.sync_copy(eidx_hbm.at[1].at[w], didxv)

  def body(j, _):
    pltpu.sync_copy(ones, acc.at[didxv.at[j]], add=True)
    return 0

  lax.fori_loop(0, NCH, body, 0)
  plsc.subcore_barrier()
  pltpu.sync_copy(
      acc.at[pl.ds(s * NPS, NPS)], out_hbm.at[c].at[pl.ds(s * NPS, NPS)]
  )


F_AGG = 64


def _make_agg():
  F = F_AGG
  params = pltpu.CompilerParams(use_tc_tiling_on_sc=False)

  @functools.partial(
      pl.kernel,
      out_type=jax.ShapeDtypeStruct((NC, NPAD, F), jnp.float32),
      mesh=_MESH,
      compiler_params=params,
      scratch_types=[
          pltpu.VMEM((NCH, CH), jnp.int32),
          pltpu.VMEM((NCH, CH), jnp.int32),
          pltpu.VMEM((NB, CH, F), jnp.float32),
          pltpu.VMEM_SHARED((NPAD, F), jnp.float32),
          pltpu.SemaphoreType.DMA,
          pltpu.SemaphoreType.DMA,
          pltpu.SemaphoreType.DMA,
          pltpu.SemaphoreType.DMA,
          pltpu.SemaphoreType.DMA,
          pltpu.SemaphoreType.DMA,
          pltpu.SemaphoreType.DMA,
          pltpu.SemaphoreType.DMA,
          pltpu.SemaphoreType.DMA,
          pltpu.SemaphoreType.DMA,
      ],
      name=f"edge_agg_f{F}",
  )
  def agg(y_hbm, eidx_hbm, out_hbm, sidxv, didxv, rows, acc,
          sg0, sg1, sg2, sg3, sg4, ss0, ss1, ss2, ss3, ss4):
    semg = [sg0, sg1, sg2, sg3, sg4]
    sems = [ss0, ss1, ss2, ss3, ss4]
    c = lax.axis_index("c")
    s = lax.axis_index("s")
    _zero_vmem(rows.at[0], CH, F)
    for k in range(NPS // CH):
      pltpu.sync_copy(rows.at[0], acc.at[pl.ds(s * NPS + k * CH, CH)])
    plsc.subcore_barrier()

    w = c * NS + s
    pltpu.sync_copy(eidx_hbm.at[0].at[w], sidxv)
    pltpu.sync_copy(eidx_hbm.at[1].at[w], didxv)

    def body(t, _):
      gd = []
      for i in range(NB):
        j = t * NB + i
        gd.append(
            pltpu.async_copy(y_hbm.at[sidxv.at[j]], rows.at[i], semg[i])
        )
      sd = []
      for i in range(NB):
        j = t * NB + i
        gd[i].wait()
        sd.append(
            pltpu.async_copy(rows.at[i], acc.at[didxv.at[j]], sems[i],
                             add=True)
        )
      for i in range(NB):
        sd[i].wait()
      return 0

    lax.fori_loop(0, NCH // NB, body, 0)
    plsc.subcore_barrier()
    pltpu.sync_copy(
        acc.at[pl.ds(s * NPS, NPS)], out_hbm.at[c].at[pl.ds(s * NPS, NPS)]
    )

  return agg


_edge_agg = _make_agg()


def _matmul_t(a, w):
  return lax.dot_general(
      a, w, (((1,), (1,)), ((), ())), preferred_element_type=jnp.float32
  )


def _bn(t, g, b, eps=1e-5):
  m = jnp.mean(t, axis=0, keepdims=True)
  v = jnp.mean((t - m) * (t - m), axis=0, keepdims=True)
  return (t - m) * lax.rsqrt(v + eps) * g[None, :] + b[None, :]


def _tc1_body(x_ref, wc0_ref, degp_ref, y0a_ref, y0b_ref, dinv_ref):
  deg = degp_ref[0, :N] + degp_ref[1, :N] + 1.0
  dinv = lax.rsqrt(deg)[:, None]
  dinv_ref[...] = dinv
  y0 = _matmul_t(x_ref[...], wc0_ref[...]) * dinv
  zpad = jnp.zeros((NPAD - N, H1), jnp.float32)
  y0a_ref[:N, :] = y0[:, :H1]
  y0a_ref[N:, :] = zpad
  y0b_ref[:N, :] = y0[:, H1:]
  y0b_ref[N:, :] = zpad


_tc1 = pl.pallas_call(
    _tc1_body,
    out_shape=(
        jax.ShapeDtypeStruct((NPAD, H1), jnp.float32),
        jax.ShapeDtypeStruct((NPAD, H1), jnp.float32),
        jax.ShapeDtypeStruct((N, 1), jnp.float32),
    ),
)


def _tc2h_body(pa_ref, y0h_ref, dinv_ref, xh_ref, bc0h_ref, g0h_ref,
               be0h_ref, x1h_ref):
  dinv = dinv_ref[...]
  agg = pa_ref[0, :N, :] + pa_ref[1, :N, :] + y0h_ref[:N, :]
  conv0 = dinv * agg + bc0h_ref[...][None, :]
  h = jnp.maximum(_bn(conv0, g0h_ref[...], be0h_ref[...]), 0.0)
  x1h_ref[...] = jnp.maximum(h + xh_ref[...], 0.0)


_tc2h = pl.pallas_call(
    _tc2h_body,
    out_shape=jax.ShapeDtypeStruct((N, H1), jnp.float32),
)


def _tc2c_body(x1a_ref, x1b_ref, dinv_ref, wc1_ref, ws1_ref, bs1_ref,
               y1_ref, r1_ref):
  dinv = dinv_ref[...]
  x1a = x1a_ref[...]
  x1b = x1b_ref[...]
  wc1 = wc1_ref[...]
  ws1 = ws1_ref[...]
  y1 = _matmul_t(x1a, wc1[:, :H1]) + _matmul_t(x1b, wc1[:, H1:])
  y1_ref[:N, :] = y1 * dinv
  y1_ref[N:, :] = jnp.zeros((NPAD - N, H1), jnp.float32)
  r1_ref[...] = (_matmul_t(x1a, ws1[:, :H1]) + _matmul_t(x1b, ws1[:, H1:])
                 + bs1_ref[...][None, :])


_tc2c = pl.pallas_call(
    _tc2c_body,
    out_shape=(
        jax.ShapeDtypeStruct((NPAD, H1), jnp.float32),
        jax.ShapeDtypeStruct((N, H1), jnp.float32),
    ),
)


def _tc3_body(aggp_ref, y1_ref, dinv_ref, r1_ref, batch_ref, bc1_ref, g1_ref,
              be1_ref, wd0_ref, bd0_ref, gd0_ref, bed0_ref, wd1_ref, bd1_ref,
              gd1_ref, bed1_ref, wd2_ref, bd2_ref, wp0_ref, bp0_ref, wp1_ref,
              bp1_ref, z_ref, xr_ref, zg_ref):
  dinv = dinv_ref[...]
  agg = aggp_ref[0, :N, :] + aggp_ref[1, :N, :] + y1_ref[:N, :]
  conv1 = dinv * agg + bc1_ref[...][None, :]
  h = jnp.maximum(_bn(conv1, g1_ref[...], be1_ref[...]), 0.0)
  x2 = jnp.maximum(h + r1_ref[...], 0.0)
  nrm = jnp.sqrt(jnp.sum(x2 * x2, axis=1, keepdims=True))
  z = x2 / jnp.maximum(nrm, 1e-12)
  z_ref[...] = z

  t = jnp.maximum(_matmul_t(z, wd0_ref[...]) + bd0_ref[...][None, :], 0.0)
  t = _bn(t, gd0_ref[...], bed0_ref[...])
  t = jnp.maximum(_matmul_t(t, wd1_ref[...]) + bd1_ref[...][None, :], 0.0)
  t = _bn(t, gd1_ref[...], bed1_ref[...])
  xr_ref[...] = _matmul_t(t, wd2_ref[...]) + bd2_ref[...][None, :]

  batch = batch_ref[...]
  rows_g = lax.broadcasted_iota(jnp.int32, (G, 1), 0)

  def seg_body(g, zg):
    m = (batch == g).astype(jnp.float32)
    row = jnp.max(z * m, axis=0)
    return jnp.where(rows_g == g, row[None, :], zg)

  zg = lax.fori_loop(0, G, seg_body, jnp.zeros((G, H1), jnp.float32))
  t = jnp.maximum(_matmul_t(zg, wp0_ref[...]) + bp0_ref[...][None, :], 0.0)
  zg_ref[...] = _matmul_t(t, wp1_ref[...]) + bp1_ref[...][None, :]


_tc3 = pl.pallas_call(
    _tc3_body,
    out_shape=(
        jax.ShapeDtypeStruct((N, H1), jnp.float32),
        jax.ShapeDtypeStruct((N, D), jnp.float32),
        jax.ShapeDtypeStruct((G, H1), jnp.float32),
    ),
)


def kernel(x, edge_index, batch, Wc0, bc0, g0, be0, Wc1, bc1, g1, be1, Ws1,
           bs1, Wd0, bd0, gd0, bed0, Wd1, bd1, gd1, bed1, Wd2, bd2, Wp0, bp0,
           Wp1, bp1):
  eidx = edge_index.reshape(2, NW, NCH, CH)
  degp = _deg_kernel(eidx)
  y0a, y0b, dinv = _tc1(x, Wc0, degp)
  p0a = _edge_agg(y0a, eidx)
  p0b = _edge_agg(y0b, eidx)
  x1a = _tc2h(p0a, y0a, dinv, x[:, :H1], bc0[:H1], g0[:H1], be0[:H1])
  x1b = _tc2h(p0b, y0b, dinv, x[:, H1:], bc0[H1:], g0[H1:], be0[H1:])
  y1, r1 = _tc2c(x1a, x1b, dinv, Wc1, Ws1, bs1)
  aggp1 = _edge_agg(y1, eidx)
  z, x_recon, z_g_mlp = _tc3(
      aggp1, y1, dinv, r1, batch.reshape(N, 1), bc1, g1, be1, Wd0, bd0, gd0,
      bed0, Wd1, bd1, gd1, bed1, Wd2, bd2, Wp0, bp0, Wp1, bp1
  )
  return (z, x_recon, z_g_mlp)

# --- scband reference (transcript-rebuilt; emitter-appended) ---
"""Pipeline reference for scband-graph-autoencoder-41918880809286 (READ-ONLY COPY).

The authoritative reference and input builder live on the scoring server;
editing this copy changes nothing except your own understanding.
"""

import jax, jax.numpy as jnp
import numpy as np

N = 10000
E = 320000
D = 128
H0 = 128
H1 = 64
G = 64


def _glorot(key, shape, gain=1.0):
    fan_in, fan_out = shape[1], shape[0]
    limit = gain * np.sqrt(6.0 / (fan_in + fan_out))
    return jax.random.uniform(key, shape, dtype=jnp.float32, minval=-limit, maxval=limit)


def setup_inputs(seed: int = 0) -> dict:
    key = jax.random.key(seed)
    ks = jax.random.split(key, 24)
    inp = {}
    inp['x'] = jax.random.normal(ks[0], (N, D), dtype=jnp.float32)
    inp['edge_index'] = jax.random.randint(ks[1], (2, E), 0, N, dtype=jnp.int32)
    base = jax.random.randint(ks[2], (N - G,), 0, G, dtype=jnp.int32)
    inp['batch'] = jnp.sort(jnp.concatenate([base, jnp.arange(G, dtype=jnp.int32)]))
    gain = float(np.sqrt(2.0))
    # Encoder block 0: GCNConv(128->128), BN(128), shortcut=Identity
    inp['Wc0'] = _glorot(ks[3], (H0, D), gain)
    inp['bc0'] = jnp.zeros((H0,), jnp.float32)
    inp['g0'] = jnp.ones((H0,), jnp.float32)
    inp['be0'] = jnp.zeros((H0,), jnp.float32)
    # Encoder block 1: GCNConv(128->64), BN(64), shortcut=Linear(128->64)
    inp['Wc1'] = _glorot(ks[4], (H1, H0), gain)
    inp['bc1'] = jnp.zeros((H1,), jnp.float32)
    inp['g1'] = jnp.ones((H1,), jnp.float32)
    inp['be1'] = jnp.zeros((H1,), jnp.float32)
    inp['Ws1'] = _glorot(ks[5], (H1, H0), 1.0)
    inp['bs1'] = jnp.zeros((H1,), jnp.float32)
    # FeatureDecoder dims: [64, 64, 128, 128]
    inp['Wd0'] = _glorot(ks[6], (H1, H1))
    inp['bd0'] = jnp.zeros((H1,), jnp.float32)
    inp['gd0'] = jnp.ones((H1,), jnp.float32)
    inp['bed0'] = jnp.zeros((H1,), jnp.float32)
    inp['Wd1'] = _glorot(ks[7], (H0, H1))
    inp['bd1'] = jnp.zeros((H0,), jnp.float32)
    inp['gd1'] = jnp.ones((H0,), jnp.float32)
    inp['bed1'] = jnp.zeros((H0,), jnp.float32)
    inp['Wd2'] = _glorot(ks[8], (D, H0))
    inp['bd2'] = jnp.zeros((D,), jnp.float32)
    # Projection head: Linear(64->64), ReLU, Linear(64->64)
    inp['Wp0'] = _glorot(ks[9], (H1, H1))
    inp['bp0'] = jnp.zeros((H1,), jnp.float32)
    inp['Wp1'] = _glorot(ks[10], (H1, H1))
    inp['bp1'] = jnp.zeros((H1,), jnp.float32)
    return inp


def _gcn_conv(x, src, dst, W, b, num_nodes):
    xw = x @ W.T
    sl = jnp.arange(num_nodes, dtype=src.dtype)
    s = jnp.concatenate([src, sl])
    d = jnp.concatenate([dst, sl])
    deg = jnp.zeros((num_nodes,), x.dtype).at[d].add(1.0)
    dinv = jax.lax.rsqrt(jnp.maximum(deg, 1.0))
    norm = dinv[s] * dinv[d]
    msg = xw[s] * norm[:, None]
    out = jnp.zeros((num_nodes, W.shape[0]), x.dtype).at[d].add(msg)
    return out + b


def _batch_norm(x, g, b, eps=1e-5):
    m = jnp.mean(x, axis=0)
    v = jnp.var(x, axis=0)
    return (x - m) / jnp.sqrt(v + eps) * g + b


def _encoder(x, src, dst, Wc0, bc0, g0, be0, Wc1, bc1, g1, be1, Ws1, bs1):
    # Block 0 (128->128), Identity shortcut, dropout = identity (eval)
    r0 = x
    h = jax.nn.relu(_batch_norm(_gcn_conv(x, src, dst, Wc0, bc0, N), g0, be0))
    x = jax.nn.relu(h + r0)
    # Block 1 (128->64), Linear shortcut
    r1 = x @ Ws1.T + bs1
    h = jax.nn.relu(_batch_norm(_gcn_conv(x, src, dst, Wc1, bc1, N), g1, be1))
    x = jax.nn.relu(h + r1)
    # F.normalize(x, p=2, dim=1)
    nrm = jnp.sqrt(jnp.sum(x * x, axis=1, keepdims=True))
    return x / jnp.maximum(nrm, 1e-12)


def _feature_decoder(z, Wd0, bd0, gd0, bed0, Wd1, bd1, gd1, bed1, Wd2, bd2):
    z = z @ Wd0.T + bd0
    z = _batch_norm(jax.nn.relu(z), gd0, bed0)
    z = z @ Wd1.T + bd1
    z = _batch_norm(jax.nn.relu(z), gd1, bed1)
    z = z @ Wd2.T + bd2
    return z


def reference(x, edge_index, batch, Wc0, bc0, g0, be0, Wc1, bc1, g1, be1, Ws1, bs1,
              Wd0, bd0, gd0, bed0, Wd1, bd1, gd1, bed1, Wd2, bd2, Wp0, bp0, Wp1, bp1):
    src, dst = edge_index[0], edge_index[1]
    z = _encoder(x, src, dst, Wc0, bc0, g0, be0, Wc1, bc1, g1, be1, Ws1, bs1)
    x_recon = _feature_decoder(z, Wd0, bd0, gd0, bed0, Wd1, bd1, gd1, bed1, Wd2, bd2)
    z_g = jax.ops.segment_max(z, batch, num_segments=G)
    z_g_mlp = jax.nn.relu(z_g @ Wp0.T + bp0) @ Wp1.T + bp1
    return (z, x_recon, z_g_mlp)

if __name__ == "__main__":
    import jax
    _d = setup_inputs()
    print(jax.jit(kernel)(*tuple(_d.values())))

</pallas_src>

<mosaic_0001>
#map = affine_map<(d0, d1) -> (0, 0)>
#map1 = affine_map<(d0, d1) -> (0, 0, 0, 0)>
#map2 = affine_map<(d0, d1) -> (0, 0, 0)>
module attributes {stable_mosaic.version = 14 : i64} {
  func.func @edge_agg_f64(%arg0: i32, %arg1: i32, %arg2: memref<10240x64xf32, #tpu.memory_space<hbm>>, %arg3: memref<2x32x125x80xi32, #tpu.memory_space<hbm>>, %arg4: memref<2x10240x64xf32, #tpu.memory_space<hbm>>, %arg5: memref<125x80xi32, #tpu.memory_space<vmem>>, %arg6: memref<125x80xi32, #tpu.memory_space<vmem>>, %arg7: memref<5x80x64xf32, #tpu.memory_space<vmem>>, %arg8: memref<10240x64xf32, #tpu.memory_space<vmem_shared>>, %arg9: memref<!tpu.dma_semaphore, #tpu.memory_space<semaphore_mem>>, %arg10: memref<!tpu.dma_semaphore, #tpu.memory_space<semaphore_mem>>, %arg11: memref<!tpu.dma_semaphore, #tpu.memory_space<semaphore_mem>>, %arg12: memref<!tpu.dma_semaphore, #tpu.memory_space<semaphore_mem>>, %arg13: memref<!tpu.dma_semaphore, #tpu.memory_space<semaphore_mem>>, %arg14: memref<!tpu.dma_semaphore, #tpu.memory_space<semaphore_mem>>, %arg15: memref<!tpu.dma_semaphore, #tpu.memory_space<semaphore_mem>>, %arg16: memref<!tpu.dma_semaphore, #tpu.memory_space<semaphore_mem>>, %arg17: memref<!tpu.dma_semaphore, #tpu.memory_space<semaphore_mem>>, %arg18: memref<!tpu.dma_semaphore, #tpu.memory_space<semaphore_mem>>) attributes {dimension_semantics = [#tpu.dimension_semantics<core_parallel>, #tpu.dimension_semantics<subcore_parallel>], iteration_bounds = array<i64: 2, 16>, scalar_prefetch = 0 : i64, scratch_operands = 14 : i64, tpu.core_type = #tpu.core_type<sc_vector_subcore>, window_params = [{transform_indices = #map}, {transform_indices = #map1}, {transform_indices = #map2}]} {
    %broadcast_in_dim3A = arith.constant 0.000000e+00 : f32
    %broadcast_in_dim3A_0 = vector.broadcast %broadcast_in_dim3A : f32 to vector<16xf32>
    %scan3A = arith.constant 0 : i32
    %scan3A_1 = arith.constant 0 : i32
    %scan3A_2 = arith.constant 0 : i32
    %scan3A_3 = arith.constant 80 : i32
    %scan3A_4 = arith.addi %scan3A_2, %scan3A_3 : i32
    %scan3A_5 = arith.constant 1 : i32
    %scan3A_6 = scf.for %scan3A_62 = %scan3A_2 to %scan3A_4 step %scan3A_5 iter_args(%scan3A_63 = %scan3A_1) -> (i32)  : i32 {
      %swap3A = arith.constant 0 : i32
      %swap3A_64 = arith.constant 0 : i32
      %swap3A_65 = tpu.memref_slice %arg7[%scan3A, %swap3A, %swap3A_64] : memref<5x80x64xf32, #tpu.memory_space<vmem>> -> memref<1x80x64xf32, #tpu.memory_space<vmem>>
      %swap3A_66 = tpu.memref_squeeze %swap3A_65 : memref<1x80x64xf32, #tpu.memory_space<vmem>> -> memref<80x64xf32, #tpu.memory_space<vmem>>
      %swap3A_67 = arith.index_cast %scan3A_62 : i32 to index
      %swap3A_68 = arith.constant 0 : index
      %swap3A_69 = tpu.vector_load %swap3A_66[%swap3A_67, %swap3A_68] {strides = array<i32>} : memref<80x64xf32, #tpu.memory_space<vmem>>, vector<1x16xf32>,
      %swap3A_70 = vector.shape_cast %swap3A_69 : vector<1x16xf32> to vector<16xf32>
      %swap3A_71 = vector.shape_cast %broadcast_in_dim3A_0 : vector<16xf32> to vector<1x16xf32>
      tpu.vector_store %swap3A_66[%swap3A_67, %swap3A_68], %swap3A_71 {strides = array<i32>} : memref<80x64xf32, #tpu.memory_space<vmem>>, vector<1x16xf32>,
      %swap3A_72 = arith.constant 0 : i32
      %swap3A_73 = arith.constant 0 : i32
      %swap3A_74 = tpu.memref_slice %arg7[%scan3A, %swap3A_72, %swap3A_73] : memref<5x80x64xf32, #tpu.memory_space<vmem>> -> memref<1x80x64xf32, #tpu.memory_space<vmem>>
      %swap3A_75 = tpu.memref_squeeze %swap3A_74 : memref<1x80x64xf32, #tpu.memory_space<vmem>> -> memref<80x64xf32, #tpu.memory_space<vmem>>
      %swap3A_76 = arith.index_cast %scan3A_62 : i32 to index
      %swap3A_77 = arith.constant 16 : index
      %swap3A_78 = tpu.vector_load %swap3A_75[%swap3A_76, %swap3A_77] {strides = array<i32>} : memref<80x64xf32, #tpu.memory_space<vmem>>, vector<1x16xf32>,
      %swap3A_79 = vector.shape_cast %swap3A_78 : vector<1x16xf32> to vector<16xf32>
      %swap3A_80 = vector.shape_cast %broadcast_in_dim3A_0 : vector<16xf32> to vector<1x16xf32>
      tpu.vector_store %swap3A_75[%swap3A_76, %swap3A_77], %swap3A_80 {strides = array<i32>} : memref<80x64xf32, #tpu.memory_space<vmem>>, vector<1x16xf32>,
      %swap3A_81 = arith.constant 0 : i32
      %swap3A_82 = arith.constant 0 : i32
      %swap3A_83 = tpu.memref_slice %arg7[%scan3A, %swap3A_81, %swap3A_82] : memref<5x80x64xf32, #tpu.memory_space<vmem>> -> memref<1x80x64xf32, #tpu.memory_space<vmem>>
      %swap3A_84 = tpu.memref_squeeze %swap3A_83 : memref<1x80x64xf32, #tpu.memory_space<vmem>> -> memref<80x64xf32, #tpu.memory_space<vmem>>
      %swap3A_85 = arith.index_cast %scan3A_62 : i32 to index
      %swap3A_86 = arith.constant 32 : index
      %swap3A_87 = tpu.vector_load %swap3A_84[%swap3A_85, %swap3A_86] {strides = array<i32>} : memref<80x64xf32, #tpu.memory_space<vmem>>, vector<1x16xf32>,
      %swap3A_88 = vector.shape_cast %swap3A_87 : vector<1x16xf32> to vector<16xf32>
      %swap3A_89 = vector.shape_cast %broadcast_in_dim3A_0 : vector<16xf32> to vector<1x16xf32>
      tpu.vector_store %swap3A_84[%swap3A_85, %swap3A_86], %swap3A_89 {strides = array<i32>} : memref<80x64xf32, #tpu.memory_space<vmem>>, vector<1x16xf32>,
      %swap3A_90 = arith.constant 0 : i32
      %swap3A_91 = arith.constant 0 : i32
      %swap3A_92 = tpu.memref_slice %arg7[%scan3A, %swap3A_90, %swap3A_91] : memref<5x80x64xf32, #tpu.memory_space<vmem>> -> memref<1x80x64xf32, #tpu.memory_space<vmem>>
      %swap3A_93 = tpu.memref_squeeze %swap3A_92 : memref<1x80x64xf32, #tpu.memory_space<vmem>> -> memref<80x64xf32, #tpu.memory_space<vmem>>
      %swap3A_94 = arith.index_cast %scan3A_62 : i32 to index
      %swap3A_95 = arith.constant 48 : index
      %swap3A_96 = tpu.vector_load %swap3A_93[%swap3A_94, %swap3A_95] {strides = array<i32>} : memref<80x64xf32, #tpu.memory_space<vmem>>, vector<1x16xf32>,
      %swap3A_97 = vector.shape_cast %swap3A_96 : vector<1x16xf32> to vector<16xf32>
      %swap3A_98 = vector.shape_cast %broadcast_in_dim3A_0 : vector<16xf32> to vector<1x16xf32>
      tpu.vector_store %swap3A_93[%swap3A_94, %swap3A_95], %swap3A_98 {strides = array<i32>} : memref<80x64xf32, #tpu.memory_space<vmem>>, vector<1x16xf32>,
      %scan3A_99 = arith.constant 0 : i32
      scf.yield %scan3A_99 : i32
    }
    %scan3A_7 = arith.constant 80 : i32
    %mul3A = arith.constant 640 : i32
    %mul3A_8 = arith.muli %arg1, %mul3A : i32
    %add3A = arith.constant 0 : i32
    %add3A_9 = arith.addi %mul3A_8, %add3A : i32
    %run_scoped3A = arith.constant 0 : i32
    "tpu.region"() ({
      %run_scoped3A_62 = tpu.sem_alloc : memref<!tpu.dma_semaphore, #tpu.memory_space<semaphore_mem>>
      %dma_start3A = arith.constant 0 : i32
      %dma_start3A_63 = arith.constant 0 : i32
      %dma_start3A_64 = tpu.memref_slice %arg7[%run_scoped3A, %dma_start3A, %dma_start3A_63] : memref<5x80x64xf32, #tpu.memory_space<vmem>> -> memref<1x80x64xf32, #tpu.memory_space<vmem>>
      %dma_start3A_65 = tpu.memref_squeeze %dma_start3A_64 : memref<1x80x64xf32, #tpu.memory_space<vmem>> -> memref<80x64xf32, #tpu.memory_space<vmem>>
      %dma_start3A_66 = arith.constant 0 : i32
      %dma_start3A_67 = tpu.memref_slice %arg8[%add3A_9, %dma_start3A_66] : memref<10240x64xf32, #tpu.memory_space<vmem_shared>> -> memref<80x64xf32, #tpu.memory_space<vmem_shared>>
      %dma_start3A_68 = arith.constant 0 : i32
      %dma_start3A_69 = tpu.memref_slice %arg8[%add3A_9, %dma_start3A_68] : memref<10240x64xf32, #tpu.memory_space<vmem_shared>> -> memref<80x64xf32, #tpu.memory_space<vmem_shared>>
      %dma_start3A_70 = arith.constant 0 : i32
      %dma_start3A_71 = arith.constant 0 : i32
      %dma_start3A_72 = tpu.memref_slice %arg7[%run_scoped3A, %dma_start3A_70, %dma_start3A_71] : memref<5x80x64xf32, #tpu.memory_space<vmem>> -> memref<1x80x64xf32, #tpu.memory_space<vmem>>
      %dma_start3A_73 = tpu.memref_squeeze %dma_start3A_72 : memref<1x80x64xf32, #tpu.memory_space<vmem>> -> memref<80x64xf32, #tpu.memory_space<vmem>>
      tpu.enqueue_dma source(%dma_start3A_73 : memref<80x64xf32, #tpu.memory_space<vmem>>) target(%dma_start3A_69 : memref<80x64xf32, #tpu.memory_space<vmem_shared>>) target_semaphore(%run_scoped3A_62 : memref<!tpu.dma_semaphore, #tpu.memory_space<semaphore_mem>>)
      %dma_wait3A = arith.constant 0 : i32
      %dma_wait3A_74 = arith.constant 0 : i32
      %dma_wait3A_75 = tpu.memref_slice %arg7[%run_scoped3A, %dma_wait3A, %dma_wait3A_74] : memref<5x80x64xf32, #tpu.memory_space<vmem>> -> memref<1x80x64xf32, #tpu.memory_space<vmem>>
      %dma_wait3A_76 = tpu.memref_squeeze %dma_wait3A_75 : memref<1x80x64xf32, #tpu.memory_space<vmem>> -> memref<80x64xf32, #tpu.memory_space<vmem>>
      %dma_wait3A_77 = arith.constant 0 : i32
      %dma_wait3A_78 = tpu.memref_slice %arg8[%add3A_9, %dma_wait3A_77] : memref<10240x64xf32, #tpu.memory_space<vmem_shared>> -> memref<80x64xf32, #tpu.memory_space<vmem_shared>>
      %dma_wait3A_79 = arith.constant 0 : i32
      %dma_wait3A_80 = tpu.memref_slice %arg8[%add3A_9, %dma_wait3A_79] : memref<10240x64xf32, #tpu.memory_space<vmem_shared>> -> memref<80x64xf32, #tpu.memory_space<vmem_shared>>
      %dma_wait3A_81 = arith.constant 0 : i32
      %dma_wait3A_82 = arith.constant 0 : i32
      %dma_wait3A_83 = tpu.memref_slice %arg7[%run_scoped3A, %dma_wait3A_81, %dma_wait3A_82] : memref<5x80x64xf32, #tpu.memory_space<vmem>> -> memref<1x80x64xf32, #tpu.memory_space<vmem>>
      %dma_wait3A_84 = tpu.memref_squeeze %dma_wait3A_83 : memref<1x80x64xf32, #tpu.memory_space<vmem>> -> memref<80x64xf32, #tpu.memory_space<vmem>>
      tpu.wait_dma2 semaphore(%run_scoped3A_62 : memref<!tpu.dma_semaphore, #tpu.memory_space<semaphore_mem>>) src(%dma_wait3A_84 : memref<80x64xf32, #tpu.memory_space<vmem>>) dst(%dma_wait3A_80 : memref<80x64xf32, #tpu.memory_space<vmem_shared>>)
      tpu.yield
    }) : () -> ()
    %mul3A_10 = arith.constant 640 : i32
    %mul3A_11 = arith.muli %arg1, %mul3A_10 : i32
    %add3A_12 = arith.constant 80 : i32
    %add3A_13 = arith.addi %mul3A_11, %add3A_12 : i32
    %run_scoped3A_14 = arith.constant 0 : i32
    "tpu.region"() ({
      %run_scoped3A_62 = tpu.sem_alloc : memref<!tpu.dma_semaphore, #tpu.memory_space<semaphore_mem>>
      %dma_start3A = arith.constant 0 : i32
      %dma_start3A_63 = arith.constant 0 : i32
      %dma_start3A_64 = tpu.memref_slice %arg7[%run_scoped3A_14, %dma_start3A, %dma_start3A_63] : memref<5x80x64xf32, #tpu.memory_space<vmem>> -> memref<1x80x64xf32, #tpu.memory_space<vmem>>
      %dma_start3A_65 = tpu.memref_squeeze %dma_start3A_64 : memref<1x80x64xf32, #tpu.memory_space<vmem>> -> memref<80x64xf32, #tpu.memory_space<vmem>>
      %dma_start3A_66 = arith.constant 0 : i32
      %dma_start3A_67 = tpu.memref_slice %arg8[%add3A_13, %dma_start3A_66] : memref<10240x64xf32, #tpu.memory_space<vmem_shared>> -> memref<80x64xf32, #tpu.memory_space<vmem_shared>>
      %dma_start3A_68 = arith.constant 0 : i32
      %dma_start3A_69 = tpu.memref_slice %arg8[%add3A_13, %dma_start3A_68] : memref<10240x64xf32, #tpu.memory_space<vmem_shared>> -> memref<80x64xf32, #tpu.memory_space<vmem_shared>>
      %dma_start3A_70 = arith.constant 0 : i32
      %dma_start3A_71 = arith.constant 0 : i32
      %dma_start3A_72 = tpu.memref_slice %arg7[%run_scoped3A_14, %dma_start3A_70, %dma_start3A_71] : memref<5x80x64xf32, #tpu.memory_space<vmem>> -> memref<1x80x64xf32, #tpu.memory_space<vmem>>
      %dma_start3A_73 = tpu.memref_squeeze %dma_start3A_72 : memref<1x80x64xf32, #tpu.memory_space<vmem>> -> memref<80x64xf32, #tpu.memory_space<vmem>>
      tpu.enqueue_dma source(%dma_start3A_73 : memref<80x64xf32, #tpu.memory_space<vmem>>) target(%dma_start3A_69 : memref<80x64xf32, #tpu.memory_space<vmem_shared>>) target_semaphore(%run_scoped3A_62 : memref<!tpu.dma_semaphore, #tpu.memory_space<semaphore_mem>>)
      %dma_wait3A = arith.constant 0 : i32
      %dma_wait3A_74 = arith.constant 0 : i32
      %dma_wait3A_75 = tpu.memref_slice %arg7[%run_scoped3A_14, %dma_wait3A, %dma_wait3A_74] : memref<5x80x64xf32, #tpu.memory_space<vmem>> -> memref<1x80x64xf32, #tpu.memory_space<vmem>>
      %dma_wait3A_76 = tpu.memref_squeeze %dma_wait3A_75 : memref<1x80x64xf32, #tpu.memory_space<vmem>> -> memref<80x64xf32, #tpu.memory_space<vmem>>
      %dma_wait3A_77 = arith.constant 0 : i32
      %dma_wait3A_78 = tpu.memref_slice %arg8[%add3A_13, %dma_wait3A_77] : memref<10240x64xf32, #tpu.memory_space<vmem_shared>> -> memref<80x64xf32, #tpu.memory_space<vmem_shared>>
      %dma_wait3A_79 = arith.constant 0 : i32
      %dma_wait3A_80 = tpu.memref_slice %arg8[%add3A_13, %dma_wait3A_79] : memref<10240x64xf32, #tpu.memory_space<vmem_shared>> -> memref<80x64xf32, #tpu.memory_space<vmem_shared>>
      %dma_wait3A_81 = arith.constant 0 : i32
      %dma_wait3A_82 = arith.constant 0 : i32
      %dma_wait3A_83 = tpu.memref_slice %arg7[%run_scoped3A_14, %dma_wait3A_81, %dma_wait3A_82] : memref<5x80x64xf32, #tpu.memory_space<vmem>> -> memref<1x80x64xf32, #tpu.memory_space<vmem>>
      %dma_wait3A_84 = tpu.memref_squeeze %dma_wait3A_83 : memref<1x80x64xf32, #tpu.memory_space<vmem>> -> memref<80x64xf32, #tpu.memory_space<vmem>>
      tpu.wait_dma2 semaphore(%run_scoped3A_62 : memref<!tpu.dma_semaphore, #tpu.memory_space<semaphore_mem>>) src(%dma_wait3A_84 : memref<80x64xf32, #tpu.memory_space<vmem>>) dst(%dma_wait3A_80 : memref<80x64xf32, #tpu.memory_space<vmem_shared>>)
      tpu.yield
    }) : () -> ()
    %mul3A_15 = arith.constant 640 : i32
    %mul3A_16 = arith.muli %arg1, %mul3A_15 : i32
    %add3A_17 = arith.constant 160 : i32
    %add3A_18 = arith.addi %mul3A_16, %add3A_17 : i32
    %run_scoped3A_19 = arith.constant 0 : i32
    "tpu.region"() ({
      %run_scoped3A_62 = tpu.sem_alloc : memref<!tpu.dma_semaphore, #tpu.memory_space<semaphore_mem>>
      %dma_start3A = arith.constant 0 : i32
      %dma_start3A_63 = arith.constant 0 : i32
      %dma_start3A_64 = tpu.memref_slice %arg7[%run_scoped3A_19, %dma_start3A, %dma_start3A_63] : memref<5x80x64xf32, #tpu.memory_space<vmem>> -> memref<1x80x64xf32, #tpu.memory_space<vmem>>
      %dma_start3A_65 = tpu.memref_squeeze %dma_start3A_64 : memref<1x80x64xf32, #tpu.memory_space<vmem>> -> memref<80x64xf32, #tpu.memory_space<vmem>>
      %dma_start3A_66 = arith.constant 0 : i32
      %dma_start3A_67 = tpu.memref_slice %arg8[%add3A_18, %dma_start3A_66] : memref<10240x64xf32, #tpu.memory_space<vmem_shared>> -> memref<80x64xf32, #tpu.memory_space<vmem_shared>>
      %dma_start3A_68 = arith.constant 0 : i32
      %dma_start3A_69 = tpu.memref_slice %arg8[%add3A_18, %dma_start3A_68] : memref<10240x64xf32, #tpu.memory_space<vmem_shared>> -> memref<80x64xf32, #tpu.memory_space<vmem_shared>>
      %dma_start3A_70 = arith.constant 0 : i32
      %dma_start3A_71 = arith.constant 0 : i32
      %dma_start3A_72 = tpu.memref_slice %arg7[%run_scoped3A_19, %dma_start3A_70, %dma_start3A_71] : memref<5x80x64xf32, #tpu.memory_space<vmem>> -> memref<1x80x64xf32, #tpu.memory_space<vmem>>
      %dma_start3A_73 = tpu.memref_squeeze %dma_start3A_72 : memref<1x80x64xf32, #tpu.memory_space<vmem>> -> memref<80x64xf32, #tpu.memory_space<vmem>>
      tpu.enqueue_dma source(%dma_start3A_73 : memref<80x64xf32, #tpu.memory_space<vmem>>) target(%dma_start3A_69 : memref<80x64xf32, #tpu.memory_space<vmem_shared>>) target_semaphore(%run_scoped3A_62 : memref<!tpu.dma_semaphore, #tpu.memory_space<semaphore_mem>>)
      %dma_wait3A = arith.constant 0 : i32
      %dma_wait3A_74 = arith.constant 0 : i32
      %dma_wait3A_75 = tpu.memref_slice %arg7[%run_scoped3A_19, %dma_wait3A, %dma_wait3A_74] : memref<5x80x64xf32, #tpu.memory_space<vmem>> -> memref<1x80x64xf32, #tpu.memory_space<vmem>>
      %dma_wait3A_76 = tpu.memref_squeeze %dma_wait3A_75 : memref<1x80x64xf32, #tpu.memory_space<vmem>> -> memref<80x64xf32, #tpu.memory_space<vmem>>
      %dma_wait3A_77 = arith.constant 0 : i32
      %dma_wait3A_78 = tpu.memref_slice %arg8[%add3A_18, %dma_wait3A_77] : memref<10240x64xf32, #tpu.memory_space<vmem_shared>> -> memref<80x64xf32, #tpu.memory_space<vmem_shared>>
      %dma_wait3A_79 = arith.constant 0 : i32
      %dma_wait3A_80 = tpu.memref_slice %arg8[%add3A_18, %dma_wait3A_79] : memref<10240x64xf32, #tpu.memory_space<vmem_shared>> -> memref<80x64xf32, #tpu.memory_space<vmem_shared>>
      %dma_wait3A_81 = arith.constant 0 : i32
      %dma_wait3A_82 = arith.constant 0 : i32
      %dma_wait3A_83 = tpu.memref_slice %arg7[%run_scoped3A_19, %dma_wait3A_81, %dma_wait3A_82] : memref<5x80x64xf32, #tpu.memory_space<vmem>> -> memref<1x80x64xf32, #tpu.memory_space<vmem>>
      %dma_wait3A_84 = tpu.memref_squeeze %dma_wait3A_83 : memref<1x80x64xf32, #tpu.memory_space<vmem>> -> memref<80x64xf32, #tpu.memory_space<vmem>>
      tpu.wait_dma2 semaphore(%run_scoped3A_62 : memref<!tpu.dma_semaphore, #tpu.memory_space<semaphore_mem>>) src(%dma_wait3A_84 : memref<80x64xf32, #tpu.memory_space<vmem>>) dst(%dma_wait3A_80 : memref<80x64xf32, #tpu.memory_space<vmem_shared>>)
      tpu.yield
    }) : () -> ()
    %mul3A_20 = arith.constant 640 : i32
    %mul3A_21 = arith.muli %arg1, %mul3A_20 : i32
    %add3A_22 = arith.constant 240 : i32
    %add3A_23 = arith.addi %mul3A_21, %add3A_22 : i32
    %run_scoped3A_24 = arith.constant 0 : i32
    "tpu.region"() ({
      %run_scoped3A_62 = tpu.sem_alloc : memref<!tpu.dma_semaphore, #tpu.memory_space<semaphore_mem>>
      %dma_start3A = arith.constant 0 : i32
      %dma_start3A_63 = arith.constant 0 : i32
      %dma_start3A_64 = tpu.memref_slice %arg7[%run_scoped3A_24, %dma_start3A, %dma_start3A_63] : memref<5x80x64xf32, #tpu.memory_space<vmem>> -> memref<1x80x64xf32, #tpu.memory_space<vmem>>
      %dma_start3A_65 = tpu.memref_squeeze %dma_start3A_64 : memref<1x80x64xf32, #tpu.memory_space<vmem>> -> memref<80x64xf32, #tpu.memory_space<vmem>>
      %dma_start3A_66 = arith.constant 0 : i32
      %dma_start3A_67 = tpu.memref_slice %arg8[%add3A_23, %dma_start3A_66] : memref<10240x64xf32, #tpu.memory_space<vmem_shared>> -> memref<80x64xf32, #tpu.memory_space<vmem_shared>>
      %dma_start3A_68 = arith.constant 0 : i32
      %dma_start3A_69 = tpu.memref_slice %arg8[%add3A_23, %dma_start3A_68] : memref<10240x64xf32, #tpu.memory_space<vmem_shared>> -> memref<80x64xf32, #tpu.memory_space<vmem_shared>>
      %dma_start3A_70 = arith.constant 0 : i32
      %dma_start3A_71 = arith.constant 0 : i32
      %dma_start3A_72 = tpu.memref_slice %arg7[%run_scoped3A_24, %dma_start3A_70, %dma_start3A_71] : memref<5x80x64xf32, #tpu.memory_space<vmem>> -> memref<1x80x64xf32, #tpu.memory_space<vmem>>
      %dma_start3A_73 = tpu.memref_squeeze %dma_start3A_72 : memref<1x80x64xf32, #tpu.memory_space<vmem>> -> memref<80x64xf32, #tpu.memory_space<vmem>>
      tpu.enqueue_dma source(%dma_start3A_73 : memref<80x64xf32, #tpu.memory_space<vmem>>) target(%dma_start3A_69 : memref<80x64xf32, #tpu.memory_space<vmem_shared>>) target_semaphore(%run_scoped3A_62 : memref<!tpu.dma_semaphore, #tpu.memory_space<semaphore_mem>>)
      %dma_wait3A = arith.constant 0 : i32
      %dma_wait3A_74 = arith.constant 0 : i32
      %dma_wait3A_75 = tpu.memref_slice %arg7[%run_scoped3A_24, %dma_wait3A, %dma_wait3A_74] : memref<5x80x64xf32, #tpu.memory_space<vmem>> -> memref<1x80x64xf32, #tpu.memory_space<vmem>>
      %dma_wait3A_76 = tpu.memref_squeeze %dma_wait3A_75 : memref<1x80x64xf32, #tpu.memory_space<vmem>> -> memref<80x64xf32, #tpu.memory_space<vmem>>
      %dma_wait3A_77 = arith.constant 0 : i32
      %dma_wait3A_78 = tpu.memref_slice %arg8[%add3A_23, %dma_wait3A_77] : memref<10240x64xf32, #tpu.memory_space<vmem_shared>> -> memref<80x64xf32, #tpu.memory_space<vmem_shared>>
      %dma_wait3A_79 = arith.constant 0 : i32
      %dma_wait3A_80 = tpu.memref_slice %arg8[%add3A_23, %dma_wait3A_79] : memref<10240x64xf32, #tpu.memory_space<vmem_shared>> -> memref<80x64xf32, #tpu.memory_space<vmem_shared>>
      %dma_wait3A_81 = arith.constant 0 : i32
      %dma_wait3A_82 = arith.constant 0 : i32
      %dma_wait3A_83 = tpu.memref_slice %arg7[%run_scoped3A_24, %dma_wait3A_81, %dma_wait3A_82] : memref<5x80x64xf32, #tpu.memory_space<vmem>> -> memref<1x80x64xf32, #tpu.memory_space<vmem>>
      %dma_wait3A_84 = tpu.memref_squeeze %dma_wait3A_83 : memref<1x80x64xf32, #tpu.memory_space<vmem>> -> memref<80x64xf32, #tpu.memory_space<vmem>>
      tpu.wait_dma2 semaphore(%run_scoped3A_62 : memref<!tpu.dma_semaphore, #tpu.memory_space<semaphore_mem>>) src(%dma_wait3A_84 : memref<80x64xf32, #tpu.memory_space<vmem>>) dst(%dma_wait3A_80 : memref<80x64xf32, #tpu.memory_space<vmem_shared>>)
      tpu.yield
    }) : () -> ()
    %mul3A_25 = arith.constant 640 : i32
    %mul3A_26 = arith.muli %arg1, %mul3A_25 : i32
    %add3A_27 = arith.constant 320 : i32
    %add3A_28 = arith.addi %mul3A_26, %add3A_27 : i32
    %run_scoped3A_29 = arith.constant 0 : i32
    "tpu.region"() ({
      %run_scoped3A_62 = tpu.sem_alloc : memref<!tpu.dma_semaphore, #tpu.memory_space<semaphore_mem>>
      %dma_start3A = arith.constant 0 : i32
      %dma_start3A_63 = arith.constant 0 : i32
      %dma_start3A_64 = tpu.memref_slice %arg7[%run_scoped3A_29, %dma_start3A, %dma_start3A_63] : memref<5x80x64xf32, #tpu.memory_space<vmem>> -> memref<1x80x64xf32, #tpu.memory_space<vmem>>
      %dma_start3A_65 = tpu.memref_squeeze %dma_start3A_64 : memref<1x80x64xf32, #tpu.memory_space<vmem>> -> memref<80x64xf32, #tpu.memory_space<vmem>>
      %dma_start3A_66 = arith.constant 0 : i32
      %dma_start3A_67 = tpu.memref_slice %arg8[%add3A_28, %dma_start3A_66] : memref<10240x64xf32, #tpu.memory_space<vmem_shared>> -> memref<80x64xf32, #tpu.memory_space<vmem_shared>>
      %dma_start3A_68 = arith.constant 0 : i32
      %dma_start3A_69 = tpu.memref_slice %arg8[%add3A_28, %dma_start3A_68] : memref<10240x64xf32, #tpu.memory_space<vmem_shared>> -> memref<80x64xf32, #tpu.memory_space<vmem_shared>>
      %dma_start3A_70 = arith.constant 0 : i32
      %dma_start3A_71 = arith.constant 0 : i32
      %dma_start3A_72 = tpu.memref_slice %arg7[%run_scoped3A_29, %dma_start3A_70, %dma_start3A_71] : memref<5x80x64xf32, #tpu.memory_space<vmem>> -> memref<1x80x64xf32, #tpu.memory_space<vmem>>
      %dma_start3A_73 = tpu.memref_squeeze %dma_start3A_72 : memref<1x80x64xf32, #tpu.memory_space<vmem>> -> memref<80x64xf32, #tpu.memory_space<vmem>>
      tpu.enqueue_dma source(%dma_start3A_73 : memref<80x64xf32, #tpu.memory_space<vmem>>) target(%dma_start3A_69 : memref<80x64xf32, #tpu.memory_space<vmem_shared>>) target_semaphore(%run_scoped3A_62 : memref<!tpu.dma_semaphore, #tpu.memory_space<semaphore_mem>>)
      %dma_wait3A = arith.constant 0 : i32
      %dma_wait3A_74 = arith.constant 0 : i32
      %dma_wait3A_75 = tpu.memref_slice %arg7[%run_scoped3A_29, %dma_wait3A, %dma_wait3A_74] : memref<5x80x64xf32, #tpu.memory_space<vmem>> -> memref<1x80x64xf32, #tpu.memory_space<vmem>>
      %dma_wait3A_76 = tpu.memref_squeeze %dma_wait3A_75 : memref<1x80x64xf32, #tpu.memory_space<vmem>> -> memref<80x64xf32, #tpu.memory_space<vmem>>
      %dma_wait3A_77 = arith.constant 0 : i32
      %dma_wait3A_78 = tpu.memref_slice %arg8[%add3A_28, %dma_wait3A_77] : memref<10240x64xf32, #tpu.memory_space<vmem_shared>> -> memref<80x64xf32, #tpu.memory_space<vmem_shared>>
      %dma_wait3A_79 = arith.constant 0 : i32
      %dma_wait3A_80 = tpu.memref_slice %arg8[%add3A_28, %dma_wait3A_79] : memref<10240x64xf32, #tpu.memory_space<vmem_shared>> -> memref<80x64xf32, #tpu.memory_space<vmem_shared>>
      %dma_wait3A_81 = arith.constant 0 : i32
      %dma_wait3A_82 = arith.constant 0 : i32
      %dma_wait3A_83 = tpu.memref_slice %arg7[%run_scoped3A_29, %dma_wait3A_81, %dma_wait3A_82] : memref<5x80x64xf32, #tpu.memory_space<vmem>> -> memref<1x80x64xf32, #tpu.memory_space<vmem>>
      %dma_wait3A_84 = tpu.memref_squeeze %dma_wait3A_83 : memref<1x80x64xf32, #tpu.memory_space<vmem>> -> memref<80x64xf32, #tpu.memory_space<vmem>>
      tpu.wait_dma2 semaphore(%run_scoped3A_62 : memref<!tpu.dma_semaphore, #tpu.memory_space<semaphore_mem>>) src(%dma_wait3A_84 : memref<80x64xf32, #tpu.memory_space<vmem>>) dst(%dma_wait3A_80 : memref<80x64xf32, #tpu.memory_space<vmem_shared>>)
      tpu.yield
    }) : () -> ()
    %mul3A_30 = arith.constant 640 : i32
    %mul3A_31 = arith.muli %arg1, %mul3A_30 : i32
    %add3A_32 = arith.constant 400 : i32
    %add3A_33 = arith.addi %mul3A_31, %add3A_32 : i32
    %run_scoped3A_34 = arith.constant 0 : i32
    "tpu.region"() ({
      %run_scoped3A_62 = tpu.sem_alloc : memref<!tpu.dma_semaphore, #tpu.memory_space<semaphore_mem>>
      %dma_start3A = arith.constant 0 : i32
      %dma_start3A_63 = arith.constant 0 : i32
      %dma_start3A_64 = tpu.memref_slice %arg7[%run_scoped3A_34, %dma_start3A, %dma_start3A_63] : memref<5x80x64xf32, #tpu.memory_space<vmem>> -> memref<1x80x64xf32, #tpu.memory_space<vmem>>
      %dma_start3A_65 = tpu.memref_squeeze %dma_start3A_64 : memref<1x80x64xf32, #tpu.memory_space<vmem>> -> memref<80x64xf32, #tpu.memory_space<vmem>>
      %dma_start3A_66 = arith.constant 0 : i32
      %dma_start3A_67 = tpu.memref_slice %arg8[%add3A_33, %dma_start3A_66] : memref<10240x64xf32, #tpu.memory_space<vmem_shared>> -> memref<80x64xf32, #tpu.memory_space<vmem_shared>>
      %dma_start3A_68 = arith.constant 0 : i32
      %dma_start3A_69 = tpu.memref_slice %arg8[%add3A_33, %dma_start3A_68] : memref<10240x64xf32, #tpu.memory_space<vmem_shared>> -> memref<80x64xf32, #tpu.memory_space<vmem_shared>>
      %dma_start3A_70 = arith.constant 0 : i32
      %dma_start3A_71 = arith.constant 0 : i32
      %dma_start3A_72 = tpu.memref_slice %arg7[%run_scoped3A_34, %dma_start3A_70, %dma_start3A_71] : memref<5x80x64xf32, #tpu.memory_space<vmem>> -> memref<1x80x64xf32, #tpu.memory_space<vmem>>
      %dma_start3A_73 = tpu.memref_squeeze %dma_start3A_72 : memref<1x80x64xf32, #tpu.memory_space<vmem>> -> memref<80x64xf32, #tpu.memory_space<vmem>>
      tpu.enqueue_dma source(%dma_start3A_73 : memref<80x64xf32, #tpu.memory_space<vmem>>) target(%dma_start3A_69 : memref<80x64xf32, #tpu.memory_space<vmem_shared>>) target_semaphore(%run_scoped3A_62 : memref<!tpu.dma_semaphore, #tpu.memory_space<semaphore_mem>>)
      %dma_wait3A = arith.constant 0 : i32
      %dma_wait3A_74 = arith.constant 0 : i32
      %dma_wait3A_75 = tpu.memref_slice %arg7[%run_scoped3A_34, %dma_wait3A, %dma_wait3A_74] : memref<5x80x64xf32, #tpu.memory_space<vmem>> -> memref<1x80x64xf32, #tpu.memory_space<vmem>>
      %dma_wait3A_76 = tpu.memref_squeeze %dma_wait3A_75 : memref<1x80x64xf32, #tpu.memory_space<vmem>> -> memref<80x64xf32, #tpu.memory_space<vmem>>
      %dma_wait3A_77 = arith.constant 0 : i32
      %dma_wait3A_78 = tpu.memref_slice %arg8[%add3A_33, %dma_wait3A_77] : memref<10240x64xf32, #tpu.memory_space<vmem_shared>> -> memref<80x64xf32, #tpu.memory_space<vmem_shared>>
      %dma_wait3A_79 = arith.constant 0 : i32
      %dma_wait3A_80 = tpu.memref_slice %arg8[%add3A_33, %dma_wait3A_79] : memref<10240x64xf32, #tpu.memory_space<vmem_shared>> -> memref<80x64xf32, #tpu.memory_space<vmem_shared>>
      %dma_wait3A_81 = arith.constant 0 : i32
      %dma_wait3A_82 = arith.constant 0 : i32
      %dma_wait3A_83 = tpu.memref_slice %arg7[%run_scoped3A_34, %dma_wait3A_81, %dma_wait3A_82] : memref<5x80x64xf32, #tpu.memory_space<vmem>> -> memref<1x80x64xf32, #tpu.memory_space<vmem>>
      %dma_wait3A_84 = tpu.memref_squeeze %dma_wait3A_83 : memref<1x80x64xf32, #tpu.memory_space<vmem>> -> memref<80x64xf32, #tpu.memory_space<vmem>>
      tpu.wait_dma2 semaphore(%run_scoped3A_62 : memref<!tpu.dma_semaphore, #tpu.memory_space<semaphore_mem>>) src(%dma_wait3A_84 : memref<80x64xf32, #tpu.memory_space<vmem>>) dst(%dma_wait3A_80 : memref<80x64xf32, #tpu.memory_space<vmem_shared>>)
      tpu.yield
    }) : () -> ()
    %mul3A_35 = arith.constant 640 : i32
    %mul3A_36 = arith.muli %arg1, %mul3A_35 : i32
    %add3A_37 = arith.constant 480 : i32
    %add3A_38 = arith.addi %mul3A_36, %add3A_37 : i32
    %run_scoped3A_39 = arith.constant 0 : i32
    "tpu.region"() ({
      %run_scoped3A_62 = tpu.sem_alloc : memref<!tpu.dma_semaphore, #tpu.memory_space<semaphore_mem>>
      %dma_start3A = arith.constant 0 : i32
      %dma_start3A_63 = arith.constant 0 : i32
      %dma_start3A_64 = tpu.memref_slice %arg7[%run_scoped3A_39, %dma_start3A, %dma_start3A_63] : memref<5x80x64xf32, #tpu.memory_space<vmem>> -> memref<1x80x64xf32, #tpu.memory_space<vmem>>
      %dma_start3A_65 = tpu.memref_squeeze %dma_start3A_64 : memref<1x80x64xf32, #tpu.memory_space<vmem>> -> memref<80x64xf32, #tpu.memory_space<vmem>>
      %dma_start3A_66 = arith.constant 0 : i32
      %dma_start3A_67 = tpu.memref_slice %arg8[%add3A_38, %dma_start3A_66] : memref<10240x64xf32, #tpu.memory_space<vmem_shared>> -> memref<80x64xf32, #tpu.memory_space<vmem_shared>>
      %dma_start3A_68 = arith.constant 0 : i32
      %dma_start3A_69 = tpu.memref_slice %arg8[%add3A_38, %dma_start3A_68] : memref<10240x64xf32, #tpu.memory_space<vmem_shared>> -> memref<80x64xf32, #tpu.memory_space<vmem_shared>>
      %dma_start3A_70 = arith.constant 0 : i32
      %dma_start3A_71 = arith.constant 0 : i32
      %dma_start3A_72 = tpu.memref_slice %arg7[%run_scoped3A_39, %dma_start3A_70, %dma_start3A_71] : memref<5x80x64xf32, #tpu.memory_space<vmem>> -> memref<1x80x64xf32, #tpu.memory_space<vmem>>
      %dma_start3A_73 = tpu.memref_squeeze %dma_start3A_72 : memref<1x80x64xf32, #tpu.memory_space<vmem>> -> memref<80x64xf32, #tpu.memory_space<vmem>>
      tpu.enqueue_dma source(%dma_start3A_73 : memref<80x64xf32, #tpu.memory_space<vmem>>) target(%dma_start3A_69 : memref<80x64xf32, #tpu.memory_space<vmem_shared>>) target_semaphore(%run_scoped3A_62 : memref<!tpu.dma_semaphore, #tpu.memory_space<semaphore_mem>>)
      %dma_wait3A = arith.constant 0 : i32
      %dma_wait3A_74 = arith.constant 0 : i32
      %dma_wait3A_75 = tpu.memref_slice %arg7[%run_scoped3A_39, %dma_wait3A, %dma_wait3A_74] : memref<5x80x64xf32, #tpu.memory_space<vmem>> -> memref<1x80x64xf32, #tpu.memory_space<vmem>>
      %dma_wait3A_76 = tpu.memref_squeeze %dma_wait3A_75 : memref<1x80x64xf32, #tpu.memory_space<vmem>> -> memref<80x64xf32, #tpu.memory_space<vmem>>
      %dma_wait3A_77 = arith.constant 0 : i32
      %dma_wait3A_78 = tpu.memref_slice %arg8[%add3A_38, %dma_wait3A_77] : memref<10240x64xf32, #tpu.memory_space<vmem_shared>> -> memref<80x64xf32, #tpu.memory_space<vmem_shared>>
      %dma_wait3A_79 = arith.constant 0 : i32
      %dma_wait3A_80 = tpu.memref_slice %arg8[%add3A_38, %dma_wait3A_79] : memref<10240x64xf32, #tpu.memory_space<vmem_shared>> -> memref<80x64xf32, #tpu.memory_space<vmem_shared>>
      %dma_wait3A_81 = arith.constant 0 : i32
      %dma_wait3A_82 = arith.constant 0 : i32
      %dma_wait3A_83 = tpu.memref_slice %arg7[%run_scoped3A_39, %dma_wait3A_81, %dma_wait3A_82] : memref<5x80x64xf32, #tpu.memory_space<vmem>> -> memref<1x80x64xf32, #tpu.memory_space<vmem>>
      %dma_wait3A_84 = tpu.memref_squeeze %dma_wait3A_83 : memref<1x80x64xf32, #tpu.memory_space<vmem>> -> memref<80x64xf32, #tpu.memory_space<vmem>>
      tpu.wait_dma2 semaphore(%run_scoped3A_62 : memref<!tpu.dma_semaphore, #tpu.memory_space<semaphore_mem>>) src(%dma_wait3A_84 : memref<80x64xf32, #tpu.memory_space<vmem>>) dst(%dma_wait3A_80 : memref<80x64xf32, #tpu.memory_space<vmem_shared>>)
      tpu.yield
    }) : () -> ()
    %mul3A_40 = arith.constant 640 : i32
    %mul3A_41 = arith.muli %arg1, %mul3A_40 : i32
    %add3A_42 = arith.constant 560 : i32
    %add3A_43 = arith.addi %mul3A_41, %add3A_42 : i32
    %run_scoped3A_44 = arith.constant 0 : i32
    "tpu.region"() ({
      %run_scoped3A_62 = tpu.sem_alloc : memref<!tpu.dma_semaphore, #tpu.memory_space<semaphore_mem>>
      %dma_start3A = arith.constant 0 : i32
      %dma_start3A_63 = arith.constant 0 : i32
      %dma_start3A_64 = tpu.memref_slice %arg7[%run_scoped3A_44, %dma_start3A, %dma_start3A_63] : memref<5x80x64xf32, #tpu.memory_space<vmem>> -> memref<1x80x64xf32, #tpu.memory_space<vmem>>
      %dma_start3A_65 = tpu.memref_squeeze %dma_start3A_64 : memref<1x80x64xf32, #tpu.memory_space<vmem>> -> memref<80x64xf32, #tpu.memory_space<vmem>>
      %dma_start3A_66 = arith.constant 0 : i32
      %dma_start3A_67 = tpu.memref_slice %arg8[%add3A_43, %dma_start3A_66] : memref<10240x64xf32, #tpu.memory_space<vmem_shared>> -> memref<80x64xf32, #tpu.memory_space<vmem_shared>>
      %dma_start3A_68 = arith.constant 0 : i32
      %dma_start3A_69 = tpu.memref_slice %arg8[%add3A_43, %dma_start3A_68] : memref<10240x64xf32, #tpu.memory_space<vmem_shared>> -> memref<80x64xf32, #tpu.memory_space<vmem_shared>>
      %dma_start3A_70 = arith.constant 0 : i32
      %dma_start3A_71 = arith.constant 0 : i32
      %dma_start3A_72 = tpu.memref_slice %arg7[%run_scoped3A_44, %dma_start3A_70, %dma_start3A_71] : memref<5x80x64xf32, #tpu.memory_space<vmem>> -> memref<1x80x64xf32, #tpu.memory_space<vmem>>
      %dma_start3A_73 = tpu.memref_squeeze %dma_start3A_72 : memref<1x80x64xf32, #tpu.memory_space<vmem>> -> memref<80x64xf32, #tpu.memory_space<vmem>>
      tpu.enqueue_dma source(%dma_start3A_73 : memref<80x64xf32, #tpu.memory_space<vmem>>) target(%dma_start3A_69 : memref<80x64xf32, #tpu.memory_space<vmem_shared>>) target_semaphore(%run_scoped3A_62 : memref<!tpu.dma_semaphore, #tpu.memory_space<semaphore_mem>>)
      %dma_wait3A = arith.constant 0 : i32
      %dma_wait3A_74 = arith.constant 0 : i32
      %dma_wait3A_75 = tpu.memref_slice %arg7[%run_scoped3A_44, %dma_wait3A, %dma_wait3A_74] : memref<5x80x64xf32, #tpu.memory_space<vmem>> -> memref<1x80x64xf32, #tpu.memory_space<vmem>>
      %dma_wait3A_76 = tpu.memref_squeeze %dma_wait3A_75 : memref<1x80x64xf32, #tpu.memory_space<vmem>> -> memref<80x64xf32, #tpu.memory_space<vmem>>
      %dma_wait3A_77 = arith.constant 0 : i32
      %dma_wait3A_78 = tpu.memref_slice %arg8[%add3A_43, %dma_wait3A_77] : memref<10240x64xf32, #tpu.memory_space<vmem_shared>> -> memref<80x64xf32, #tpu.memory_space<vmem_shared>>
      %dma_wait3A_79 = arith.constant 0 : i32
      %dma_wait3A_80 = tpu.memref_slice %arg8[%add3A_43, %dma_wait3A_79] : memref<10240x64xf32, #tpu.memory_space<vmem_shared>> -> memref<80x64xf32, #tpu.memory_space<vmem_shared>>
      %dma_wait3A_81 = arith.constant 0 : i32
      %dma_wait3A_82 = arith.constant 0 : i32
      %dma_wait3A_83 = tpu.memref_slice %arg7[%run_scoped3A_44, %dma_wait3A_81, %dma_wait3A_82] : memref<5x80x64xf32, #tpu.memory_space<vmem>> -> memref<1x80x64xf32, #tpu.memory_space<vmem>>
      %dma_wait3A_84 = tpu.memref_squeeze %dma_wait3A_83 : memref<1x80x64xf32, #tpu.memory_space<vmem>> -> memref<80x64xf32, #tpu.memory_space<vmem>>
      tpu.wait_dma2 semaphore(%run_scoped3A_62 : memref<!tpu.dma_semaphore, #tpu.memory_space<semaphore_mem>>) src(%dma_wait3A_84 : memref<80x64xf32, #tpu.memory_space<vmem>>) dst(%dma_wait3A_80 : memref<80x64xf32, #tpu.memory_space<vmem_shared>>)
      tpu.yield
    }) : () -> ()
    %barrier3A = arith.constant 0 : index
    tpu.barrier barrier_id(%barrier3A)
    %mul3A_45 = arith.constant 16 : i32
    %mul3A_46 = arith.muli %arg0, %mul3A_45 : i32
    %add3A_47 = arith.addi %mul3A_46, %arg1 : i32
    %run_scoped3A_48 = arith.constant 0 : i32
    "tpu.region"() ({
      %run_scoped3A_62 = tpu.sem_alloc : memref<!tpu.dma_semaphore, #tpu.memory_space<semaphore_mem>>
      %dma_start3A = arith.constant 0 : i32
      %dma_start3A_63 = arith.constant 0 : i32
      %dma_start3A_64 = arith.constant 0 : i32
      %dma_start3A_65 = tpu.memref_slice %arg3[%run_scoped3A_48, %dma_start3A, %dma_start3A_63, %dma_start3A_64] : memref<2x32x125x80xi32, #tpu.memory_space<hbm>> -> memref<1x32x125x80xi32, #tpu.memory_space<hbm>>
      %dma_start3A_66 = tpu.memref_squeeze %dma_start3A_65 : memref<1x32x125x80xi32, #tpu.memory_space<hbm>> -> memref<32x125x80xi32, #tpu.memory_space<hbm>>
      %dma_start3A_67 = arith.constant 0 : i32
      %dma_start3A_68 = arith.constant 0 : i32
      %dma_start3A_69 = tpu.memref_slice %dma_start3A_66[%add3A_47, %dma_start3A_67, %dma_start3A_68] : memref<32x125x80xi32, #tpu.memory_space<hbm>> -> memref<1x125x80xi32, #tpu.memory_space<hbm>>
      %dma_start3A_70 = tpu.memref_squeeze %dma_start3A_69 : memref<1x125x80xi32, #tpu.memory_space<hbm>> -> memref<125x80xi32, #tpu.memory_space<hbm>>
      %dma_start3A_71 = arith.constant 0 : i32
      %dma_start3A_72 = arith.constant 0 : i32
      %dma_start3A_73 = arith.constant 0 : i32
      %dma_start3A_74 = tpu.memref_slice %arg3[%run_scoped3A_48, %dma_start3A_71, %dma_start3A_72, %dma_start3A_73] : memref<2x32x125x80xi32, #tpu.memory_space<hbm>> -> memref<1x32x125x80xi32, #tpu.memory_space<hbm>>
      %dma_start3A_75 = tpu.memref_squeeze %dma_start3A_74 : memref<1x32x125x80xi32, #tpu.memory_space<hbm>> -> memref<32x125x80xi32, #tpu.memory_space<hbm>>
      %dma_start3A_76 = arith.constant 0 : i32
      %dma_start3A_77 = arith.constant 0 : i32
      %dma_start3A_78 = tpu.memref_slice %dma_start3A_75[%add3A_47, %dma_start3A_76, %dma_start3A_77] : memref<32x125x80xi32, #tpu.memory_space<hbm>> -> memref<1x125x80xi32, #tpu.memory_space<hbm>>
      %dma_start3A_79 = tpu.memref_squeeze %dma_start3A_78 : memref<1x125x80xi32, #tpu.memory_space<hbm>> -> memref<125x80xi32, #tpu.memory_space<hbm>>
      tpu.enqueue_dma source(%dma_start3A_79 : memref<125x80xi32, #tpu.memory_space<hbm>>) target(%arg5 : memref<125x80xi32, #tpu.memory_space<vmem>>) target_semaphore(%run_scoped3A_62 : memref<!tpu.dma_semaphore, #tpu.memory_space<semaphore_mem>>)
      %dma_wait3A = arith.constant 0 : i32
      %dma_wait3A_80 = arith.constant 0 : i32
      %dma_wait3A_81 = arith.constant 0 : i32
      %dma_wait3A_82 = tpu.memref_slice %arg3[%run_scoped3A_48, %dma_wait3A, %dma_wait3A_80, %dma_wait3A_81] : memref<2x32x125x80xi32, #tpu.memory_space<hbm>> -> memref<1x32x125x80xi32, #tpu.memory_space<hbm>>
      %dma_wait3A_83 = tpu.memref_squeeze %dma_wait3A_82 : memref<1x32x125x80xi32, #tpu.memory_space<hbm>> -> memref<32x125x80xi32, #tpu.memory_space<hbm>>
      %dma_wait3A_84 = arith.constant 0 : i32
      %dma_wait3A_85 = arith.constant 0 : i32
      %dma_wait3A_86 = tpu.memref_slice %dma_wait3A_83[%add3A_47, %dma_wait3A_84, %dma_wait3A_85] : memref<32x125x80xi32, #tpu.memory_space<hbm>> -> memref<1x125x80xi32, #tpu.memory_space<hbm>>
      %dma_wait3A_87 = tpu.memref_squeeze %dma_wait3A_86 : memref<1x125x80xi32, #tpu.memory_space<hbm>> -> memref<125x80xi32, #tpu.memory_space<hbm>>
      %dma_wait3A_88 = arith.constant 0 : i32
      %dma_wait3A_89 = arith.constant 0 : i32
      %dma_wait3A_90 = arith.constant 0 : i32
      %dma_wait3A_91 = tpu.memref_slice %arg3[%run_scoped3A_48, %dma_wait3A_88, %dma_wait3A_89, %dma_wait3A_90] : memref<2x32x125x80xi32, #tpu.memory_space<hbm>> -> memref<1x32x125x80xi32, #tpu.memory_space<hbm>>
      %dma_wait3A_92 = tpu.memref_squeeze %dma_wait3A_91 : memref<1x32x125x80xi32, #tpu.memory_space<hbm>> -> memref<32x125x80xi32, #tpu.memory_space<hbm>>
      %dma_wait3A_93 = arith.constant 0 : i32
      %dma_wait3A_94 = arith.constant 0 : i32
      %dma_wait3A_95 = tpu.memref_slice %dma_wait3A_92[%add3A_47, %dma_wait3A_93, %dma_wait3A_94] : memref<32x125x80xi32, #tpu.memory_space<hbm>> -> memref<1x125x80xi32, #tpu.memory_space<hbm>>
      %dma_wait3A_96 = tpu.memref_squeeze %dma_wait3A_95 : memref<1x125x80xi32, #tpu.memory_space<hbm>> -> memref<125x80xi32, #tpu.memory_space<hbm>>
      tpu.wait_dma2 semaphore(%run_scoped3A_62 : memref<!tpu.dma_semaphore, #tpu.memory_space<semaphore_mem>>) src(%dma_wait3A_96 : memref<125x80xi32, #tpu.memory_space<hbm>>) dst(%arg5 : memref<125x80xi32, #tpu.memory_space<vmem>>)
      tpu.yield
    }) : () -> ()
    %run_scoped3A_49 = arith.constant 1 : i32
    "tpu.region"() ({
      %run_scoped3A_62 = tpu.sem_alloc : memref<!tpu.dma_semaphore, #tpu.memory_space<semaphore_mem>>
      %dma_start3A = arith.constant 0 : i32
      %dma_start3A_63 = arith.constant 0 : i32
      %dma_start3A_64 = arith.constant 0 : i32
      %dma_start3A_65 = tpu.memref_slice %arg3[%run_scoped3A_49, %dma_start3A, %dma_start3A_63, %dma_start3A_64] : memref<2x32x125x80xi32, #tpu.memory_space<hbm>> -> memref<1x32x125x80xi32, #tpu.memory_space<hbm>>
      %dma_start3A_66 = tpu.memref_squeeze %dma_start3A_65 : memref<1x32x125x80xi32, #tpu.memory_space<hbm>> -> memref<32x125x80xi32, #tpu.memory_space<hbm>>
      %dma_start3A_67 = arith.constant 0 : i32
      %dma_start3A_68 = arith.constant 0 : i32
      %dma_start3A_69 = tpu.memref_slice %dma_start3A_66[%add3A_47, %dma_start3A_67, %dma_start3A_68] : memref<32x125x80xi32, #tpu.memory_space<hbm>> -> memref<1x125x80xi32, #tpu.memory_space<hbm>>
      %dma_start3A_70 = tpu.memref_squeeze %dma_start3A_69 : memref<1x125x80xi32, #tpu.memory_space<hbm>> -> memref<125x80xi32, #tpu.memory_space<hbm>>
      %dma_start3A_71 = arith.constant 0 : i32
      %dma_start3A_72 = arith.constant 0 : i32
      %dma_start3A_73 = arith.constant 0 : i32
      %dma_start3A_74 = tpu.memref_slice %arg3[%run_scoped3A_49, %dma_start3A_71, %dma_start3A_72, %dma_start3A_73] : memref<2x32x125x80xi32, #tpu.memory_space<hbm>> -> memref<1x32x125x80xi32, #tpu.memory_space<hbm>>
      %dma_start3A_75 = tpu.memref_squeeze %dma_start3A_74 : memref<1x32x125x80xi32, #tpu.memory_space<hbm>> -> memref<32x125x80xi32, #tpu.memory_space<hbm>>
      %dma_start3A_76 = arith.constant 0 : i32
      %dma_start3A_77 = arith.constant 0 : i32
      %dma_start3A_78 = tpu.memref_slice %dma_start3A_75[%add3A_47, %dma_start3A_76, %dma_start3A_77] : memref<32x125x80xi32, #tpu.memory_space<hbm>> -> memref<1x125x80xi32, #tpu.memory_space<hbm>>
      %dma_start3A_79 = tpu.memref_squeeze %dma_start3A_78 : memref<1x125x80xi32, #tpu.memory_space<hbm>> -> memref<125x80xi32, #tpu.memory_space<hbm>>
      tpu.enqueue_dma source(%dma_start3A_79 : memref<125x80xi32, #tpu.memory_space<hbm>>) target(%arg6 : memref<125x80xi32, #tpu.memory_space<vmem>>) target_semaphore(%run_scoped3A_62 : memref<!tpu.dma_semaphore, #tpu.memory_space<semaphore_mem>>)
      %dma_wait3A = arith.constant 0 : i32
      %dma_wait3A_80 = arith.constant 0 : i32
      %dma_wait3A_81 = arith.constant 0 : i32
      %dma_wait3A_82 = tpu.memref_slice %arg3[%run_scoped3A_49, %dma_wait3A, %dma_wait3A_80, %dma_wait3A_81] : memref<2x32x125x80xi32, #tpu.memory_space<hbm>> -> memref<1x32x125x80xi32, #tpu.memory_space<hbm>>
      %dma_wait3A_83 = tpu.memref_squeeze %dma_wait3A_82 : memref<1x32x125x80xi32, #tpu.memory_space<hbm>> -> memref<32x125x80xi32, #tpu.memory_space<hbm>>
      %dma_wait3A_84 = arith.constant 0 : i32
      %dma_wait3A_85 = arith.constant 0 : i32
      %dma_wait3A_86 = tpu.memref_slice %dma_wait3A_83[%add3A_47, %dma_wait3A_84, %dma_wait3A_85] : memref<32x125x80xi32, #tpu.memory_space<hbm>> -> memref<1x125x80xi32, #tpu.memory_space<hbm>>
      %dma_wait3A_87 = tpu.memref_squeeze %dma_wait3A_86 : memref<1x125x80xi32, #tpu.memory_space<hbm>> -> memref<125x80xi32, #tpu.memory_space<hbm>>
      %dma_wait3A_88 = arith.constant 0 : i32
      %dma_wait3A_89 = arith.constant 0 : i32
      %dma_wait3A_90 = arith.constant 0 : i32
      %dma_wait3A_91 = tpu.memref_slice %arg3[%run_scoped3A_49, %dma_wait3A_88, %dma_wait3A_89, %dma_wait3A_90] : memref<2x32x125x80xi32, #tpu.memory_space<hbm>> -> memref<1x32x125x80xi32, #tpu.memory_space<hbm>>
      %dma_wait3A_92 = tpu.memref_squeeze %dma_wait3A_91 : memref<1x32x125x80xi32, #tpu.memory_space<hbm>> -> memref<32x125x80xi32, #tpu.memory_space<hbm>>
      %dma_wait3A_93 = arith.constant 0 : i32
      %dma_wait3A_94 = arith.constant 0 : i32
      %dma_wait3A_95 = tpu.memref_slice %dma_wait3A_92[%add3A_47, %dma_wait3A_93, %dma_wait3A_94] : memref<32x125x80xi32, #tpu.memory_space<hbm>> -> memref<1x125x80xi32, #tpu.memory_space<hbm>>
      %dma_wait3A_96 = tpu.memref_squeeze %dma_wait3A_95 : memref<1x125x80xi32, #tpu.memory_space<hbm>> -> memref<125x80xi32, #tpu.memory_space<hbm>>
      tpu.wait_dma2 semaphore(%run_scoped3A_62 : memref<!tpu.dma_semaphore, #tpu.memory_space<semaphore_mem>>) src(%dma_wait3A_96 : memref<125x80xi32, #tpu.memory_space<hbm>>) dst(%arg6 : memref<125x80xi32, #tpu.memory_space<vmem>>)
      tpu.yield
    }) : () -> ()
    %scan3A_50 = arith.constant 0 : i32
    %scan3A_51 = arith.constant 0 : i32
    %scan3A_52 = arith.constant 25 : i32
    %scan3A_53 = arith.addi %scan3A_51, %scan3A_52 : i32
    %scan3A_54 = arith.constant 1 : i32
    %scan3A_55 = scf.for %scan3A_62 = %scan3A_51 to %scan3A_53 step %scan3A_54 iter_args(%scan3A_63 = %scan3A_50) -> (i32)  : i32 {
      %mul3A_64 = arith.constant 5 : i32
      %mul3A_65 = arith.muli %scan3A_62, %mul3A_64 : i32
      %add3A_66 = arith.constant 0 : i32
      %add3A_67 = arith.addi %mul3A_65, %add3A_66 : i32
      %dma_start3A = arith.constant 0 : i32
      %dma_start3A_68 = arith.constant 0 : i32
      %dma_start3A_69 = arith.constant 0 : i32
      %dma_start3A_70 = tpu.memref_slice %arg7[%dma_start3A, %dma_start3A_68, %dma_start3A_69] : memref<5x80x64xf32, #tpu.memory_space<vmem>> -> memref<1x80x64xf32, #tpu.memory_space<vmem>>
      %dma_start3A_71 = tpu.memref_squeeze %dma_start3A_70 : memref<1x80x64xf32, #tpu.memory_space<vmem>> -> memref<80x64xf32, #tpu.memory_space<vmem>>
      %dma_start3A_72 = arith.constant 0 : i32
      %dma_start3A_73 = tpu.memref_slice %arg5[%add3A_67, %dma_start3A_72] : memref<125x80xi32, #tpu.memory_space<vmem>> -> memref<1x80xi32, #tpu.memory_space<vmem>>
      %dma_start3A_74 = tpu.memref_squeeze %dma_start3A_73 : memref<1x80xi32, #tpu.memory_space<vmem>> -> memref<80xi32, #tpu.memory_space<vmem>>
      %dma_start3A_75 = arith.constant 0 : i32
      %dma_start3A_76 = arith.constant 0 : i32
      %dma_start3A_77 = tpu.memref_slice %arg2[%dma_start3A_75, %dma_start3A_76] : memref<10240x64xf32, #tpu.memory_space<hbm>> -> memref<10240x64xf32, #tpu.memory_space<hbm>>
      tpu.enqueue_indirect_dma source(%dma_start3A_77 : memref<10240x64xf32, #tpu.memory_space<hbm>>) target(%dma_start3A_71 : memref<80x64xf32, #tpu.memory_space<vmem>>) offsets(%dma_start3A_74 : memref<80xi32, #tpu.memory_space<vmem>>) semaphore(%arg9 : memref<!tpu.dma_semaphore, #tpu.memory_space<semaphore_mem>>)
      %mul3A_78 = arith.constant 5 : i32
      %mul3A_79 = arith.muli %scan3A_62, %mul3A_78 : i32
      %add3A_80 = arith.constant 1 : i32
      %add3A_81 = arith.addi %mul3A_79, %add3A_80 : i32
      %dma_start3A_82 = arith.constant 1 : i32
      %dma_start3A_83 = arith.constant 0 : i32
      %dma_start3A_84 = arith.constant 0 : i32
      %dma_start3A_85 = tpu.memref_slice %arg7[%dma_start3A_82, %dma_start3A_83, %dma_start3A_84] : memref<5x80x64xf32, #tpu.memory_space<vmem>> -> memref<1x80x64xf32, #tpu.memory_space<vmem>>
      %dma_start3A_86 = tpu.memref_squeeze %dma_start3A_85 : memref<1x80x64xf32, #tpu.memory_space<vmem>> -> memref<80x64xf32, #tpu.memory_space<vmem>>
      %dma_start3A_87 = arith.constant 0 : i32
      %dma_start3A_88 = tpu.memref_slice %arg5[%add3A_81, %dma_start3A_87] : memref<125x80xi32, #tpu.memory_space<vmem>> -> memref<1x80xi32, #tpu.memory_space<vmem>>
      %dma_start3A_89 = tpu.memref_squeeze %dma_start3A_88 : memref<1x80xi32, #tpu.memory_space<vmem>> -> memref<80xi32, #tpu.memory_space<vmem>>
      %dma_start3A_90 = arith.constant 0 : i32
      %dma_start3A_91 = arith.constant 0 : i32
      %dma_start3A_92 = tpu.memref_slice %arg2[%dma_start3A_90, %dma_start3A_91] : memref<10240x64xf32, #tpu.memory_space<hbm>> -> memref<10240x64xf32, #tpu.memory_space<hbm>>
      tpu.enqueue_indirect_dma source(%dma_start3A_92 : memref<10240x64xf32, #tpu.memory_space<hbm>>) target(%dma_start3A_86 : memref<80x64xf32, #tpu.memory_space<vmem>>) offsets(%dma_start3A_89 : memref<80xi32, #tpu.memory_space<vmem>>) semaphore(%arg10 : memref<!tpu.dma_semaphore, #tpu.memory_space<semaphore_mem>>)
      %mul3A_93 = arith.constant 5 : i32
      %mul3A_94 = arith.muli %scan3A_62, %mul3A_93 : i32
      %add3A_95 = arith.constant 2 : i32
      %add3A_96 = arith.addi %mul3A_94, %add3A_95 : i32
      %dma_start3A_97 = arith.constant 2 : i32
      %dma_start3A_98 = arith.constant 0 : i32
      %dma_start3A_99 = arith.constant 0 : i32
      %dma_start3A_100 = tpu.memref_slice %arg7[%dma_start3A_97, %dma_start3A_98, %dma_start3A_99] : memref<5x80x64xf32, #tpu.memory_space<vmem>> -> memref<1x80x64xf32, #tpu.memory_space<vmem>>
      %dma_start3A_101 = tpu.memref_squeeze %dma_start3A_100 : memref<1x80x64xf32, #tpu.memory_space<vmem>> -> memref<80x64xf32, #tpu.memory_space<vmem>>
      %dma_start3A_102 = arith.constant 0 : i32
      %dma_start3A_103 = tpu.memref_slice %arg5[%add3A_96, %dma_start3A_102] : memref<125x80xi32, #tpu.memory_space<vmem>> -> memref<1x80xi32, #tpu.memory_space<vmem>>
      %dma_start3A_104 = tpu.memref_squeeze %dma_start3A_103 : memref<1x80xi32, #tpu.memory_space<vmem>> -> memref<80xi32, #tpu.memory_space<vmem>>
      %dma_start3A_105 = arith.constant 0 : i32
      %dma_start3A_106 = arith.constant 0 : i32
      %dma_start3A_107 = tpu.memref_slice %arg2[%dma_start3A_105, %dma_start3A_106] : memref<10240x64xf32, #tpu.memory_space<hbm>> -> memref<10240x64xf32, #tpu.memory_space<hbm>>
      tpu.enqueue_indirect_dma source(%dma_start3A_107 : memref<10240x64xf32, #tpu.memory_space<hbm>>) target(%dma_start3A_101 : memref<80x64xf32, #tpu.memory_space<vmem>>) offsets(%dma_start3A_104 : memref<80xi32, #tpu.memory_space<vmem>>) semaphore(%arg11 : memref<!tpu.dma_semaphore, #tpu.memory_space<semaphore_mem>>)
      %mul3A_108 = arith.constant 5 : i32
      %mul3A_109 = arith.muli %scan3A_62, %mul3A_108 : i32
      %add3A_110 = arith.constant 3 : i32
      %add3A_111 = arith.addi %mul3A_109, %add3A_110 : i32
      %dma_start3A_112 = arith.constant 3 : i32
      %dma_start3A_113 = arith.constant 0 : i32
      %dma_start3A_114 = arith.constant 0 : i32
      %dma_start3A_115 = tpu.memref_slice %arg7[%dma_start3A_112, %dma_start3A_113, %dma_start3A_114] : memref<5x80x64xf32, #tpu.memory_space<vmem>> -> memref<1x80x64xf32, #tpu.memory_space<vmem>>
      %dma_start3A_116 = tpu.memref_squeeze %dma_start3A_115 : memref<1x80x64xf32, #tpu.memory_space<vmem>> -> memref<80x64xf32, #tpu.memory_space<vmem>>
      %dma_start3A_117 = arith.constant 0 : i32
      %dma_start3A_118 = tpu.memref_slice %arg5[%add3A_111, %dma_start3A_117] : memref<125x80xi32, #tpu.memory_space<vmem>> -> memref<1x80xi32, #tpu.memory_space<vmem>>
      %dma_start3A_119 = tpu.memref_squeeze %dma_start3A_118 : memref<1x80xi32, #tpu.memory_space<vmem>> -> memref<80xi32, #tpu.memory_space<vmem>>
      %dma_start3A_120 = arith.constant 0 : i32
      %dma_start3A_121 = arith.constant 0 : i32
      %dma_start3A_122 = tpu.memref_slice %arg2[%dma_start3A_120, %dma_start3A_121] : memref<10240x64xf32, #tpu.memory_space<hbm>> -> memref<10240x64xf32, #tpu.memory_space<hbm>>
      tpu.enqueue_indirect_dma source(%dma_start3A_122 : memref<10240x64xf32, #tpu.memory_space<hbm>>) target(%dma_start3A_116 : memref<80x64xf32, #tpu.memory_space<vmem>>) offsets(%dma_start3A_119 : memref<80xi32, #tpu.memory_space<vmem>>) semaphore(%arg12 : memref<!tpu.dma_semaphore, #tpu.memory_space<semaphore_mem>>)
      %mul3A_123 = arith.constant 5 : i32
      %mul3A_124 = arith.muli %scan3A_62, %mul3A_123 : i32
      %add3A_125 = arith.constant 4 : i32
      %add3A_126 = arith.addi %mul3A_124, %add3A_125 : i32
      %dma_start3A_127 = arith.constant 4 : i32
      %dma_start3A_128 = arith.constant 0 : i32
      %dma_start3A_129 = arith.constant 0 : i32
      %dma_start3A_130 = tpu.memref_slice %arg7[%dma_start3A_127, %dma_start3A_128, %dma_start3A_129] : memref<5x80x64xf32, #tpu.memory_space<vmem>> -> memref<1x80x64xf32, #tpu.memory_space<vmem>>
      %dma_start3A_131 = tpu.memref_squeeze %dma_start3A_130 : memref<1x80x64xf32, #tpu.memory_space<vmem>> -> memref<80x64xf32, #tpu.memory_space<vmem>>
      %dma_start3A_132 = arith.constant 0 : i32
      %dma_start3A_133 = tpu.memref_slice %arg5[%add3A_126, %dma_start3A_132] : memref<125x80xi32, #tpu.memory_space<vmem>> -> memref<1x80xi32, #tpu.memory_space<vmem>>
      %dma_start3A_134 = tpu.memref_squeeze %dma_start3A_133 : memref<1x80xi32, #tpu.memory_space<vmem>> -> memref<80xi32, #tpu.memory_space<vmem>>
      %dma_start3A_135 = arith.constant 0 : i32
      %dma_start3A_136 = arith.constant 0 : i32
      %dma_start3A_137 = tpu.memref_slice %arg2[%dma_start3A_135, %dma_start3A_136] : memref<10240x64xf32, #tpu.memory_space<hbm>> -> memref<10240x64xf32, #tpu.memory_space<hbm>>
      tpu.enqueue_indirect_dma source(%dma_start3A_137 : memref<10240x64xf32, #tpu.memory_space<hbm>>) target(%dma_start3A_131 : memref<80x64xf32, #tpu.memory_space<vmem>>) offsets(%dma_start3A_134 : memref<80xi32, #tpu.memory_space<vmem>>) semaphore(%arg13 : memref<!tpu.dma_semaphore, #tpu.memory_space<semaphore_mem>>)
      %mul3A_138 = arith.constant 5 : i32
      %mul3A_139 = arith.muli %scan3A_62, %mul3A_138 : i32
      %add3A_140 = arith.constant 0 : i32
      %add3A_141 = arith.addi %mul3A_139, %add3A_140 : i32
      %dma_wait3A = arith.constant 0 : i32
      %dma_wait3A_142 = arith.constant 0 : i32
      %dma_wait3A_143 = arith.constant 0 : i32
      %dma_wait3A_144 = tpu.memref_slice %arg7[%dma_wait3A, %dma_wait3A_142, %dma_wait3A_143] : memref<5x80x64xf32, #tpu.memory_space<vmem>> -> memref<1x80x64xf32, #tpu.memory_space<vmem>>
      %dma_wait3A_145 = tpu.memref_squeeze %dma_wait3A_144 : memref<1x80x64xf32, #tpu.memory_space<vmem>> -> memref<80x64xf32, #tpu.memory_space<vmem>>
      %dma_wait3A_146 = arith.constant 0 : i32
      %dma_wait3A_147 = tpu.memref_slice %arg5[%add3A_67, %dma_wait3A_146] : memref<125x80xi32, #tpu.memory_space<vmem>> -> memref<1x80xi32, #tpu.memory_space<vmem>>
      %dma_wait3A_148 = tpu.memref_squeeze %dma_wait3A_147 : memref<1x80xi32, #tpu.memory_space<vmem>> -> memref<80xi32, #tpu.memory_space<vmem>>
      %dma_wait3A_149 = arith.constant 0 : i32
      %dma_wait3A_150 = arith.constant 0 : i32
      %dma_wait3A_151 = tpu.memref_slice %arg2[%dma_wait3A_149, %dma_wait3A_150] : memref<10240x64xf32, #tpu.memory_space<hbm>> -> memref<10240x64xf32, #tpu.memory_space<hbm>>
      tpu.wait_indirect_dma semaphore(%arg9 : memref<!tpu.dma_semaphore, #tpu.memory_space<semaphore_mem>>) src(%dma_wait3A_151 : memref<10240x64xf32, #tpu.memory_space<hbm>>) dst(%dma_wait3A_145 : memref<80x64xf32, #tpu.memory_space<vmem>>)
      %dma_start3A_152 = arith.constant 0 : i32
      %dma_start3A_153 = arith.constant 0 : i32
      %dma_start3A_154 = arith.constant 0 : i32
      %dma_start3A_155 = tpu.memref_slice %arg7[%dma_start3A_152, %dma_start3A_153, %dma_start3A_154] : memref<5x80x64xf32, #tpu.memory_space<vmem>> -> memref<1x80x64xf32, #tpu.memory_space<vmem>>
      %dma_start3A_156 = tpu.memref_squeeze %dma_start3A_155 : memref<1x80x64xf32, #tpu.memory_space<vmem>> -> memref<80x64xf32, #tpu.memory_space<vmem>>
      %dma_start3A_157 = arith.constant 0 : i32
      %dma_start3A_158 = tpu.memref_slice %arg6[%add3A_141, %dma_start3A_157] : memref<125x80xi32, #tpu.memory_space<vmem>> -> memref<1x80xi32, #tpu.memory_space<vmem>>
      %dma_start3A_159 = tpu.memref_squeeze %dma_start3A_158 : memref<1x80xi32, #tpu.memory_space<vmem>> -> memref<80xi32, #tpu.memory_space<vmem>>
      %dma_start3A_160 = arith.constant 0 : i32
      %dma_start3A_161 = arith.constant 0 : i32
      %dma_start3A_162 = tpu.memref_slice %arg8[%dma_start3A_160, %dma_start3A_161] : memref<10240x64xf32, #tpu.memory_space<vmem_shared>> -> memref<10240x64xf32, #tpu.memory_space<vmem_shared>>
      tpu.enqueue_indirect_dma source(%dma_start3A_156 : memref<80x64xf32, #tpu.memory_space<vmem>>) target(%dma_start3A_162 : memref<10240x64xf32, #tpu.memory_space<vmem_shared>>) offsets(%dma_start3A_159 : memref<80xi32, #tpu.memory_space<vmem>>) semaphore(%arg14 : memref<!tpu.dma_semaphore, #tpu.memory_space<semaphore_mem>>) {add = true}
      %mul3A_163 = arith.constant 5 : i32
      %mul3A_164 = arith.muli %scan3A_62, %mul3A_163 : i32
      %add3A_165 = arith.constant 1 : i32
      %add3A_166 = arith.addi %mul3A_164, %add3A_165 : i32
      %dma_wait3A_167 = arith.constant 1 : i32
      %dma_wait3A_168 = arith.constant 0 : i32
      %dma_wait3A_169 = arith.constant 0 : i32
      %dma_wait3A_170 = tpu.memref_slice %arg7[%dma_wait3A_167, %dma_wait3A_168, %dma_wait3A_169] : memref<5x80x64xf32, #tpu.memory_space<vmem>> -> memref<1x80x64xf32, #tpu.memory_space<vmem>>
      %dma_wait3A_171 = tpu.memref_squeeze %dma_wait3A_170 : memref<1x80x64xf32, #tpu.memory_space<vmem>> -> memref<80x64xf32, #tpu.memory_space<vmem>>
      %dma_wait3A_172 = arith.constant 0 : i32
      %dma_wait3A_173 = tpu.memref_slice %arg5[%add3A_81, %dma_wait3A_172] : memref<125x80xi32, #tpu.memory_space<vmem>> -> memref<1x80xi32, #tpu.memory_space<vmem>>
      %dma_wait3A_174 = tpu.memref_squeeze %dma_wait3A_173 : memref<1x80xi32, #tpu.memory_space<vmem>> -> memref<80xi32, #tpu.memory_space<vmem>>
      %dma_wait3A_175 = arith.constant 0 : i32
      %dma_wait3A_176 = arith.constant 0 : i32
      %dma_wait3A_177 = tpu.memref_slice %arg2[%dma_wait3A_175, %dma_wait3A_176] : memref<10240x64xf32, #tpu.memory_space<hbm>> -> memref<10240x64xf32, #tpu.memory_space<hbm>>
      tpu.wait_indirect_dma semaphore(%arg10 : memref<!tpu.dma_semaphore, #tpu.memory_space<semaphore_mem>>) src(%dma_wait3A_177 : memref<10240x64xf32, #tpu.memory_space<hbm>>) dst(%dma_wait3A_171 : memref<80x64xf32, #tpu.memory_space<vmem>>)
      %dma_start3A_178 = arith.constant 1 : i32
      %dma_start3A_179 = arith.constant 0 : i32
      %dma_start3A_180 = arith.constant 0 : i32
      %dma_start3A_181 = tpu.memref_slice %arg7[%dma_start3A_178, %dma_start3A_179, %dma_start3A_180] : memref<5x80x64xf32, #tpu.memory_space<vmem>> -> memref<1x80x64xf32, #tpu.memory_space<vmem>>
      %dma_start3A_182 = tpu.memref_squeeze %dma_start3A_181 : memref<1x80x64xf32, #tpu.memory_space<vmem>> -> memref<80x64xf32, #tpu.memory_space<vmem>>
      %dma_start3A_183 = arith.constant 0 : i32
      %dma_start3A_184 = tpu.memref_slice %arg6[%add3A_166, %dma_start3A_183] : memref<125x80xi32, #tpu.memory_space<vmem>> -> memref<1x80xi32, #tpu.memory_space<vmem>>
      %dma_start3A_185 = tpu.memref_squeeze %dma_start3A_184 : memref<1x80xi32, #tpu.memory_space<vmem>> -> memref<80xi32, #tpu.memory_space<vmem>>
      %dma_start3A_186 = arith.constant 0 : i32
      %dma_start3A_187 = arith.constant 0 : i32
      %dma_start3A_188 = tpu.memref_slice %arg8[%dma_start3A_186, %dma_start3A_187] : memref<10240x64xf32, #tpu.memory_space<vmem_shared>> -> memref<10240x64xf32, #tpu.memory_space<vmem_shared>>
      tpu.enqueue_indirect_dma source(%dma_start3A_182 : memref<80x64xf32, #tpu.memory_space<vmem>>) target(%dma_start3A_188 : memref<10240x64xf32, #tpu.memory_space<vmem_shared>>) offsets(%dma_start3A_185 : memref<80xi32, #tpu.memory_space<vmem>>) semaphore(%arg15 : memref<!tpu.dma_semaphore, #tpu.memory_space<semaphore_mem>>) {add = true}
      %mul3A_189 = arith.constant 5 : i32
      %mul3A_190 = arith.muli %scan3A_62, %mul3A_189 : i32
      %add3A_191 = arith.constant 2 : i32
      %add3A_192 = arith.addi %mul3A_190, %add3A_191 : i32
      %dma_wait3A_193 = arith.constant 2 : i32
      %dma_wait3A_194 = arith.constant 0 : i32
      %dma_wait3A_195 = arith.constant 0 : i32
      %dma_wait3A_196 = tpu.memref_slice %arg7[%dma_wait3A_193, %dma_wait3A_194, %dma_wait3A_195] : memref<5x80x64xf32, #tpu.memory_space<vmem>> -> memref<1x80x64xf32, #tpu.memory_space<vmem>>
      %dma_wait3A_197 = tpu.memref_squeeze %dma_wait3A_196 : memref<1x80x64xf32, #tpu.memory_space<vmem>> -> memref<80x64xf32, #tpu.memory_space<vmem>>
      %dma_wait3A_198 = arith.constant 0 : i32
      %dma_wait3A_199 = tpu.memref_slice %arg5[%add3A_96, %dma_wait3A_198] : memref<125x80xi32, #tpu.memory_space<vmem>> -> memref<1x80xi32, #tpu.memory_space<vmem>>
      %dma_wait3A_200 = tpu.memref_squeeze %dma_wait3A_199 : memref<1x80xi32, #tpu.memory_space<vmem>> -> memref<80xi32, #tpu.memory_space<vmem>>
      %dma_wait3A_201 = arith.constant 0 : i32
      %dma_wait3A_202 = arith.constant 0 : i32
      %dma_wait3A_203 = tpu.memref_slice %arg2[%dma_wait3A_201, %dma_wait3A_202] : memref<10240x64xf32, #tpu.memory_space<hbm>> -> memref<10240x64xf32, #tpu.memory_space<hbm>>
      tpu.wait_indirect_dma semaphore(%arg11 : memref<!tpu.dma_semaphore, #tpu.memory_space<semaphore_mem>>) src(%dma_wait3A_203 : memref<10240x64xf32, #tpu.memory_space<hbm>>) dst(%dma_wait3A_197 : memref<80x64xf32, #tpu.memory_space<vmem>>)
      %dma_start3A_204 = arith.constant 2 : i32
      %dma_start3A_205 = arith.constant 0 : i32
      %dma_start3A_206 = arith.constant 0 : i32
      %dma_start3A_207 = tpu.memref_slice %arg7[%dma_start3A_204, %dma_start3A_205, %dma_start3A_206] : memref<5x80x64xf32, #tpu.memory_space<vmem>> -> memref<1x80x64xf32, #tpu.memory_space<vmem>>
      %dma_start3A_208 = tpu.memref_squeeze %dma_start3A_207 : memref<1x80x64xf32, #tpu.memory_space<vmem>> -> memref<80x64xf32, #tpu.memory_space<vmem>>
      %dma_start3A_209 = arith.constant 0 : i32
      %dma_start3A_210 = tpu.memref_slice %arg6[%add3A_192, %dma_start3A_209] : memref<125x80xi32, #tpu.memory_space<vmem>> -> memref<1x80xi32, #tpu.memory_space<vmem>>
      %dma_start3A_211 = tpu.memref_squeeze %dma_start3A_210 : memref<1x80xi32, #tpu.memory_space<vmem>> -> memref<80xi32, #tpu.memory_space<vmem>>
      %dma_start3A_212 = arith.constant 0 : i32
      %dma_start3A_213 = arith.constant 0 : i32
      %dma_start3A_214 = tpu.memref_slice %arg8[%dma_start3A_212, %dma_start3A_213] : memref<10240x64xf32, #tpu.memory_space<vmem_shared>> -> memref<10240x64xf32, #tpu.memory_space<vmem_shared>>
      tpu.enqueue_indirect_dma source(%dma_start3A_208 : memref<80x64xf32, #tpu.memory_space<vmem>>) target(%dma_start3A_214 : memref<10240x64xf32, #tpu.memory_space<vmem_shared>>) offsets(%dma_start3A_211 : memref<80xi32, #tpu.memory_space<vmem>>) semaphore(%arg16 : memref<!tpu.dma_semaphore, #tpu.memory_space<semaphore_mem>>) {add = true}
      %mul3A_215 = arith.constant 5 : i32
      %mul3A_216 = arith.muli %scan3A_62, %mul3A_215 : i32
      %add3A_217 = arith.constant 3 : i32
      %add3A_218 = arith.addi %mul3A_216, %add3A_217 : i32
      %dma_wait3A_219 = arith.constant 3 : i32
      %dma_wait3A_220 = arith.constant 0 : i32
      %dma_wait3A_221 = arith.constant 0 : i32
      %dma_wait3A_222 = tpu.memref_slice %arg7[%dma_wait3A_219, %dma_wait3A_220, %dma_wait3A_221] : memref<5x80x64xf32, #tpu.memory_space<vmem>> -> memref<1x80x64xf32, #tpu.memory_space<vmem>>
      %dma_wait3A_223 = tpu.memref_squeeze %dma_wait3A_222 : memref<1x80x64xf32, #tpu.memory_space<vmem>> -> memref<80x64xf32, #tpu.memory_space<vmem>>
      %dma_wait3A_224 = arith.constant 0 : i32
      %dma_wait3A_225 = tpu.memref_slice %arg5[%add3A_111, %dma_wait3A_224] : memref<125x80xi32, #tpu.memory_space<vmem>> -> memref<1x80xi32, #tpu.memory_space<vmem>>
      %dma_wait3A_226 = tpu.memref_squeeze %dma_wait3A_225 : memref<1x80xi32, #tpu.memory_space<vmem>> -> memref<80xi32, #tpu.memory_space<vmem>>
      %dma_wait3A_227 = arith.constant 0 : i32
      %dma_wait3A_228 = arith.constant 0 : i32
      %dma_wait3A_229 = tpu.memref_slice %arg2[%dma_wait3A_227, %dma_wait3A_228] : memref<10240x64xf32, #tpu.memory_space<hbm>> -> memref<10240x64xf32, #tpu.memory_space<hbm>>
      tpu.wait_indirect_dma semaphore(%arg12 : memref<!tpu.dma_semaphore, #tpu.memory_space<semaphore_mem>>) src(%dma_wait3A_229 : memref<10240x64xf32, #tpu.memory_space<hbm>>) dst(%dma_wait3A_223 : memref<80x64xf32, #tpu.memory_space<vmem>>)
      %dma_start3A_230 = arith.constant 3 : i32
      %dma_start3A_231 = arith.constant 0 : i32
      %dma_start3A_232 = arith.constant 0 : i32
      %dma_start3A_233 = tpu.memref_slice %arg7[%dma_start3A_230, %dma_start3A_231, %dma_start3A_232] : memref<5x80x64xf32, #tpu.memory_space<vmem>> -> memref<1x80x64xf32, #tpu.memory_space<vmem>>
      %dma_start3A_234 = tpu.memref_squeeze %dma_start3A_233 : memref<1x80x64xf32, #tpu.memory_space<vmem>> -> memref<80x64xf32, #tpu.memory_space<vmem>>
      %dma_start3A_235 = arith.constant 0 : i32
      %dma_start3A_236 = tpu.memref_slice %arg6[%add3A_218, %dma_start3A_235] : memref<125x80xi32, #tpu.memory_space<vmem>> -> memref<1x80xi32, #tpu.memory_space<vmem>>
      %dma_start3A_237 = tpu.memref_squeeze %dma_start3A_236 : memref<1x80xi32, #tpu.memory_space<vmem>> -> memref<80xi32, #tpu.memory_space<vmem>>
      %dma_start3A_238 = arith.constant 0 : i32
      %dma_start3A_239 = arith.constant 0 : i32
      %dma_start3A_240 = tpu.memref_slice %arg8[%dma_start3A_238, %dma_start3A_239] : memref<10240x64xf32, #tpu.memory_space<vmem_shared>> -> memref<10240x64xf32, #tpu.memory_space<vmem_shared>>
      tpu.enqueue_indirect_dma source(%dma_start3A_234 : memref<80x64xf32, #tpu.memory_space<vmem>>) target(%dma_start3A_240 : memref<10240x64xf32, #tpu.memory_space<vmem_shared>>) offsets(%dma_start3A_237 : memref<80xi32, #tpu.memory_space<vmem>>) semaphore(%arg17 : memref<!tpu.dma_semaphore, #tpu.memory_space<semaphore_mem>>) {add = true}
      %mul3A_241 = arith.constant 5 : i32
      %mul3A_242 = arith.muli %scan3A_62, %mul3A_241 : i32
      %add3A_243 = arith.constant 4 : i32
      %add3A_244 = arith.addi %mul3A_242, %add3A_243 : i32
      %dma_wait3A_245 = arith.constant 4 : i32
      %dma_wait3A_246 = arith.constant 0 : i32
      %dma_wait3A_247 = arith.constant 0 : i32
      %dma_wait3A_248 = tpu.memref_slice %arg7[%dma_wait3A_245, %dma_wait3A_246, %dma_wait3A_247] : memref<5x80x64xf32, #tpu.memory_space<vmem>> -> memref<1x80x64xf32, #tpu.memory_space<vmem>>
      %dma_wait3A_249 = tpu.memref_squeeze %dma_wait3A_248 : memref<1x80x64xf32, #tpu.memory_space<vmem>> -> memref<80x64xf32, #tpu.memory_space<vmem>>
      %dma_wait3A_250 = arith.constant 0 : i32
      %dma_wait3A_251 = tpu.memref_slice %arg5[%add3A_126, %dma_wait3A_250] : memref<125x80xi32, #tpu.memory_space<vmem>> -> memref<1x80xi32, #tpu.memory_space<vmem>>
      %dma_wait3A_252 = tpu.memref_squeeze %dma_wait3A_251 : memref<1x80xi32, #tpu.memory_space<vmem>> -> memref<80xi32, #tpu.memory_space<vmem>>
      %dma_wait3A_253 = arith.constant 0 : i32
      %dma_wait3A_254 = arith.constant 0 : i32
      %dma_wait3A_255 = tpu.memref_slice %arg2[%dma_wait3A_253, %dma_wait3A_254] : memref<10240x64xf32, #tpu.memory_space<hbm>> -> memref<10240x64xf32, #tpu.memory_space<hbm>>
      tpu.wait_indirect_dma semaphore(%arg13 : memref<!tpu.dma_semaphore, #tpu.memory_space<semaphore_mem>>) src(%dma_wait3A_255 : memref<10240x64xf32, #tpu.memory_space<hbm>>) dst(%dma_wait3A_249 : memref<80x64xf32, #tpu.memory_space<vmem>>)
      %dma_start3A_256 = arith.constant 4 : i32
      %dma_start3A_257 = arith.constant 0 : i32
      %dma_start3A_258 = arith.constant 0 : i32
      %dma_start3A_259 = tpu.memref_slice %arg7[%dma_start3A_256, %dma_start3A_257, %dma_start3A_258] : memref<5x80x64xf32, #tpu.memory_space<vmem>> -> memref<1x80x64xf32, #tpu.memory_space<vmem>>
      %dma_start3A_260 = tpu.memref_squeeze %dma_start3A_259 : memref<1x80x64xf32, #tpu.memory_space<vmem>> -> memref<80x64xf32, #tpu.memory_space<vmem>>
      %dma_start3A_261 = arith.constant 0 : i32
      %dma_start3A_262 = tpu.memref_slice %arg6[%add3A_244, %dma_start3A_261] : memref<125x80xi32, #tpu.memory_space<vmem>> -> memref<1x80xi32, #tpu.memory_space<vmem>>
      %dma_start3A_263 = tpu.memref_squeeze %dma_start3A_262 : memref<1x80xi32, #tpu.memory_space<vmem>> -> memref<80xi32, #tpu.memory_space<vmem>>
      %dma_start3A_264 = arith.constant 0 : i32
      %dma_start3A_265 = arith.constant 0 : i32
      %dma_start3A_266 = tpu.memref_slice %arg8[%dma_start3A_264, %dma_start3A_265] : memref<10240x64xf32, #tpu.memory_space<vmem_shared>> -> memref<10240x64xf32, #tpu.memory_space<vmem_shared>>
      tpu.enqueue_indirect_dma source(%dma_start3A_260 : memref<80x64xf32, #tpu.memory_space<vmem>>) target(%dma_start3A_266 : memref<10240x64xf32, #tpu.memory_space<vmem_shared>>) offsets(%dma_start3A_263 : memref<80xi32, #tpu.memory_space<vmem>>) semaphore(%arg18 : memref<!tpu.dma_semaphore, #tpu.memory_space<semaphore_mem>>) {add = true}
      %dma_wait3A_267 = arith.constant 0 : i32
      %dma_wait3A_268 = arith.constant 0 : i32
      %dma_wait3A_269 = arith.constant 0 : i32
      %dma_wait3A_270 = tpu.memref_slice %arg7[%dma_wait3A_267, %dma_wait3A_268, %dma_wait3A_269] : memref<5x80x64xf32, #tpu.memory_space<vmem>> -> memref<1x80x64xf32, #tpu.memory_space<vmem>>
      %dma_wait3A_271 = tpu.memref_squeeze %dma_wait3A_270 : memref<1x80x64xf32, #tpu.memory_space<vmem>> -> memref<80x64xf32, #tpu.memory_space<vmem>>
      %dma_wait3A_272 = arith.constant 0 : i32
      %dma_wait3A_273 = tpu.memref_slice %arg6[%add3A_141, %dma_wait3A_272] : memref<125x80xi32, #tpu.memory_space<vmem>> -> memref<1x80xi32, #tpu.memory_space<vmem>>
      %dma_wait3A_274 = tpu.memref_squeeze %dma_wait3A_273 : memref<1x80xi32, #tpu.memory_space<vmem>> -> memref<80xi32, #tpu.memory_space<vmem>>
      %dma_wait3A_275 = arith.constant 0 : i32
      %dma_wait3A_276 = arith.constant 0 : i32
      %dma_wait3A_277 = tpu.memref_slice %arg8[%dma_wait3A_275, %dma_wait3A_276] : memref<10240x64xf32, #tpu.memory_space<vmem_shared>> -> memref<10240x64xf32, #tpu.memory_space<vmem_shared>>
      tpu.wait_indirect_dma semaphore(%arg14 : memref<!tpu.dma_semaphore, #tpu.memory_space<semaphore_mem>>) src(%dma_wait3A_271 : memref<80x64xf32, #tpu.memory_space<vmem>>) dst(%dma_wait3A_277 : memref<10240x64xf32, #tpu.memory_space<vmem_shared>>)
      %dma_wait3A_278 = arith.constant 1 : i32
      %dma_wait3A_279 = arith.constant 0 : i32
      %dma_wait3A_280 = arith.constant 0 : i32
      %dma_wait3A_281 = tpu.memref_slice %arg7[%dma_wait3A_278, %dma_wait3A_279, %dma_wait3A_280] : memref<5x80x64xf32, #tpu.memory_space<vmem>> -> memref<1x80x64xf32, #tpu.memory_space<vmem>>
      %dma_wait3A_282 = tpu.memref_squeeze %dma_wait3A_281 : memref<1x80x64xf32, #tpu.memory_space<vmem>> -> memref<80x64xf32, #tpu.memory_space<vmem>>
      %dma_wait3A_283 = arith.constant 0 : i32
      %dma_wait3A_284 = tpu.memref_slice %arg6[%add3A_166, %dma_wait3A_283] : memref<125x80xi32, #tpu.memory_space<vmem>> -> memref<1x80xi32, #tpu.memory_space<vmem>>
      %dma_wait3A_285 = tpu.memref_squeeze %dma_wait3A_284 : memref<1x80xi32, #tpu.memory_space<vmem>> -> memref<80xi32, #tpu.memory_space<vmem>>
      %dma_wait3A_286 = arith.constant 0 : i32
      %dma_wait3A_287 = arith.constant 0 : i32
      %dma_wait3A_288 = tpu.memref_slice %arg8[%dma_wait3A_286, %dma_wait3A_287] : memref<10240x64xf32, #tpu.memory_space<vmem_shared>> -> memref<10240x64xf32, #tpu.memory_space<vmem_shared>>
      tpu.wait_indirect_dma semaphore(%arg15 : memref<!tpu.dma_semaphore, #tpu.memory_space<semaphore_mem>>) src(%dma_wait3A_282 : memref<80x64xf32, #tpu.memory_space<vmem>>) dst(%dma_wait3A_288 : memref<10240x64xf32, #tpu.memory_space<vmem_shared>>)
      %dma_wait3A_289 = arith.constant 2 : i32
      %dma_wait3A_290 = arith.constant 0 : i32
      %dma_wait3A_291 = arith.constant 0 : i32
      %dma_wait3A_292 = tpu.memref_slice %arg7[%dma_wait3A_289, %dma_wait3A_290, %dma_wait3A_291] : memref<5x80x64xf32, #tpu.memory_space<vmem>> -> memref<1x80x64xf32, #tpu.memory_space<vmem>>
      %dma_wait3A_293 = tpu.memref_squeeze %dma_wait3A_292 : memref<1x80x64xf32, #tpu.memory_space<vmem>> -> memref<80x64xf32, #tpu.memory_space<vmem>>
      %dma_wait3A_294 = arith.constant 0 : i32
      %dma_wait3A_295 = tpu.memref_slice %arg6[%add3A_192, %dma_wait3A_294] : memref<125x80xi32, #tpu.memory_space<vmem>> -> memref<1x80xi32, #tpu.memory_space<vmem>>
      %dma_wait3A_296 = tpu.memref_squeeze %dma_wait3A_295 : memref<1x80xi32, #tpu.memory_space<vmem>> -> memref<80xi32, #tpu.memory_space<vmem>>
      %dma_wait3A_297 = arith.constant 0 : i32
      %dma_wait3A_298 = arith.constant 0 : i32
      %dma_wait3A_299 = tpu.memref_slice %arg8[%dma_wait3A_297, %dma_wait3A_298] : memref<10240x64xf32, #tpu.memory_space<vmem_shared>> -> memref<10240x64xf32, #tpu.memory_space<vmem_shared>>
      tpu.wait_indirect_dma semaphore(%arg16 : memref<!tpu.dma_semaphore, #tpu.memory_space<semaphore_mem>>) src(%dma_wait3A_293 : memref<80x64xf32, #tpu.memory_space<vmem>>) dst(%dma_wait3A_299 : memref<10240x64xf32, #tpu.memory_space<vmem_shared>>)
      %dma_wait3A_300 = arith.constant 3 : i32
      %dma_wait3A_301 = arith.constant 0 : i32
      %dma_wait3A_302 = arith.constant 0 : i32
      %dma_wait3A_303 = tpu.memref_slice %arg7[%dma_wait3A_300, %dma_wait3A_301, %dma_wait3A_302] : memref<5x80x64xf32, #tpu.memory_space<vmem>> -> memref<1x80x64xf32, #tpu.memory_space<vmem>>
      %dma_wait3A_304 = tpu.memref_squeeze %dma_wait3A_303 : memref<1x80x64xf32, #tpu.memory_space<vmem>> -> memref<80x64xf32, #tpu.memory_space<vmem>>
      %dma_wait3A_305 = arith.constant 0 : i32
      %dma_wait3A_306 = tpu.memref_slice %arg6[%add3A_218, %dma_wait3A_305] : memref<125x80xi32, #tpu.memory_space<vmem>> -> memref<1x80xi32, #tpu.memory_space<vmem>>
      %dma_wait3A_307 = tpu.memref_squeeze %dma_wait3A_306 : memref<1x80xi32, #tpu.memory_space<vmem>> -> memref<80xi32, #tpu.memory_space<vmem>>
      %dma_wait3A_308 = arith.constant 0 : i32
      %dma_wait3A_309 = arith.constant 0 : i32
      %dma_wait3A_310 = tpu.memref_slice %arg8[%dma_wait3A_308, %dma_wait3A_309] : memref<10240x64xf32, #tpu.memory_space<vmem_shared>> -> memref<10240x64xf32, #tpu.memory_space<vmem_shared>>
      tpu.wait_indirect_dma semaphore(%arg17 : memref<!tpu.dma_semaphore, #tpu.memory_space<semaphore_mem>>) src(%dma_wait3A_304 : memref<80x64xf32, #tpu.memory_space<vmem>>) dst(%dma_wait3A_310 : memref<10240x64xf32, #tpu.memory_space<vmem_shared>>)
      %dma_wait3A_311 = arith.constant 4 : i32
      %dma_wait3A_312 = arith.constant 0 : i32
      %dma_wait3A_313 = arith.constant 0 : i32
      %dma_wait3A_314 = tpu.memref_slice %arg7[%dma_wait3A_311, %dma_wait3A_312, %dma_wait3A_313] : memref<5x80x64xf32, #tpu.memory_space<vmem>> -> memref<1x80x64xf32, #tpu.memory_space<vmem>>
      %dma_wait3A_315 = tpu.memref_squeeze %dma_wait3A_314 : memref<1x80x64xf32, #tpu.memory_space<vmem>> -> memref<80x64xf32, #tpu.memory_space<vmem>>
      %dma_wait3A_316 = arith.constant 0 : i32
      %dma_wait3A_317 = tpu.memref_slice %arg6[%add3A_244, %dma_wait3A_316] : memref<125x80xi32, #tpu.memory_space<vmem>> -> memref<1x80xi32, #tpu.memory_space<vmem>>
      %dma_wait3A_318 = tpu.memref_squeeze %dma_wait3A_317 : memref<1x80xi32, #tpu.memory_space<vmem>> -> memref<80xi32, #tpu.memory_space<vmem>>
      %dma_wait3A_319 = arith.constant 0 : i32
      %dma_wait3A_320 = arith.constant 0 : i32
      %dma_wait3A_321 = tpu.memref_slice %arg8[%dma_wait3A_319, %dma_wait3A_320] : memref<10240x64xf32, #tpu.memory_space<vmem_shared>> -> memref<10240x64xf32, #tpu.memory_space<vmem_shared>>
      tpu.wait_indirect_dma semaphore(%arg18 : memref<!tpu.dma_semaphore, #tpu.memory_space<semaphore_mem>>) src(%dma_wait3A_315 : memref<80x64xf32, #tpu.memory_space<vmem>>) dst(%dma_wait3A_321 : memref<10240x64xf32, #tpu.memory_space<vmem_shared>>)
      %scan3A_322 = arith.constant 0 : i32
      scf.yield %scan3A_322 : i32
    }
    %scan3A_56 = arith.constant 25 : i32
    %barrier3A_57 = arith.constant 0 : index
    tpu.barrier barrier_id(%barrier3A_57)
    %mul3A_58 = arith.constant 640 : i32
    %mul3A_59 = arith.muli %arg1, %mul3A_58 : i32
    %mul3A_60 = arith.constant 640 : i32
    %mul3A_61 = arith.muli %arg1, %mul3A_60 : i32
    "tpu.region"() ({
      %run_scoped3A_62 = tpu.sem_alloc : memref<!tpu.dma_semaphore, #tpu.memory_space<semaphore_mem>>
      %dma_start3A = arith.constant 0 : i32
      %dma_start3A_63 = arith.constant 0 : i32
      %dma_start3A_64 = tpu.memref_slice %arg4[%arg0, %dma_start3A, %dma_start3A_63] : memref<2x10240x64xf32, #tpu.memory_space<hbm>> -> memref<1x10240x64xf32, #tpu.memory_space<hbm>>
      %dma_start3A_65 = tpu.memref_squeeze %dma_start3A_64 : memref<1x10240x64xf32, #tpu.memory_space<hbm>> -> memref<10240x64xf32, #tpu.memory_space<hbm>>
      %dma_start3A_66 = arith.constant 0 : i32
      %dma_start3A_67 = tpu.memref_slice %dma_start3A_65[%mul3A_61, %dma_start3A_66] : memref<10240x64xf32, #tpu.memory_space<hbm>> -> memref<640x64xf32, #tpu.memory_space<hbm>>
      %dma_start3A_68 = arith.constant 0 : i32
      %dma_start3A_69 = tpu.memref_slice %arg8[%mul3A_59, %dma_start3A_68] : memref<10240x64xf32, #tpu.memory_space<vmem_shared>> -> memref<640x64xf32, #tpu.memory_space<vmem_shared>>
      tpu.enqueue_dma source(%dma_start3A_69 : memref<640x64xf32, #tpu.memory_space<vmem_shared>>) target(%dma_start3A_67 : memref<640x64xf32, #tpu.memory_space<hbm>>) target_semaphore(%run_scoped3A_62 : memref<!tpu.dma_semaphore, #tpu.memory_space<semaphore_mem>>)
      %dma_wait3A = arith.constant 0 : i32
      %dma_wait3A_70 = arith.constant 0 : i32
      %dma_wait3A_71 = tpu.memref_slice %arg4[%arg0, %dma_wait3A, %dma_wait3A_70] : memref<2x10240x64xf32, #tpu.memory_space<hbm>> -> memref<1x10240x64xf32, #tpu.memory_space<hbm>>
      %dma_wait3A_72 = tpu.memref_squeeze %dma_wait3A_71 : memref<1x10240x64xf32, #tpu.memory_space<hbm>> -> memref<10240x64xf32, #tpu.memory_space<hbm>>
      %dma_wait3A_73 = arith.constant 0 : i32
      %dma_wait3A_74 = tpu.memref_slice %dma_wait3A_72[%mul3A_61, %dma_wait3A_73] : memref<10240x64xf32, #tpu.memory_space<hbm>> -> memref<640x64xf32, #tpu.memory_space<hbm>>
      %dma_wait3A_75 = arith.constant 0 : i32
      %dma_wait3A_76 = tpu.memref_slice %arg8[%mul3A_59, %dma_wait3A_75] : memref<10240x64xf32, #tpu.memory_space<vmem_shared>> -> memref<640x64xf32, #tpu.memory_space<vmem_shared>>
      tpu.wait_dma2 semaphore(%run_scoped3A_62 : memref<!tpu.dma_semaphore, #tpu.memory_space<semaphore_mem>>) src(%dma_wait3A_76 : memref<640x64xf32, #tpu.memory_space<vmem_shared>>) dst(%dma_wait3A_74 : memref<640x64xf32, #tpu.memory_space<hbm>>)
      tpu.yield
    }) : () -> ()
    return
  }
}

#map = affine_map<(d0, d1) -> (0, 0, 0, 0)>
#map1 = affine_map<(d0, d1) -> (0, 0)>
module attributes {stable_mosaic.version = 14 : i64} {
  func.func @_deg_kernel(%arg0: i32, %arg1: i32, %arg2: memref<2x32x125x80xi32, #tpu.memory_space<hbm>>, %arg3: memref<2x10240xf32, #tpu.memory_space<hbm>>, %arg4: memref<125x80xi32, #tpu.memory_space<vmem>>, %arg5: memref<80xf32, #tpu.memory_space<vmem>>, %arg6: memref<10240xf32, #tpu.memory_space<vmem_shared>>, %arg7: memref<!tpu.dma_semaphore, #tpu.memory_space<semaphore_mem>>) attributes {dimension_semantics = [#tpu.dimension_semantics<core_parallel>, #tpu.dimension_semantics<subcore_parallel>], iteration_bounds = array<i64: 2, 16>, scalar_prefetch = 0 : i64, scratch_operands = 4 : i64, tpu.core_type = #tpu.core_type<sc_vector_subcore>, window_params = [{transform_indices = #map}, {transform_indices = #map1}]} {
    %broadcast_in_dim3A = arith.constant 0.000000e+00 : f32
    %broadcast_in_dim3A_0 = vector.broadcast %broadcast_in_dim3A : f32 to vector<16xf32>
    %scan3A = arith.constant 0 : i32
    %scan3A_1 = arith.constant 0 : i32
    %scan3A_2 = arith.constant 5 : i32
    %scan3A_3 = arith.addi %scan3A_1, %scan3A_2 : i32
    %scan3A_4 = arith.constant 1 : i32
    %scan3A_5 = scf.for %scan3A_61 = %scan3A_1 to %scan3A_3 step %scan3A_4 iter_args(%scan3A_62 = %scan3A) -> (i32)  : i32 {
      %mul3A_63 = arith.constant 16 : i32
      %mul3A_64 = arith.muli %scan3A_61, %mul3A_63 : i32
      %swap3A = arith.index_cast %mul3A_64 : i32 to index
      %swap3A_65 = tpu.vector_load %arg5[%swap3A] {strides = array<i32>} : memref<80xf32, #tpu.memory_space<vmem>>, vector<16xf32>,
      %swap3A_66 = vector.shape_cast %swap3A_65 : vector<16xf32> to vector<16xf32>
      %swap3A_67 = vector.shape_cast %broadcast_in_dim3A_0 : vector<16xf32> to vector<16xf32>
      tpu.vector_store %arg5[%swap3A], %swap3A_67 {strides = array<i32>} : memref<80xf32, #tpu.memory_space<vmem>>, vector<16xf32>,
      %scan3A_68 = arith.constant 0 : i32
      scf.yield %scan3A_68 : i32
    }
    %scan3A_6 = arith.constant 5 : i32
    %mul3A = arith.constant 640 : i32
    %mul3A_7 = arith.muli %arg1, %mul3A : i32
    %add3A = arith.constant 0 : i32
    %add3A_8 = arith.addi %mul3A_7, %add3A : i32
    "tpu.region"() ({
      %run_scoped3A_61 = tpu.sem_alloc : memref<!tpu.dma_semaphore, #tpu.memory_space<semaphore_mem>>
      %dma_start3A = tpu.memref_slice %arg6[%add3A_8] : memref<10240xf32, #tpu.memory_space<vmem_shared>> -> memref<80xf32, #tpu.memory_space<vmem_shared>>
      %dma_start3A_62 = tpu.memref_slice %arg6[%add3A_8] : memref<10240xf32, #tpu.memory_space<vmem_shared>> -> memref<80xf32, #tpu.memory_space<vmem_shared>>
      tpu.enqueue_dma source(%arg5 : memref<80xf32, #tpu.memory_space<vmem>>) target(%dma_start3A_62 : memref<80xf32, #tpu.memory_space<vmem_shared>>) target_semaphore(%run_scoped3A_61 : memref<!tpu.dma_semaphore, #tpu.memory_space<semaphore_mem>>)
      %dma_wait3A = tpu.memref_slice %arg6[%add3A_8] : memref<10240xf32, #tpu.memory_space<vmem_shared>> -> memref<80xf32, #tpu.memory_space<vmem_shared>>
      %dma_wait3A_63 = tpu.memref_slice %arg6[%add3A_8] : memref<10240xf32, #tpu.memory_space<vmem_shared>> -> memref<80xf32, #tpu.memory_space<vmem_shared>>
      tpu.wait_dma2 semaphore(%run_scoped3A_61 : memref<!tpu.dma_semaphore, #tpu.memory_space<semaphore_mem>>) src(%arg5 : memref<80xf32, #tpu.memory_space<vmem>>) dst(%dma_wait3A_63 : memref<80xf32, #tpu.memory_space<vmem_shared>>)
      tpu.yield
    }) : () -> ()
    %mul3A_9 = arith.constant 640 : i32
    %mul3A_10 = arith.muli %arg1, %mul3A_9 : i32
    %add3A_11 = arith.constant 80 : i32
    %add3A_12 = arith.addi %mul3A_10, %add3A_11 : i32
    "tpu.region"() ({
      %run_scoped3A_61 = tpu.sem_alloc : memref<!tpu.dma_semaphore, #tpu.memory_space<semaphore_mem>>
      %dma_start3A = tpu.memref_slice %arg6[%add3A_12] : memref<10240xf32, #tpu.memory_space<vmem_shared>> -> memref<80xf32, #tpu.memory_space<vmem_shared>>
      %dma_start3A_62 = tpu.memref_slice %arg6[%add3A_12] : memref<10240xf32, #tpu.memory_space<vmem_shared>> -> memref<80xf32, #tpu.memory_space<vmem_shared>>
      tpu.enqueue_dma source(%arg5 : memref<80xf32, #tpu.memory_space<vmem>>) target(%dma_start3A_62 : memref<80xf32, #tpu.memory_space<vmem_shared>>) target_semaphore(%run_scoped3A_61 : memref<!tpu.dma_semaphore, #tpu.memory_space<semaphore_mem>>)
      %dma_wait3A = tpu.memref_slice %arg6[%add3A_12] : memref<10240xf32, #tpu.memory_space<vmem_shared>> -> memref<80xf32, #tpu.memory_space<vmem_shared>>
      %dma_wait3A_63 = tpu.memref_slice %arg6[%add3A_12] : memref<10240xf32, #tpu.memory_space<vmem_shared>> -> memref<80xf32, #tpu.memory_space<vmem_shared>>
      tpu.wait_dma2 semaphore(%run_scoped3A_61 : memref<!tpu.dma_semaphore, #tpu.memory_space<semaphore_mem>>) src(%arg5 : memref<80xf32, #tpu.memory_space<vmem>>) dst(%dma_wait3A_63 : memref<80xf32, #tpu.memory_space<vmem_shared>>)
      tpu.yield
    }) : () -> ()
    %mul3A_13 = arith.constant 640 : i32
    %mul3A_14 = arith.muli %arg1, %mul3A_13 : i32
    %add3A_15 = arith.constant 160 : i32
    %add3A_16 = arith.addi %mul3A_14, %add3A_15 : i32
    "tpu.region"() ({
      %run_scoped3A_61 = tpu.sem_alloc : memref<!tpu.dma_semaphore, #tpu.memory_space<semaphore_mem>>
      %dma_start3A = tpu.memref_slice %arg6[%add3A_16] : memref<10240xf32, #tpu.memory_space<vmem_shared>> -> memref<80xf32, #tpu.memory_space<vmem_shared>>
      %dma_start3A_62 = tpu.memref_slice %arg6[%add3A_16] : memref<10240xf32, #tpu.memory_space<vmem_shared>> -> memref<80xf32, #tpu.memory_space<vmem_shared>>
      tpu.enqueue_dma source(%arg5 : memref<80xf32, #tpu.memory_space<vmem>>) target(%dma_start3A_62 : memref<80xf32, #tpu.memory_space<vmem_shared>>) target_semaphore(%run_scoped3A_61 : memref<!tpu.dma_semaphore, #tpu.memory_space<semaphore_mem>>)
      %dma_wait3A = tpu.memref_slice %arg6[%add3A_16] : memref<10240xf32, #tpu.memory_space<vmem_shared>> -> memref<80xf32, #tpu.memory_space<vmem_shared>>
      %dma_wait3A_63 = tpu.memref_slice %arg6[%add3A_16] : memref<10240xf32, #tpu.memory_space<vmem_shared>> -> memref<80xf32, #tpu.memory_space<vmem_shared>>
      tpu.wait_dma2 semaphore(%run_scoped3A_61 : memref<!tpu.dma_semaphore, #tpu.memory_space<semaphore_mem>>) src(%arg5 : memref<80xf32, #tpu.memory_space<vmem>>) dst(%dma_wait3A_63 : memref<80xf32, #tpu.memory_space<vmem_shared>>)
      tpu.yield
    }) : () -> ()
    %mul3A_17 = arith.constant 640 : i32
    %mul3A_18 = arith.muli %arg1, %mul3A_17 : i32
    %add3A_19 = arith.constant 240 : i32
    %add3A_20 = arith.addi %mul3A_18, %add3A_19 : i32
    "tpu.region"() ({
      %run_scoped3A_61 = tpu.sem_alloc : memref<!tpu.dma_semaphore, #tpu.memory_space<semaphore_mem>>
      %dma_start3A = tpu.memref_slice %arg6[%add3A_20] : memref<10240xf32, #tpu.memory_space<vmem_shared>> -> memref<80xf32, #tpu.memory_space<vmem_shared>>
      %dma_start3A_62 = tpu.memref_slice %arg6[%add3A_20] : memref<10240xf32, #tpu.memory_space<vmem_shared>> -> memref<80xf32, #tpu.memory_space<vmem_shared>>
      tpu.enqueue_dma source(%arg5 : memref<80xf32, #tpu.memory_space<vmem>>) target(%dma_start3A_62 : memref<80xf32, #tpu.memory_space<vmem_shared>>) target_semaphore(%run_scoped3A_61 : memref<!tpu.dma_semaphore, #tpu.memory_space<semaphore_mem>>)
      %dma_wait3A = tpu.memref_slice %arg6[%add3A_20] : memref<10240xf32, #tpu.memory_space<vmem_shared>> -> memref<80xf32, #tpu.memory_space<vmem_shared>>
      %dma_wait3A_63 = tpu.memref_slice %arg6[%add3A_20] : memref<10240xf32, #tpu.memory_space<vmem_shared>> -> memref<80xf32, #tpu.memory_space<vmem_shared>>
      tpu.wait_dma2 semaphore(%run_scoped3A_61 : memref<!tpu.dma_semaphore, #tpu.memory_space<semaphore_mem>>) src(%arg5 : memref<80xf32, #tpu.memory_space<vmem>>) dst(%dma_wait3A_63 : memref<80xf32, #tpu.memory_space<vmem_shared>>)
      tpu.yield
    }) : () -> ()
    %mul3A_21 = arith.constant 640 : i32
    %mul3A_22 = arith.muli %arg1, %mul3A_21 : i32
    %add3A_23 = arith.constant 320 : i32
    %add3A_24 = arith.addi %mul3A_22, %add3A_23 : i32
    "tpu.region"() ({
      %run_scoped3A_61 = tpu.sem_alloc : memref<!tpu.dma_semaphore, #tpu.memory_space<semaphore_mem>>
      %dma_start3A = tpu.memref_slice %arg6[%add3A_24] : memref<10240xf32, #tpu.memory_space<vmem_shared>> -> memref<80xf32, #tpu.memory_space<vmem_shared>>
      %dma_start3A_62 = tpu.memref_slice %arg6[%add3A_24] : memref<10240xf32, #tpu.memory_space<vmem_shared>> -> memref<80xf32, #tpu.memory_space<vmem_shared>>
      tpu.enqueue_dma source(%arg5 : memref<80xf32, #tpu.memory_space<vmem>>) target(%dma_start3A_62 : memref<80xf32, #tpu.memory_space<vmem_shared>>) target_semaphore(%run_scoped3A_61 : memref<!tpu.dma_semaphore, #tpu.memory_space<semaphore_mem>>)
      %dma_wait3A = tpu.memref_slice %arg6[%add3A_24] : memref<10240xf32, #tpu.memory_space<vmem_shared>> -> memref<80xf32, #tpu.memory_space<vmem_shared>>
      %dma_wait3A_63 = tpu.memref_slice %arg6[%add3A_24] : memref<10240xf32, #tpu.memory_space<vmem_shared>> -> memref<80xf32, #tpu.memory_space<vmem_shared>>
      tpu.wait_dma2 semaphore(%run_scoped3A_61 : memref<!tpu.dma_semaphore, #tpu.memory_space<semaphore_mem>>) src(%arg5 : memref<80xf32, #tpu.memory_space<vmem>>) dst(%dma_wait3A_63 : memref<80xf32, #tpu.memory_space<vmem_shared>>)
      tpu.yield
    }) : () -> ()
    %mul3A_25 = arith.constant 640 : i32
    %mul3A_26 = arith.muli %arg1, %mul3A_25 : i32
    %add3A_27 = arith.constant 400 : i32
    %add3A_28 = arith.addi %mul3A_26, %add3A_27 : i32
    "tpu.region"() ({
      %run_scoped3A_61 = tpu.sem_alloc : memref<!tpu.dma_semaphore, #tpu.memory_space<semaphore_mem>>
      %dma_start3A = tpu.memref_slice %arg6[%add3A_28] : memref<10240xf32, #tpu.memory_space<vmem_shared>> -> memref<80xf32, #tpu.memory_space<vmem_shared>>
      %dma_start3A_62 = tpu.memref_slice %arg6[%add3A_28] : memref<10240xf32, #tpu.memory_space<vmem_shared>> -> memref<80xf32, #tpu.memory_space<vmem_shared>>
      tpu.enqueue_dma source(%arg5 : memref<80xf32, #tpu.memory_space<vmem>>) target(%dma_start3A_62 : memref<80xf32, #tpu.memory_space<vmem_shared>>) target_semaphore(%run_scoped3A_61 : memref<!tpu.dma_semaphore, #tpu.memory_space<semaphore_mem>>)
      %dma_wait3A = tpu.memref_slice %arg6[%add3A_28] : memref<10240xf32, #tpu.memory_space<vmem_shared>> -> memref<80xf32, #tpu.memory_space<vmem_shared>>
      %dma_wait3A_63 = tpu.memref_slice %arg6[%add3A_28] : memref<10240xf32, #tpu.memory_space<vmem_shared>> -> memref<80xf32, #tpu.memory_space<vmem_shared>>
      tpu.wait_dma2 semaphore(%run_scoped3A_61 : memref<!tpu.dma_semaphore, #tpu.memory_space<semaphore_mem>>) src(%arg5 : memref<80xf32, #tpu.memory_space<vmem>>) dst(%dma_wait3A_63 : memref<80xf32, #tpu.memory_space<vmem_shared>>)
      tpu.yield
    }) : () -> ()
    %mul3A_29 = arith.constant 640 : i32
    %mul3A_30 = arith.muli %arg1, %mul3A_29 : i32
    %add3A_31 = arith.constant 480 : i32
    %add3A_32 = arith.addi %mul3A_30, %add3A_31 : i32
    "tpu.region"() ({
      %run_scoped3A_61 = tpu.sem_alloc : memref<!tpu.dma_semaphore, #tpu.memory_space<semaphore_mem>>
      %dma_start3A = tpu.memref_slice %arg6[%add3A_32] : memref<10240xf32, #tpu.memory_space<vmem_shared>> -> memref<80xf32, #tpu.memory_space<vmem_shared>>
      %dma_start3A_62 = tpu.memref_slice %arg6[%add3A_32] : memref<10240xf32, #tpu.memory_space<vmem_shared>> -> memref<80xf32, #tpu.memory_space<vmem_shared>>
      tpu.enqueue_dma source(%arg5 : memref<80xf32, #tpu.memory_space<vmem>>) target(%dma_start3A_62 : memref<80xf32, #tpu.memory_space<vmem_shared>>) target_semaphore(%run_scoped3A_61 : memref<!tpu.dma_semaphore, #tpu.memory_space<semaphore_mem>>)
      %dma_wait3A = tpu.memref_slice %arg6[%add3A_32] : memref<10240xf32, #tpu.memory_space<vmem_shared>> -> memref<80xf32, #tpu.memory_space<vmem_shared>>
      %dma_wait3A_63 = tpu.memref_slice %arg6[%add3A_32] : memref<10240xf32, #tpu.memory_space<vmem_shared>> -> memref<80xf32, #tpu.memory_space<vmem_shared>>
      tpu.wait_dma2 semaphore(%run_scoped3A_61 : memref<!tpu.dma_semaphore, #tpu.memory_space<semaphore_mem>>) src(%arg5 : memref<80xf32, #tpu.memory_space<vmem>>) dst(%dma_wait3A_63 : memref<80xf32, #tpu.memory_space<vmem_shared>>)
      tpu.yield
    }) : () -> ()
    %mul3A_33 = arith.constant 640 : i32
    %mul3A_34 = arith.muli %arg1, %mul3A_33 : i32
    %add3A_35 = arith.constant 560 : i32
    %add3A_36 = arith.addi %mul3A_34, %add3A_35 : i32
    "tpu.region"() ({
      %run_scoped3A_61 = tpu.sem_alloc : memref<!tpu.dma_semaphore, #tpu.memory_space<semaphore_mem>>
      %dma_start3A = tpu.memref_slice %arg6[%add3A_36] : memref<10240xf32, #tpu.memory_space<vmem_shared>> -> memref<80xf32, #tpu.memory_space<vmem_shared>>
      %dma_start3A_62 = tpu.memref_slice %arg6[%add3A_36] : memref<10240xf32, #tpu.memory_space<vmem_shared>> -> memref<80xf32, #tpu.memory_space<vmem_shared>>
      tpu.enqueue_dma source(%arg5 : memref<80xf32, #tpu.memory_space<vmem>>) target(%dma_start3A_62 : memref<80xf32, #tpu.memory_space<vmem_shared>>) target_semaphore(%run_scoped3A_61 : memref<!tpu.dma_semaphore, #tpu.memory_space<semaphore_mem>>)
      %dma_wait3A = tpu.memref_slice %arg6[%add3A_36] : memref<10240xf32, #tpu.memory_space<vmem_shared>> -> memref<80xf32, #tpu.memory_space<vmem_shared>>
      %dma_wait3A_63 = tpu.memref_slice %arg6[%add3A_36] : memref<10240xf32, #tpu.memory_space<vmem_shared>> -> memref<80xf32, #tpu.memory_space<vmem_shared>>
      tpu.wait_dma2 semaphore(%run_scoped3A_61 : memref<!tpu.dma_semaphore, #tpu.memory_space<semaphore_mem>>) src(%arg5 : memref<80xf32, #tpu.memory_space<vmem>>) dst(%dma_wait3A_63 : memref<80xf32, #tpu.memory_space<vmem_shared>>)
      tpu.yield
    }) : () -> ()
    %barrier3A = arith.constant 0 : index
    tpu.barrier barrier_id(%barrier3A)
    %broadcast_in_dim3A_37 = arith.constant 1.000000e+00 : f32
    %broadcast_in_dim3A_38 = vector.broadcast %broadcast_in_dim3A_37 : f32 to vector<16xf32>
    %scan3A_39 = arith.constant 0 : i32
    %scan3A_40 = arith.constant 0 : i32
    %scan3A_41 = arith.constant 5 : i32
    %scan3A_42 = arith.addi %scan3A_40, %scan3A_41 : i32
    %scan3A_43 = arith.constant 1 : i32
    %scan3A_44 = scf.for %scan3A_61 = %scan3A_40 to %scan3A_42 step %scan3A_43 iter_args(%scan3A_62 = %scan3A_39) -> (i32)  : i32 {
      %mul3A_63 = arith.constant 16 : i32
      %mul3A_64 = arith.muli %scan3A_61, %mul3A_63 : i32
      %swap3A = arith.index_cast %mul3A_64 : i32 to index
      %swap3A_65 = tpu.vector_load %arg5[%swap3A] {strides = array<i32>} : memref<80xf32, #tpu.memory_space<vmem>>, vector<16xf32>,
      %swap3A_66 = vector.shape_cast %swap3A_65 : vector<16xf32> to vector<16xf32>
      %swap3A_67 = vector.shape_cast %broadcast_in_dim3A_38 : vector<16xf32> to vector<16xf32>
      tpu.vector_store %arg5[%swap3A], %swap3A_67 {strides = array<i32>} : memref<80xf32, #tpu.memory_space<vmem>>, vector<16xf32>,
      %scan3A_68 = arith.constant 0 : i32
      scf.yield %scan3A_68 : i32
    }
    %scan3A_45 = arith.constant 5 : i32
    %mul3A_46 = arith.constant 16 : i32
    %mul3A_47 = arith.muli %arg0, %mul3A_46 : i32
    %add3A_48 = arith.addi %mul3A_47, %arg1 : i32
    %run_scoped3A = arith.constant 1 : i32
    "tpu.region"() ({
      %run_scoped3A_61 = tpu.sem_alloc : memref<!tpu.dma_semaphore, #tpu.memory_space<semaphore_mem>>
      %dma_start3A = arith.constant 0 : i32
      %dma_start3A_62 = arith.constant 0 : i32
      %dma_start3A_63 = arith.constant 0 : i32
      %dma_start3A_64 = tpu.memref_slice %arg2[%run_scoped3A, %dma_start3A, %dma_start3A_62, %dma_start3A_63] : memref<2x32x125x80xi32, #tpu.memory_space<hbm>> -> memref<1x32x125x80xi32, #tpu.memory_space<hbm>>
      %dma_start3A_65 = tpu.memref_squeeze %dma_start3A_64 : memref<1x32x125x80xi32, #tpu.memory_space<hbm>> -> memref<32x125x80xi32, #tpu.memory_space<hbm>>
      %dma_start3A_66 = arith.constant 0 : i32
      %dma_start3A_67 = arith.constant 0 : i32
      %dma_start3A_68 = tpu.memref_slice %dma_start3A_65[%add3A_48, %dma_start3A_66, %dma_start3A_67] : memref<32x125x80xi32, #tpu.memory_space<hbm>> -> memref<1x125x80xi32, #tpu.memory_space<hbm>>
      %dma_start3A_69 = tpu.memref_squeeze %dma_start3A_68 : memref<1x125x80xi32, #tpu.memory_space<hbm>> -> memref<125x80xi32, #tpu.memory_space<hbm>>
      %dma_start3A_70 = arith.constant 0 : i32
      %dma_start3A_71 = arith.constant 0 : i32
      %dma_start3A_72 = arith.constant 0 : i32
      %dma_start3A_73 = tpu.memref_slice %arg2[%run_scoped3A, %dma_start3A_70, %dma_start3A_71, %dma_start3A_72] : memref<2x32x125x80xi32, #tpu.memory_space<hbm>> -> memref<1x32x125x80xi32, #tpu.memory_space<hbm>>
      %dma_start3A_74 = tpu.memref_squeeze %dma_start3A_73 : memref<1x32x125x80xi32, #tpu.memory_space<hbm>> -> memref<32x125x80xi32, #tpu.memory_space<hbm>>
      %dma_start3A_75 = arith.constant 0 : i32
      %dma_start3A_76 = arith.constant 0 : i32
      %dma_start3A_77 = tpu.memref_slice %dma_start3A_74[%add3A_48, %dma_start3A_75, %dma_start3A_76] : memref<32x125x80xi32, #tpu.memory_space<hbm>> -> memref<1x125x80xi32, #tpu.memory_space<hbm>>
      %dma_start3A_78 = tpu.memref_squeeze %dma_start3A_77 : memref<1x125x80xi32, #tpu.memory_space<hbm>> -> memref<125x80xi32, #tpu.memory_space<hbm>>
      tpu.enqueue_dma source(%dma_start3A_78 : memref<125x80xi32, #tpu.memory_space<hbm>>) target(%arg4 : memref<125x80xi32, #tpu.memory_space<vmem>>) target_semaphore(%run_scoped3A_61 : memref<!tpu.dma_semaphore, #tpu.memory_space<semaphore_mem>>)
      %dma_wait3A = arith.constant 0 : i32
      %dma_wait3A_79 = arith.constant 0 : i32
      %dma_wait3A_80 = arith.constant 0 : i32
      %dma_wait3A_81 = tpu.memref_slice %arg2[%run_scoped3A, %dma_wait3A, %dma_wait3A_79, %dma_wait3A_80] : memref<2x32x125x80xi32, #tpu.memory_space<hbm>> -> memref<1x32x125x80xi32, #tpu.memory_space<hbm>>
      %dma_wait3A_82 = tpu.memref_squeeze %dma_wait3A_81 : memref<1x32x125x80xi32, #tpu.memory_space<hbm>> -> memref<32x125x80xi32, #tpu.memory_space<hbm>>
      %dma_wait3A_83 = arith.constant 0 : i32
      %dma_wait3A_84 = arith.constant 0 : i32
      %dma_wait3A_85 = tpu.memref_slice %dma_wait3A_82[%add3A_48, %dma_wait3A_83, %dma_wait3A_84] : memref<32x125x80xi32, #tpu.memory_space<hbm>> -> memref<1x125x80xi32, #tpu.memory_space<hbm>>
      %dma_wait3A_86 = tpu.memref_squeeze %dma_wait3A_85 : memref<1x125x80xi32, #tpu.memory_space<hbm>> -> memref<125x80xi32, #tpu.memory_space<hbm>>
      %dma_wait3A_87 = arith.constant 0 : i32
      %dma_wait3A_88 = arith.constant 0 : i32
      %dma_wait3A_89 = arith.constant 0 : i32
      %dma_wait3A_90 = tpu.memref_slice %arg2[%run_scoped3A, %dma_wait3A_87, %dma_wait3A_88, %dma_wait3A_89] : memref<2x32x125x80xi32, #tpu.memory_space<hbm>> -> memref<1x32x125x80xi32, #tpu.memory_space<hbm>>
      %dma_wait3A_91 = tpu.memref_squeeze %dma_wait3A_90 : memref<1x32x125x80xi32, #tpu.memory_space<hbm>> -> memref<32x125x80xi32, #tpu.memory_space<hbm>>
      %dma_wait3A_92 = arith.constant 0 : i32
      %dma_wait3A_93 = arith.constant 0 : i32
      %dma_wait3A_94 = tpu.memref_slice %dma_wait3A_91[%add3A_48, %dma_wait3A_92, %dma_wait3A_93] : memref<32x125x80xi32, #tpu.memory_space<hbm>> -> memref<1x125x80xi32, #tpu.memory_space<hbm>>
      %dma_wait3A_95 = tpu.memref_squeeze %dma_wait3A_94 : memref<1x125x80xi32, #tpu.memory_space<hbm>> -> memref<125x80xi32, #tpu.memory_space<hbm>>
      tpu.wait_dma2 semaphore(%run_scoped3A_61 : memref<!tpu.dma_semaphore, #tpu.memory_space<semaphore_mem>>) src(%dma_wait3A_95 : memref<125x80xi32, #tpu.memory_space<hbm>>) dst(%arg4 : memref<125x80xi32, #tpu.memory_space<vmem>>)
      tpu.yield
    }) : () -> ()
    %scan3A_49 = arith.constant 0 : i32
    %scan3A_50 = arith.constant 0 : i32
    %scan3A_51 = arith.constant 125 : i32
    %scan3A_52 = arith.addi %scan3A_50, %scan3A_51 : i32
    %scan3A_53 = arith.constant 1 : i32
    %scan3A_54 = scf.for %scan3A_61 = %scan3A_50 to %scan3A_52 step %scan3A_53 iter_args(%scan3A_62 = %scan3A_49) -> (i32)  : i32 {
      "tpu.region"() ({
        %run_scoped3A_64 = tpu.sem_alloc : memref<!tpu.dma_semaphore, #tpu.memory_space<semaphore_mem>>
        %dma_start3A = arith.constant 0 : i32
        %dma_start3A_65 = tpu.memref_slice %arg4[%scan3A_61, %dma_start3A] : memref<125x80xi32, #tpu.memory_space<vmem>> -> memref<1x80xi32, #tpu.memory_space<vmem>>
        %dma_start3A_66 = tpu.memref_squeeze %dma_start3A_65 : memref<1x80xi32, #tpu.memory_space<vmem>> -> memref<80xi32, #tpu.memory_space<vmem>>
        %dma_start3A_67 = arith.constant 0 : i32
        %dma_start3A_68 = tpu.memref_slice %arg6[%dma_start3A_67] : memref<10240xf32, #tpu.memory_space<vmem_shared>> -> memref<10240xf32, #tpu.memory_space<vmem_shared>>
        tpu.enqueue_indirect_dma source(%arg5 : memref<80xf32, #tpu.memory_space<vmem>>) target(%dma_start3A_68 : memref<10240xf32, #tpu.memory_space<vmem_shared>>) offsets(%dma_start3A_66 : memref<80xi32, #tpu.memory_space<vmem>>) semaphore(%run_scoped3A_64 : memref<!tpu.dma_semaphore, #tpu.memory_space<semaphore_mem>>) {add = true}
        %dma_wait3A = arith.constant 0 : i32
        %dma_wait3A_69 = tpu.memref_slice %arg4[%scan3A_61, %dma_wait3A] : memref<125x80xi32, #tpu.memory_space<vmem>> -> memref<1x80xi32, #tpu.memory_space<vmem>>
        %dma_wait3A_70 = tpu.memref_squeeze %dma_wait3A_69 : memref<1x80xi32, #tpu.memory_space<vmem>> -> memref<80xi32, #tpu.memory_space<vmem>>
        %dma_wait3A_71 = arith.constant 0 : i32
        %dma_wait3A_72 = tpu.memref_slice %arg6[%dma_wait3A_71] : memref<10240xf32, #tpu.memory_space<vmem_shared>> -> memref<10240xf32, #tpu.memory_space<vmem_shared>>
        tpu.wait_indirect_dma semaphore(%run_scoped3A_64 : memref<!tpu.dma_semaphore, #tpu.memory_space<semaphore_mem>>) src(%arg5 : memref<80xf32, #tpu.memory_space<vmem>>) dst(%dma_wait3A_72 : memref<10240xf32, #tpu.memory_space<vmem_shared>>)
        tpu.yield
      }) : () -> ()
      %scan3A_63 = arith.constant 0 : i32
      scf.yield %scan3A_63 : i32
    }
    %scan3A_55 = arith.constant 125 : i32
    %barrier3A_56 = arith.constant 0 : index
    tpu.barrier barrier_id(%barrier3A_56)
    %mul3A_57 = arith.constant 640 : i32
    %mul3A_58 = arith.muli %arg1, %mul3A_57 : i32
    %mul3A_59 = arith.constant 640 : i32
    %mul3A_60 = arith.muli %arg1, %mul3A_59 : i32
    "tpu.region"() ({
      %run_scoped3A_61 = tpu.sem_alloc : memref<!tpu.dma_semaphore, #tpu.memory_space<semaphore_mem>>
      %dma_start3A = arith.constant 0 : i32
      %dma_start3A_62 = tpu.memref_slice %arg3[%arg0, %dma_start3A] : memref<2x10240xf32, #tpu.memory_space<hbm>> -> memref<1x10240xf32, #tpu.memory_space<hbm>>
      %dma_start3A_63 = tpu.memref_squeeze %dma_start3A_62 : memref<1x10240xf32, #tpu.memory_space<hbm>> -> memref<10240xf32, #tpu.memory_space<hbm>>
      %dma_start3A_64 = tpu.memref_slice %dma_start3A_63[%mul3A_60] : memref<10240xf32, #tpu.memory_space<hbm>> -> memref<640xf32, #tpu.memory_space<hbm>>
      %dma_start3A_65 = tpu.memref_slice %arg6[%mul3A_58] : memref<10240xf32, #tpu.memory_space<vmem_shared>> -> memref<640xf32, #tpu.memory_space<vmem_shared>>
      tpu.enqueue_dma source(%dma_start3A_65 : memref<640xf32, #tpu.memory_space<vmem_shared>>) target(%dma_start3A_64 : memref<640xf32, #tpu.memory_space<hbm>>) target_semaphore(%run_scoped3A_61 : memref<!tpu.dma_semaphore, #tpu.memory_space<semaphore_mem>>)
      %dma_wait3A = arith.constant 0 : i32
      %dma_wait3A_66 = tpu.memref_slice %arg3[%arg0, %dma_wait3A] : memref<2x10240xf32, #tpu.memory_space<hbm>> -> memref<1x10240xf32, #tpu.memory_space<hbm>>
      %dma_wait3A_67 = tpu.memref_squeeze %dma_wait3A_66 : memref<1x10240xf32, #tpu.memory_space<hbm>> -> memref<10240xf32, #tpu.memory_space<hbm>>
      %dma_wait3A_68 = tpu.memref_slice %dma_wait3A_67[%mul3A_60] : memref<10240xf32, #tpu.memory_space<hbm>> -> memref<640xf32, #tpu.memory_space<hbm>>
      %dma_wait3A_69 = tpu.memref_slice %arg6[%mul3A_58] : memref<10240xf32, #tpu.memory_space<vmem_shared>> -> memref<640xf32, #tpu.memory_space<vmem_shared>>
      tpu.wait_dma2 semaphore(%run_scoped3A_61 : memref<!tpu.dma_semaphore, #tpu.memory_space<semaphore_mem>>) src(%dma_wait3A_69 : memref<640xf32, #tpu.memory_space<vmem_shared>>) dst(%dma_wait3A_68 : memref<640xf32, #tpu.memory_space<hbm>>)
      tpu.yield
    }) : () -> ()
    return
  }
}

#map = affine_map<(d0, d1) -> (0, 0)>
#map1 = affine_map<(d0, d1) -> (0, 0, 0, 0)>
#map2 = affine_map<(d0, d1) -> (0, 0, 0)>
module attributes {stable_mosaic.version = 14 : i64} {
  func.func @edge_agg_f64(%arg0: i32, %arg1: i32, %arg2: memref<10240x64xf32, #tpu.memory_space<hbm>>, %arg3: memref<2x32x125x80xi32, #tpu.memory_space<hbm>>, %arg4: memref<2x10240x64xf32, #tpu.memory_space<hbm>>, %arg5: memref<125x80xi32, #tpu.memory_space<vmem>>, %arg6: memref<125x80xi32, #tpu.memory_space<vmem>>, %arg7: memref<5x80x64xf32, #tpu.memory_space<vmem>>, %arg8: memref<10240x64xf32, #tpu.memory_space<vmem_shared>>, %arg9: memref<!tpu.dma_semaphore, #tpu.memory_space<semaphore_mem>>, %arg10: memref<!tpu.dma_semaphore, #tpu.memory_space<semaphore_mem>>, %arg11: memref<!tpu.dma_semaphore, #tpu.memory_space<semaphore_mem>>, %arg12: memref<!tpu.dma_semaphore, #tpu.memory_space<semaphore_mem>>, %arg13: memref<!tpu.dma_semaphore, #tpu.memory_space<semaphore_mem>>, %arg14: memref<!tpu.dma_semaphore, #tpu.memory_space<semaphore_mem>>, %arg15: memref<!tpu.dma_semaphore, #tpu.memory_space<semaphore_mem>>, %arg16: memref<!tpu.dma_semaphore, #tpu.memory_space<semaphore_mem>>, %arg17: memref<!tpu.dma_semaphore, #tpu.memory_space<semaphore_mem>>, %arg18: memref<!tpu.dma_semaphore, #tpu.memory_space<semaphore_mem>>) attributes {dimension_semantics = [#tpu.dimension_semantics<core_parallel>, #tpu.dimension_semantics<subcore_parallel>], iteration_bounds = array<i64: 2, 16>, scalar_prefetch = 0 : i64, scratch_operands = 14 : i64, tpu.core_type = #tpu.core_type<sc_vector_subcore>, window_params = [{transform_indices = #map}, {transform_indices = #map1}, {transform_indices = #map2}]} {
    %broadcast_in_dim3A = arith.constant 0.000000e+00 : f32
    %broadcast_in_dim3A_0 = vector.broadcast %broadcast_in_dim3A : f32 to vector<16xf32>
    %scan3A = arith.constant 0 : i32
    %scan3A_1 = arith.constant 0 : i32
    %scan3A_2 = arith.constant 0 : i32
    %scan3A_3 = arith.constant 80 : i32
    %scan3A_4 = arith.addi %scan3A_2, %scan3A_3 : i32
    %scan3A_5 = arith.constant 1 : i32
    %scan3A_6 = scf.for %scan3A_62 = %scan3A_2 to %scan3A_4 step %scan3A_5 iter_args(%scan3A_63 = %scan3A_1) -> (i32)  : i32 {
      %swap3A = arith.constant 0 : i32
      %swap3A_64 = arith.constant 0 : i32
      %swap3A_65 = tpu.memref_slice %arg7[%scan3A, %swap3A, %swap3A_64] : memref<5x80x64xf32, #tpu.memory_space<vmem>> -> memref<1x80x64xf32, #tpu.memory_space<vmem>>
      %swap3A_66 = tpu.memref_squeeze %swap3A_65 : memref<1x80x64xf32, #tpu.memory_space<vmem>> -> memref<80x64xf32, #tpu.memory_space<vmem>>
      %swap3A_67 = arith.index_cast %scan3A_62 : i32 to index
      %swap3A_68 = arith.constant 0 : index
      %swap3A_69 = tpu.vector_load %swap3A_66[%swap3A_67, %swap3A_68] {strides = array<i32>} : memref<80x64xf32, #tpu.memory_space<vmem>>, vector<1x16xf32>,
      %swap3A_70 = vector.shape_cast %swap3A_69 : vector<1x16xf32> to vector<16xf32>
      %swap3A_71 = vector.shape_cast %broadcast_in_dim3A_0 : vector<16xf32> to vector<1x16xf32>
      tpu.vector_store %swap3A_66[%swap3A_67, %swap3A_68], %swap3A_71 {strides = array<i32>} : memref<80x64xf32, #tpu.memory_space<vmem>>, vector<1x16xf32>,
      %swap3A_72 = arith.constant 0 : i32
      %swap3A_73 = arith.constant 0 : i32
      %swap3A_74 = tpu.memref_slice %arg7[%scan3A, %swap3A_72, %swap3A_73] : memref<5x80x64xf32, #tpu.memory_space<vmem>> -> memref<1x80x64xf32, #tpu.memory_space<vmem>>
      %swap3A_75 = tpu.memref_squeeze %swap3A_74 : memref<1x80x64xf32, #tpu.memory_space<vmem>> -> memref<80x64xf32, #tpu.memory_space<vmem>>
      %swap3A_76 = arith.index_cast %scan3A_62 : i32 to index
      %swap3A_77 = arith.constant 16 : index
      %swap3A_78 = tpu.vector_load %swap3A_75[%swap3A_76, %swap3A_77] {strides = array<i32>} : memref<80x64xf32, #tpu.memory_space<vmem>>, vector<1x16xf32>,
      %swap3A_79 = vector.shape_cast %swap3A_78 : vector<1x16xf32> to vector<16xf32>
      %swap3A_80 = vector.shape_cast %broadcast_in_dim3A_0 : vector<16xf32> to vector<1x16xf32>
      tpu.vector_store %swap3A_75[%swap3A_76, %swap3A_77], %swap3A_80 {strides = array<i32>} : memref<80x64xf32, #tpu.memory_space<vmem>>, vector<1x16xf32>,
      %swap3A_81 = arith.constant 0 : i32
      %swap3A_82 = arith.constant 0 : i32
      %swap3A_83 = tpu.memref_slice %arg7[%scan3A, %swap3A_81, %swap3A_82] : memref<5x80x64xf32, #tpu.memory_space<vmem>> -> memref<1x80x64xf32, #tpu.memory_space<vmem>>
      %swap3A_84 = tpu.memref_squeeze %swap3A_83 : memref<1x80x64xf32, #tpu.memory_space<vmem>> -> memref<80x64xf32, #tpu.memory_space<vmem>>
      %swap3A_85 = arith.index_cast %scan3A_62 : i32 to index
      %swap3A_86 = arith.constant 32 : index
      %swap3A_87 = tpu.vector_load %swap3A_84[%swap3A_85, %swap3A_86] {strides = array<i32>} : memref<80x64xf32, #tpu.memory_space<vmem>>, vector<1x16xf32>,
      %swap3A_88 = vector.shape_cast %swap3A_87 : vector<1x16xf32> to vector<16xf32>
      %swap3A_89 = vector.shape_cast %broadcast_in_dim3A_0 : vector<16xf32> to vector<1x16xf32>
      tpu.vector_store %swap3A_84[%swap3A_85, %swap3A_86], %swap3A_89 {strides = array<i32>} : memref<80x64xf32, #tpu.memory_space<vmem>>, vector<1x16xf32>,
      %swap3A_90 = arith.constant 0 : i32
      %swap3A_91 = arith.constant 0 : i32
      %swap3A_92 = tpu.memref_slice %arg7[%scan3A, %swap3A_90, %swap3A_91] : memref<5x80x64xf32, #tpu.memory_space<vmem>> -> memref<1x80x64xf32, #tpu.memory_space<vmem>>
      %swap3A_93 = tpu.memref_squeeze %swap3A_92 : memref<1x80x64xf32, #tpu.memory_space<vmem>> -> memref<80x64xf32, #tpu.memory_space<vmem>>
      %swap3A_94 = arith.index_cast %scan3A_62 : i32 to index
      %swap3A_95 = arith.constant 48 : index
      %swap3A_96 = tpu.vector_load %swap3A_93[%swap3A_94, %swap3A_95] {strides = array<i32>} : memref<80x64xf32, #tpu.memory_space<vmem>>, vector<1x16xf32>,
      %swap3A_97 = vector.shape_cast %swap3A_96 : vector<1x16xf32> to vector<16xf32>
      %swap3A_98 = vector.shape_cast %broadcast_in_dim3A_0 : vector<16xf32> to vector<1x16xf32>
      tpu.vector_store %swap3A_93[%swap3A_94, %swap3A_95], %swap3A_98 {strides = array<i32>} : memref<80x64xf32, #tpu.memory_space<vmem>>, vector<1x16xf32>,
      %scan3A_99 = arith.constant 0 : i32
      scf.yield %scan3A_99 : i32
    }
    %scan3A_7 = arith.constant 80 : i32
    %mul3A = arith.constant 640 : i32
    %mul3A_8 = arith.muli %arg1, %mul3A : i32
    %add3A = arith.constant 0 : i32
    %add3A_9 = arith.addi %mul3A_8, %add3A : i32
    %run_scoped3A = arith.constant 0 : i32
    "tpu.region"() ({
      %run_scoped3A_62 = tpu.sem_alloc : memref<!tpu.dma_semaphore, #tpu.memory_space<semaphore_mem>>
      %dma_start3A = arith.constant 0 : i32
      %dma_start3A_63 = arith.constant 0 : i32
      %dma_start3A_64 = tpu.memref_slice %arg7[%run_scoped3A, %dma_start3A, %dma_start3A_63] : memref<5x80x64xf32, #tpu.memory_space<vmem>> -> memref<1x80x64xf32, #tpu.memory_space<vmem>>
      %dma_start3A_65 = tpu.memref_squeeze %dma_start3A_64 : memref<1x80x64xf32, #tpu.memory_space<vmem>> -> memref<80x64xf32, #tpu.memory_space<vmem>>
      %dma_start3A_66 = arith.constant 0 : i32
      %dma_start3A_67 = tpu.memref_slice %arg8[%add3A_9, %dma_start3A_66] : memref<10240x64xf32, #tpu.memory_space<vmem_shared>> -> memref<80x64xf32, #tpu.memory_space<vmem_shared>>
      %dma_start3A_68 = arith.constant 0 : i32
      %dma_start3A_69 = tpu.memref_slice %arg8[%add3A_9, %dma_start3A_68] : memref<10240x64xf32, #tpu.memory_space<vmem_shared>> -> memref<80x64xf32, #tpu.memory_space<vmem_shared>>
      %dma_start3A_70 = arith.constant 0 : i32
      %dma_start3A_71 = arith.constant 0 : i32
      %dma_start3A_72 = tpu.memref_slice %arg7[%run_scoped3A, %dma_start3A_70, %dma_start3A_71] : memref<5x80x64xf32, #tpu.memory_space<vmem>> -> memref<1x80x64xf32, #tpu.memory_space<vmem>>
      %dma_start3A_73 = tpu.memref_squeeze %dma_start3A_72 : memref<1x80x64xf32, #tpu.memory_space<vmem>> -> memref<80x64xf32, #tpu.memory_space<vmem>>
      tpu.enqueue_dma source(%dma_start3A_73 : memref<80x64xf32, #tpu.memory_space<vmem>>) target(%dma_start3A_69 : memref<80x64xf32, #tpu.memory_space<vmem_shared>>) target_semaphore(%run_scoped3A_62 : memref<!tpu.dma_semaphore, #tpu.memory_space<semaphore_mem>>)
      %dma_wait3A = arith.constant 0 : i32
      %dma_wait3A_74 = arith.constant 0 : i32
      %dma_wait3A_75 = tpu.memref_slice %arg7[%run_scoped3A, %dma_wait3A, %dma_wait3A_74] : memref<5x80x64xf32, #tpu.memory_space<vmem>> -> memref<1x80x64xf32, #tpu.memory_space<vmem>>
      %dma_wait3A_76 = tpu.memref_squeeze %dma_wait3A_75 : memref<1x80x64xf32, #tpu.memory_space<vmem>> -> memref<80x64xf32, #tpu.memory_space<vmem>>
      %dma_wait3A_77 = arith.constant 0 : i32
      %dma_wait3A_78 = tpu.memref_slice %arg8[%add3A_9, %dma_wait3A_77] : memref<10240x64xf32, #tpu.memory_space<vmem_shared>> -> memref<80x64xf32, #tpu.memory_space<vmem_shared>>
      %dma_wait3A_79 = arith.constant 0 : i32
      %dma_wait3A_80 = tpu.memref_slice %arg8[%add3A_9, %dma_wait3A_79] : memref<10240x64xf32, #tpu.memory_space<vmem_shared>> -> memref<80x64xf32, #tpu.memory_space<vmem_shared>>
      %dma_wait3A_81 = arith.constant 0 : i32
      %dma_wait3A_82 = arith.constant 0 : i32
      %dma_wait3A_83 = tpu.memref_slice %arg7[%run_scoped3A, %dma_wait3A_81, %dma_wait3A_82] : memref<5x80x64xf32, #tpu.memory_space<vmem>> -> memref<1x80x64xf32, #tpu.memory_space<vmem>>
      %dma_wait3A_84 = tpu.memref_squeeze %dma_wait3A_83 : memref<1x80x64xf32, #tpu.memory_space<vmem>> -> memref<80x64xf32, #tpu.memory_space<vmem>>
      tpu.wait_dma2 semaphore(%run_scoped3A_62 : memref<!tpu.dma_semaphore, #tpu.memory_space<semaphore_mem>>) src(%dma_wait3A_84 : memref<80x64xf32, #tpu.memory_space<vmem>>) dst(%dma_wait3A_80 : memref<80x64xf32, #tpu.memory_space<vmem_shared>>)
      tpu.yield
    }) : () -> ()
    %mul3A_10 = arith.constant 640 : i32
    %mul3A_11 = arith.muli %arg1, %mul3A_10 : i32
    %add3A_12 = arith.constant 80 : i32
    %add3A_13 = arith.addi %mul3A_11, %add3A_12 : i32
    %run_scoped3A_14 = arith.constant 0 : i32
    "tpu.region"() ({
      %run_scoped3A_62 = tpu.sem_alloc : memref<!tpu.dma_semaphore, #tpu.memory_space<semaphore_mem>>
      %dma_start3A = arith.constant 0 : i32
      %dma_start3A_63 = arith.constant 0 : i32
      %dma_start3A_64 = tpu.memref_slice %arg7[%run_scoped3A_14, %dma_start3A, %dma_start3A_63] : memref<5x80x64xf32, #tpu.memory_space<vmem>> -> memref<1x80x64xf32, #tpu.memory_space<vmem>>
      %dma_start3A_65 = tpu.memref_squeeze %dma_start3A_64 : memref<1x80x64xf32, #tpu.memory_space<vmem>> -> memref<80x64xf32, #tpu.memory_space<vmem>>
      %dma_start3A_66 = arith.constant 0 : i32
      %dma_start3A_67 = tpu.memref_slice %arg8[%add3A_13, %dma_start3A_66] : memref<10240x64xf32, #tpu.memory_space<vmem_shared>> -> memref<80x64xf32, #tpu.memory_space<vmem_shared>>
      %dma_start3A_68 = arith.constant 0 : i32
      %dma_start3A_69 = tpu.memref_slice %arg8[%add3A_13, %dma_start3A_68] : memref<10240x64xf32, #tpu.memory_space<vmem_shared>> -> memref<80x64xf32, #tpu.memory_space<vmem_shared>>
      %dma_start3A_70 = arith.constant 0 : i32
      %dma_start3A_71 = arith.constant 0 : i32
      %dma_start3A_72 = tpu.memref_slice %arg7[%run_scoped3A_14, %dma_start3A_70, %dma_start3A_71] : memref<5x80x64xf32, #tpu.memory_space<vmem>> -> memref<1x80x64xf32, #tpu.memory_space<vmem>>
      %dma_start3A_73 = tpu.memref_squeeze %dma_start3A_72 : memref<1x80x64xf32, #tpu.memory_space<vmem>> -> memref<80x64xf32, #tpu.memory_space<vmem>>
      tpu.enqueue_dma source(%dma_start3A_73 : memref<80x64xf32, #tpu.memory_space<vmem>>) target(%dma_start3A_69 : memref<80x64xf32, #tpu.memory_space<vmem_shared>>) target_semaphore(%run_scoped3A_62 : memref<!tpu.dma_semaphore, #tpu.memory_space<semaphore_mem>>)
      %dma_wait3A = arith.constant 0 : i32
      %dma_wait3A_74 = arith.constant 0 : i32
      %dma_wait3A_75 = tpu.memref_slice %arg7[%run_scoped3A_14, %dma_wait3A, %dma_wait3A_74] : memref<5x80x64xf32, #tpu.memory_space<vmem>> -> memref<1x80x64xf32, #tpu.memory_space<vmem>>
      %dma_wait3A_76 = tpu.memref_squeeze %dma_wait3A_75 : memref<1x80x64xf32, #tpu.memory_space<vmem>> -> memref<80x64xf32, #tpu.memory_space<vmem>>
      %dma_wait3A_77 = arith.constant 0 : i32
      %dma_wait3A_78 = tpu.memref_slice %arg8[%add3A_13, %dma_wait3A_77] : memref<10240x64xf32, #tpu.memory_space<vmem_shared>> -> memref<80x64xf32, #tpu.memory_space<vmem_shared>>
      %dma_wait3A_79 = arith.constant 0 : i32
      %dma_wait3A_80 = tpu.memref_slice %arg8[%add3A_13, %dma_wait3A_79] : memref<10240x64xf32, #tpu.memory_space<vmem_shared>> -> memref<80x64xf32, #tpu.memory_space<vmem_shared>>
      %dma_wait3A_81 = arith.constant 0 : i32
      %dma_wait3A_82 = arith.constant 0 : i32
      %dma_wait3A_83 = tpu.memref_slice %arg7[%run_scoped3A_14, %dma_wait3A_81, %dma_wait3A_82] : memref<5x80x64xf32, #tpu.memory_space<vmem>> -> memref<1x80x64xf32, #tpu.memory_space<vmem>>
      %dma_wait3A_84 = tpu.memref_squeeze %dma_wait3A_83 : memref<1x80x64xf32, #tpu.memory_space<vmem>> -> memref<80x64xf32, #tpu.memory_space<vmem>>
      tpu.wait_dma2 semaphore(%run_scoped3A_62 : memref<!tpu.dma_semaphore, #tpu.memory_space<semaphore_mem>>) src(%dma_wait3A_84 : memref<80x64xf32, #tpu.memory_space<vmem>>) dst(%dma_wait3A_80 : memref<80x64xf32, #tpu.memory_space<vmem_shared>>)
      tpu.yield
    }) : () -> ()
    %mul3A_15 = arith.constant 640 : i32
    %mul3A_16 = arith.muli %arg1, %mul3A_15 : i32
    %add3A_17 = arith.constant 160 : i32
    %add3A_18 = arith.addi %mul3A_16, %add3A_17 : i32
    %run_scoped3A_19 = arith.constant 0 : i32
    "tpu.region"() ({
      %run_scoped3A_62 = tpu.sem_alloc : memref<!tpu.dma_semaphore, #tpu.memory_space<semaphore_mem>>
      %dma_start3A = arith.constant 0 : i32
      %dma_start3A_63 = arith.constant 0 : i32
      %dma_start3A_64 = tpu.memref_slice %arg7[%run_scoped3A_19, %dma_start3A, %dma_start3A_63] : memref<5x80x64xf32, #tpu.memory_space<vmem>> -> memref<1x80x64xf32, #tpu.memory_space<vmem>>
      %dma_start3A_65 = tpu.memref_squeeze %dma_start3A_64 : memref<1x80x64xf32, #tpu.memory_space<vmem>> -> memref<80x64xf32, #tpu.memory_space<vmem>>
      %dma_start3A_66 = arith.constant 0 : i32
      %dma_start3A_67 = tpu.memref_slice %arg8[%add3A_18, %dma_start3A_66] : memref<10240x64xf32, #tpu.memory_space<vmem_shared>> -> memref<80x64xf32, #tpu.memory_space<vmem_shared>>
      %dma_start3A_68 = arith.constant 0 : i32
      %dma_start3A_69 = tpu.memref_slice %arg8[%add3A_18, %dma_start3A_68] : memref<10240x64xf32, #tpu.memory_space<vmem_shared>> -> memref<80x64xf32, #tpu.memory_space<vmem_shared>>
      %dma_start3A_70 = arith.constant 0 : i32
      %dma_start3A_71 = arith.constant 0 : i32
      %dma_start3A_72 = tpu.memref_slice %arg7[%run_scoped3A_19, %dma_start3A_70, %dma_start3A_71] : memref<5x80x64xf32, #tpu.memory_space<vmem>> -> memref<1x80x64xf32, #tpu.memory_space<vmem>>
      %dma_start3A_73 = tpu.memref_squeeze %dma_start3A_72 : memref<1x80x64xf32, #tpu.memory_space<vmem>> -> memref<80x64xf32, #tpu.memory_space<vmem>>
      tpu.enqueue_dma source(%dma_start3A_73 : memref<80x64xf32, #tpu.memory_space<vmem>>) target(%dma_start3A_69 : memref<80x64xf32, #tpu.memory_space<vmem_shared>>) target_semaphore(%run_scoped3A_62 : memref<!tpu.dma_semaphore, #tpu.memory_space<semaphore_mem>>)
      %dma_wait3A = arith.constant 0 : i32
      %dma_wait3A_74 = arith.constant 0 : i32
      %dma_wait3A_75 = tpu.memref_slice %arg7[%run_scoped3A_19, %dma_wait3A, %dma_wait3A_74] : memref<5x80x64xf32, #tpu.memory_space<vmem>> -> memref<1x80x64xf32, #tpu.memory_space<vmem>>
      %dma_wait3A_76 = tpu.memref_squeeze %dma_wait3A_75 : memref<1x80x64xf32, #tpu.memory_space<vmem>> -> memref<80x64xf32, #tpu.memory_space<vmem>>
      %dma_wait3A_77 = arith.constant 0 : i32
      %dma_wait3A_78 = tpu.memref_slice %arg8[%add3A_18, %dma_wait3A_77] : memref<10240x64xf32, #tpu.memory_space<vmem_shared>> -> memref<80x64xf32, #tpu.memory_space<vmem_shared>>
      %dma_wait3A_79 = arith.constant 0 : i32
      %dma_wait3A_80 = tpu.memref_slice %arg8[%add3A_18, %dma_wait3A_79] : memref<10240x64xf32, #tpu.memory_space<vmem_shared>> -> memref<80x64xf32, #tpu.memory_space<vmem_shared>>
      %dma_wait3A_81 = arith.constant 0 : i32
      %dma_wait3A_82 = arith.constant 0 : i32
      %dma_wait3A_83 = tpu.memref_slice %arg7[%run_scoped3A_19, %dma_wait3A_81, %dma_wait3A_82] : memref<5x80x64xf32, #tpu.memory_space<vmem>> -> memref<1x80x64xf32, #tpu.memory_space<vmem>>
      %dma_wait3A_84 = tpu.memref_squeeze %dma_wait3A_83 : memref<1x80x64xf32, #tpu.memory_space<vmem>> -> memref<80x64xf32, #tpu.memory_space<vmem>>
      tpu.wait_dma2 semaphore(%run_scoped3A_62 : memref<!tpu.dma_semaphore, #tpu.memory_space<semaphore_mem>>) src(%dma_wait3A_84 : memref<80x64xf32, #tpu.memory_space<vmem>>) dst(%dma_wait3A_80 : memref<80x64xf32, #tpu.memory_space<vmem_shared>>)
      tpu.yield
    }) : () -> ()
    %mul3A_20 = arith.constant 640 : i32
    %mul3A_21 = arith.muli %arg1, %mul3A_20 : i32
    %add3A_22 = arith.constant 240 : i32
    %add3A_23 = arith.addi %mul3A_21, %add3A_22 : i32
    %run_scoped3A_24 = arith.constant 0 : i32
    "tpu.region"() ({
      %run_scoped3A_62 = tpu.sem_alloc : memref<!tpu.dma_semaphore, #tpu.memory_space<semaphore_mem>>
      %dma_start3A = arith.constant 0 : i32
      %dma_start3A_63 = arith.constant 0 : i32
      %dma_start3A_64 = tpu.memref_slice %arg7[%run_scoped3A_24, %dma_start3A, %dma_start3A_63] : memref<5x80x64xf32, #tpu.memory_space<vmem>> -> memref<1x80x64xf32, #tpu.memory_space<vmem>>
      %dma_start3A_65 = tpu.memref_squeeze %dma_start3A_64 : memref<1x80x64xf32, #tpu.memory_space<vmem>> -> memref<80x64xf32, #tpu.memory_space<vmem>>
      %dma_start3A_66 = arith.constant 0 : i32
      %dma_start3A_67 = tpu.memref_slice %arg8[%add3A_23, %dma_start3A_66] : memref<10240x64xf32, #tpu.memory_space<vmem_shared>> -> memref<80x64xf32, #tpu.memory_space<vmem_shared>>
      %dma_start3A_68 = arith.constant 0 : i32
      %dma_start3A_69 = tpu.memref_slice %arg8[%add3A_23, %dma_start3A_68] : memref<10240x64xf32, #tpu.memory_space<vmem_shared>> -> memref<80x64xf32, #tpu.memory_space<vmem_shared>>
      %dma_start3A_70 = arith.constant 0 : i32
      %dma_start3A_71 = arith.constant 0 : i32
      %dma_start3A_72 = tpu.memref_slice %arg7[%run_scoped3A_24, %dma_start3A_70, %dma_start3A_71] : memref<5x80x64xf32, #tpu.memory_space<vmem>> -> memref<1x80x64xf32, #tpu.memory_space<vmem>>
      %dma_start3A_73 = tpu.memref_squeeze %dma_start3A_72 : memref<1x80x64xf32, #tpu.memory_space<vmem>> -> memref<80x64xf32, #tpu.memory_space<vmem>>
      tpu.enqueue_dma source(%dma_start3A_73 : memref<80x64xf32, #tpu.memory_space<vmem>>) target(%dma_start3A_69 : memref<80x64xf32, #tpu.memory_space<vmem_shared>>) target_semaphore(%run_scoped3A_62 : memref<!tpu.dma_semaphore, #tpu.memory_space<semaphore_mem>>)
      %dma_wait3A = arith.constant 0 : i32
      %dma_wait3A_74 = arith.constant 0 : i32
      %dma_wait3A_75 = tpu.memref_slice %arg7[%run_scoped3A_24, %dma_wait3A, %dma_wait3A_74] : memref<5x80x64xf32, #tpu.memory_space<vmem>> -> memref<1x80x64xf32, #tpu.memory_space<vmem>>
      %dma_wait3A_76 = tpu.memref_squeeze %dma_wait3A_75 : memref<1x80x64xf32, #tpu.memory_space<vmem>> -> memref<80x64xf32, #tpu.memory_space<vmem>>
      %dma_wait3A_77 = arith.constant 0 : i32
      %dma_wait3A_78 = tpu.memref_slice %arg8[%add3A_23, %dma_wait3A_77] : memref<10240x64xf32, #tpu.memory_space<vmem_shared>> -> memref<80x64xf32, #tpu.memory_space<vmem_shared>>
      %dma_wait3A_79 = arith.constant 0 : i32
      %dma_wait3A_80 = tpu.memref_slice %arg8[%add3A_23, %dma_wait3A_79] : memref<10240x64xf32, #tpu.memory_space<vmem_shared>> -> memref<80x64xf32, #tpu.memory_space<vmem_shared>>
      %dma_wait3A_81 = arith.constant 0 : i32
      %dma_wait3A_82 = arith.constant 0 : i32
      %dma_wait3A_83 = tpu.memref_slice %arg7[%run_scoped3A_24, %dma_wait3A_81, %dma_wait3A_82] : memref<5x80x64xf32, #tpu.memory_space<vmem>> -> memref<1x80x64xf32, #tpu.memory_space<vmem>>
      %dma_wait3A_84 = tpu.memref_squeeze %dma_wait3A_83 : memref<1x80x64xf32, #tpu.memory_space<vmem>> -> memref<80x64xf32, #tpu.memory_space<vmem>>
      tpu.wait_dma2 semaphore(%run_scoped3A_62 : memref<!tpu.dma_semaphore, #tpu.memory_space<semaphore_mem>>) src(%dma_wait3A_84 : memref<80x64xf32, #tpu.memory_space<vmem>>) dst(%dma_wait3A_80 : memref<80x64xf32, #tpu.memory_space<vmem_shared>>)
      tpu.yield
    }) : () -> ()
    %mul3A_25 = arith.constant 640 : i32
    %mul3A_26 = arith.muli %arg1, %mul3A_25 : i32
    %add3A_27 = arith.constant 320 : i32
    %add3A_28 = arith.addi %mul3A_26, %add3A_27 : i32
    %run_scoped3A_29 = arith.constant 0 : i32
    "tpu.region"() ({
      %run_scoped3A_62 = tpu.sem_alloc : memref<!tpu.dma_semaphore, #tpu.memory_space<semaphore_mem>>
      %dma_start3A = arith.constant 0 : i32
      %dma_start3A_63 = arith.constant 0 : i32
      %dma_start3A_64 = tpu.memref_slice %arg7[%run_scoped3A_29, %dma_start3A, %dma_start3A_63] : memref<5x80x64xf32, #tpu.memory_space<vmem>> -> memref<1x80x64xf32, #tpu.memory_space<vmem>>
      %dma_start3A_65 = tpu.memref_squeeze %dma_start3A_64 : memref<1x80x64xf32, #tpu.memory_space<vmem>> -> memref<80x64xf32, #tpu.memory_space<vmem>>
      %dma_start3A_66 = arith.constant 0 : i32
      %dma_start3A_67 = tpu.memref_slice %arg8[%add3A_28, %dma_start3A_66] : memref<10240x64xf32, #tpu.memory_space<vmem_shared>> -> memref<80x64xf32, #tpu.memory_space<vmem_shared>>
      %dma_start3A_68 = arith.constant 0 : i32
      %dma_start3A_69 = tpu.memref_slice %arg8[%add3A_28, %dma_start3A_68] : memref<10240x64xf32, #tpu.memory_space<vmem_shared>> -> memref<80x64xf32, #tpu.memory_space<vmem_shared>>
      %dma_start3A_70 = arith.constant 0 : i32
      %dma_start3A_71 = arith.constant 0 : i32
      %dma_start3A_72 = tpu.memref_slice %arg7[%run_scoped3A_29, %dma_start3A_70, %dma_start3A_71] : memref<5x80x64xf32, #tpu.memory_space<vmem>> -> memref<1x80x64xf32, #tpu.memory_space<vmem>>
      %dma_start3A_73 = tpu.memref_squeeze %dma_start3A_72 : memref<1x80x64xf32, #tpu.memory_space<vmem>> -> memref<80x64xf32, #tpu.memory_space<vmem>>
      tpu.enqueue_dma source(%dma_start3A_73 : memref<80x64xf32, #tpu.memory_space<vmem>>) target(%dma_start3A_69 : memref<80x64xf32, #tpu.memory_space<vmem_shared>>) target_semaphore(%run_scoped3A_62 : memref<!tpu.dma_semaphore, #tpu.memory_space<semaphore_mem>>)
      %dma_wait3A = arith.constant 0 : i32
      %dma_wait3A_74 = arith.constant 0 : i32
      %dma_wait3A_75 = tpu.memref_slice %arg7[%run_scoped3A_29, %dma_wait3A, %dma_wait3A_74] : memref<5x80x64xf32, #tpu.memory_space<vmem>> -> memref<1x80x64xf32, #tpu.memory_space<vmem>>
      %dma_wait3A_76 = tpu.memref_squeeze %dma_wait3A_75 : memref<1x80x64xf32, #tpu.memory_space<vmem>> -> memref<80x64xf32, #tpu.memory_space<vmem>>
      %dma_wait3A_77 = arith.constant 0 : i32
      %dma_wait3A_78 = tpu.memref_slice %arg8[%add3A_28, %dma_wait3A_77] : memref<10240x64xf32, #tpu.memory_space<vmem_shared>> -> memref<80x64xf32, #tpu.memory_space<vmem_shared>>
      %dma_wait3A_79 = arith.constant 0 : i32
      %dma_wait3A_80 = tpu.memref_slice %arg8[%add3A_28, %dma_wait3A_79] : memref<10240x64xf32, #tpu.memory_space<vmem_shared>> -> memref<80x64xf32, #tpu.memory_space<vmem_shared>>
      %dma_wait3A_81 = arith.constant 0 : i32
      %dma_wait3A_82 = arith.constant 0 : i32
      %dma_wait3A_83 = tpu.memref_slice %arg7[%run_scoped3A_29, %dma_wait3A_81, %dma_wait3A_82] : memref<5x80x64xf32, #tpu.memory_space<vmem>> -> memref<1x80x64xf32, #tpu.memory_space<vmem>>
      %dma_wait3A_84 = tpu.memref_squeeze %dma_wait3A_83 : memref<1x80x64xf32, #tpu.memory_space<vmem>> -> memref<80x64xf32, #tpu.memory_space<vmem>>
      tpu.wait_dma2 semaphore(%run_scoped3A_62 : memref<!tpu.dma_semaphore, #tpu.memory_space<semaphore_mem>>) src(%dma_wait3A_84 : memref<80x64xf32, #tpu.memory_space<vmem>>) dst(%dma_wait3A_80 : memref<80x64xf32, #tpu.memory_space<vmem_shared>>)
      tpu.yield
    }) : () -> ()
    %mul3A_30 = arith.constant 640 : i32
    %mul3A_31 = arith.muli %arg1, %mul3A_30 : i32
    %add3A_32 = arith.constant 400 : i32
    %add3A_33 = arith.addi %mul3A_31, %add3A_32 : i32
    %run_scoped3A_34 = arith.constant 0 : i32
    "tpu.region"() ({
      %run_scoped3A_62 = tpu.sem_alloc : memref<!tpu.dma_semaphore, #tpu.memory_space<semaphore_mem>>
      %dma_start3A = arith.constant 0 : i32
      %dma_start3A_63 = arith.constant 0 : i32
      %dma_start3A_64 = tpu.memref_slice %arg7[%run_scoped3A_34, %dma_start3A, %dma_start3A_63] : memref<5x80x64xf32, #tpu.memory_space<vmem>> -> memref<1x80x64xf32, #tpu.memory_space<vmem>>
      %dma_start3A_65 = tpu.memref_squeeze %dma_start3A_64 : memref<1x80x64xf32, #tpu.memory_space<vmem>> -> memref<80x64xf32, #tpu.memory_space<vmem>>
      %dma_start3A_66 = arith.constant 0 : i32
      %dma_start3A_67 = tpu.memref_slice %arg8[%add3A_33, %dma_start3A_66] : memref<10240x64xf32, #tpu.memory_space<vmem_shared>> -> memref<80x64xf32, #tpu.memory_space<vmem_shared>>
      %dma_start3A_68 = arith.constant 0 : i32
      %dma_start3A_69 = tpu.memref_slice %arg8[%add3A_33, %dma_start3A_68] : memref<10240x64xf32, #tpu.memory_space<vmem_shared>> -> memref<80x64xf32, #tpu.memory_space<vmem_shared>>
      %dma_start3A_70 = arith.constant 0 : i32
      %dma_start3A_71 = arith.constant 0 : i32
      %dma_start3A_72 = tpu.memref_slice %arg7[%run_scoped3A_34, %dma_start3A_70, %dma_start3A_71] : memref<5x80x64xf32, #tpu.memory_space<vmem>> -> memref<1x80x64xf32, #tpu.memory_space<vmem>>
      %dma_start3A_73 = tpu.memref_squeeze %dma_start3A_72 : memref<1x80x64xf32, #tpu.memory_space<vmem>> -> memref<80x64xf32, #tpu.memory_space<vmem>>
      tpu.enqueue_dma source(%dma_start3A_73 : memref<80x64xf32, #tpu.memory_space<vmem>>) target(%dma_start3A_69 : memref<80x64xf32, #tpu.memory_space<vmem_shared>>) target_semaphore(%run_scoped3A_62 : memref<!tpu.dma_semaphore, #tpu.memory_space<semaphore_mem>>)
      %dma_wait3A = arith.constant 0 : i32
      %dma_wait3A_74 = arith.constant 0 : i32
      %dma_wait3A_75 = tpu.memref_slice %arg7[%run_scoped3A_34, %dma_wait3A, %dma_wait3A_74] : memref<5x80x64xf32, #tpu.memory_space<vmem>> -> memref<1x80x64xf32, #tpu.memory_space<vmem>>
      %dma_wait3A_76 = tpu.memref_squeeze %dma_wait3A_75 : memref<1x80x64xf32, #tpu.memory_space<vmem>> -> memref<80x64xf32, #tpu.memory_space<vmem>>
      %dma_wait3A_77 = arith.constant 0 : i32
      %dma_wait3A_78 = tpu.memref_slice %arg8[%add3A_33, %dma_wait3A_77] : memref<10240x64xf32, #tpu.memory_space<vmem_shared>> -> memref<80x64xf32, #tpu.memory_space<vmem_shared>>
      %dma_wait3A_79 = arith.constant 0 : i32
      %dma_wait3A_80 = tpu.memref_slice %arg8[%add3A_33, %dma_wait3A_79] : memref<10240x64xf32, #tpu.memory_space<vmem_shared>> -> memref<80x64xf32, #tpu.memory_space<vmem_shared>>
      %dma_wait3A_81 = arith.constant 0 : i32
      %dma_wait3A_82 = arith.constant 0 : i32
      %dma_wait3A_83 = tpu.memref_slice %arg7[%run_scoped3A_34, %dma_wait3A_81, %dma_wait3A_82] : memref<5x80x64xf32, #tpu.memory_space<vmem>> -> memref<1x80x64xf32, #tpu.memory_space<vmem>>
      %dma_wait3A_84 = tpu.memref_squeeze %dma_wait3A_83 : memref<1x80x64xf32, #tpu.memory_space<vmem>> -> memref<80x64xf32, #tpu.memory_space<vmem>>
      tpu.wait_dma2 semaphore(%run_scoped3A_62 : memref<!tpu.dma_semaphore, #tpu.memory_space<semaphore_mem>>) src(%dma_wait3A_84 : memref<80x64xf32, #tpu.memory_space<vmem>>) dst(%dma_wait3A_80 : memref<80x64xf32, #tpu.memory_space<vmem_shared>>)
      tpu.yield
    }) : () -> ()
    %mul3A_35 = arith.constant 640 : i32
    %mul3A_36 = arith.muli %arg1, %mul3A_35 : i32
    %add3A_37 = arith.constant 480 : i32
    %add3A_38 = arith.addi %mul3A_36, %add3A_37 : i32
    %run_scoped3A_39 = arith.constant 0 : i32
    "tpu.region"() ({
      %run_scoped3A_62 = tpu.sem_alloc : memref<!tpu.dma_semaphore, #tpu.memory_space<semaphore_mem>>
      %dma_start3A = arith.constant 0 : i32
      %dma_start3A_63 = arith.constant 0 : i32
      %dma_start3A_64 = tpu.memref_slice %arg7[%run_scoped3A_39, %dma_start3A, %dma_start3A_63] : memref<5x80x64xf32, #tpu.memory_space<vmem>> -> memref<1x80x64xf32, #tpu.memory_space<vmem>>
      %dma_start3A_65 = tpu.memref_squeeze %dma_start3A_64 : memref<1x80x64xf32, #tpu.memory_space<vmem>> -> memref<80x64xf32, #tpu.memory_space<vmem>>
      %dma_start3A_66 = arith.constant 0 : i32
      %dma_start3A_67 = tpu.memref_slice %arg8[%add3A_38, %dma_start3A_66] : memref<10240x64xf32, #tpu.memory_space<vmem_shared>> -> memref<80x64xf32, #tpu.memory_space<vmem_shared>>
      %dma_start3A_68 = arith.constant 0 : i32
      %dma_start3A_69 = tpu.memref_slice %arg8[%add3A_38, %dma_start3A_68] : memref<10240x64xf32, #tpu.memory_space<vmem_shared>> -> memref<80x64xf32, #tpu.memory_space<vmem_shared>>
      %dma_start3A_70 = arith.constant 0 : i32
      %dma_start3A_71 = arith.constant 0 : i32
      %dma_start3A_72 = tpu.memref_slice %arg7[%run_scoped3A_39, %dma_start3A_70, %dma_start3A_71] : memref<5x80x64xf32, #tpu.memory_space<vmem>> -> memref<1x80x64xf32, #tpu.memory_space<vmem>>
      %dma_start3A_73 = tpu.memref_squeeze %dma_start3A_72 : memref<1x80x64xf32, #tpu.memory_space<vmem>> -> memref<80x64xf32, #tpu.memory_space<vmem>>
      tpu.enqueue_dma source(%dma_start3A_73 : memref<80x64xf32, #tpu.memory_space<vmem>>) target(%dma_start3A_69 : memref<80x64xf32, #tpu.memory_space<vmem_shared>>) target_semaphore(%run_scoped3A_62 : memref<!tpu.dma_semaphore, #tpu.memory_space<semaphore_mem>>)
      %dma_wait3A = arith.constant 0 : i32
      %dma_wait3A_74 = arith.constant 0 : i32
      %dma_wait3A_75 = tpu.memref_slice %arg7[%run_scoped3A_39, %dma_wait3A, %dma_wait3A_74] : memref<5x80x64xf32, #tpu.memory_space<vmem>> -> memref<1x80x64xf32, #tpu.memory_space<vmem>>
      %dma_wait3A_76 = tpu.memref_squeeze %dma_wait3A_75 : memref<1x80x64xf32, #tpu.memory_space<vmem>> -> memref<80x64xf32, #tpu.memory_space<vmem>>
      %dma_wait3A_77 = arith.constant 0 : i32
      %dma_wait3A_78 = tpu.memref_slice %arg8[%add3A_38, %dma_wait3A_77] : memref<10240x64xf32, #tpu.memory_space<vmem_shared>> -> memref<80x64xf32, #tpu.memory_space<vmem_shared>>
      %dma_wait3A_79 = arith.constant 0 : i32
      %dma_wait3A_80 = tpu.memref_slice %arg8[%add3A_38, %dma_wait3A_79] : memref<10240x64xf32, #tpu.memory_space<vmem_shared>> -> memref<80x64xf32, #tpu.memory_space<vmem_shared>>
      %dma_wait3A_81 = arith.constant 0 : i32
      %dma_wait3A_82 = arith.constant 0 : i32
      %dma_wait3A_83 = tpu.memref_slice %arg7[%run_scoped3A_39, %dma_wait3A_81, %dma_wait3A_82] : memref<5x80x64xf32, #tpu.memory_space<vmem>> -> memref<1x80x64xf32, #tpu.memory_space<vmem>>
      %dma_wait3A_84 = tpu.memref_squeeze %dma_wait3A_83 : memref<1x80x64xf32, #tpu.memory_space<vmem>> -> memref<80x64xf32, #tpu.memory_space<vmem>>
      tpu.wait_dma2 semaphore(%run_scoped3A_62 : memref<!tpu.dma_semaphore, #tpu.memory_space<semaphore_mem>>) src(%dma_wait3A_84 : memref<80x64xf32, #tpu.memory_space<vmem>>) dst(%dma_wait3A_80 : memref<80x64xf32, #tpu.memory_space<vmem_shared>>)
      tpu.yield
    }) : () -> ()
    %mul3A_40 = arith.constant 640 : i32
    %mul3A_41 = arith.muli %arg1, %mul3A_40 : i32
    %add3A_42 = arith.constant 560 : i32
    %add3A_43 = arith.addi %mul3A_41, %add3A_42 : i32
    %run_scoped3A_44 = arith.constant 0 : i32
    "tpu.region"() ({
      %run_scoped3A_62 = tpu.sem_alloc : memref<!tpu.dma_semaphore, #tpu.memory_space<semaphore_mem>>
      %dma_start3A = arith.constant 0 : i32
      %dma_start3A_63 = arith.constant 0 : i32
      %dma_start3A_64 = tpu.memref_slice %arg7[%run_scoped3A_44, %dma_start3A, %dma_start3A_63] : memref<5x80x64xf32, #tpu.memory_space<vmem>> -> memref<1x80x64xf32, #tpu.memory_space<vmem>>
      %dma_start3A_65 = tpu.memref_squeeze %dma_start3A_64 : memref<1x80x64xf32, #tpu.memory_space<vmem>> -> memref<80x64xf32, #tpu.memory_space<vmem>>
      %dma_start3A_66 = arith.constant 0 : i32
      %dma_start3A_67 = tpu.memref_slice %arg8[%add3A_43, %dma_start3A_66] : memref<10240x64xf32, #tpu.memory_space<vmem_shared>> -> memref<80x64xf32, #tpu.memory_space<vmem_shared>>
      %dma_start3A_68 = arith.constant 0 : i32
      %dma_start3A_69 = tpu.memref_slice %arg8[%add3A_43, %dma_start3A_68] : memref<10240x64xf32, #tpu.memory_space<vmem_shared>> -> memref<80x64xf32, #tpu.memory_space<vmem_shared>>
      %dma_start3A_70 = arith.constant 0 : i32
      %dma_start3A_71 = arith.constant 0 : i32
      %dma_start3A_72 = tpu.memref_slice %arg7[%run_scoped3A_44, %dma_start3A_70, %dma_start3A_71] : memref<5x80x64xf32, #tpu.memory_space<vmem>> -> memref<1x80x64xf32, #tpu.memory_space<vmem>>
      %dma_start3A_73 = tpu.memref_squeeze %dma_start3A_72 : memref<1x80x64xf32, #tpu.memory_space<vmem>> -> memref<80x64xf32, #tpu.memory_space<vmem>>
      tpu.enqueue_dma source(%dma_start3A_73 : memref<80x64xf32, #tpu.memory_space<vmem>>) target(%dma_start3A_69 : memref<80x64xf32, #tpu.memory_space<vmem_shared>>) target_semaphore(%run_scoped3A_62 : memref<!tpu.dma_semaphore, #tpu.memory_space<semaphore_mem>>)
      %dma_wait3A = arith.constant 0 : i32
      %dma_wait3A_74 = arith.constant 0 : i32
      %dma_wait3A_75 = tpu.memref_slice %arg7[%run_scoped3A_44, %dma_wait3A, %dma_wait3A_74] : memref<5x80x64xf32, #tpu.memory_space<vmem>> -> memref<1x80x64xf32, #tpu.memory_space<vmem>>
      %dma_wait3A_76 = tpu.memref_squeeze %dma_wait3A_75 : memref<1x80x64xf32, #tpu.memory_space<vmem>> -> memref<80x64xf32, #tpu.memory_space<vmem>>
      %dma_wait3A_77 = arith.constant 0 : i32
      %dma_wait3A_78 = tpu.memref_slice %arg8[%add3A_43, %dma_wait3A_77] : memref<10240x64xf32, #tpu.memory_space<vmem_shared>> -> memref<80x64xf32, #tpu.memory_space<vmem_shared>>
      %dma_wait3A_79 = arith.constant 0 : i32
      %dma_wait3A_80 = tpu.memref_slice %arg8[%add3A_43, %dma_wait3A_79] : memref<10240x64xf32, #tpu.memory_space<vmem_shared>> -> memref<80x64xf32, #tpu.memory_space<vmem_shared>>
      %dma_wait3A_81 = arith.constant 0 : i32
      %dma_wait3A_82 = arith.constant 0 : i32
      %dma_wait3A_83 = tpu.memref_slice %arg7[%run_scoped3A_44, %dma_wait3A_81, %dma_wait3A_82] : memref<5x80x64xf32, #tpu.memory_space<vmem>> -> memref<1x80x64xf32, #tpu.memory_space<vmem>>
      %dma_wait3A_84 = tpu.memref_squeeze %dma_wait3A_83 : memref<1x80x64xf32, #tpu.memory_space<vmem>> -> memref<80x64xf32, #tpu.memory_space<vmem>>
      tpu.wait_dma2 semaphore(%run_scoped3A_62 : memref<!tpu.dma_semaphore, #tpu.memory_space<semaphore_mem>>) src(%dma_wait3A_84 : memref<80x64xf32, #tpu.memory_space<vmem>>) dst(%dma_wait3A_80 : memref<80x64xf32, #tpu.memory_space<vmem_shared>>)
      tpu.yield
    }) : () -> ()
    %barrier3A = arith.constant 0 : index
    tpu.barrier barrier_id(%barrier3A)
    %mul3A_45 = arith.constant 16 : i32
    %mul3A_46 = arith.muli %arg0, %mul3A_45 : i32
    %add3A_47 = arith.addi %mul3A_46, %arg1 : i32
    %run_scoped3A_48 = arith.constant 0 : i32
    "tpu.region"() ({
      %run_scoped3A_62 = tpu.sem_alloc : memref<!tpu.dma_semaphore, #tpu.memory_space<semaphore_mem>>
      %dma_start3A = arith.constant 0 : i32
      %dma_start3A_63 = arith.constant 0 : i32
      %dma_start3A_64 = arith.constant 0 : i32
      %dma_start3A_65 = tpu.memref_slice %arg3[%run_scoped3A_48, %dma_start3A, %dma_start3A_63, %dma_start3A_64] : memref<2x32x125x80xi32, #tpu.memory_space<hbm>> -> memref<1x32x125x80xi32, #tpu.memory_space<hbm>>
      %dma_start3A_66 = tpu.memref_squeeze %dma_start3A_65 : memref<1x32x125x80xi32, #tpu.memory_space<hbm>> -> memref<32x125x80xi32, #tpu.memory_space<hbm>>
      %dma_start3A_67 = arith.constant 0 : i32
      %dma_start3A_68 = arith.constant 0 : i32
      %dma_start3A_69 = tpu.memref_slice %dma_start3A_66[%add3A_47, %dma_start3A_67, %dma_start3A_68] : memref<32x125x80xi32, #tpu.memory_space<hbm>> -> memref<1x125x80xi32, #tpu.memory_space<hbm>>
      %dma_start3A_70 = tpu.memref_squeeze %dma_start3A_69 : memref<1x125x80xi32, #tpu.memory_space<hbm>> -> memref<125x80xi32, #tpu.memory_space<hbm>>
      %dma_start3A_71 = arith.constant 0 : i32
      %dma_start3A_72 = arith.constant 0 : i32
      %dma_start3A_73 = arith.constant 0 : i32
      %dma_start3A_74 = tpu.memref_slice %arg3[%run_scoped3A_48, %dma_start3A_71, %dma_start3A_72, %dma_start3A_73] : memref<2x32x125x80xi32, #tpu.memory_space<hbm>> -> memref<1x32x125x80xi32, #tpu.memory_space<hbm>>
      %dma_start3A_75 = tpu.memref_squeeze %dma_start3A_74 : memref<1x32x125x80xi32, #tpu.memory_space<hbm>> -> memref<32x125x80xi32, #tpu.memory_space<hbm>>
      %dma_start3A_76 = arith.constant 0 : i32
      %dma_start3A_77 = arith.constant 0 : i32
      %dma_start3A_78 = tpu.memref_slice %dma_start3A_75[%add3A_47, %dma_start3A_76, %dma_start3A_77] : memref<32x125x80xi32, #tpu.memory_space<hbm>> -> memref<1x125x80xi32, #tpu.memory_space<hbm>>
      %dma_start3A_79 = tpu.memref_squeeze %dma_start3A_78 : memref<1x125x80xi32, #tpu.memory_space<hbm>> -> memref<125x80xi32, #tpu.memory_space<hbm>>
      tpu.enqueue_dma source(%dma_start3A_79 : memref<125x80xi32, #tpu.memory_space<hbm>>) target(%arg5 : memref<125x80xi32, #tpu.memory_space<vmem>>) target_semaphore(%run_scoped3A_62 : memref<!tpu.dma_semaphore, #tpu.memory_space<semaphore_mem>>)
      %dma_wait3A = arith.constant 0 : i32
      %dma_wait3A_80 = arith.constant 0 : i32
      %dma_wait3A_81 = arith.constant 0 : i32
      %dma_wait3A_82 = tpu.memref_slice %arg3[%run_scoped3A_48, %dma_wait3A, %dma_wait3A_80, %dma_wait3A_81] : memref<2x32x125x80xi32, #tpu.memory_space<hbm>> -> memref<1x32x125x80xi32, #tpu.memory_space<hbm>>
      %dma_wait3A_83 = tpu.memref_squeeze %dma_wait3A_82 : memref<1x32x125x80xi32, #tpu.memory_space<hbm>> -> memref<32x125x80xi32, #tpu.memory_space<hbm>>
      %dma_wait3A_84 = arith.constant 0 : i32
      %dma_wait3A_85 = arith.constant 0 : i32
      %dma_wait3A_86 = tpu.memref_slice %dma_wait3A_83[%add3A_47, %dma_wait3A_84, %dma_wait3A_85] : memref<32x125x80xi32, #tpu.memory_space<hbm>> -> memref<1x125x80xi32, #tpu.memory_space<hbm>>
      %dma_wait3A_87 = tpu.memref_squeeze %dma_wait3A_86 : memref<1x125x80xi32, #tpu.memory_space<hbm>> -> memref<125x80xi32, #tpu.memory_space<hbm>>
      %dma_wait3A_88 = arith.constant 0 : i32
      %dma_wait3A_89 = arith.constant 0 : i32
      %dma_wait3A_90 = arith.constant 0 : i32
      %dma_wait3A_91 = tpu.memref_slice %arg3[%run_scoped3A_48, %dma_wait3A_88, %dma_wait3A_89, %dma_wait3A_90] : memref<2x32x125x80xi32, #tpu.memory_space<hbm>> -> memref<1x32x125x80xi32, #tpu.memory_space<hbm>>
      %dma_wait3A_92 = tpu.memref_squeeze %dma_wait3A_91 : memref<1x32x125x80xi32, #tpu.memory_space<hbm>> -> memref<32x125x80xi32, #tpu.memory_space<hbm>>
      %dma_wait3A_93 = arith.constant 0 : i32
      %dma_wait3A_94 = arith.constant 0 : i32
      %dma_wait3A_95 = tpu.memref_slice %dma_wait3A_92[%add3A_47, %dma_wait3A_93, %dma_wait3A_94] : memref<32x125x80xi32, #tpu.memory_space<hbm>> -> memref<1x125x80xi32, #tpu.memory_space<hbm>>
      %dma_wait3A_96 = tpu.memref_squeeze %dma_wait3A_95 : memref<1x125x80xi32, #tpu.memory_space<hbm>> -> memref<125x80xi32, #tpu.memory_space<hbm>>
      tpu.wait_dma2 semaphore(%run_scoped3A_62 : memref<!tpu.dma_semaphore, #tpu.memory_space<semaphore_mem>>) src(%dma_wait3A_96 : memref<125x80xi32, #tpu.memory_space<hbm>>) dst(%arg5 : memref<125x80xi32, #tpu.memory_space<vmem>>)
      tpu.yield
    }) : () -> ()
    %run_scoped3A_49 = arith.constant 1 : i32
    "tpu.region"() ({
      %run_scoped3A_62 = tpu.sem_alloc : memref<!tpu.dma_semaphore, #tpu.memory_space<semaphore_mem>>
      %dma_start3A = arith.constant 0 : i32
      %dma_start3A_63 = arith.constant 0 : i32
      %dma_start3A_64 = arith.constant 0 : i32
      %dma_start3A_65 = tpu.memref_slice %arg3[%run_scoped3A_49, %dma_start3A, %dma_start3A_63, %dma_start3A_64] : memref<2x32x125x80xi32, #tpu.memory_space<hbm>> -> memref<1x32x125x80xi32, #tpu.memory_space<hbm>>
      %dma_start3A_66 = tpu.memref_squeeze %dma_start3A_65 : memref<1x32x125x80xi32, #tpu.memory_space<hbm>> -> memref<32x125x80xi32, #tpu.memory_space<hbm>>
      %dma_start3A_67 = arith.constant 0 : i32
      %dma_start3A_68 = arith.constant 0 : i32
      %dma_start3A_69 = tpu.memref_slice %dma_start3A_66[%add3A_47, %dma_start3A_67, %dma_start3A_68] : memref<32x125x80xi32, #tpu.memory_space<hbm>> -> memref<1x125x80xi32, #tpu.memory_space<hbm>>
      %dma_start3A_70 = tpu.memref_squeeze %dma_start3A_69 : memref<1x125x80xi32, #tpu.memory_space<hbm>> -> memref<125x80xi32, #tpu.memory_space<hbm>>
      %dma_start3A_71 = arith.constant 0 : i32
      %dma_start3A_72 = arith.constant 0 : i32
      %dma_start3A_73 = arith.constant 0 : i32
      %dma_start3A_74 = tpu.memref_slice %arg3[%run_scoped3A_49, %dma_start3A_71, %dma_start3A_72, %dma_start3A_73] : memref<2x32x125x80xi32, #tpu.memory_space<hbm>> -> memref<1x32x125x80xi32, #tpu.memory_space<hbm>>
      %dma_start3A_75 = tpu.memref_squeeze %dma_start3A_74 : memref<1x32x125x80xi32, #tpu.memory_space<hbm>> -> memref<32x125x80xi32, #tpu.memory_space<hbm>>
      %dma_start3A_76 = arith.constant 0 : i32
      %dma_start3A_77 = arith.constant 0 : i32
      %dma_start3A_78 = tpu.memref_slice %dma_start3A_75[%add3A_47, %dma_start3A_76, %dma_start3A_77] : memref<32x125x80xi32, #tpu.memory_space<hbm>> -> memref<1x125x80xi32, #tpu.memory_space<hbm>>
      %dma_start3A_79 = tpu.memref_squeeze %dma_start3A_78 : memref<1x125x80xi32, #tpu.memory_space<hbm>> -> memref<125x80xi32, #tpu.memory_space<hbm>>
      tpu.enqueue_dma source(%dma_start3A_79 : memref<125x80xi32, #tpu.memory_space<hbm>>) target(%arg6 : memref<125x80xi32, #tpu.memory_space<vmem>>) target_semaphore(%run_scoped3A_62 : memref<!tpu.dma_semaphore, #tpu.memory_space<semaphore_mem>>)
      %dma_wait3A = arith.constant 0 : i32
      %dma_wait3A_80 = arith.constant 0 : i32
      %dma_wait3A_81 = arith.constant 0 : i32
      %dma_wait3A_82 = tpu.memref_slice %arg3[%run_scoped3A_49, %dma_wait3A, %dma_wait3A_80, %dma_wait3A_81] : memref<2x32x125x80xi32, #tpu.memory_space<hbm>> -> memref<1x32x125x80xi32, #tpu.memory_space<hbm>>
      %dma_wait3A_83 = tpu.memref_squeeze %dma_wait3A_82 : memref<1x32x125x80xi32, #tpu.memory_space<hbm>> -> memref<32x125x80xi32, #tpu.memory_space<hbm>>
      %dma_wait3A_84 = arith.constant 0 : i32
      %dma_wait3A_85 = arith.constant 0 : i32
      %dma_wait3A_86 = tpu.memref_slice %dma_wait3A_83[%add3A_47, %dma_wait3A_84, %dma_wait3A_85] : memref<32x125x80xi32, #tpu.memory_space<hbm>> -> memref<1x125x80xi32, #tpu.memory_space<hbm>>
      %dma_wait3A_87 = tpu.memref_squeeze %dma_wait3A_86 : memref<1x125x80xi32, #tpu.memory_space<hbm>> -> memref<125x80xi32, #tpu.memory_space<hbm>>
      %dma_wait3A_88 = arith.constant 0 : i32
      %dma_wait3A_89 = arith.constant 0 : i32
      %dma_wait3A_90 = arith.constant 0 : i32
      %dma_wait3A_91 = tpu.memref_slice %arg3[%run_scoped3A_49, %dma_wait3A_88, %dma_wait3A_89, %dma_wait3A_90] : memref<2x32x125x80xi32, #tpu.memory_space<hbm>> -> memref<1x32x125x80xi32, #tpu.memory_space<hbm>>
      %dma_wait3A_92 = tpu.memref_squeeze %dma_wait3A_91 : memref<1x32x125x80xi32, #tpu.memory_space<hbm>> -> memref<32x125x80xi32, #tpu.memory_space<hbm>>
      %dma_wait3A_93 = arith.constant 0 : i32
      %dma_wait3A_94 = arith.constant 0 : i32
      %dma_wait3A_95 = tpu.memref_slice %dma_wait3A_92[%add3A_47, %dma_wait3A_93, %dma_wait3A_94] : memref<32x125x80xi32, #tpu.memory_space<hbm>> -> memref<1x125x80xi32, #tpu.memory_space<hbm>>
      %dma_wait3A_96 = tpu.memref_squeeze %dma_wait3A_95 : memref<1x125x80xi32, #tpu.memory_space<hbm>> -> memref<125x80xi32, #tpu.memory_space<hbm>>
      tpu.wait_dma2 semaphore(%run_scoped3A_62 : memref<!tpu.dma_semaphore, #tpu.memory_space<semaphore_mem>>) src(%dma_wait3A_96 : memref<125x80xi32, #tpu.memory_space<hbm>>) dst(%arg6 : memref<125x80xi32, #tpu.memory_space<vmem>>)
      tpu.yield
    }) : () -> ()
    %scan3A_50 = arith.constant 0 : i32
    %scan3A_51 = arith.constant 0 : i32
    %scan3A_52 = arith.constant 25 : i32
    %scan3A_53 = arith.addi %scan3A_51, %scan3A_52 : i32
    %scan3A_54 = arith.constant 1 : i32
    %scan3A_55 = scf.for %scan3A_62 = %scan3A_51 to %scan3A_53 step %scan3A_54 iter_args(%scan3A_63 = %scan3A_50) -> (i32)  : i32 {
      %mul3A_64 = arith.constant 5 : i32
      %mul3A_65 = arith.muli %scan3A_62, %mul3A_64 : i32
      %add3A_66 = arith.constant 0 : i32
      %add3A_67 = arith.addi %mul3A_65, %add3A_66 : i32
      %dma_start3A = arith.constant 0 : i32
      %dma_start3A_68 = arith.constant 0 : i32
      %dma_start3A_69 = arith.constant 0 : i32
      %dma_start3A_70 = tpu.memref_slice %arg7[%dma_start3A, %dma_start3A_68, %dma_start3A_69] : memref<5x80x64xf32, #tpu.memory_space<vmem>> -> memref<1x80x64xf32, #tpu.memory_space<vmem>>
      %dma_start3A_71 = tpu.memref_squeeze %dma_start3A_70 : memref<1x80x64xf32, #tpu.memory_space<vmem>> -> memref<80x64xf32, #tpu.memory_space<vmem>>
      %dma_start3A_72 = arith.constant 0 : i32
      %dma_start3A_73 = tpu.memref_slice %arg5[%add3A_67, %dma_start3A_72] : memref<125x80xi32, #tpu.memory_space<vmem>> -> memref<1x80xi32, #tpu.memory_space<vmem>>
      %dma_start3A_74 = tpu.memref_squeeze %dma_start3A_73 : memref<1x80xi32, #tpu.memory_space<vmem>> -> memref<80xi32, #tpu.memory_space<vmem>>
      %dma_start3A_75 = arith.constant 0 : i32
      %dma_start3A_76 = arith.constant 0 : i32
      %dma_start3A_77 = tpu.memref_slice %arg2[%dma_start3A_75, %dma_start3A_76] : memref<10240x64xf32, #tpu.memory_space<hbm>> -> memref<10240x64xf32, #tpu.memory_space<hbm>>
      tpu.enqueue_indirect_dma source(%dma_start3A_77 : memref<10240x64xf32, #tpu.memory_space<hbm>>) target(%dma_start3A_71 : memref<80x64xf32, #tpu.memory_space<vmem>>) offsets(%dma_start3A_74 : memref<80xi32, #tpu.memory_space<vmem>>) semaphore(%arg9 : memref<!tpu.dma_semaphore, #tpu.memory_space<semaphore_mem>>)
      %mul3A_78 = arith.constant 5 : i32
      %mul3A_79 = arith.muli %scan3A_62, %mul3A_78 : i32
      %add3A_80 = arith.constant 1 : i32
      %add3A_81 = arith.addi %mul3A_79, %add3A_80 : i32
      %dma_start3A_82 = arith.constant 1 : i32
      %dma_start3A_83 = arith.constant 0 : i32
      %dma_start3A_84 = arith.constant 0 : i32
      %dma_start3A_85 = tpu.memref_slice %arg7[%dma_start3A_82, %dma_start3A_83, %dma_start3A_84] : memref<5x80x64xf32, #tpu.memory_space<vmem>> -> memref<1x80x64xf32, #tpu.memory_space<vmem>>
      %dma_start3A_86 = tpu.memref_squeeze %dma_start3A_85 : memref<1x80x64xf32, #tpu.memory_space<vmem>> -> memref<80x64xf32, #tpu.memory_space<vmem>>
      %dma_start3A_87 = arith.constant 0 : i32
      %dma_start3A_88 = tpu.memref_slice %arg5[%add3A_81, %dma_start3A_87] : memref<125x80xi32, #tpu.memory_space<vmem>> -> memref<1x80xi32, #tpu.memory_space<vmem>>
      %dma_start3A_89 = tpu.memref_squeeze %dma_start3A_88 : memref<1x80xi32, #tpu.memory_space<vmem>> -> memref<80xi32, #tpu.memory_space<vmem>>
      %dma_start3A_90 = arith.constant 0 : i32
      %dma_start3A_91 = arith.constant 0 : i32
      %dma_start3A_92 = tpu.memref_slice %arg2[%dma_start3A_90, %dma_start3A_91] : memref<10240x64xf32, #tpu.memory_space<hbm>> -> memref<10240x64xf32, #tpu.memory_space<hbm>>
      tpu.enqueue_indirect_dma source(%dma_start3A_92 : memref<10240x64xf32, #tpu.memory_space<hbm>>) target(%dma_start3A_86 : memref<80x64xf32, #tpu.memory_space<vmem>>) offsets(%dma_start3A_89 : memref<80xi32, #tpu.memory_space<vmem>>) semaphore(%arg10 : memref<!tpu.dma_semaphore, #tpu.memory_space<semaphore_mem>>)
      %mul3A_93 = arith.constant 5 : i32
      %mul3A_94 = arith.muli %scan3A_62, %mul3A_93 : i32
      %add3A_95 = arith.constant 2 : i32
      %add3A_96 = arith.addi %mul3A_94, %add3A_95 : i32
      %dma_start3A_97 = arith.constant 2 : i32
      %dma_start3A_98 = arith.constant 0 : i32
      %dma_start3A_99 = arith.constant 0 : i32
      %dma_start3A_100 = tpu.memref_slice %arg7[%dma_start3A_97, %dma_start3A_98, %dma_start3A_99] : memref<5x80x64xf32, #tpu.memory_space<vmem>> -> memref<1x80x64xf32, #tpu.memory_space<vmem>>
      %dma_start3A_101 = tpu.memref_squeeze %dma_start3A_100 : memref<1x80x64xf32, #tpu.memory_space<vmem>> -> memref<80x64xf32, #tpu.memory_space<vmem>>
      %dma_start3A_102 = arith.constant 0 : i32
      %dma_start3A_103 = tpu.memref_slice %arg5[%add3A_96, %dma_start3A_102] : memref<125x80xi32, #tpu.memory_space<vmem>> -> memref<1x80xi32, #tpu.memory_space<vmem>>
      %dma_start3A_104 = tpu.memref_squeeze %dma_start3A_103 : memref<1x80xi32, #tpu.memory_space<vmem>> -> memref<80xi32, #tpu.memory_space<vmem>>
      %dma_start3A_105 = arith.constant 0 : i32
      %dma_start3A_106 = arith.constant 0 : i32
      %dma_start3A_107 = tpu.memref_slice %arg2[%dma_start3A_105, %dma_start3A_106] : memref<10240x64xf32, #tpu.memory_space<hbm>> -> memref<10240x64xf32, #tpu.memory_space<hbm>>
      tpu.enqueue_indirect_dma source(%dma_start3A_107 : memref<10240x64xf32, #tpu.memory_space<hbm>>) target(%dma_start3A_101 : memref<80x64xf32, #tpu.memory_space<vmem>>) offsets(%dma_start3A_104 : memref<80xi32, #tpu.memory_space<vmem>>) semaphore(%arg11 : memref<!tpu.dma_semaphore, #tpu.memory_space<semaphore_mem>>)
      %mul3A_108 = arith.constant 5 : i32
      %mul3A_109 = arith.muli %scan3A_62, %mul3A_108 : i32
      %add3A_110 = arith.constant 3 : i32
      %add3A_111 = arith.addi %mul3A_109, %add3A_110 : i32
      %dma_start3A_112 = arith.constant 3 : i32
      %dma_start3A_113 = arith.constant 0 : i32
      %dma_start3A_114 = arith.constant 0 : i32
      %dma_start3A_115 = tpu.memref_slice %arg7[%dma_start3A_112, %dma_start3A_113, %dma_start3A_114] : memref<5x80x64xf32, #tpu.memory_space<vmem>> -> memref<1x80x64xf32, #tpu.memory_space<vmem>>
      %dma_start3A_116 = tpu.memref_squeeze %dma_start3A_115 : memref<1x80x64xf32, #tpu.memory_space<vmem>> -> memref<80x64xf32, #tpu.memory_space<vmem>>
      %dma_start3A_117 = arith.constant 0 : i32
      %dma_start3A_118 = tpu.memref_slice %arg5[%add3A_111, %dma_start3A_117] : memref<125x80xi32, #tpu.memory_space<vmem>> -> memref<1x80xi32, #tpu.memory_space<vmem>>
      %dma_start3A_119 = tpu.memref_squeeze %dma_start3A_118 : memref<1x80xi32, #tpu.memory_space<vmem>> -> memref<80xi32, #tpu.memory_space<vmem>>
      %dma_start3A_120 = arith.constant 0 : i32
      %dma_start3A_121 = arith.constant 0 : i32
      %dma_start3A_122 = tpu.memref_slice %arg2[%dma_start3A_120, %dma_start3A_121] : memref<10240x64xf32, #tpu.memory_space<hbm>> -> memref<10240x64xf32, #tpu.memory_space<hbm>>
      tpu.enqueue_indirect_dma source(%dma_start3A_122 : memref<10240x64xf32, #tpu.memory_space<hbm>>) target(%dma_start3A_116 : memref<80x64xf32, #tpu.memory_space<vmem>>) offsets(%dma_start3A_119 : memref<80xi32, #tpu.memory_space<vmem>>) semaphore(%arg12 : memref<!tpu.dma_semaphore, #tpu.memory_space<semaphore_mem>>)
      %mul3A_123 = arith.constant 5 : i32
      %mul3A_124 = arith.muli %scan3A_62, %mul3A_123 : i32
      %add3A_125 = arith.constant 4 : i32
      %add3A_126 = arith.addi %mul3A_124, %add3A_125 : i32
      %dma_start3A_127 = arith.constant 4 : i32
      %dma_start3A_128 = arith.constant 0 : i32
      %dma_start3A_129 = arith.constant 0 : i32
      %dma_start3A_130 = tpu.memref_slice %arg7[%dma_start3A_127, %dma_start3A_128, %dma_start3A_129] : memref<5x80x64xf32, #tpu.memory_space<vmem>> -> memref<1x80x64xf32, #tpu.memory_space<vmem>>
      %dma_start3A_131 = tpu.memref_squeeze %dma_start3A_130 : memref<1x80x64xf32, #tpu.memory_space<vmem>> -> memref<80x64xf32, #tpu.memory_space<vmem>>
      %dma_start3A_132 = arith.constant 0 : i32
      %dma_start3A_133 = tpu.memref_slice %arg5[%add3A_126, %dma_start3A_132] : memref<125x80xi32, #tpu.memory_space<vmem>> -> memref<1x80xi32, #tpu.memory_space<vmem>>
      %dma_start3A_134 = tpu.memref_squeeze %dma_start3A_133 : memref<1x80xi32, #tpu.memory_space<vmem>> -> memref<80xi32, #tpu.memory_space<vmem>>
      %dma_start3A_135 = arith.constant 0 : i32
      %dma_start3A_136 = arith.constant 0 : i32
      %dma_start3A_137 = tpu.memref_slice %arg2[%dma_start3A_135, %dma_start3A_136] : memref<10240x64xf32, #tpu.memory_space<hbm>> -> memref<10240x64xf32, #tpu.memory_space<hbm>>
      tpu.enqueue_indirect_dma source(%dma_start3A_137 : memref<10240x64xf32, #tpu.memory_space<hbm>>) target(%dma_start3A_131 : memref<80x64xf32, #tpu.memory_space<vmem>>) offsets(%dma_start3A_134 : memref<80xi32, #tpu.memory_space<vmem>>) semaphore(%arg13 : memref<!tpu.dma_semaphore, #tpu.memory_space<semaphore_mem>>)
      %mul3A_138 = arith.constant 5 : i32
      %mul3A_139 = arith.muli %scan3A_62, %mul3A_138 : i32
      %add3A_140 = arith.constant 0 : i32
      %add3A_141 = arith.addi %mul3A_139, %add3A_140 : i32
      %dma_wait3A = arith.constant 0 : i32
      %dma_wait3A_142 = arith.constant 0 : i32
      %dma_wait3A_143 = arith.constant 0 : i32
      %dma_wait3A_144 = tpu.memref_slice %arg7[%dma_wait3A, %dma_wait3A_142, %dma_wait3A_143] : memref<5x80x64xf32, #tpu.memory_space<vmem>> -> memref<1x80x64xf32, #tpu.memory_space<vmem>>
      %dma_wait3A_145 = tpu.memref_squeeze %dma_wait3A_144 : memref<1x80x64xf32, #tpu.memory_space<vmem>> -> memref<80x64xf32, #tpu.memory_space<vmem>>
      %dma_wait3A_146 = arith.constant 0 : i32
      %dma_wait3A_147 = tpu.memref_slice %arg5[%add3A_67, %dma_wait3A_146] : memref<125x80xi32, #tpu.memory_space<vmem>> -> memref<1x80xi32, #tpu.memory_space<vmem>>
      %dma_wait3A_148 = tpu.memref_squeeze %dma_wait3A_147 : memref<1x80xi32, #tpu.memory_space<vmem>> -> memref<80xi32, #tpu.memory_space<vmem>>
      %dma_wait3A_149 = arith.constant 0 : i32
      %dma_wait3A_150 = arith.constant 0 : i32
      %dma_wait3A_151 = tpu.memref_slice %arg2[%dma_wait3A_149, %dma_wait3A_150] : memref<10240x64xf32, #tpu.memory_space<hbm>> -> memref<10240x64xf32, #tpu.memory_space<hbm>>
      tpu.wait_indirect_dma semaphore(%arg9 : memref<!tpu.dma_semaphore, #tpu.memory_space<semaphore_mem>>) src(%dma_wait3A_151 : memref<10240x64xf32, #tpu.memory_space<hbm>>) dst(%dma_wait3A_145 : memref<80x64xf32, #tpu.memory_space<vmem>>)
      %dma_start3A_152 = arith.constant 0 : i32
      %dma_start3A_153 = arith.constant 0 : i32
      %dma_start3A_154 = arith.constant 0 : i32
      %dma_start3A_155 = tpu.memref_slice %arg7[%dma_start3A_152, %dma_start3A_153, %dma_start3A_154] : memref<5x80x64xf32, #tpu.memory_space<vmem>> -> memref<1x80x64xf32, #tpu.memory_space<vmem>>
      %dma_start3A_156 = tpu.memref_squeeze %dma_start3A_155 : memref<1x80x64xf32, #tpu.memory_space<vmem>> -> memref<80x64xf32, #tpu.memory_space<vmem>>
      %dma_start3A_157 = arith.constant 0 : i32
      %dma_start3A_158 = tpu.memref_slice %arg6[%add3A_141, %dma_start3A_157] : memref<125x80xi32, #tpu.memory_space<vmem>> -> memref<1x80xi32, #tpu.memory_space<vmem>>
      %dma_start3A_159 = tpu.memref_squeeze %dma_start3A_158 : memref<1x80xi32, #tpu.memory_space<vmem>> -> memref<80xi32, #tpu.memory_space<vmem>>
      %dma_start3A_160 = arith.constant 0 : i32
      %dma_start3A_161 = arith.constant 0 : i32
      %dma_start3A_162 = tpu.memref_slice %arg8[%dma_start3A_160, %dma_start3A_161] : memref<10240x64xf32, #tpu.memory_space<vmem_shared>> -> memref<10240x64xf32, #tpu.memory_space<vmem_shared>>
      tpu.enqueue_indirect_dma source(%dma_start3A_156 : memref<80x64xf32, #tpu.memory_space<vmem>>) target(%dma_start3A_162 : memref<10240x64xf32, #tpu.memory_space<vmem_shared>>) offsets(%dma_start3A_159 : memref<80xi32, #tpu.memory_space<vmem>>) semaphore(%arg14 : memref<!tpu.dma_semaphore, #tpu.memory_space<semaphore_mem>>) {add = true}
      %mul3A_163 = arith.constant 5 : i32
      %mul3A_164 = arith.muli %scan3A_62, %mul3A_163 : i32
      %add3A_165 = arith.constant 1 : i32
      %add3A_166 = arith.addi %mul3A_164, %add3A_165 : i32
      %dma_wait3A_167 = arith.constant 1 : i32
      %dma_wait3A_168 = arith.constant 0 : i32
      %dma_wait3A_169 = arith.constant 0 : i32
      %dma_wait3A_170 = tpu.memref_slice %arg7[%dma_wait3A_167, %dma_wait3A_168, %dma_wait3A_169] : memref<5x80x64xf32, #tpu.memory_space<vmem>> -> memref<1x80x64xf32, #tpu.memory_space<vmem>>
      %dma_wait3A_171 = tpu.memref_squeeze %dma_wait3A_170 : memref<1x80x64xf32, #tpu.memory_space<vmem>> -> memref<80x64xf32, #tpu.memory_space<vmem>>
      %dma_wait3A_172 = arith.constant 0 : i32
      %dma_wait3A_173 = tpu.memref_slice %arg5[%add3A_81, %dma_wait3A_172] : memref<125x80xi32, #tpu.memory_space<vmem>> -> memref<1x80xi32, #tpu.memory_space<vmem>>
      %dma_wait3A_174 = tpu.memref_squeeze %dma_wait3A_173 : memref<1x80xi32, #tpu.memory_space<vmem>> -> memref<80xi32, #tpu.memory_space<vmem>>
      %dma_wait3A_175 = arith.constant 0 : i32
      %dma_wait3A_176 = arith.constant 0 : i32
      %dma_wait3A_177 = tpu.memref_slice %arg2[%dma_wait3A_175, %dma_wait3A_176] : memref<10240x64xf32, #tpu.memory_space<hbm>> -> memref<10240x64xf32, #tpu.memory_space<hbm>>
      tpu.wait_indirect_dma semaphore(%arg10 : memref<!tpu.dma_semaphore, #tpu.memory_space<semaphore_mem>>) src(%dma_wait3A_177 : memref<10240x64xf32, #tpu.memory_space<hbm>>) dst(%dma_wait3A_171 : memref<80x64xf32, #tpu.memory_space<vmem>>)
      %dma_start3A_178 = arith.constant 1 : i32
      %dma_start3A_179 = arith.constant 0 : i32
      %dma_start3A_180 = arith.constant 0 : i32
      %dma_start3A_181 = tpu.memref_slice %arg7[%dma_start3A_178, %dma_start3A_179, %dma_start3A_180] : memref<5x80x64xf32, #tpu.memory_space<vmem>> -> memref<1x80x64xf32, #tpu.memory_space<vmem>>
      %dma_start3A_182 = tpu.memref_squeeze %dma_start3A_181 : memref<1x80x64xf32, #tpu.memory_space<vmem>> -> memref<80x64xf32, #tpu.memory_space<vmem>>
      %dma_start3A_183 = arith.constant 0 : i32
      %dma_start3A_184 = tpu.memref_slice %arg6[%add3A_166, %dma_start3A_183] : memref<125x80xi32, #tpu.memory_space<vmem>> -> memref<1x80xi32, #tpu.memory_space<vmem>>
      %dma_start3A_185 = tpu.memref_squeeze %dma_start3A_184 : memref<1x80xi32, #tpu.memory_space<vmem>> -> memref<80xi32, #tpu.memory_space<vmem>>
      %dma_start3A_186 = arith.constant 0 : i32
      %dma_start3A_187 = arith.constant 0 : i32
      %dma_start3A_188 = tpu.memref_slice %arg8[%dma_start3A_186, %dma_start3A_187] : memref<10240x64xf32, #tpu.memory_space<vmem_shared>> -> memref<10240x64xf32, #tpu.memory_space<vmem_shared>>
      tpu.enqueue_indirect_dma source(%dma_start3A_182 : memref<80x64xf32, #tpu.memory_space<vmem>>) target(%dma_start3A_188 : memref<10240x64xf32, #tpu.memory_space<vmem_shared>>) offsets(%dma_start3A_185 : memref<80xi32, #tpu.memory_space<vmem>>) semaphore(%arg15 : memref<!tpu.dma_semaphore, #tpu.memory_space<semaphore_mem>>) {add = true}
      %mul3A_189 = arith.constant 5 : i32
      %mul3A_190 = arith.muli %scan3A_62, %mul3A_189 : i32
      %add3A_191 = arith.constant 2 : i32
      %add3A_192 = arith.addi %mul3A_190, %add3A_191 : i32
      %dma_wait3A_193 = arith.constant 2 : i32
      %dma_wait3A_194 = arith.constant 0 : i32
      %dma_wait3A_195 = arith.constant 0 : i32
      %dma_wait3A_196 = tpu.memref_slice %arg7[%dma_wait3A_193, %dma_wait3A_194, %dma_wait3A_195] : memref<5x80x64xf32, #tpu.memory_space<vmem>> -> memref<1x80x64xf32, #tpu.memory_space<vmem>>
      %dma_wait3A_197 = tpu.memref_squeeze %dma_wait3A_196 : memref<1x80x64xf32, #tpu.memory_space<vmem>> -> memref<80x64xf32, #tpu.memory_space<vmem>>
      %dma_wait3A_198 = arith.constant 0 : i32
      %dma_wait3A_199 = tpu.memref_slice %arg5[%add3A_96, %dma_wait3A_198] : memref<125x80xi32, #tpu.memory_space<vmem>> -> memref<1x80xi32, #tpu.memory_space<vmem>>
      %dma_wait3A_200 = tpu.memref_squeeze %dma_wait3A_199 : memref<1x80xi32, #tpu.memory_space<vmem>> -> memref<80xi32, #tpu.memory_space<vmem>>
      %dma_wait3A_201 = arith.constant 0 : i32
      %dma_wait3A_202 = arith.constant 0 : i32
      %dma_wait3A_203 = tpu.memref_slice %arg2[%dma_wait3A_201, %dma_wait3A_202] : memref<10240x64xf32, #tpu.memory_space<hbm>> -> memref<10240x64xf32, #tpu.memory_space<hbm>>
      tpu.wait_indirect_dma semaphore(%arg11 : memref<!tpu.dma_semaphore, #tpu.memory_space<semaphore_mem>>) src(%dma_wait3A_203 : memref<10240x64xf32, #tpu.memory_space<hbm>>) dst(%dma_wait3A_197 : memref<80x64xf32, #tpu.memory_space<vmem>>)
      %dma_start3A_204 = arith.constant 2 : i32
      %dma_start3A_205 = arith.constant 0 : i32
      %dma_start3A_206 = arith.constant 0 : i32
      %dma_start3A_207 = tpu.memref_slice %arg7[%dma_start3A_204, %dma_start3A_205, %dma_start3A_206] : memref<5x80x64xf32, #tpu.memory_space<vmem>> -> memref<1x80x64xf32, #tpu.memory_space<vmem>>
      %dma_start3A_208 = tpu.memref_squeeze %dma_start3A_207 : memref<1x80x64xf32, #tpu.memory_space<vmem>> -> memref<80x64xf32, #tpu.memory_space<vmem>>
      %dma_start3A_209 = arith.constant 0 : i32
      %dma_start3A_210 = tpu.memref_slice %arg6[%add3A_192, %dma_start3A_209] : memref<125x80xi32, #tpu.memory_space<vmem>> -> memref<1x80xi32, #tpu.memory_space<vmem>>
      %dma_start3A_211 = tpu.memref_squeeze %dma_start3A_210 : memref<1x80xi32, #tpu.memory_space<vmem>> -> memref<80xi32, #tpu.memory_space<vmem>>
      %dma_start3A_212 = arith.constant 0 : i32
      %dma_start3A_213 = arith.constant 0 : i32
      %dma_start3A_214 = tpu.memref_slice %arg8[%dma_start3A_212, %dma_start3A_213] : memref<10240x64xf32, #tpu.memory_space<vmem_shared>> -> memref<10240x64xf32, #tpu.memory_space<vmem_shared>>
      tpu.enqueue_indirect_dma source(%dma_start3A_208 : memref<80x64xf32, #tpu.memory_space<vmem>>) target(%dma_start3A_214 : memref<10240x64xf32, #tpu.memory_space<vmem_shared>>) offsets(%dma_start3A_211 : memref<80xi32, #tpu.memory_space<vmem>>) semaphore(%arg16 : memref<!tpu.dma_semaphore, #tpu.memory_space<semaphore_mem>>) {add = true}
      %mul3A_215 = arith.constant 5 : i32
      %mul3A_216 = arith.muli %scan3A_62, %mul3A_215 : i32
      %add3A_217 = arith.constant 3 : i32
      %add3A_218 = arith.addi %mul3A_216, %add3A_217 : i32
      %dma_wait3A_219 = arith.constant 3 : i32
      %dma_wait3A_220 = arith.constant 0 : i32
      %dma_wait3A_221 = arith.constant 0 : i32
      %dma_wait3A_222 = tpu.memref_slice %arg7[%dma_wait3A_219, %dma_wait3A_220, %dma_wait3A_221] : memref<5x80x64xf32, #tpu.memory_space<vmem>> -> memref<1x80x64xf32, #tpu.memory_space<vmem>>
      %dma_wait3A_223 = tpu.memref_squeeze %dma_wait3A_222 : memref<1x80x64xf32, #tpu.memory_space<vmem>> -> memref<80x64xf32, #tpu.memory_space<vmem>>
      %dma_wait3A_224 = arith.constant 0 : i32
      %dma_wait3A_225 = tpu.memref_slice %arg5[%add3A_111, %dma_wait3A_224] : memref<125x80xi32, #tpu.memory_space<vmem>> -> memref<1x80xi32, #tpu.memory_space<vmem>>
      %dma_wait3A_226 = tpu.memref_squeeze %dma_wait3A_225 : memref<1x80xi32, #tpu.memory_space<vmem>> -> memref<80xi32, #tpu.memory_space<vmem>>
      %dma_wait3A_227 = arith.constant 0 : i32
      %dma_wait3A_228 = arith.constant 0 : i32
      %dma_wait3A_229 = tpu.memref_slice %arg2[%dma_wait3A_227, %dma_wait3A_228] : memref<10240x64xf32, #tpu.memory_space<hbm>> -> memref<10240x64xf32, #tpu.memory_space<hbm>>
      tpu.wait_indirect_dma semaphore(%arg12 : memref<!tpu.dma_semaphore, #tpu.memory_space<semaphore_mem>>) src(%dma_wait3A_229 : memref<10240x64xf32, #tpu.memory_space<hbm>>) dst(%dma_wait3A_223 : memref<80x64xf32, #tpu.memory_space<vmem>>)
      %dma_start3A_230 = arith.constant 3 : i32
      %dma_start3A_231 = arith.constant 0 : i32
      %dma_start3A_232 = arith.constant 0 : i32
      %dma_start3A_233 = tpu.memref_slice %arg7[%dma_start3A_230, %dma_start3A_231, %dma_start3A_232] : memref<5x80x64xf32, #tpu.memory_space<vmem>> -> memref<1x80x64xf32, #tpu.memory_space<vmem>>
      %dma_start3A_234 = tpu.memref_squeeze %dma_start3A_233 : memref<1x80x64xf32, #tpu.memory_space<vmem>> -> memref<80x64xf32, #tpu.memory_space<vmem>>
      %dma_start3A_235 = arith.constant 0 : i32
      %dma_start3A_236 = tpu.memref_slice %arg6[%add3A_218, %dma_start3A_235] : memref<125x80xi32, #tpu.memory_space<vmem>> -> memref<1x80xi32, #tpu.memory_space<vmem>>
      %dma_start3A_237 = tpu.memref_squeeze %dma_start3A_236 : memref<1x80xi32, #tpu.memory_space<vmem>> -> memref<80xi32, #tpu.memory_space<vmem>>
      %dma_start3A_238 = arith.constant 0 : i32
      %dma_start3A_239 = arith.constant 0 : i32
      %dma_start3A_240 = tpu.memref_slice %arg8[%dma_start3A_238, %dma_start3A_239] : memref<10240x64xf32, #tpu.memory_space<vmem_shared>> -> memref<10240x64xf32, #tpu.memory_space<vmem_shared>>
      tpu.enqueue_indirect_dma source(%dma_start3A_234 : memref<80x64xf32, #tpu.memory_space<vmem>>) target(%dma_start3A_240 : memref<10240x64xf32, #tpu.memory_space<vmem_shared>>) offsets(%dma_start3A_237 : memref<80xi32, #tpu.memory_space<vmem>>) semaphore(%arg17 : memref<!tpu.dma_semaphore, #tpu.memory_space<semaphore_mem>>) {add = true}
      %mul3A_241 = arith.constant 5 : i32
      %mul3A_242 = arith.muli %scan3A_62, %mul3A_241 : i32
      %add3A_243 = arith.constant 4 : i32
      %add3A_244 = arith.addi %mul3A_242, %add3A_243 : i32
      %dma_wait3A_245 = arith.constant 4 : i32
      %dma_wait3A_246 = arith.constant 0 : i32
      %dma_wait3A_247 = arith.constant 0 : i32
      %dma_wait3A_248 = tpu.memref_slice %arg7[%dma_wait3A_245, %dma_wait3A_246, %dma_wait3A_247] : memref<5x80x64xf32, #tpu.memory_space<vmem>> -> memref<1x80x64xf32, #tpu.memory_space<vmem>>
      %dma_wait3A_249 = tpu.memref_squeeze %dma_wait3A_248 : memref<1x80x64xf32, #tpu.memory_space<vmem>> -> memref<80x64xf32, #tpu.memory_space<vmem>>
      %dma_wait3A_250 = arith.constant 0 : i32
      %dma_wait3A_251 = tpu.memref_slice %arg5[%add3A_126, %dma_wait3A_250] : memref<125x80xi32, #tpu.memory_space<vmem>> -> memref<1x80xi32, #tpu.memory_space<vmem>>
      %dma_wait3A_252 = tpu.memref_squeeze %dma_wait3A_251 : memref<1x80xi32, #tpu.memory_space<vmem>> -> memref<80xi32, #tpu.memory_space<vmem>>
      %dma_wait3A_253 = arith.constant 0 : i32
      %dma_wait3A_254 = arith.constant 0 : i32
      %dma_wait3A_255 = tpu.memref_slice %arg2[%dma_wait3A_253, %dma_wait3A_254] : memref<10240x64xf32, #tpu.memory_space<hbm>> -> memref<10240x64xf32, #tpu.memory_space<hbm>>
      tpu.wait_indirect_dma semaphore(%arg13 : memref<!tpu.dma_semaphore, #tpu.memory_space<semaphore_mem>>) src(%dma_wait3A_255 : memref<10240x64xf32, #tpu.memory_space<hbm>>) dst(%dma_wait3A_249 : memref<80x64xf32, #tpu.memory_space<vmem>>)
      %dma_start3A_256 = arith.constant 4 : i32
      %dma_start3A_257 = arith.constant 0 : i32
      %dma_start3A_258 = arith.constant 0 : i32
      %dma_start3A_259 = tpu.memref_slice %arg7[%dma_start3A_256, %dma_start3A_257, %dma_start3A_258] : memref<5x80x64xf32, #tpu.memory_space<vmem>> -> memref<1x80x64xf32, #tpu.memory_space<vmem>>
      %dma_start3A_260 = tpu.memref_squeeze %dma_start3A_259 : memref<1x80x64xf32, #tpu.memory_space<vmem>> -> memref<80x64xf32, #tpu.memory_space<vmem>>
      %dma_start3A_261 = arith.constant 0 : i32
      %dma_start3A_262 = tpu.memref_slice %arg6[%add3A_244, %dma_start3A_261] : memref<125x80xi32, #tpu.memory_space<vmem>> -> memref<1x80xi32, #tpu.memory_space<vmem>>
      %dma_start3A_263 = tpu.memref_squeeze %dma_start3A_262 : memref<1x80xi32, #tpu.memory_space<vmem>> -> memref<80xi32, #tpu.memory_space<vmem>>
      %dma_start3A_264 = arith.constant 0 : i32
      %dma_start3A_265 = arith.constant 0 : i32
      %dma_start3A_266 = tpu.memref_slice %arg8[%dma_start3A_264, %dma_start3A_265] : memref<10240x64xf32, #tpu.memory_space<vmem_shared>> -> memref<10240x64xf32, #tpu.memory_space<vmem_shared>>
      tpu.enqueue_indirect_dma source(%dma_start3A_260 : memref<80x64xf32, #tpu.memory_space<vmem>>) target(%dma_start3A_266 : memref<10240x64xf32, #tpu.memory_space<vmem_shared>>) offsets(%dma_start3A_263 : memref<80xi32, #tpu.memory_space<vmem>>) semaphore(%arg18 : memref<!tpu.dma_semaphore, #tpu.memory_space<semaphore_mem>>) {add = true}
      %dma_wait3A_267 = arith.constant 0 : i32
      %dma_wait3A_268 = arith.constant 0 : i32
      %dma_wait3A_269 = arith.constant 0 : i32
      %dma_wait3A_270 = tpu.memref_slice %arg7[%dma_wait3A_267, %dma_wait3A_268, %dma_wait3A_269] : memref<5x80x64xf32, #tpu.memory_space<vmem>> -> memref<1x80x64xf32, #tpu.memory_space<vmem>>
      %dma_wait3A_271 = tpu.memref_squeeze %dma_wait3A_270 : memref<1x80x64xf32, #tpu.memory_space<vmem>> -> memref<80x64xf32, #tpu.memory_space<vmem>>
      %dma_wait3A_272 = arith.constant 0 : i32
      %dma_wait3A_273 = tpu.memref_slice %arg6[%add3A_141, %dma_wait3A_272] : memref<125x80xi32, #tpu.memory_space<vmem>> -> memref<1x80xi32, #tpu.memory_space<vmem>>
      %dma_wait3A_274 = tpu.memref_squeeze %dma_wait3A_273 : memref<1x80xi32, #tpu.memory_space<vmem>> -> memref<80xi32, #tpu.memory_space<vmem>>
      %dma_wait3A_275 = arith.constant 0 : i32
      %dma_wait3A_276 = arith.constant 0 : i32
      %dma_wait3A_277 = tpu.memref_slice %arg8[%dma_wait3A_275, %dma_wait3A_276] : memref<10240x64xf32, #tpu.memory_space<vmem_shared>> -> memref<10240x64xf32, #tpu.memory_space<vmem_shared>>
      tpu.wait_indirect_dma semaphore(%arg14 : memref<!tpu.dma_semaphore, #tpu.memory_space<semaphore_mem>>) src(%dma_wait3A_271 : memref<80x64xf32, #tpu.memory_space<vmem>>) dst(%dma_wait3A_277 : memref<10240x64xf32, #tpu.memory_space<vmem_shared>>)
      %dma_wait3A_278 = arith.constant 1 : i32
      %dma_wait3A_279 = arith.constant 0 : i32
      %dma_wait3A_280 = arith.constant 0 : i32
      %dma_wait3A_281 = tpu.memref_slice %arg7[%dma_wait3A_278, %dma_wait3A_279, %dma_wait3A_280] : memref<5x80x64xf32, #tpu.memory_space<vmem>> -> memref<1x80x64xf32, #tpu.memory_space<vmem>>
      %dma_wait3A_282 = tpu.memref_squeeze %dma_wait3A_281 : memref<1x80x64xf32, #tpu.memory_space<vmem>> -> memref<80x64xf32, #tpu.memory_space<vmem>>
      %dma_wait3A_283 = arith.constant 0 : i32
      %dma_wait3A_284 = tpu.memref_slice %arg6[%add3A_166, %dma_wait3A_283] : memref<125x80xi32, #tpu.memory_space<vmem>> -> memref<1x80xi32, #tpu.memory_space<vmem>>
      %dma_wait3A_285 = tpu.memref_squeeze %dma_wait3A_284 : memref<1x80xi32, #tpu.memory_space<vmem>> -> memref<80xi32, #tpu.memory_space<vmem>>
      %dma_wait3A_286 = arith.constant 0 : i32
      %dma_wait3A_287 = arith.constant 0 : i32
      %dma_wait3A_288 = tpu.memref_slice %arg8[%dma_wait3A_286, %dma_wait3A_287] : memref<10240x64xf32, #tpu.memory_space<vmem_shared>> -> memref<10240x64xf32, #tpu.memory_space<vmem_shared>>
      tpu.wait_indirect_dma semaphore(%arg15 : memref<!tpu.dma_semaphore, #tpu.memory_space<semaphore_mem>>) src(%dma_wait3A_282 : memref<80x64xf32, #tpu.memory_space<vmem>>) dst(%dma_wait3A_288 : memref<10240x64xf32, #tpu.memory_space<vmem_shared>>)
      %dma_wait3A_289 = arith.constant 2 : i32
      %dma_wait3A_290 = arith.constant 0 : i32
      %dma_wait3A_291 = arith.constant 0 : i32
      %dma_wait3A_292 = tpu.memref_slice %arg7[%dma_wait3A_289, %dma_wait3A_290, %dma_wait3A_291] : memref<5x80x64xf32, #tpu.memory_space<vmem>> -> memref<1x80x64xf32, #tpu.memory_space<vmem>>
      %dma_wait3A_293 = tpu.memref_squeeze %dma_wait3A_292 : memref<1x80x64xf32, #tpu.memory_space<vmem>> -> memref<80x64xf32, #tpu.memory_space<vmem>>
      %dma_wait3A_294 = arith.constant 0 : i32
      %dma_wait3A_295 = tpu.memref_slice %arg6[%add3A_192, %dma_wait3A_294] : memref<125x80xi32, #tpu.memory_space<vmem>> -> memref<1x80xi32, #tpu.memory_space<vmem>>
      %dma_wait3A_296 = tpu.memref_squeeze %dma_wait3A_295 : memref<1x80xi32, #tpu.memory_space<vmem>> -> memref<80xi32, #tpu.memory_space<vmem>>
      %dma_wait3A_297 = arith.constant 0 : i32
      %dma_wait3A_298 = arith.constant 0 : i32
      %dma_wait3A_299 = tpu.memref_slice %arg8[%dma_wait3A_297, %dma_wait3A_298] : memref<10240x64xf32, #tpu.memory_space<vmem_shared>> -> memref<10240x64xf32, #tpu.memory_space<vmem_shared>>
      tpu.wait_indirect_dma semaphore(%arg16 : memref<!tpu.dma_semaphore, #tpu.memory_space<semaphore_mem>>) src(%dma_wait3A_293 : memref<80x64xf32, #tpu.memory_space<vmem>>) dst(%dma_wait3A_299 : memref<10240x64xf32, #tpu.memory_space<vmem_shared>>)
      %dma_wait3A_300 = arith.constant 3 : i32
      %dma_wait3A_301 = arith.constant 0 : i32
      %dma_wait3A_302 = arith.constant 0 : i32
      %dma_wait3A_303 = tpu.memref_slice %arg7[%dma_wait3A_300, %dma_wait3A_301, %dma_wait3A_302] : memref<5x80x64xf32, #tpu.memory_space<vmem>> -> memref<1x80x64xf32, #tpu.memory_space<vmem>>
      %dma_wait3A_304 = tpu.memref_squeeze %dma_wait3A_303 : memref<1x80x64xf32, #tpu.memory_space<vmem>> -> memref<80x64xf32, #tpu.memory_space<vmem>>
      %dma_wait3A_305 = arith.constant 0 : i32
      %dma_wait3A_306 = tpu.memref_slice %arg6[%add3A_218, %dma_wait3A_305] : memref<125x80xi32, #tpu.memory_space<vmem>> -> memref<1x80xi32, #tpu.memory_space<vmem>>
      %dma_wait3A_307 = tpu.memref_squeeze %dma_wait3A_306 : memref<1x80xi32, #tpu.memory_space<vmem>> -> memref<80xi32, #tpu.memory_space<vmem>>
      %dma_wait3A_308 = arith.constant 0 : i32
      %dma_wait3A_309 = arith.constant 0 : i32
      %dma_wait3A_310 = tpu.memref_slice %arg8[%dma_wait3A_308, %dma_wait3A_309] : memref<10240x64xf32, #tpu.memory_space<vmem_shared>> -> memref<10240x64xf32, #tpu.memory_space<vmem_shared>>
      tpu.wait_indirect_dma semaphore(%arg17 : memref<!tpu.dma_semaphore, #tpu.memory_space<semaphore_mem>>) src(%dma_wait3A_304 : memref<80x64xf32, #tpu.memory_space<vmem>>) dst(%dma_wait3A_310 : memref<10240x64xf32, #tpu.memory_space<vmem_shared>>)
      %dma_wait3A_311 = arith.constant 4 : i32
      %dma_wait3A_312 = arith.constant 0 : i32
      %dma_wait3A_313 = arith.constant 0 : i32
      %dma_wait3A_314 = tpu.memref_slice %arg7[%dma_wait3A_311, %dma_wait3A_312, %dma_wait3A_313] : memref<5x80x64xf32, #tpu.memory_space<vmem>> -> memref<1x80x64xf32, #tpu.memory_space<vmem>>
      %dma_wait3A_315 = tpu.memref_squeeze %dma_wait3A_314 : memref<1x80x64xf32, #tpu.memory_space<vmem>> -> memref<80x64xf32, #tpu.memory_space<vmem>>
      %dma_wait3A_316 = arith.constant 0 : i32
      %dma_wait3A_317 = tpu.memref_slice %arg6[%add3A_244, %dma_wait3A_316] : memref<125x80xi32, #tpu.memory_space<vmem>> -> memref<1x80xi32, #tpu.memory_space<vmem>>
      %dma_wait3A_318 = tpu.memref_squeeze %dma_wait3A_317 : memref<1x80xi32, #tpu.memory_space<vmem>> -> memref<80xi32, #tpu.memory_space<vmem>>
      %dma_wait3A_319 = arith.constant 0 : i32
      %dma_wait3A_320 = arith.constant 0 : i32
      %dma_wait3A_321 = tpu.memref_slice %arg8[%dma_wait3A_319, %dma_wait3A_320] : memref<10240x64xf32, #tpu.memory_space<vmem_shared>> -> memref<10240x64xf32, #tpu.memory_space<vmem_shared>>
      tpu.wait_indirect_dma semaphore(%arg18 : memref<!tpu.dma_semaphore, #tpu.memory_space<semaphore_mem>>) src(%dma_wait3A_315 : memref<80x64xf32, #tpu.memory_space<vmem>>) dst(%dma_wait3A_321 : memref<10240x64xf32, #tpu.memory_space<vmem_shared>>)
      %scan3A_322 = arith.constant 0 : i32
      scf.yield %scan3A_322 : i32
    }
    %scan3A_56 = arith.constant 25 : i32
    %barrier3A_57 = arith.constant 0 : index
    tpu.barrier barrier_id(%barrier3A_57)
    %mul3A_58 = arith.constant 640 : i32
    %mul3A_59 = arith.muli %arg1, %mul3A_58 : i32
    %mul3A_60 = arith.constant 640 : i32
    %mul3A_61 = arith.muli %arg1, %mul3A_60 : i32
    "tpu.region"() ({
      %run_scoped3A_62 = tpu.sem_alloc : memref<!tpu.dma_semaphore, #tpu.memory_space<semaphore_mem>>
      %dma_start3A = arith.constant 0 : i32
      %dma_start3A_63 = arith.constant 0 : i32
      %dma_start3A_64 = tpu.memref_slice %arg4[%arg0, %dma_start3A, %dma_start3A_63] : memref<2x10240x64xf32, #tpu.memory_space<hbm>> -> memref<1x10240x64xf32, #tpu.memory_space<hbm>>
      %dma_start3A_65 = tpu.memref_squeeze %dma_start3A_64 : memref<1x10240x64xf32, #tpu.memory_space<hbm>> -> memref<10240x64xf32, #tpu.memory_space<hbm>>
      %dma_start3A_66 = arith.constant 0 : i32
      %dma_start3A_67 = tpu.memref_slice %dma_start3A_65[%mul3A_61, %dma_start3A_66] : memref<10240x64xf32, #tpu.memory_space<hbm>> -> memref<640x64xf32, #tpu.memory_space<hbm>>
      %dma_start3A_68 = arith.constant 0 : i32
      %dma_start3A_69 = tpu.memref_slice %arg8[%mul3A_59, %dma_start3A_68] : memref<10240x64xf32, #tpu.memory_space<vmem_shared>> -> memref<640x64xf32, #tpu.memory_space<vmem_shared>>
      tpu.enqueue_dma source(%dma_start3A_69 : memref<640x64xf32, #tpu.memory_space<vmem_shared>>) target(%dma_start3A_67 : memref<640x64xf32, #tpu.memory_space<hbm>>) target_semaphore(%run_scoped3A_62 : memref<!tpu.dma_semaphore, #tpu.memory_space<semaphore_mem>>)
      %dma_wait3A = arith.constant 0 : i32
      %dma_wait3A_70 = arith.constant 0 : i32
      %dma_wait3A_71 = tpu.memref_slice %arg4[%arg0, %dma_wait3A, %dma_wait3A_70] : memref<2x10240x64xf32, #tpu.memory_space<hbm>> -> memref<1x10240x64xf32, #tpu.memory_space<hbm>>
      %dma_wait3A_72 = tpu.memref_squeeze %dma_wait3A_71 : memref<1x10240x64xf32, #tpu.memory_space<hbm>> -> memref<10240x64xf32, #tpu.memory_space<hbm>>
      %dma_wait3A_73 = arith.constant 0 : i32
      %dma_wait3A_74 = tpu.memref_slice %dma_wait3A_72[%mul3A_61, %dma_wait3A_73] : memref<10240x64xf32, #tpu.memory_space<hbm>> -> memref<640x64xf32, #tpu.memory_space<hbm>>
      %dma_wait3A_75 = arith.constant 0 : i32
      %dma_wait3A_76 = tpu.memref_slice %arg8[%mul3A_59, %dma_wait3A_75] : memref<10240x64xf32, #tpu.memory_space<vmem_shared>> -> memref<640x64xf32, #tpu.memory_space<vmem_shared>>
      tpu.wait_dma2 semaphore(%run_scoped3A_62 : memref<!tpu.dma_semaphore, #tpu.memory_space<semaphore_mem>>) src(%dma_wait3A_76 : memref<640x64xf32, #tpu.memory_space<vmem_shared>>) dst(%dma_wait3A_74 : memref<640x64xf32, #tpu.memory_space<hbm>>)
      tpu.yield
    }) : () -> ()
    return
  }
}

#map = affine_map<(d0, d1) -> (0, 0)>
#map1 = affine_map<(d0, d1) -> (0, 0, 0, 0)>
#map2 = affine_map<(d0, d1) -> (0, 0, 0)>
module attributes {stable_mosaic.version = 14 : i64} {
  func.func @edge_agg_f64(%arg0: i32, %arg1: i32, %arg2: memref<10240x64xf32, #tpu.memory_space<hbm>>, %arg3: memref<2x32x125x80xi32, #tpu.memory_space<hbm>>, %arg4: memref<2x10240x64xf32, #tpu.memory_space<hbm>>, %arg5: memref<125x80xi32, #tpu.memory_space<vmem>>, %arg6: memref<125x80xi32, #tpu.memory_space<vmem>>, %arg7: memref<5x80x64xf32, #tpu.memory_space<vmem>>, %arg8: memref<10240x64xf32, #tpu.memory_space<vmem_shared>>, %arg9: memref<!tpu.dma_semaphore, #tpu.memory_space<semaphore_mem>>, %arg10: memref<!tpu.dma_semaphore, #tpu.memory_space<semaphore_mem>>, %arg11: memref<!tpu.dma_semaphore, #tpu.memory_space<semaphore_mem>>, %arg12: memref<!tpu.dma_semaphore, #tpu.memory_space<semaphore_mem>>, %arg13: memref<!tpu.dma_semaphore, #tpu.memory_space<semaphore_mem>>, %arg14: memref<!tpu.dma_semaphore, #tpu.memory_space<semaphore_mem>>, %arg15: memref<!tpu.dma_semaphore, #tpu.memory_space<semaphore_mem>>, %arg16: memref<!tpu.dma_semaphore, #tpu.memory_space<semaphore_mem>>, %arg17: memref<!tpu.dma_semaphore, #tpu.memory_space<semaphore_mem>>, %arg18: memref<!tpu.dma_semaphore, #tpu.memory_space<semaphore_mem>>) attributes {dimension_semantics = [#tpu.dimension_semantics<core_parallel>, #tpu.dimension_semantics<subcore_parallel>], iteration_bounds = array<i64: 2, 16>, scalar_prefetch = 0 : i64, scratch_operands = 14 : i64, tpu.core_type = #tpu.core_type<sc_vector_subcore>, window_params = [{transform_indices = #map}, {transform_indices = #map1}, {transform_indices = #map2}]} {
    %broadcast_in_dim3A = arith.constant 0.000000e+00 : f32
    %broadcast_in_dim3A_0 = vector.broadcast %broadcast_in_dim3A : f32 to vector<16xf32>
    %scan3A = arith.constant 0 : i32
    %scan3A_1 = arith.constant 0 : i32
    %scan3A_2 = arith.constant 0 : i32
    %scan3A_3 = arith.constant 80 : i32
    %scan3A_4 = arith.addi %scan3A_2, %scan3A_3 : i32
    %scan3A_5 = arith.constant 1 : i32
    %scan3A_6 = scf.for %scan3A_62 = %scan3A_2 to %scan3A_4 step %scan3A_5 iter_args(%scan3A_63 = %scan3A_1) -> (i32)  : i32 {
      %swap3A = arith.constant 0 : i32
      %swap3A_64 = arith.constant 0 : i32
      %swap3A_65 = tpu.memref_slice %arg7[%scan3A, %swap3A, %swap3A_64] : memref<5x80x64xf32, #tpu.memory_space<vmem>> -> memref<1x80x64xf32, #tpu.memory_space<vmem>>
      %swap3A_66 = tpu.memref_squeeze %swap3A_65 : memref<1x80x64xf32, #tpu.memory_space<vmem>> -> memref<80x64xf32, #tpu.memory_space<vmem>>
      %swap3A_67 = arith.index_cast %scan3A_62 : i32 to index
      %swap3A_68 = arith.constant 0 : index
      %swap3A_69 = tpu.vector_load %swap3A_66[%swap3A_67, %swap3A_68] {strides = array<i32>} : memref<80x64xf32, #tpu.memory_space<vmem>>, vector<1x16xf32>,
      %swap3A_70 = vector.shape_cast %swap3A_69 : vector<1x16xf32> to vector<16xf32>
      %swap3A_71 = vector.shape_cast %broadcast_in_dim3A_0 : vector<16xf32> to vector<1x16xf32>
      tpu.vector_store %swap3A_66[%swap3A_67, %swap3A_68], %swap3A_71 {strides = array<i32>} : memref<80x64xf32, #tpu.memory_space<vmem>>, vector<1x16xf32>,
      %swap3A_72 = arith.constant 0 : i32
      %swap3A_73 = arith.constant 0 : i32
      %swap3A_74 = tpu.memref_slice %arg7[%scan3A, %swap3A_72, %swap3A_73] : memref<5x80x64xf32, #tpu.memory_space<vmem>> -> memref<1x80x64xf32, #tpu.memory_space<vmem>>
      %swap3A_75 = tpu.memref_squeeze %swap3A_74 : memref<1x80x64xf32, #tpu.memory_space<vmem>> -> memref<80x64xf32, #tpu.memory_space<vmem>>
      %swap3A_76 = arith.index_cast %scan3A_62 : i32 to index
      %swap3A_77 = arith.constant 16 : index
      %swap3A_78 = tpu.vector_load %swap3A_75[%swap3A_76, %swap3A_77] {strides = array<i32>} : memref<80x64xf32, #tpu.memory_space<vmem>>, vector<1x16xf32>,
      %swap3A_79 = vector.shape_cast %swap3A_78 : vector<1x16xf32> to vector<16xf32>
      %swap3A_80 = vector.shape_cast %broadcast_in_dim3A_0 : vector<16xf32> to vector<1x16xf32>
      tpu.vector_store %swap3A_75[%swap3A_76, %swap3A_77], %swap3A_80 {strides = array<i32>} : memref<80x64xf32, #tpu.memory_space<vmem>>, vector<1x16xf32>,
      %swap3A_81 = arith.constant 0 : i32
      %swap3A_82 = arith.constant 0 : i32
      %swap3A_83 = tpu.memref_slice %arg7[%scan3A, %swap3A_81, %swap3A_82] : memref<5x80x64xf32, #tpu.memory_space<vmem>> -> memref<1x80x64xf32, #tpu.memory_space<vmem>>
      %swap3A_84 = tpu.memref_squeeze %swap3A_83 : memref<1x80x64xf32, #tpu.memory_space<vmem>> -> memref<80x64xf32, #tpu.memory_space<vmem>>
      %swap3A_85 = arith.index_cast %scan3A_62 : i32 to index
      %swap3A_86 = arith.constant 32 : index
      %swap3A_87 = tpu.vector_load %swap3A_84[%swap3A_85, %swap3A_86] {strides = array<i32>} : memref<80x64xf32, #tpu.memory_space<vmem>>, vector<1x16xf32>,
      %swap3A_88 = vector.shape_cast %swap3A_87 : vector<1x16xf32> to vector<16xf32>
      %swap3A_89 = vector.shape_cast %broadcast_in_dim3A_0 : vector<16xf32> to vector<1x16xf32>
      tpu.vector_store %swap3A_84[%swap3A_85, %swap3A_86], %swap3A_89 {strides = array<i32>} : memref<80x64xf32, #tpu.memory_space<vmem>>, vector<1x16xf32>,
      %swap3A_90 = arith.constant 0 : i32
      %swap3A_91 = arith.constant 0 : i32
      %swap3A_92 = tpu.memref_slice %arg7[%scan3A, %swap3A_90, %swap3A_91] : memref<5x80x64xf32, #tpu.memory_space<vmem>> -> memref<1x80x64xf32, #tpu.memory_space<vmem>>
      %swap3A_93 = tpu.memref_squeeze %swap3A_92 : memref<1x80x64xf32, #tpu.memory_space<vmem>> -> memref<80x64xf32, #tpu.memory_space<vmem>>
      %swap3A_94 = arith.index_cast %scan3A_62 : i32 to index
      %swap3A_95 = arith.constant 48 : index
      %swap3A_96 = tpu.vector_load %swap3A_93[%swap3A_94, %swap3A_95] {strides = array<i32>} : memref<80x64xf32, #tpu.memory_space<vmem>>, vector<1x16xf32>,
      %swap3A_97 = vector.shape_cast %swap3A_96 : vector<1x16xf32> to vector<16xf32>
      %swap3A_98 = vector.shape_cast %broadcast_in_dim3A_0 : vector<16xf32> to vector<1x16xf32>
      tpu.vector_store %swap3A_93[%swap3A_94, %swap3A_95], %swap3A_98 {strides = array<i32>} : memref<80x64xf32, #tpu.memory_space<vmem>>, vector<1x16xf32>,
      %scan3A_99 = arith.constant 0 : i32
      scf.yield %scan3A_99 : i32
    }
    %scan3A_7 = arith.constant 80 : i32
    %mul3A = arith.constant 640 : i32
    %mul3A_8 = arith.muli %arg1, %mul3A : i32
    %add3A = arith.constant 0 : i32
    %add3A_9 = arith.addi %mul3A_8, %add3A : i32
    %run_scoped3A = arith.constant 0 : i32
    "tpu.region"() ({
      %run_scoped3A_62 = tpu.sem_alloc : memref<!tpu.dma_semaphore, #tpu.memory_space<semaphore_mem>>
      %dma_start3A = arith.constant 0 : i32
      %dma_start3A_63 = arith.constant 0 : i32
      %dma_start3A_64 = tpu.memref_slice %arg7[%run_scoped3A, %dma_start3A, %dma_start3A_63] : memref<5x80x64xf32, #tpu.memory_space<vmem>> -> memref<1x80x64xf32, #tpu.memory_space<vmem>>
      %dma_start3A_65 = tpu.memref_squeeze %dma_start3A_64 : memref<1x80x64xf32, #tpu.memory_space<vmem>> -> memref<80x64xf32, #tpu.memory_space<vmem>>
      %dma_start3A_66 = arith.constant 0 : i32
      %dma_start3A_67 = tpu.memref_slice %arg8[%add3A_9, %dma_start3A_66] : memref<10240x64xf32, #tpu.memory_space<vmem_shared>> -> memref<80x64xf32, #tpu.memory_space<vmem_shared>>
      %dma_start3A_68 = arith.constant 0 : i32
      %dma_start3A_69 = tpu.memref_slice %arg8[%add3A_9, %dma_start3A_68] : memref<10240x64xf32, #tpu.memory_space<vmem_shared>> -> memref<80x64xf32, #tpu.memory_space<vmem_shared>>
      %dma_start3A_70 = arith.constant 0 : i32
      %dma_start3A_71 = arith.constant 0 : i32
      %dma_start3A_72 = tpu.memref_slice %arg7[%run_scoped3A, %dma_start3A_70, %dma_start3A_71] : memref<5x80x64xf32, #tpu.memory_space<vmem>> -> memref<1x80x64xf32, #tpu.memory_space<vmem>>
      %dma_start3A_73 = tpu.memref_squeeze %dma_start3A_72 : memref<1x80x64xf32, #tpu.memory_space<vmem>> -> memref<80x64xf32, #tpu.memory_space<vmem>>
      tpu.enqueue_dma source(%dma_start3A_73 : memref<80x64xf32, #tpu.memory_space<vmem>>) target(%dma_start3A_69 : memref<80x64xf32, #tpu.memory_space<vmem_shared>>) target_semaphore(%run_scoped3A_62 : memref<!tpu.dma_semaphore, #tpu.memory_space<semaphore_mem>>)
      %dma_wait3A = arith.constant 0 : i32
      %dma_wait3A_74 = arith.constant 0 : i32
      %dma_wait3A_75 = tpu.memref_slice %arg7[%run_scoped3A, %dma_wait3A, %dma_wait3A_74] : memref<5x80x64xf32, #tpu.memory_space<vmem>> -> memref<1x80x64xf32, #tpu.memory_space<vmem>>
      %dma_wait3A_76 = tpu.memref_squeeze %dma_wait3A_75 : memref<1x80x64xf32, #tpu.memory_space<vmem>> -> memref<80x64xf32, #tpu.memory_space<vmem>>
      %dma_wait3A_77 = arith.constant 0 : i32
      %dma_wait3A_78 = tpu.memref_slice %arg8[%add3A_9, %dma_wait3A_77] : memref<10240x64xf32, #tpu.memory_space<vmem_shared>> -> memref<80x64xf32, #tpu.memory_space<vmem_shared>>
      %dma_wait3A_79 = arith.constant 0 : i32
      %dma_wait3A_80 = tpu.memref_slice %arg8[%add3A_9, %dma_wait3A_79] : memref<10240x64xf32, #tpu.memory_space<vmem_shared>> -> memref<80x64xf32, #tpu.memory_space<vmem_shared>>
      %dma_wait3A_81 = arith.constant 0 : i32
      %dma_wait3A_82 = arith.constant 0 : i32
      %dma_wait3A_83 = tpu.memref_slice %arg7[%run_scoped3A, %dma_wait3A_81, %dma_wait3A_82] : memref<5x80x64xf32, #tpu.memory_space<vmem>> -> memref<1x80x64xf32, #tpu.memory_space<vmem>>
      %dma_wait3A_84 = tpu.memref_squeeze %dma_wait3A_83 : memref<1x80x64xf32, #tpu.memory_space<vmem>> -> memref<80x64xf32, #tpu.memory_space<vmem>>
      tpu.wait_dma2 semaphore(%run_scoped3A_62 : memref<!tpu.dma_semaphore, #tpu.memory_space<semaphore_mem>>) src(%dma_wait3A_84 : memref<80x64xf32, #tpu.memory_space<vmem>>) dst(%dma_wait3A_80 : memref<80x64xf32, #tpu.memory_space<vmem_shared>>)
      tpu.yield
    }) : () -> ()
    %mul3A_10 = arith.constant 640 : i32
    %mul3A_11 = arith.muli %arg1, %mul3A_10 : i32
    %add3A_12 = arith.constant 80 : i32
    %add3A_13 = arith.addi %mul3A_11, %add3A_12 : i32
    %run_scoped3A_14 = arith.constant 0 : i32
    "tpu.region"() ({
      %run_scoped3A_62 = tpu.sem_alloc : memref<!tpu.dma_semaphore, #tpu.memory_space<semaphore_mem>>
      %dma_start3A = arith.constant 0 : i32
      %dma_start3A_63 = arith.constant 0 : i32
      %dma_start3A_64 = tpu.memref_slice %arg7[%run_scoped3A_14, %dma_start3A, %dma_start3A_63] : memref<5x80x64xf32, #tpu.memory_space<vmem>> -> memref<1x80x64xf32, #tpu.memory_space<vmem>>
      %dma_start3A_65 = tpu.memref_squeeze %dma_start3A_64 : memref<1x80x64xf32, #tpu.memory_space<vmem>> -> memref<80x64xf32, #tpu.memory_space<vmem>>
      %dma_start3A_66 = arith.constant 0 : i32
      %dma_start3A_67 = tpu.memref_slice %arg8[%add3A_13, %dma_start3A_66] : memref<10240x64xf32, #tpu.memory_space<vmem_shared>> -> memref<80x64xf32, #tpu.memory_space<vmem_shared>>
      %dma_start3A_68 = arith.constant 0 : i32
      %dma_start3A_69 = tpu.memref_slice %arg8[%add3A_13, %dma_start3A_68] : memref<10240x64xf32, #tpu.memory_space<vmem_shared>> -> memref<80x64xf32, #tpu.memory_space<vmem_shared>>
      %dma_start3A_70 = arith.constant 0 : i32
      %dma_start3A_71 = arith.constant 0 : i32
      %dma_start3A_72 = tpu.memref_slice %arg7[%run_scoped3A_14, %dma_start3A_70, %dma_start3A_71] : memref<5x80x64xf32, #tpu.memory_space<vmem>> -> memref<1x80x64xf32, #tpu.memory_space<vmem>>
      %dma_start3A_73 = tpu.memref_squeeze %dma_start3A_72 : memref<1x80x64xf32, #tpu.memory_space<vmem>> -> memref<80x64xf32, #tpu.memory_space<vmem>>
      tpu.enqueue_dma source(%dma_start3A_73 : memref<80x64xf32, #tpu.memory_space<vmem>>) target(%dma_start3A_69 : memref<80x64xf32, #tpu.memory_space<vmem_shared>>) target_semaphore(%run_scoped3A_62 : memref<!tpu.dma_semaphore, #tpu.memory_space<semaphore_mem>>)
      %dma_wait3A = arith.constant 0 : i32
      %dma_wait3A_74 = arith.constant 0 : i32
      %dma_wait3A_75 = tpu.memref_slice %arg7[%run_scoped3A_14, %dma_wait3A, %dma_wait3A_74] : memref<5x80x64xf32, #tpu.memory_space<vmem>> -> memref<1x80x64xf32, #tpu.memory_space<vmem>>
      %dma_wait3A_76 = tpu.memref_squeeze %dma_wait3A_75 : memref<1x80x64xf32, #tpu.memory_space<vmem>> -> memref<80x64xf32, #tpu.memory_space<vmem>>
      %dma_wait3A_77 = arith.constant 0 : i32
      %dma_wait3A_78 = tpu.memref_slice %arg8[%add3A_13, %dma_wait3A_77] : memref<10240x64xf32, #tpu.memory_space<vmem_shared>> -> memref<80x64xf32, #tpu.memory_space<vmem_shared>>
      %dma_wait3A_79 = arith.constant 0 : i32
      %dma_wait3A_80 = tpu.memref_slice %arg8[%add3A_13, %dma_wait3A_79] : memref<10240x64xf32, #tpu.memory_space<vmem_shared>> -> memref<80x64xf32, #tpu.memory_space<vmem_shared>>
      %dma_wait3A_81 = arith.constant 0 : i32
      %dma_wait3A_82 = arith.constant 0 : i32
      %dma_wait3A_83 = tpu.memref_slice %arg7[%run_scoped3A_14, %dma_wait3A_81, %dma_wait3A_82] : memref<5x80x64xf32, #tpu.memory_space<vmem>> -> memref<1x80x64xf32, #tpu.memory_space<vmem>>
      %dma_wait3A_84 = tpu.memref_squeeze %dma_wait3A_83 : memref<1x80x64xf32, #tpu.memory_space<vmem>> -> memref<80x64xf32, #tpu.memory_space<vmem>>
      tpu.wait_dma2 semaphore(%run_scoped3A_62 : memref<!tpu.dma_semaphore, #tpu.memory_space<semaphore_mem>>) src(%dma_wait3A_84 : memref<80x64xf32, #tpu.memory_space<vmem>>) dst(%dma_wait3A_80 : memref<80x64xf32, #tpu.memory_space<vmem_shared>>)
      tpu.yield
    }) : () -> ()
    %mul3A_15 = arith.constant 640 : i32
    %mul3A_16 = arith.muli %arg1, %mul3A_15 : i32
    %add3A_17 = arith.constant 160 : i32
    %add3A_18 = arith.addi %mul3A_16, %add3A_17 : i32
    %run_scoped3A_19 = arith.constant 0 : i32
    "tpu.region"() ({
      %run_scoped3A_62 = tpu.sem_alloc : memref<!tpu.dma_semaphore, #tpu.memory_space<semaphore_mem>>
      %dma_start3A = arith.constant 0 : i32
      %dma_start3A_63 = arith.constant 0 : i32
      %dma_start3A_64 = tpu.memref_slice %arg7[%run_scoped3A_19, %dma_start3A, %dma_start3A_63] : memref<5x80x64xf32, #tpu.memory_space<vmem>> -> memref<1x80x64xf32, #tpu.memory_space<vmem>>
      %dma_start3A_65 = tpu.memref_squeeze %dma_start3A_64 : memref<1x80x64xf32, #tpu.memory_space<vmem>> -> memref<80x64xf32, #tpu.memory_space<vmem>>
      %dma_start3A_66 = arith.constant 0 : i32
      %dma_start3A_67 = tpu.memref_slice %arg8[%add3A_18, %dma_start3A_66] : memref<10240x64xf32, #tpu.memory_space<vmem_shared>> -> memref<80x64xf32, #tpu.memory_space<vmem_shared>>
      %dma_start3A_68 = arith.constant 0 : i32
      %dma_start3A_69 = tpu.memref_slice %arg8[%add3A_18, %dma_start3A_68] : memref<10240x64xf32, #tpu.memory_space<vmem_shared>> -> memref<80x64xf32, #tpu.memory_space<vmem_shared>>
      %dma_start3A_70 = arith.constant 0 : i32
      %dma_start3A_71 = arith.constant 0 : i32
      %dma_start3A_72 = tpu.memref_slice %arg7[%run_scoped3A_19, %dma_start3A_70, %dma_start3A_71] : memref<5x80x64xf32, #tpu.memory_space<vmem>> -> memref<1x80x64xf32, #tpu.memory_space<vmem>>
      %dma_start3A_73 = tpu.memref_squeeze %dma_start3A_72 : memref<1x80x64xf32, #tpu.memory_space<vmem>> -> memref<80x64xf32, #tpu.memory_space<vmem>>
      tpu.enqueue_dma source(%dma_start3A_73 : memref<80x64xf32, #tpu.memory_space<vmem>>) target(%dma_start3A_69 : memref<80x64xf32, #tpu.memory_space<vmem_shared>>) target_semaphore(%run_scoped3A_62 : memref<!tpu.dma_semaphore, #tpu.memory_space<semaphore_mem>>)
      %dma_wait3A = arith.constant 0 : i32
      %dma_wait3A_74 = arith.constant 0 : i32
      %dma_wait3A_75 = tpu.memref_slice %arg7[%run_scoped3A_19, %dma_wait3A, %dma_wait3A_74] : memref<5x80x64xf32, #tpu.memory_space<vmem>> -> memref<1x80x64xf32, #tpu.memory_space<vmem>>
      %dma_wait3A_76 = tpu.memref_squeeze %dma_wait3A_75 : memref<1x80x64xf32, #tpu.memory_space<vmem>> -> memref<80x64xf32, #tpu.memory_space<vmem>>
      %dma_wait3A_77 = arith.constant 0 : i32
      %dma_wait3A_78 = tpu.memref_slice %arg8[%add3A_18, %dma_wait3A_77] : memref<10240x64xf32, #tpu.memory_space<vmem_shared>> -> memref<80x64xf32, #tpu.memory_space<vmem_shared>>
      %dma_wait3A_79 = arith.constant 0 : i32
      %dma_wait3A_80 = tpu.memref_slice %arg8[%add3A_18, %dma_wait3A_79] : memref<10240x64xf32, #tpu.memory_space<vmem_shared>> -> memref<80x64xf32, #tpu.memory_space<vmem_shared>>
      %dma_wait3A_81 = arith.constant 0 : i32
      %dma_wait3A_82 = arith.constant 0 : i32
      %dma_wait3A_83 = tpu.memref_slice %arg7[%run_scoped3A_19, %dma_wait3A_81, %dma_wait3A_82] : memref<5x80x64xf32, #tpu.memory_space<vmem>> -> memref<1x80x64xf32, #tpu.memory_space<vmem>>
      %dma_wait3A_84 = tpu.memref_squeeze %dma_wait3A_83 : memref<1x80x64xf32, #tpu.memory_space<vmem>> -> memref<80x64xf32, #tpu.memory_space<vmem>>
      tpu.wait_dma2 semaphore(%run_scoped3A_62 : memref<!tpu.dma_semaphore, #tpu.memory_space<semaphore_mem>>) src(%dma_wait3A_84 : memref<80x64xf32, #tpu.memory_space<vmem>>) dst(%dma_wait3A_80 : memref<80x64xf32, #tpu.memory_space<vmem_shared>>)
      tpu.yield
    }) : () -> ()
    %mul3A_20 = arith.constant 640 : i32
    %mul3A_21 = arith.muli %arg1, %mul3A_20 : i32
    %add3A_22 = arith.constant 240 : i32
    %add3A_23 = arith.addi %mul3A_21, %add3A_22 : i32
    %run_scoped3A_24 = arith.constant 0 : i32
    "tpu.region"() ({
      %run_scoped3A_62 = tpu.sem_alloc : memref<!tpu.dma_semaphore, #tpu.memory_space<semaphore_mem>>
      %dma_start3A = arith.constant 0 : i32
      %dma_start3A_63 = arith.constant 0 : i32
      %dma_start3A_64 = tpu.memref_slice %arg7[%run_scoped3A_24, %dma_start3A, %dma_start3A_63] : memref<5x80x64xf32, #tpu.memory_space<vmem>> -> memref<1x80x64xf32, #tpu.memory_space<vmem>>
      %dma_start3A_65 = tpu.memref_squeeze %dma_start3A_64 : memref<1x80x64xf32, #tpu.memory_space<vmem>> -> memref<80x64xf32, #tpu.memory_space<vmem>>
      %dma_start3A_66 = arith.constant 0 : i32
      %dma_start3A_67 = tpu.memref_slice %arg8[%add3A_23, %dma_start3A_66] : memref<10240x64xf32, #tpu.memory_space<vmem_shared>> -> memref<80x64xf32, #tpu.memory_space<vmem_shared>>
      %dma_start3A_68 = arith.constant 0 : i32
      %dma_start3A_69 = tpu.memref_slice %arg8[%add3A_23, %dma_start3A_68] : memref<10240x64xf32, #tpu.memory_space<vmem_shared>> -> memref<80x64xf32, #tpu.memory_space<vmem_shared>>
      %dma_start3A_70 = arith.constant 0 : i32
      %dma_start3A_71 = arith.constant 0 : i32
      %dma_start3A_72 = tpu.memref_slice %arg7[%run_scoped3A_24, %dma_start3A_70, %dma_start3A_71] : memref<5x80x64xf32, #tpu.memory_space<vmem>> -> memref<1x80x64xf32, #tpu.memory_space<vmem>>
      %dma_start3A_73 = tpu.memref_squeeze %dma_start3A_72 : memref<1x80x64xf32, #tpu.memory_space<vmem>> -> memref<80x64xf32, #tpu.memory_space<vmem>>
      tpu.enqueue_dma source(%dma_start3A_73 : memref<80x64xf32, #tpu.memory_space<vmem>>) target(%dma_start3A_69 : memref<80x64xf32, #tpu.memory_space<vmem_shared>>) target_semaphore(%run_scoped3A_62 : memref<!tpu.dma_semaphore, #tpu.memory_space<semaphore_mem>>)
      %dma_wait3A = arith.constant 0 : i32
      %dma_wait3A_74 = arith.constant 0 : i32
      %dma_wait3A_75 = tpu.memref_slice %arg7[%run_scoped3A_24, %dma_wait3A, %dma_wait3A_74] : memref<5x80x64xf32, #tpu.memory_space<vmem>> -> memref<1x80x64xf32, #tpu.memory_space<vmem>>
      %dma_wait3A_76 = tpu.memref_squeeze %dma_wait3A_75 : memref<1x80x64xf32, #tpu.memory_space<vmem>> -> memref<80x64xf32, #tpu.memory_space<vmem>>
      %dma_wait3A_77 = arith.constant 0 : i32
      %dma_wait3A_78 = tpu.memref_slice %arg8[%add3A_23, %dma_wait3A_77] : memref<10240x64xf32, #tpu.memory_space<vmem_shared>> -> memref<80x64xf32, #tpu.memory_space<vmem_shared>>
      %dma_wait3A_79 = arith.constant 0 : i32
      %dma_wait3A_80 = tpu.memref_slice %arg8[%add3A_23, %dma_wait3A_79] : memref<10240x64xf32, #tpu.memory_space<vmem_shared>> -> memref<80x64xf32, #tpu.memory_space<vmem_shared>>
      %dma_wait3A_81 = arith.constant 0 : i32
      %dma_wait3A_82 = arith.constant 0 : i32
      %dma_wait3A_83 = tpu.memref_slice %arg7[%run_scoped3A_24, %dma_wait3A_81, %dma_wait3A_82] : memref<5x80x64xf32, #tpu.memory_space<vmem>> -> memref<1x80x64xf32, #tpu.memory_space<vmem>>
      %dma_wait3A_84 = tpu.memref_squeeze %dma_wait3A_83 : memref<1x80x64xf32, #tpu.memory_space<vmem>> -> memref<80x64xf32, #tpu.memory_space<vmem>>
      tpu.wait_dma2 semaphore(%run_scoped3A_62 : memref<!tpu.dma_semaphore, #tpu.memory_space<semaphore_mem>>) src(%dma_wait3A_84 : memref<80x64xf32, #tpu.memory_space<vmem>>) dst(%dma_wait3A_80 : memref<80x64xf32, #tpu.memory_space<vmem_shared>>)
      tpu.yield
    }) : () -> ()
    %mul3A_25 = arith.constant 640 : i32
    %mul3A_26 = arith.muli %arg1, %mul3A_25 : i32
    %add3A_27 = arith.constant 320 : i32
    %add3A_28 = arith.addi %mul3A_26, %add3A_27 : i32
    %run_scoped3A_29 = arith.constant 0 : i32
    "tpu.region"() ({
      %run_scoped3A_62 = tpu.sem_alloc : memref<!tpu.dma_semaphore, #tpu.memory_space<semaphore_mem>>
      %dma_start3A = arith.constant 0 : i32
      %dma_start3A_63 = arith.constant 0 : i32
      %dma_start3A_64 = tpu.memref_slice %arg7[%run_scoped3A_29, %dma_start3A, %dma_start3A_63] : memref<5x80x64xf32, #tpu.memory_space<vmem>> -> memref<1x80x64xf32, #tpu.memory_space<vmem>>
      %dma_start3A_65 = tpu.memref_squeeze %dma_start3A_64 : memref<1x80x64xf32, #tpu.memory_space<vmem>> -> memref<80x64xf32, #tpu.memory_space<vmem>>
      %dma_start3A_66 = arith.constant 0 : i32
      %dma_start3A_67 = tpu.memref_slice %arg8[%add3A_28, %dma_start3A_66] : memref<10240x64xf32, #tpu.memory_space<vmem_shared>> -> memref<80x64xf32, #tpu.memory_space<vmem_shared>>
      %dma_start3A_68 = arith.constant 0 : i32
      %dma_start3A_69 = tpu.memref_slice %arg8[%add3A_28, %dma_start3A_68] : memref<10240x64xf32, #tpu.memory_space<vmem_shared>> -> memref<80x64xf32, #tpu.memory_space<vmem_shared>>
      %dma_start3A_70 = arith.constant 0 : i32
      %dma_start3A_71 = arith.constant 0 : i32
      %dma_start3A_72 = tpu.memref_slice %arg7[%run_scoped3A_29, %dma_start3A_70, %dma_start3A_71] : memref<5x80x64xf32, #tpu.memory_space<vmem>> -> memref<1x80x64xf32, #tpu.memory_space<vmem>>
      %dma_start3A_73 = tpu.memref_squeeze %dma_start3A_72 : memref<1x80x64xf32, #tpu.memory_space<vmem>> -> memref<80x64xf32, #tpu.memory_space<vmem>>
      tpu.enqueue_dma source(%dma_start3A_73 : memref<80x64xf32, #tpu.memory_space<vmem>>) target(%dma_start3A_69 : memref<80x64xf32, #tpu.memory_space<vmem_shared>>) target_semaphore(%run_scoped3A_62 : memref<!tpu.dma_semaphore, #tpu.memory_space<semaphore_mem>>)
      %dma_wait3A = arith.constant 0 : i32
      %dma_wait3A_74 = arith.constant 0 : i32
      %dma_wait3A_75 = tpu.memref_slice %arg7[%run_scoped3A_29, %dma_wait3A, %dma_wait3A_74] : memref<5x80x64xf32, #tpu.memory_space<vmem>> -> memref<1x80x64xf32, #tpu.memory_space<vmem>>
      %dma_wait3A_76 = tpu.memref_squeeze %dma_wait3A_75 : memref<1x80x64xf32, #tpu.memory_space<vmem>> -> memref<80x64xf32, #tpu.memory_space<vmem>>
      %dma_wait3A_77 = arith.constant 0 : i32
      %dma_wait3A_78 = tpu.memref_slice %arg8[%add3A_28, %dma_wait3A_77] : memref<10240x64xf32, #tpu.memory_space<vmem_shared>> -> memref<80x64xf32, #tpu.memory_space<vmem_shared>>
      %dma_wait3A_79 = arith.constant 0 : i32
      %dma_wait3A_80 = tpu.memref_slice %arg8[%add3A_28, %dma_wait3A_79] : memref<10240x64xf32, #tpu.memory_space<vmem_shared>> -> memref<80x64xf32, #tpu.memory_space<vmem_shared>>
      %dma_wait3A_81 = arith.constant 0 : i32
      %dma_wait3A_82 = arith.constant 0 : i32
      %dma_wait3A_83 = tpu.memref_slice %arg7[%run_scoped3A_29, %dma_wait3A_81, %dma_wait3A_82] : memref<5x80x64xf32, #tpu.memory_space<vmem>> -> memref<1x80x64xf32, #tpu.memory_space<vmem>>
      %dma_wait3A_84 = tpu.memref_squeeze %dma_wait3A_83 : memref<1x80x64xf32, #tpu.memory_space<vmem>> -> memref<80x64xf32, #tpu.memory_space<vmem>>
      tpu.wait_dma2 semaphore(%run_scoped3A_62 : memref<!tpu.dma_semaphore, #tpu.memory_space<semaphore_mem>>) src(%dma_wait3A_84 : memref<80x64xf32, #tpu.memory_space<vmem>>) dst(%dma_wait3A_80 : memref<80x64xf32, #tpu.memory_space<vmem_shared>>)
      tpu.yield
    }) : () -> ()
    %mul3A_30 = arith.constant 640 : i32
    %mul3A_31 = arith.muli %arg1, %mul3A_30 : i32
    %add3A_32 = arith.constant 400 : i32
    %add3A_33 = arith.addi %mul3A_31, %add3A_32 : i32
    %run_scoped3A_34 = arith.constant 0 : i32
    "tpu.region"() ({
      %run_scoped3A_62 = tpu.sem_alloc : memref<!tpu.dma_semaphore, #tpu.memory_space<semaphore_mem>>
      %dma_start3A = arith.constant 0 : i32
      %dma_start3A_63 = arith.constant 0 : i32
      %dma_start3A_64 = tpu.memref_slice %arg7[%run_scoped3A_34, %dma_start3A, %dma_start3A_63] : memref<5x80x64xf32, #tpu.memory_space<vmem>> -> memref<1x80x64xf32, #tpu.memory_space<vmem>>
      %dma_start3A_65 = tpu.memref_squeeze %dma_start3A_64 : memref<1x80x64xf32, #tpu.memory_space<vmem>> -> memref<80x64xf32, #tpu.memory_space<vmem>>
      %dma_start3A_66 = arith.constant 0 : i32
      %dma_start3A_67 = tpu.memref_slice %arg8[%add3A_33, %dma_start3A_66] : memref<10240x64xf32, #tpu.memory_space<vmem_shared>> -> memref<80x64xf32, #tpu.memory_space<vmem_shared>>
      %dma_start3A_68 = arith.constant 0 : i32
      %dma_start3A_69 = tpu.memref_slice %arg8[%add3A_33, %dma_start3A_68] : memref<10240x64xf32, #tpu.memory_space<vmem_shared>> -> memref<80x64xf32, #tpu.memory_space<vmem_shared>>
      %dma_start3A_70 = arith.constant 0 : i32
      %dma_start3A_71 = arith.constant 0 : i32
      %dma_start3A_72 = tpu.memref_slice %arg7[%run_scoped3A_34, %dma_start3A_70, %dma_start3A_71] : memref<5x80x64xf32, #tpu.memory_space<vmem>> -> memref<1x80x64xf32, #tpu.memory_space<vmem>>
      %dma_start3A_73 = tpu.memref_squeeze %dma_start3A_72 : memref<1x80x64xf32, #tpu.memory_space<vmem>> -> memref<80x64xf32, #tpu.memory_space<vmem>>
      tpu.enqueue_dma source(%dma_start3A_73 : memref<80x64xf32, #tpu.memory_space<vmem>>) target(%dma_start3A_69 : memref<80x64xf32, #tpu.memory_space<vmem_shared>>) target_semaphore(%run_scoped3A_62 : memref<!tpu.dma_semaphore, #tpu.memory_space<semaphore_mem>>)
      %dma_wait3A = arith.constant 0 : i32
      %dma_wait3A_74 = arith.constant 0 : i32
      %dma_wait3A_75 = tpu.memref_slice %arg7[%run_scoped3A_34, %dma_wait3A, %dma_wait3A_74] : memref<5x80x64xf32, #tpu.memory_space<vmem>> -> memref<1x80x64xf32, #tpu.memory_space<vmem>>
      %dma_wait3A_76 = tpu.memref_squeeze %dma_wait3A_75 : memref<1x80x64xf32, #tpu.memory_space<vmem>> -> memref<80x64xf32, #tpu.memory_space<vmem>>
      %dma_wait3A_77 = arith.constant 0 : i32
      %dma_wait3A_78 = tpu.memref_slice %arg8[%add3A_33, %dma_wait3A_77] : memref<10240x64xf32, #tpu.memory_space<vmem_shared>> -> memref<80x64xf32, #tpu.memory_space<vmem_shared>>
      %dma_wait3A_79 = arith.constant 0 : i32
      %dma_wait3A_80 = tpu.memref_slice %arg8[%add3A_33, %dma_wait3A_79] : memref<10240x64xf32, #tpu.memory_space<vmem_shared>> -> memref<80x64xf32, #tpu.memory_space<vmem_shared>>
      %dma_wait3A_81 = arith.constant 0 : i32
      %dma_wait3A_82 = arith.constant 0 : i32
      %dma_wait3A_83 = tpu.memref_slice %arg7[%run_scoped3A_34, %dma_wait3A_81, %dma_wait3A_82] : memref<5x80x64xf32, #tpu.memory_space<vmem>> -> memref<1x80x64xf32, #tpu.memory_space<vmem>>
      %dma_wait3A_84 = tpu.memref_squeeze %dma_wait3A_83 : memref<1x80x64xf32, #tpu.memory_space<vmem>> -> memref<80x64xf32, #tpu.memory_space<vmem>>
      tpu.wait_dma2 semaphore(%run_scoped3A_62 : memref<!tpu.dma_semaphore, #tpu.memory_space<semaphore_mem>>) src(%dma_wait3A_84 : memref<80x64xf32, #tpu.memory_space<vmem>>) dst(%dma_wait3A_80 : memref<80x64xf32, #tpu.memory_space<vmem_shared>>)
      tpu.yield
    }) : () -> ()
    %mul3A_35 = arith.constant 640 : i32
    %mul3A_36 = arith.muli %arg1, %mul3A_35 : i32
    %add3A_37 = arith.constant 480 : i32
    %add3A_38 = arith.addi %mul3A_36, %add3A_37 : i32
    %run_scoped3A_39 = arith.constant 0 : i32
    "tpu.region"() ({
      %run_scoped3A_62 = tpu.sem_alloc : memref<!tpu.dma_semaphore, #tpu.memory_space<semaphore_mem>>
      %dma_start3A = arith.constant 0 : i32
      %dma_start3A_63 = arith.constant 0 : i32
      %dma_start3A_64 = tpu.memref_slice %arg7[%run_scoped3A_39, %dma_start3A, %dma_start3A_63] : memref<5x80x64xf32, #tpu.memory_space<vmem>> -> memref<1x80x64xf32, #tpu.memory_space<vmem>>
      %dma_start3A_65 = tpu.memref_squeeze %dma_start3A_64 : memref<1x80x64xf32, #tpu.memory_space<vmem>> -> memref<80x64xf32, #tpu.memory_space<vmem>>
      %dma_start3A_66 = arith.constant 0 : i32
      %dma_start3A_67 = tpu.memref_slice %arg8[%add3A_38, %dma_start3A_66] : memref<10240x64xf32, #tpu.memory_space<vmem_shared>> -> memref<80x64xf32, #tpu.memory_space<vmem_shared>>
      %dma_start3A_68 = arith.constant 0 : i32
      %dma_start3A_69 = tpu.memref_slice %arg8[%add3A_38, %dma_start3A_68] : memref<10240x64xf32, #tpu.memory_space<vmem_shared>> -> memref<80x64xf32, #tpu.memory_space<vmem_shared>>
      %dma_start3A_70 = arith.constant 0 : i32
      %dma_start3A_71 = arith.constant 0 : i32
      %dma_start3A_72 = tpu.memref_slice %arg7[%run_scoped3A_39, %dma_start3A_70, %dma_start3A_71] : memref<5x80x64xf32, #tpu.memory_space<vmem>> -> memref<1x80x64xf32, #tpu.memory_space<vmem>>
      %dma_start3A_73 = tpu.memref_squeeze %dma_start3A_72 : memref<1x80x64xf32, #tpu.memory_space<vmem>> -> memref<80x64xf32, #tpu.memory_space<vmem>>
      tpu.enqueue_dma source(%dma_start3A_73 : memref<80x64xf32, #tpu.memory_space<vmem>>) target(%dma_start3A_69 : memref<80x64xf32, #tpu.memory_space<vmem_shared>>) target_semaphore(%run_scoped3A_62 : memref<!tpu.dma_semaphore, #tpu.memory_space<semaphore_mem>>)
      %dma_wait3A = arith.constant 0 : i32
      %dma_wait3A_74 = arith.constant 0 : i32
      %dma_wait3A_75 = tpu.memref_slice %arg7[%run_scoped3A_39, %dma_wait3A, %dma_wait3A_74] : memref<5x80x64xf32, #tpu.memory_space<vmem>> -> memref<1x80x64xf32, #tpu.memory_space<vmem>>
      %dma_wait3A_76 = tpu.memref_squeeze %dma_wait3A_75 : memref<1x80x64xf32, #tpu.memory_space<vmem>> -> memref<80x64xf32, #tpu.memory_space<vmem>>
      %dma_wait3A_77 = arith.constant 0 : i32
      %dma_wait3A_78 = tpu.memref_slice %arg8[%add3A_38, %dma_wait3A_77] : memref<10240x64xf32, #tpu.memory_space<vmem_shared>> -> memref<80x64xf32, #tpu.memory_space<vmem_shared>>
      %dma_wait3A_79 = arith.constant 0 : i32
      %dma_wait3A_80 = tpu.memref_slice %arg8[%add3A_38, %dma_wait3A_79] : memref<10240x64xf32, #tpu.memory_space<vmem_shared>> -> memref<80x64xf32, #tpu.memory_space<vmem_shared>>
      %dma_wait3A_81 = arith.constant 0 : i32
      %dma_wait3A_82 = arith.constant 0 : i32
      %dma_wait3A_83 = tpu.memref_slice %arg7[%run_scoped3A_39, %dma_wait3A_81, %dma_wait3A_82] : memref<5x80x64xf32, #tpu.memory_space<vmem>> -> memref<1x80x64xf32, #tpu.memory_space<vmem>>
      %dma_wait3A_84 = tpu.memref_squeeze %dma_wait3A_83 : memref<1x80x64xf32, #tpu.memory_space<vmem>> -> memref<80x64xf32, #tpu.memory_space<vmem>>
      tpu.wait_dma2 semaphore(%run_scoped3A_62 : memref<!tpu.dma_semaphore, #tpu.memory_space<semaphore_mem>>) src(%dma_wait3A_84 : memref<80x64xf32, #tpu.memory_space<vmem>>) dst(%dma_wait3A_80 : memref<80x64xf32, #tpu.memory_space<vmem_shared>>)
      tpu.yield
    }) : () -> ()
    %mul3A_40 = arith.constant 640 : i32
    %mul3A_41 = arith.muli %arg1, %mul3A_40 : i32
    %add3A_42 = arith.constant 560 : i32
    %add3A_43 = arith.addi %mul3A_41, %add3A_42 : i32
    %run_scoped3A_44 = arith.constant 0 : i32
    "tpu.region"() ({
      %run_scoped3A_62 = tpu.sem_alloc : memref<!tpu.dma_semaphore, #tpu.memory_space<semaphore_mem>>
      %dma_start3A = arith.constant 0 : i32
      %dma_start3A_63 = arith.constant 0 : i32
      %dma_start3A_64 = tpu.memref_slice %arg7[%run_scoped3A_44, %dma_start3A, %dma_start3A_63] : memref<5x80x64xf32, #tpu.memory_space<vmem>> -> memref<1x80x64xf32, #tpu.memory_space<vmem>>
      %dma_start3A_65 = tpu.memref_squeeze %dma_start3A_64 : memref<1x80x64xf32, #tpu.memory_space<vmem>> -> memref<80x64xf32, #tpu.memory_space<vmem>>
      %dma_start3A_66 = arith.constant 0 : i32
      %dma_start3A_67 = tpu.memref_slice %arg8[%add3A_43, %dma_start3A_66] : memref<10240x64xf32, #tpu.memory_space<vmem_shared>> -> memref<80x64xf32, #tpu.memory_space<vmem_shared>>
      %dma_start3A_68 = arith.constant 0 : i32
      %dma_start3A_69 = tpu.memref_slice %arg8[%add3A_43, %dma_start3A_68] : memref<10240x64xf32, #tpu.memory_space<vmem_shared>> -> memref<80x64xf32, #tpu.memory_space<vmem_shared>>
      %dma_start3A_70 = arith.constant 0 : i32
      %dma_start3A_71 = arith.constant 0 : i32
      %dma_start3A_72 = tpu.memref_slice %arg7[%run_scoped3A_44, %dma_start3A_70, %dma_start3A_71] : memref<5x80x64xf32, #tpu.memory_space<vmem>> -> memref<1x80x64xf32, #tpu.memory_space<vmem>>
      %dma_start3A_73 = tpu.memref_squeeze %dma_start3A_72 : memref<1x80x64xf32, #tpu.memory_space<vmem>> -> memref<80x64xf32, #tpu.memory_space<vmem>>
      tpu.enqueue_dma source(%dma_start3A_73 : memref<80x64xf32, #tpu.memory_space<vmem>>) target(%dma_start3A_69 : memref<80x64xf32, #tpu.memory_space<vmem_shared>>) target_semaphore(%run_scoped3A_62 : memref<!tpu.dma_semaphore, #tpu.memory_space<semaphore_mem>>)
      %dma_wait3A = arith.constant 0 : i32
      %dma_wait3A_74 = arith.constant 0 : i32
      %dma_wait3A_75 = tpu.memref_slice %arg7[%run_scoped3A_44, %dma_wait3A, %dma_wait3A_74] : memref<5x80x64xf32, #tpu.memory_space<vmem>> -> memref<1x80x64xf32, #tpu.memory_space<vmem>>
      %dma_wait3A_76 = tpu.memref_squeeze %dma_wait3A_75 : memref<1x80x64xf32, #tpu.memory_space<vmem>> -> memref<80x64xf32, #tpu.memory_space<vmem>>
      %dma_wait3A_77 = arith.constant 0 : i32
      %dma_wait3A_78 = tpu.memref_slice %arg8[%add3A_43, %dma_wait3A_77] : memref<10240x64xf32, #tpu.memory_space<vmem_shared>> -> memref<80x64xf32, #tpu.memory_space<vmem_shared>>
      %dma_wait3A_79 = arith.constant 0 : i32
      %dma_wait3A_80 = tpu.memref_slice %arg8[%add3A_43, %dma_wait3A_79] : memref<10240x64xf32, #tpu.memory_space<vmem_shared>> -> memref<80x64xf32, #tpu.memory_space<vmem_shared>>
      %dma_wait3A_81 = arith.constant 0 : i32
      %dma_wait3A_82 = arith.constant 0 : i32
      %dma_wait3A_83 = tpu.memref_slice %arg7[%run_scoped3A_44, %dma_wait3A_81, %dma_wait3A_82] : memref<5x80x64xf32, #tpu.memory_space<vmem>> -> memref<1x80x64xf32, #tpu.memory_space<vmem>>
      %dma_wait3A_84 = tpu.memref_squeeze %dma_wait3A_83 : memref<1x80x64xf32, #tpu.memory_space<vmem>> -> memref<80x64xf32, #tpu.memory_space<vmem>>
      tpu.wait_dma2 semaphore(%run_scoped3A_62 : memref<!tpu.dma_semaphore, #tpu.memory_space<semaphore_mem>>) src(%dma_wait3A_84 : memref<80x64xf32, #tpu.memory_space<vmem>>) dst(%dma_wait3A_80 : memref<80x64xf32, #tpu.memory_space<vmem_shared>>)
      tpu.yield
    }) : () -> ()
    %barrier3A = arith.constant 0 : index
    tpu.barrier barrier_id(%barrier3A)
    %mul3A_45 = arith.constant 16 : i32
    %mul3A_46 = arith.muli %arg0, %mul3A_45 : i32
    %add3A_47 = arith.addi %mul3A_46, %arg1 : i32
    %run_scoped3A_48 = arith.constant 0 : i32
    "tpu.region"() ({
      %run_scoped3A_62 = tpu.sem_alloc : memref<!tpu.dma_semaphore, #tpu.memory_space<semaphore_mem>>
      %dma_start3A = arith.constant 0 : i32
      %dma_start3A_63 = arith.constant 0 : i32
      %dma_start3A_64 = arith.constant 0 : i32
      %dma_start3A_65 = tpu.memref_slice %arg3[%run_scoped3A_48, %dma_start3A, %dma_start3A_63, %dma_start3A_64] : memref<2x32x125x80xi32, #tpu.memory_space<hbm>> -> memref<1x32x125x80xi32, #tpu.memory_space<hbm>>
      %dma_start3A_66 = tpu.memref_squeeze %dma_start3A_65 : memref<1x32x125x80xi32, #tpu.memory_space<hbm>> -> memref<32x125x80xi32, #tpu.memory_space<hbm>>
      %dma_start3A_67 = arith.constant 0 : i32
      %dma_start3A_68 = arith.constant 0 : i32
      %dma_start3A_69 = tpu.memref_slice %dma_start3A_66[%add3A_47, %dma_start3A_67, %dma_start3A_68] : memref<32x125x80xi32, #tpu.memory_space<hbm>> -> memref<1x125x80xi32, #tpu.memory_space<hbm>>
      %dma_start3A_70 = tpu.memref_squeeze %dma_start3A_69 : memref<1x125x80xi32, #tpu.memory_space<hbm>> -> memref<125x80xi32, #tpu.memory_space<hbm>>
      %dma_start3A_71 = arith.constant 0 : i32
      %dma_start3A_72 = arith.constant 0 : i32
      %dma_start3A_73 = arith.constant 0 : i32
      %dma_start3A_74 = tpu.memref_slice %arg3[%run_scoped3A_48, %dma_start3A_71, %dma_start3A_72, %dma_start3A_73] : memref<2x32x125x80xi32, #tpu.memory_space<hbm>> -> memref<1x32x125x80xi32, #tpu.memory_space<hbm>>
      %dma_start3A_75 = tpu.memref_squeeze %dma_start3A_74 : memref<1x32x125x80xi32, #tpu.memory_space<hbm>> -> memref<32x125x80xi32, #tpu.memory_space<hbm>>
      %dma_start3A_76 = arith.constant 0 : i32
      %dma_start3A_77 = arith.constant 0 : i32
      %dma_start3A_78 = tpu.memref_slice %dma_start3A_75[%add3A_47, %dma_start3A_76, %dma_start3A_77] : memref<32x125x80xi32, #tpu.memory_space<hbm>> -> memref<1x125x80xi32, #tpu.memory_space<hbm>>
      %dma_start3A_79 = tpu.memref_squeeze %dma_start3A_78 : memref<1x125x80xi32, #tpu.memory_space<hbm>> -> memref<125x80xi32, #tpu.memory_space<hbm>>
      tpu.enqueue_dma source(%dma_start3A_79 : memref<125x80xi32, #tpu.memory_space<hbm>>) target(%arg5 : memref<125x80xi32, #tpu.memory_space<vmem>>) target_semaphore(%run_scoped3A_62 : memref<!tpu.dma_semaphore, #tpu.memory_space<semaphore_mem>>)
      %dma_wait3A = arith.constant 0 : i32
      %dma_wait3A_80 = arith.constant 0 : i32
      %dma_wait3A_81 = arith.constant 0 : i32
      %dma_wait3A_82 = tpu.memref_slice %arg3[%run_scoped3A_48, %dma_wait3A, %dma_wait3A_80, %dma_wait3A_81] : memref<2x32x125x80xi32, #tpu.memory_space<hbm>> -> memref<1x32x125x80xi32, #tpu.memory_space<hbm>>
      %dma_wait3A_83 = tpu.memref_squeeze %dma_wait3A_82 : memref<1x32x125x80xi32, #tpu.memory_space<hbm>> -> memref<32x125x80xi32, #tpu.memory_space<hbm>>
      %dma_wait3A_84 = arith.constant 0 : i32
      %dma_wait3A_85 = arith.constant 0 : i32
      %dma_wait3A_86 = tpu.memref_slice %dma_wait3A_83[%add3A_47, %dma_wait3A_84, %dma_wait3A_85] : memref<32x125x80xi32, #tpu.memory_space<hbm>> -> memref<1x125x80xi32, #tpu.memory_space<hbm>>
      %dma_wait3A_87 = tpu.memref_squeeze %dma_wait3A_86 : memref<1x125x80xi32, #tpu.memory_space<hbm>> -> memref<125x80xi32, #tpu.memory_space<hbm>>
      %dma_wait3A_88 = arith.constant 0 : i32
      %dma_wait3A_89 = arith.constant 0 : i32
      %dma_wait3A_90 = arith.constant 0 : i32
      %dma_wait3A_91 = tpu.memref_slice %arg3[%run_scoped3A_48, %dma_wait3A_88, %dma_wait3A_89, %dma_wait3A_90] : memref<2x32x125x80xi32, #tpu.memory_space<hbm>> -> memref<1x32x125x80xi32, #tpu.memory_space<hbm>>
      %dma_wait3A_92 = tpu.memref_squeeze %dma_wait3A_91 : memref<1x32x125x80xi32, #tpu.memory_space<hbm>> -> memref<32x125x80xi32, #tpu.memory_space<hbm>>
      %dma_wait3A_93 = arith.constant 0 : i32
      %dma_wait3A_94 = arith.constant 0 : i32
      %dma_wait3A_95 = tpu.memref_slice %dma_wait3A_92[%add3A_47, %dma_wait3A_93, %dma_wait3A_94] : memref<32x125x80xi32, #tpu.memory_space<hbm>> -> memref<1x125x80xi32, #tpu.memory_space<hbm>>
      %dma_wait3A_96 = tpu.memref_squeeze %dma_wait3A_95 : memref<1x125x80xi32, #tpu.memory_space<hbm>> -> memref<125x80xi32, #tpu.memory_space<hbm>>
      tpu.wait_dma2 semaphore(%run_scoped3A_62 : memref<!tpu.dma_semaphore, #tpu.memory_space<semaphore_mem>>) src(%dma_wait3A_96 : memref<125x80xi32, #tpu.memory_space<hbm>>) dst(%arg5 : memref<125x80xi32, #tpu.memory_space<vmem>>)
      tpu.yield
    }) : () -> ()
    %run_scoped3A_49 = arith.constant 1 : i32
    "tpu.region"() ({
      %run_scoped3A_62 = tpu.sem_alloc : memref<!tpu.dma_semaphore, #tpu.memory_space<semaphore_mem>>
      %dma_start3A = arith.constant 0 : i32
      %dma_start3A_63 = arith.constant 0 : i32
      %dma_start3A_64 = arith.constant 0 : i32
      %dma_start3A_65 = tpu.memref_slice %arg3[%run_scoped3A_49, %dma_start3A, %dma_start3A_63, %dma_start3A_64] : memref<2x32x125x80xi32, #tpu.memory_space<hbm>> -> memref<1x32x125x80xi32, #tpu.memory_space<hbm>>
      %dma_start3A_66 = tpu.memref_squeeze %dma_start3A_65 : memref<1x32x125x80xi32, #tpu.memory_space<hbm>> -> memref<32x125x80xi32, #tpu.memory_space<hbm>>
      %dma_start3A_67 = arith.constant 0 : i32
      %dma_start3A_68 = arith.constant 0 : i32
      %dma_start3A_69 = tpu.memref_slice %dma_start3A_66[%add3A_47, %dma_start3A_67, %dma_start3A_68] : memref<32x125x80xi32, #tpu.memory_space<hbm>> -> memref<1x125x80xi32, #tpu.memory_space<hbm>>
      %dma_start3A_70 = tpu.memref_squeeze %dma_start3A_69 : memref<1x125x80xi32, #tpu.memory_space<hbm>> -> memref<125x80xi32, #tpu.memory_space<hbm>>
      %dma_start3A_71 = arith.constant 0 : i32
      %dma_start3A_72 = arith.constant 0 : i32
      %dma_start3A_73 = arith.constant 0 : i32
      %dma_start3A_74 = tpu.memref_slice %arg3[%run_scoped3A_49, %dma_start3A_71, %dma_start3A_72, %dma_start3A_73] : memref<2x32x125x80xi32, #tpu.memory_space<hbm>> -> memref<1x32x125x80xi32, #tpu.memory_space<hbm>>
      %dma_start3A_75 = tpu.memref_squeeze %dma_start3A_74 : memref<1x32x125x80xi32, #tpu.memory_space<hbm>> -> memref<32x125x80xi32, #tpu.memory_space<hbm>>
      %dma_start3A_76 = arith.constant 0 : i32
      %dma_start3A_77 = arith.constant 0 : i32
      %dma_start3A_78 = tpu.memref_slice %dma_start3A_75[%add3A_47, %dma_start3A_76, %dma_start3A_77] : memref<32x125x80xi32, #tpu.memory_space<hbm>> -> memref<1x125x80xi32, #tpu.memory_space<hbm>>
      %dma_start3A_79 = tpu.memref_squeeze %dma_start3A_78 : memref<1x125x80xi32, #tpu.memory_space<hbm>> -> memref<125x80xi32, #tpu.memory_space<hbm>>
      tpu.enqueue_dma source(%dma_start3A_79 : memref<125x80xi32, #tpu.memory_space<hbm>>) target(%arg6 : memref<125x80xi32, #tpu.memory_space<vmem>>) target_semaphore(%run_scoped3A_62 : memref<!tpu.dma_semaphore, #tpu.memory_space<semaphore_mem>>)
      %dma_wait3A = arith.constant 0 : i32
      %dma_wait3A_80 = arith.constant 0 : i32
      %dma_wait3A_81 = arith.constant 0 : i32
      %dma_wait3A_82 = tpu.memref_slice %arg3[%run_scoped3A_49, %dma_wait3A, %dma_wait3A_80, %dma_wait3A_81] : memref<2x32x125x80xi32, #tpu.memory_space<hbm>> -> memref<1x32x125x80xi32, #tpu.memory_space<hbm>>
      %dma_wait3A_83 = tpu.memref_squeeze %dma_wait3A_82 : memref<1x32x125x80xi32, #tpu.memory_space<hbm>> -> memref<32x125x80xi32, #tpu.memory_space<hbm>>
      %dma_wait3A_84 = arith.constant 0 : i32
      %dma_wait3A_85 = arith.constant 0 : i32
      %dma_wait3A_86 = tpu.memref_slice %dma_wait3A_83[%add3A_47, %dma_wait3A_84, %dma_wait3A_85] : memref<32x125x80xi32, #tpu.memory_space<hbm>> -> memref<1x125x80xi32, #tpu.memory_space<hbm>>
      %dma_wait3A_87 = tpu.memref_squeeze %dma_wait3A_86 : memref<1x125x80xi32, #tpu.memory_space<hbm>> -> memref<125x80xi32, #tpu.memory_space<hbm>>
      %dma_wait3A_88 = arith.constant 0 : i32
      %dma_wait3A_89 = arith.constant 0 : i32
      %dma_wait3A_90 = arith.constant 0 : i32
      %dma_wait3A_91 = tpu.memref_slice %arg3[%run_scoped3A_49, %dma_wait3A_88, %dma_wait3A_89, %dma_wait3A_90] : memref<2x32x125x80xi32, #tpu.memory_space<hbm>> -> memref<1x32x125x80xi32, #tpu.memory_space<hbm>>
      %dma_wait3A_92 = tpu.memref_squeeze %dma_wait3A_91 : memref<1x32x125x80xi32, #tpu.memory_space<hbm>> -> memref<32x125x80xi32, #tpu.memory_space<hbm>>
      %dma_wait3A_93 = arith.constant 0 : i32
      %dma_wait3A_94 = arith.constant 0 : i32
      %dma_wait3A_95 = tpu.memref_slice %dma_wait3A_92[%add3A_47, %dma_wait3A_93, %dma_wait3A_94] : memref<32x125x80xi32, #tpu.memory_space<hbm>> -> memref<1x125x80xi32, #tpu.memory_space<hbm>>
      %dma_wait3A_96 = tpu.memref_squeeze %dma_wait3A_95 : memref<1x125x80xi32, #tpu.memory_space<hbm>> -> memref<125x80xi32, #tpu.memory_space<hbm>>
      tpu.wait_dma2 semaphore(%run_scoped3A_62 : memref<!tpu.dma_semaphore, #tpu.memory_space<semaphore_mem>>) src(%dma_wait3A_96 : memref<125x80xi32, #tpu.memory_space<hbm>>) dst(%arg6 : memref<125x80xi32, #tpu.memory_space<vmem>>)
      tpu.yield
    }) : () -> ()
    %scan3A_50 = arith.constant 0 : i32
    %scan3A_51 = arith.constant 0 : i32
    %scan3A_52 = arith.constant 25 : i32
    %scan3A_53 = arith.addi %scan3A_51, %scan3A_52 : i32
    %scan3A_54 = arith.constant 1 : i32
    %scan3A_55 = scf.for %scan3A_62 = %scan3A_51 to %scan3A_53 step %scan3A_54 iter_args(%scan3A_63 = %scan3A_50) -> (i32)  : i32 {
      %mul3A_64 = arith.constant 5 : i32
      %mul3A_65 = arith.muli %scan3A_62, %mul3A_64 : i32
      %add3A_66 = arith.constant 0 : i32
      %add3A_67 = arith.addi %mul3A_65, %add3A_66 : i32
      %dma_start3A = arith.constant 0 : i32
      %dma_start3A_68 = arith.constant 0 : i32
      %dma_start3A_69 = arith.constant 0 : i32
      %dma_start3A_70 = tpu.memref_slice %arg7[%dma_start3A, %dma_start3A_68, %dma_start3A_69] : memref<5x80x64xf32, #tpu.memory_space<vmem>> -> memref<1x80x64xf32, #tpu.memory_space<vmem>>
      %dma_start3A_71 = tpu.memref_squeeze %dma_start3A_70 : memref<1x80x64xf32, #tpu.memory_space<vmem>> -> memref<80x64xf32, #tpu.memory_space<vmem>>
      %dma_start3A_72 = arith.constant 0 : i32
      %dma_start3A_73 = tpu.memref_slice %arg5[%add3A_67, %dma_start3A_72] : memref<125x80xi32, #tpu.memory_space<vmem>> -> memref<1x80xi32, #tpu.memory_space<vmem>>
      %dma_start3A_74 = tpu.memref_squeeze %dma_start3A_73 : memref<1x80xi32, #tpu.memory_space<vmem>> -> memref<80xi32, #tpu.memory_space<vmem>>
      %dma_start3A_75 = arith.constant 0 : i32
      %dma_start3A_76 = arith.constant 0 : i32
      %dma_start3A_77 = tpu.memref_slice %arg2[%dma_start3A_75, %dma_start3A_76] : memref<10240x64xf32, #tpu.memory_space<hbm>> -> memref<10240x64xf32, #tpu.memory_space<hbm>>
      tpu.enqueue_indirect_dma source(%dma_start3A_77 : memref<10240x64xf32, #tpu.memory_space<hbm>>) target(%dma_start3A_71 : memref<80x64xf32, #tpu.memory_space<vmem>>) offsets(%dma_start3A_74 : memref<80xi32, #tpu.memory_space<vmem>>) semaphore(%arg9 : memref<!tpu.dma_semaphore, #tpu.memory_space<semaphore_mem>>)
      %mul3A_78 = arith.constant 5 : i32
      %mul3A_79 = arith.muli %scan3A_62, %mul3A_78 : i32
      %add3A_80 = arith.constant 1 : i32
      %add3A_81 = arith.addi %mul3A_79, %add3A_80 : i32
      %dma_start3A_82 = arith.constant 1 : i32
      %dma_start3A_83 = arith.constant 0 : i32
      %dma_start3A_84 = arith.constant 0 : i32
      %dma_start3A_85 = tpu.memref_slice %arg7[%dma_start3A_82, %dma_start3A_83, %dma_start3A_84] : memref<5x80x64xf32, #tpu.memory_space<vmem>> -> memref<1x80x64xf32, #tpu.memory_space<vmem>>
      %dma_start3A_86 = tpu.memref_squeeze %dma_start3A_85 : memref<1x80x64xf32, #tpu.memory_space<vmem>> -> memref<80x64xf32, #tpu.memory_space<vmem>>
      %dma_start3A_87 = arith.constant 0 : i32
      %dma_start3A_88 = tpu.memref_slice %arg5[%add3A_81, %dma_start3A_87] : memref<125x80xi32, #tpu.memory_space<vmem>> -> memref<1x80xi32, #tpu.memory_space<vmem>>
      %dma_start3A_89 = tpu.memref_squeeze %dma_start3A_88 : memref<1x80xi32, #tpu.memory_space<vmem>> -> memref<80xi32, #tpu.memory_space<vmem>>
      %dma_start3A_90 = arith.constant 0 : i32
      %dma_start3A_91 = arith.constant 0 : i32
      %dma_start3A_92 = tpu.memref_slice %arg2[%dma_start3A_90, %dma_start3A_91] : memref<10240x64xf32, #tpu.memory_space<hbm>> -> memref<10240x64xf32, #tpu.memory_space<hbm>>
      tpu.enqueue_indirect_dma source(%dma_start3A_92 : memref<10240x64xf32, #tpu.memory_space<hbm>>) target(%dma_start3A_86 : memref<80x64xf32, #tpu.memory_space<vmem>>) offsets(%dma_start3A_89 : memref<80xi32, #tpu.memory_space<vmem>>) semaphore(%arg10 : memref<!tpu.dma_semaphore, #tpu.memory_space<semaphore_mem>>)
      %mul3A_93 = arith.constant 5 : i32
      %mul3A_94 = arith.muli %scan3A_62, %mul3A_93 : i32
      %add3A_95 = arith.constant 2 : i32
      %add3A_96 = arith.addi %mul3A_94, %add3A_95 : i32
      %dma_start3A_97 = arith.constant 2 : i32
      %dma_start3A_98 = arith.constant 0 : i32
      %dma_start3A_99 = arith.constant 0 : i32
      %dma_start3A_100 = tpu.memref_slice %arg7[%dma_start3A_97, %dma_start3A_98, %dma_start3A_99] : memref<5x80x64xf32, #tpu.memory_space<vmem>> -> memref<1x80x64xf32, #tpu.memory_space<vmem>>
      %dma_start3A_101 = tpu.memref_squeeze %dma_start3A_100 : memref<1x80x64xf32, #tpu.memory_space<vmem>> -> memref<80x64xf32, #tpu.memory_space<vmem>>
      %dma_start3A_102 = arith.constant 0 : i32
      %dma_start3A_103 = tpu.memref_slice %arg5[%add3A_96, %dma_start3A_102] : memref<125x80xi32, #tpu.memory_space<vmem>> -> memref<1x80xi32, #tpu.memory_space<vmem>>
      %dma_start3A_104 = tpu.memref_squeeze %dma_start3A_103 : memref<1x80xi32, #tpu.memory_space<vmem>> -> memref<80xi32, #tpu.memory_space<vmem>>
      %dma_start3A_105 = arith.constant 0 : i32
      %dma_start3A_106 = arith.constant 0 : i32
      %dma_start3A_107 = tpu.memref_slice %arg2[%dma_start3A_105, %dma_start3A_106] : memref<10240x64xf32, #tpu.memory_space<hbm>> -> memref<10240x64xf32, #tpu.memory_space<hbm>>
      tpu.enqueue_indirect_dma source(%dma_start3A_107 : memref<10240x64xf32, #tpu.memory_space<hbm>>) target(%dma_start3A_101 : memref<80x64xf32, #tpu.memory_space<vmem>>) offsets(%dma_start3A_104 : memref<80xi32, #tpu.memory_space<vmem>>) semaphore(%arg11 : memref<!tpu.dma_semaphore, #tpu.memory_space<semaphore_mem>>)
      %mul3A_108 = arith.constant 5 : i32
      %mul3A_109 = arith.muli %scan3A_62, %mul3A_108 : i32
      %add3A_110 = arith.constant 3 : i32
      %add3A_111 = arith.addi %mul3A_109, %add3A_110 : i32
      %dma_start3A_112 = arith.constant 3 : i32
      %dma_start3A_113 = arith.constant 0 : i32
      %dma_start3A_114 = arith.constant 0 : i32
      %dma_start3A_115 = tpu.memref_slice %arg7[%dma_start3A_112, %dma_start3A_113, %dma_start3A_114] : memref<5x80x64xf32, #tpu.memory_space<vmem>> -> memref<1x80x64xf32, #tpu.memory_space<vmem>>
      %dma_start3A_116 = tpu.memref_squeeze %dma_start3A_115 : memref<1x80x64xf32, #tpu.memory_space<vmem>> -> memref<80x64xf32, #tpu.memory_space<vmem>>
      %dma_start3A_117 = arith.constant 0 : i32
      %dma_start3A_118 = tpu.memref_slice %arg5[%add3A_111, %dma_start3A_117] : memref<125x80xi32, #tpu.memory_space<vmem>> -> memref<1x80xi32, #tpu.memory_space<vmem>>
      %dma_start3A_119 = tpu.memref_squeeze %dma_start3A_118 : memref<1x80xi32, #tpu.memory_space<vmem>> -> memref<80xi32, #tpu.memory_space<vmem>>
      %dma_start3A_120 = arith.constant 0 : i32
      %dma_start3A_121 = arith.constant 0 : i32
      %dma_start3A_122 = tpu.memref_slice %arg2[%dma_start3A_120, %dma_start3A_121] : memref<10240x64xf32, #tpu.memory_space<hbm>> -> memref<10240x64xf32, #tpu.memory_space<hbm>>
      tpu.enqueue_indirect_dma source(%dma_start3A_122 : memref<10240x64xf32, #tpu.memory_space<hbm>>) target(%dma_start3A_116 : memref<80x64xf32, #tpu.memory_space<vmem>>) offsets(%dma_start3A_119 : memref<80xi32, #tpu.memory_space<vmem>>) semaphore(%arg12 : memref<!tpu.dma_semaphore, #tpu.memory_space<semaphore_mem>>)
      %mul3A_123 = arith.constant 5 : i32
      %mul3A_124 = arith.muli %scan3A_62, %mul3A_123 : i32
      %add3A_125 = arith.constant 4 : i32
      %add3A_126 = arith.addi %mul3A_124, %add3A_125 : i32
      %dma_start3A_127 = arith.constant 4 : i32
      %dma_start3A_128 = arith.constant 0 : i32
      %dma_start3A_129 = arith.constant 0 : i32
      %dma_start3A_130 = tpu.memref_slice %arg7[%dma_start3A_127, %dma_start3A_128, %dma_start3A_129] : memref<5x80x64xf32, #tpu.memory_space<vmem>> -> memref<1x80x64xf32, #tpu.memory_space<vmem>>
      %dma_start3A_131 = tpu.memref_squeeze %dma_start3A_130 : memref<1x80x64xf32, #tpu.memory_space<vmem>> -> memref<80x64xf32, #tpu.memory_space<vmem>>
      %dma_start3A_132 = arith.constant 0 : i32
      %dma_start3A_133 = tpu.memref_slice %arg5[%add3A_126, %dma_start3A_132] : memref<125x80xi32, #tpu.memory_space<vmem>> -> memref<1x80xi32, #tpu.memory_space<vmem>>
      %dma_start3A_134 = tpu.memref_squeeze %dma_start3A_133 : memref<1x80xi32, #tpu.memory_space<vmem>> -> memref<80xi32, #tpu.memory_space<vmem>>
      %dma_start3A_135 = arith.constant 0 : i32
      %dma_start3A_136 = arith.constant 0 : i32
      %dma_start3A_137 = tpu.memref_slice %arg2[%dma_start3A_135, %dma_start3A_136] : memref<10240x64xf32, #tpu.memory_space<hbm>> -> memref<10240x64xf32, #tpu.memory_space<hbm>>
      tpu.enqueue_indirect_dma source(%dma_start3A_137 : memref<10240x64xf32, #tpu.memory_space<hbm>>) target(%dma_start3A_131 : memref<80x64xf32, #tpu.memory_space<vmem>>) offsets(%dma_start3A_134 : memref<80xi32, #tpu.memory_space<vmem>>) semaphore(%arg13 : memref<!tpu.dma_semaphore, #tpu.memory_space<semaphore_mem>>)
      %mul3A_138 = arith.constant 5 : i32
      %mul3A_139 = arith.muli %scan3A_62, %mul3A_138 : i32
      %add3A_140 = arith.constant 0 : i32
      %add3A_141 = arith.addi %mul3A_139, %add3A_140 : i32
      %dma_wait3A = arith.constant 0 : i32
      %dma_wait3A_142 = arith.constant 0 : i32
      %dma_wait3A_143 = arith.constant 0 : i32
      %dma_wait3A_144 = tpu.memref_slice %arg7[%dma_wait3A, %dma_wait3A_142, %dma_wait3A_143] : memref<5x80x64xf32, #tpu.memory_space<vmem>> -> memref<1x80x64xf32, #tpu.memory_space<vmem>>
      %dma_wait3A_145 = tpu.memref_squeeze %dma_wait3A_144 : memref<1x80x64xf32, #tpu.memory_space<vmem>> -> memref<80x64xf32, #tpu.memory_space<vmem>>
      %dma_wait3A_146 = arith.constant 0 : i32
      %dma_wait3A_147 = tpu.memref_slice %arg5[%add3A_67, %dma_wait3A_146] : memref<125x80xi32, #tpu.memory_space<vmem>> -> memref<1x80xi32, #tpu.memory_space<vmem>>
      %dma_wait3A_148 = tpu.memref_squeeze %dma_wait3A_147 : memref<1x80xi32, #tpu.memory_space<vmem>> -> memref<80xi32, #tpu.memory_space<vmem>>
      %dma_wait3A_149 = arith.constant 0 : i32
      %dma_wait3A_150 = arith.constant 0 : i32
      %dma_wait3A_151 = tpu.memref_slice %arg2[%dma_wait3A_149, %dma_wait3A_150] : memref<10240x64xf32, #tpu.memory_space<hbm>> -> memref<10240x64xf32, #tpu.memory_space<hbm>>
      tpu.wait_indirect_dma semaphore(%arg9 : memref<!tpu.dma_semaphore, #tpu.memory_space<semaphore_mem>>) src(%dma_wait3A_151 : memref<10240x64xf32, #tpu.memory_space<hbm>>) dst(%dma_wait3A_145 : memref<80x64xf32, #tpu.memory_space<vmem>>)
      %dma_start3A_152 = arith.constant 0 : i32
      %dma_start3A_153 = arith.constant 0 : i32
      %dma_start3A_154 = arith.constant 0 : i32
      %dma_start3A_155 = tpu.memref_slice %arg7[%dma_start3A_152, %dma_start3A_153, %dma_start3A_154] : memref<5x80x64xf32, #tpu.memory_space<vmem>> -> memref<1x80x64xf32, #tpu.memory_space<vmem>>
      %dma_start3A_156 = tpu.memref_squeeze %dma_start3A_155 : memref<1x80x64xf32, #tpu.memory_space<vmem>> -> memref<80x64xf32, #tpu.memory_space<vmem>>
      %dma_start3A_157 = arith.constant 0 : i32
      %dma_start3A_158 = tpu.memref_slice %arg6[%add3A_141, %dma_start3A_157] : memref<125x80xi32, #tpu.memory_space<vmem>> -> memref<1x80xi32, #tpu.memory_space<vmem>>
      %dma_start3A_159 = tpu.memref_squeeze %dma_start3A_158 : memref<1x80xi32, #tpu.memory_space<vmem>> -> memref<80xi32, #tpu.memory_space<vmem>>
      %dma_start3A_160 = arith.constant 0 : i32
      %dma_start3A_161 = arith.constant 0 : i32
      %dma_start3A_162 = tpu.memref_slice %arg8[%dma_start3A_160, %dma_start3A_161] : memref<10240x64xf32, #tpu.memory_space<vmem_shared>> -> memref<10240x64xf32, #tpu.memory_space<vmem_shared>>
      tpu.enqueue_indirect_dma source(%dma_start3A_156 : memref<80x64xf32, #tpu.memory_space<vmem>>) target(%dma_start3A_162 : memref<10240x64xf32, #tpu.memory_space<vmem_shared>>) offsets(%dma_start3A_159 : memref<80xi32, #tpu.memory_space<vmem>>) semaphore(%arg14 : memref<!tpu.dma_semaphore, #tpu.memory_space<semaphore_mem>>) {add = true}
      %mul3A_163 = arith.constant 5 : i32
      %mul3A_164 = arith.muli %scan3A_62, %mul3A_163 : i32
      %add3A_165 = arith.constant 1 : i32
      %add3A_166 = arith.addi %mul3A_164, %add3A_165 : i32
      %dma_wait3A_167 = arith.constant 1 : i32
      %dma_wait3A_168 = arith.constant 0 : i32
      %dma_wait3A_169 = arith.constant 0 : i32
      %dma_wait3A_170 = tpu.memref_slice %arg7[%dma_wait3A_167, %dma_wait3A_168, %dma_wait3A_169] : memref<5x80x64xf32, #tpu.memory_space<vmem>> -> memref<1x80x64xf32, #tpu.memory_space<vmem>>
      %dma_wait3A_171 = tpu.memref_squeeze %dma_wait3A_170 : memref<1x80x64xf32, #tpu.memory_space<vmem>> -> memref<80x64xf32, #tpu.memory_space<vmem>>
      %dma_wait3A_172 = arith.constant 0 : i32
      %dma_wait3A_173 = tpu.memref_slice %arg5[%add3A_81, %dma_wait3A_172] : memref<125x80xi32, #tpu.memory_space<vmem>> -> memref<1x80xi32, #tpu.memory_space<vmem>>
      %dma_wait3A_174 = tpu.memref_squeeze %dma_wait3A_173 : memref<1x80xi32, #tpu.memory_space<vmem>> -> memref<80xi32, #tpu.memory_space<vmem>>
      %dma_wait3A_175 = arith.constant 0 : i32
      %dma_wait3A_176 = arith.constant 0 : i32
      %dma_wait3A_177 = tpu.memref_slice %arg2[%dma_wait3A_175, %dma_wait3A_176] : memref<10240x64xf32, #tpu.memory_space<hbm>> -> memref<10240x64xf32, #tpu.memory_space<hbm>>
      tpu.wait_indirect_dma semaphore(%arg10 : memref<!tpu.dma_semaphore, #tpu.memory_space<semaphore_mem>>) src(%dma_wait3A_177 : memref<10240x64xf32, #tpu.memory_space<hbm>>) dst(%dma_wait3A_171 : memref<80x64xf32, #tpu.memory_space<vmem>>)
      %dma_start3A_178 = arith.constant 1 : i32
      %dma_start3A_179 = arith.constant 0 : i32
      %dma_start3A_180 = arith.constant 0 : i32
      %dma_start3A_181 = tpu.memref_slice %arg7[%dma_start3A_178, %dma_start3A_179, %dma_start3A_180] : memref<5x80x64xf32, #tpu.memory_space<vmem>> -> memref<1x80x64xf32, #tpu.memory_space<vmem>>
      %dma_start3A_182 = tpu.memref_squeeze %dma_start3A_181 : memref<1x80x64xf32, #tpu.memory_space<vmem>> -> memref<80x64xf32, #tpu.memory_space<vmem>>
      %dma_start3A_183 = arith.constant 0 : i32
      %dma_start3A_184 = tpu.memref_slice %arg6[%add3A_166, %dma_start3A_183] : memref<125x80xi32, #tpu.memory_space<vmem>> -> memref<1x80xi32, #tpu.memory_space<vmem>>
      %dma_start3A_185 = tpu.memref_squeeze %dma_start3A_184 : memref<1x80xi32, #tpu.memory_space<vmem>> -> memref<80xi32, #tpu.memory_space<vmem>>
      %dma_start3A_186 = arith.constant 0 : i32
      %dma_start3A_187 = arith.constant 0 : i32
      %dma_start3A_188 = tpu.memref_slice %arg8[%dma_start3A_186, %dma_start3A_187] : memref<10240x64xf32, #tpu.memory_space<vmem_shared>> -> memref<10240x64xf32, #tpu.memory_space<vmem_shared>>
      tpu.enqueue_indirect_dma source(%dma_start3A_182 : memref<80x64xf32, #tpu.memory_space<vmem>>) target(%dma_start3A_188 : memref<10240x64xf32, #tpu.memory_space<vmem_shared>>) offsets(%dma_start3A_185 : memref<80xi32, #tpu.memory_space<vmem>>) semaphore(%arg15 : memref<!tpu.dma_semaphore, #tpu.memory_space<semaphore_mem>>) {add = true}
      %mul3A_189 = arith.constant 5 : i32
      %mul3A_190 = arith.muli %scan3A_62, %mul3A_189 : i32
      %add3A_191 = arith.constant 2 : i32
      %add3A_192 = arith.addi %mul3A_190, %add3A_191 : i32
      %dma_wait3A_193 = arith.constant 2 : i32
      %dma_wait3A_194 = arith.constant 0 : i32
      %dma_wait3A_195 = arith.constant 0 : i32
      %dma_wait3A_196 = tpu.memref_slice %arg7[%dma_wait3A_193, %dma_wait3A_194, %dma_wait3A_195] : memref<5x80x64xf32, #tpu.memory_space<vmem>> -> memref<1x80x64xf32, #tpu.memory_space<vmem>>
      %dma_wait3A_197 = tpu.memref_squeeze %dma_wait3A_196 : memref<1x80x64xf32, #tpu.memory_space<vmem>> -> memref<80x64xf32, #tpu.memory_space<vmem>>
      %dma_wait3A_198 = arith.constant 0 : i32
      %dma_wait3A_199 = tpu.memref_slice %arg5[%add3A_96, %dma_wait3A_198] : memref<125x80xi32, #tpu.memory_space<vmem>> -> memref<1x80xi32, #tpu.memory_space<vmem>>
      %dma_wait3A_200 = tpu.memref_squeeze %dma_wait3A_199 : memref<1x80xi32, #tpu.memory_space<vmem>> -> memref<80xi32, #tpu.memory_space<vmem>>
      %dma_wait3A_201 = arith.constant 0 : i32
      %dma_wait3A_202 = arith.constant 0 : i32
      %dma_wait3A_203 = tpu.memref_slice %arg2[%dma_wait3A_201, %dma_wait3A_202] : memref<10240x64xf32, #tpu.memory_space<hbm>> -> memref<10240x64xf32, #tpu.memory_space<hbm>>
      tpu.wait_indirect_dma semaphore(%arg11 : memref<!tpu.dma_semaphore, #tpu.memory_space<semaphore_mem>>) src(%dma_wait3A_203 : memref<10240x64xf32, #tpu.memory_space<hbm>>) dst(%dma_wait3A_197 : memref<80x64xf32, #tpu.memory_space<vmem>>)
      %dma_start3A_204 = arith.constant 2 : i32
      %dma_start3A_205 = arith.constant 0 : i32
      %dma_start3A_206 = arith.constant 0 : i32
      %dma_start3A_207 = tpu.memref_slice %arg7[%dma_start3A_204, %dma_start3A_205, %dma_start3A_206] : memref<5x80x64xf32, #tpu.memory_space<vmem>> -> memref<1x80x64xf32, #tpu.memory_space<vmem>>
      %dma_start3A_208 = tpu.memref_squeeze %dma_start3A_207 : memref<1x80x64xf32, #tpu.memory_space<vmem>> -> memref<80x64xf32, #tpu.memory_space<vmem>>
      %dma_start3A_209 = arith.constant 0 : i32
      %dma_start3A_210 = tpu.memref_slice %arg6[%add3A_192, %dma_start3A_209] : memref<125x80xi32, #tpu.memory_space<vmem>> -> memref<1x80xi32, #tpu.memory_space<vmem>>
      %dma_start3A_211 = tpu.memref_squeeze %dma_start3A_210 : memref<1x80xi32, #tpu.memory_space<vmem>> -> memref<80xi32, #tpu.memory_space<vmem>>
      %dma_start3A_212 = arith.constant 0 : i32
      %dma_start3A_213 = arith.constant 0 : i32
      %dma_start3A_214 = tpu.memref_slice %arg8[%dma_start3A_212, %dma_start3A_213] : memref<10240x64xf32, #tpu.memory_space<vmem_shared>> -> memref<10240x64xf32, #tpu.memory_space<vmem_shared>>
      tpu.enqueue_indirect_dma source(%dma_start3A_208 : memref<80x64xf32, #tpu.memory_space<vmem>>) target(%dma_start3A_214 : memref<10240x64xf32, #tpu.memory_space<vmem_shared>>) offsets(%dma_start3A_211 : memref<80xi32, #tpu.memory_space<vmem>>) semaphore(%arg16 : memref<!tpu.dma_semaphore, #tpu.memory_space<semaphore_mem>>) {add = true}
      %mul3A_215 = arith.constant 5 : i32
      %mul3A_216 = arith.muli %scan3A_62, %mul3A_215 : i32
      %add3A_217 = arith.constant 3 : i32
      %add3A_218 = arith.addi %mul3A_216, %add3A_217 : i32
      %dma_wait3A_219 = arith.constant 3 : i32
      %dma_wait3A_220 = arith.constant 0 : i32
      %dma_wait3A_221 = arith.constant 0 : i32
      %dma_wait3A_222 = tpu.memref_slice %arg7[%dma_wait3A_219, %dma_wait3A_220, %dma_wait3A_221] : memref<5x80x64xf32, #tpu.memory_space<vmem>> -> memref<1x80x64xf32, #tpu.memory_space<vmem>>
      %dma_wait3A_223 = tpu.memref_squeeze %dma_wait3A_222 : memref<1x80x64xf32, #tpu.memory_space<vmem>> -> memref<80x64xf32, #tpu.memory_space<vmem>>
      %dma_wait3A_224 = arith.constant 0 : i32
      %dma_wait3A_225 = tpu.memref_slice %arg5[%add3A_111, %dma_wait3A_224] : memref<125x80xi32, #tpu.memory_space<vmem>> -> memref<1x80xi32, #tpu.memory_space<vmem>>
      %dma_wait3A_226 = tpu.memref_squeeze %dma_wait3A_225 : memref<1x80xi32, #tpu.memory_space<vmem>> -> memref<80xi32, #tpu.memory_space<vmem>>
      %dma_wait3A_227 = arith.constant 0 : i32
      %dma_wait3A_228 = arith.constant 0 : i32
      %dma_wait3A_229 = tpu.memref_slice %arg2[%dma_wait3A_227, %dma_wait3A_228] : memref<10240x64xf32, #tpu.memory_space<hbm>> -> memref<10240x64xf32, #tpu.memory_space<hbm>>
      tpu.wait_indirect_dma semaphore(%arg12 : memref<!tpu.dma_semaphore, #tpu.memory_space<semaphore_mem>>) src(%dma_wait3A_229 : memref<10240x64xf32, #tpu.memory_space<hbm>>) dst(%dma_wait3A_223 : memref<80x64xf32, #tpu.memory_space<vmem>>)
      %dma_start3A_230 = arith.constant 3 : i32
      %dma_start3A_231 = arith.constant 0 : i32
      %dma_start3A_232 = arith.constant 0 : i32
      %dma_start3A_233 = tpu.memref_slice %arg7[%dma_start3A_230, %dma_start3A_231, %dma_start3A_232] : memref<5x80x64xf32, #tpu.memory_space<vmem>> -> memref<1x80x64xf32, #tpu.memory_space<vmem>>
      %dma_start3A_234 = tpu.memref_squeeze %dma_start3A_233 : memref<1x80x64xf32, #tpu.memory_space<vmem>> -> memref<80x64xf32, #tpu.memory_space<vmem>>
      %dma_start3A_235 = arith.constant 0 : i32
      %dma_start3A_236 = tpu.memref_slice %arg6[%add3A_218, %dma_start3A_235] : memref<125x80xi32, #tpu.memory_space<vmem>> -> memref<1x80xi32, #tpu.memory_space<vmem>>
      %dma_start3A_237 = tpu.memref_squeeze %dma_start3A_236 : memref<1x80xi32, #tpu.memory_space<vmem>> -> memref<80xi32, #tpu.memory_space<vmem>>
      %dma_start3A_238 = arith.constant 0 : i32
      %dma_start3A_239 = arith.constant 0 : i32
      %dma_start3A_240 = tpu.memref_slice %arg8[%dma_start3A_238, %dma_start3A_239] : memref<10240x64xf32, #tpu.memory_space<vmem_shared>> -> memref<10240x64xf32, #tpu.memory_space<vmem_shared>>
      tpu.enqueue_indirect_dma source(%dma_start3A_234 : memref<80x64xf32, #tpu.memory_space<vmem>>) target(%dma_start3A_240 : memref<10240x64xf32, #tpu.memory_space<vmem_shared>>) offsets(%dma_start3A_237 : memref<80xi32, #tpu.memory_space<vmem>>) semaphore(%arg17 : memref<!tpu.dma_semaphore, #tpu.memory_space<semaphore_mem>>) {add = true}
      %mul3A_241 = arith.constant 5 : i32
      %mul3A_242 = arith.muli %scan3A_62, %mul3A_241 : i32
      %add3A_243 = arith.constant 4 : i32
      %add3A_244 = arith.addi %mul3A_242, %add3A_243 : i32
      %dma_wait3A_245 = arith.constant 4 : i32
      %dma_wait3A_246 = arith.constant 0 : i32
      %dma_wait3A_247 = arith.constant 0 : i32
      %dma_wait3A_248 = tpu.memref_slice %arg7[%dma_wait3A_245, %dma_wait3A_246, %dma_wait3A_247] : memref<5x80x64xf32, #tpu.memory_space<vmem>> -> memref<1x80x64xf32, #tpu.memory_space<vmem>>
      %dma_wait3A_249 = tpu.memref_squeeze %dma_wait3A_248 : memref<1x80x64xf32, #tpu.memory_space<vmem>> -> memref<80x64xf32, #tpu.memory_space<vmem>>
      %dma_wait3A_250 = arith.constant 0 : i32
      %dma_wait3A_251 = tpu.memref_slice %arg5[%add3A_126, %dma_wait3A_250] : memref<125x80xi32, #tpu.memory_space<vmem>> -> memref<1x80xi32, #tpu.memory_space<vmem>>
      %dma_wait3A_252 = tpu.memref_squeeze %dma_wait3A_251 : memref<1x80xi32, #tpu.memory_space<vmem>> -> memref<80xi32, #tpu.memory_space<vmem>>
      %dma_wait3A_253 = arith.constant 0 : i32
      %dma_wait3A_254 = arith.constant 0 : i32
      %dma_wait3A_255 = tpu.memref_slice %arg2[%dma_wait3A_253, %dma_wait3A_254] : memref<10240x64xf32, #tpu.memory_space<hbm>> -> memref<10240x64xf32, #tpu.memory_space<hbm>>
      tpu.wait_indirect_dma semaphore(%arg13 : memref<!tpu.dma_semaphore, #tpu.memory_space<semaphore_mem>>) src(%dma_wait3A_255 : memref<10240x64xf32, #tpu.memory_space<hbm>>) dst(%dma_wait3A_249 : memref<80x64xf32, #tpu.memory_space<vmem>>)
      %dma_start3A_256 = arith.constant 4 : i32
      %dma_start3A_257 = arith.constant 0 : i32
      %dma_start3A_258 = arith.constant 0 : i32
      %dma_start3A_259 = tpu.memref_slice %arg7[%dma_start3A_256, %dma_start3A_257, %dma_start3A_258] : memref<5x80x64xf32, #tpu.memory_space<vmem>> -> memref<1x80x64xf32, #tpu.memory_space<vmem>>
      %dma_start3A_260 = tpu.memref_squeeze %dma_start3A_259 : memref<1x80x64xf32, #tpu.memory_space<vmem>> -> memref<80x64xf32, #tpu.memory_space<vmem>>
      %dma_start3A_261 = arith.constant 0 : i32
      %dma_start3A_262 = tpu.memref_slice %arg6[%add3A_244, %dma_start3A_261] : memref<125x80xi32, #tpu.memory_space<vmem>> -> memref<1x80xi32, #tpu.memory_space<vmem>>
      %dma_start3A_263 = tpu.memref_squeeze %dma_start3A_262 : memref<1x80xi32, #tpu.memory_space<vmem>> -> memref<80xi32, #tpu.memory_space<vmem>>
      %dma_start3A_264 = arith.constant 0 : i32
      %dma_start3A_265 = arith.constant 0 : i32
      %dma_start3A_266 = tpu.memref_slice %arg8[%dma_start3A_264, %dma_start3A_265] : memref<10240x64xf32, #tpu.memory_space<vmem_shared>> -> memref<10240x64xf32, #tpu.memory_space<vmem_shared>>
      tpu.enqueue_indirect_dma source(%dma_start3A_260 : memref<80x64xf32, #tpu.memory_space<vmem>>) target(%dma_start3A_266 : memref<10240x64xf32, #tpu.memory_space<vmem_shared>>) offsets(%dma_start3A_263 : memref<80xi32, #tpu.memory_space<vmem>>) semaphore(%arg18 : memref<!tpu.dma_semaphore, #tpu.memory_space<semaphore_mem>>) {add = true}
      %dma_wait3A_267 = arith.constant 0 : i32
      %dma_wait3A_268 = arith.constant 0 : i32
      %dma_wait3A_269 = arith.constant 0 : i32
      %dma_wait3A_270 = tpu.memref_slice %arg7[%dma_wait3A_267, %dma_wait3A_268, %dma_wait3A_269] : memref<5x80x64xf32, #tpu.memory_space<vmem>> -> memref<1x80x64xf32, #tpu.memory_space<vmem>>
      %dma_wait3A_271 = tpu.memref_squeeze %dma_wait3A_270 : memref<1x80x64xf32, #tpu.memory_space<vmem>> -> memref<80x64xf32, #tpu.memory_space<vmem>>
      %dma_wait3A_272 = arith.constant 0 : i32
      %dma_wait3A_273 = tpu.memref_slice %arg6[%add3A_141, %dma_wait3A_272] : memref<125x80xi32, #tpu.memory_space<vmem>> -> memref<1x80xi32, #tpu.memory_space<vmem>>
      %dma_wait3A_274 = tpu.memref_squeeze %dma_wait3A_273 : memref<1x80xi32, #tpu.memory_space<vmem>> -> memref<80xi32, #tpu.memory_space<vmem>>
      %dma_wait3A_275 = arith.constant 0 : i32
      %dma_wait3A_276 = arith.constant 0 : i32
      %dma_wait3A_277 = tpu.memref_slice %arg8[%dma_wait3A_275, %dma_wait3A_276] : memref<10240x64xf32, #tpu.memory_space<vmem_shared>> -> memref<10240x64xf32, #tpu.memory_space<vmem_shared>>
      tpu.wait_indirect_dma semaphore(%arg14 : memref<!tpu.dma_semaphore, #tpu.memory_space<semaphore_mem>>) src(%dma_wait3A_271 : memref<80x64xf32, #tpu.memory_space<vmem>>) dst(%dma_wait3A_277 : memref<10240x64xf32, #tpu.memory_space<vmem_shared>>)
      %dma_wait3A_278 = arith.constant 1 : i32
      %dma_wait3A_279 = arith.constant 0 : i32
      %dma_wait3A_280 = arith.constant 0 : i32
      %dma_wait3A_281 = tpu.memref_slice %arg7[%dma_wait3A_278, %dma_wait3A_279, %dma_wait3A_280] : memref<5x80x64xf32, #tpu.memory_space<vmem>> -> memref<1x80x64xf32, #tpu.memory_space<vmem>>
      %dma_wait3A_282 = tpu.memref_squeeze %dma_wait3A_281 : memref<1x80x64xf32, #tpu.memory_space<vmem>> -> memref<80x64xf32, #tpu.memory_space<vmem>>
      %dma_wait3A_283 = arith.constant 0 : i32
      %dma_wait3A_284 = tpu.memref_slice %arg6[%add3A_166, %dma_wait3A_283] : memref<125x80xi32, #tpu.memory_space<vmem>> -> memref<1x80xi32, #tpu.memory_space<vmem>>
      %dma_wait3A_285 = tpu.memref_squeeze %dma_wait3A_284 : memref<1x80xi32, #tpu.memory_space<vmem>> -> memref<80xi32, #tpu.memory_space<vmem>>
      %dma_wait3A_286 = arith.constant 0 : i32
      %dma_wait3A_287 = arith.constant 0 : i32
      %dma_wait3A_288 = tpu.memref_slice %arg8[%dma_wait3A_286, %dma_wait3A_287] : memref<10240x64xf32, #tpu.memory_space<vmem_shared>> -> memref<10240x64xf32, #tpu.memory_space<vmem_shared>>
      tpu.wait_indirect_dma semaphore(%arg15 : memref<!tpu.dma_semaphore, #tpu.memory_space<semaphore_mem>>) src(%dma_wait3A_282 : memref<80x64xf32, #tpu.memory_space<vmem>>) dst(%dma_wait3A_288 : memref<10240x64xf32, #tpu.memory_space<vmem_shared>>)
      %dma_wait3A_289 = arith.constant 2 : i32
      %dma_wait3A_290 = arith.constant 0 : i32
      %dma_wait3A_291 = arith.constant 0 : i32
      %dma_wait3A_292 = tpu.memref_slice %arg7[%dma_wait3A_289, %dma_wait3A_290, %dma_wait3A_291] : memref<5x80x64xf32, #tpu.memory_space<vmem>> -> memref<1x80x64xf32, #tpu.memory_space<vmem>>
      %dma_wait3A_293 = tpu.memref_squeeze %dma_wait3A_292 : memref<1x80x64xf32, #tpu.memory_space<vmem>> -> memref<80x64xf32, #tpu.memory_space<vmem>>
      %dma_wait3A_294 = arith.constant 0 : i32
      %dma_wait3A_295 = tpu.memref_slice %arg6[%add3A_192, %dma_wait3A_294] : memref<125x80xi32, #tpu.memory_space<vmem>> -> memref<1x80xi32, #tpu.memory_space<vmem>>
      %dma_wait3A_296 = tpu.memref_squeeze %dma_wait3A_295 : memref<1x80xi32, #tpu.memory_space<vmem>> -> memref<80xi32, #tpu.memory_space<vmem>>
      %dma_wait3A_297 = arith.constant 0 : i32
      %dma_wait3A_298 = arith.constant 0 : i32
      %dma_wait3A_299 = tpu.memref_slice %arg8[%dma_wait3A_297, %dma_wait3A_298] : memref<10240x64xf32, #tpu.memory_space<vmem_shared>> -> memref<10240x64xf32, #tpu.memory_space<vmem_shared>>
      tpu.wait_indirect_dma semaphore(%arg16 : memref<!tpu.dma_semaphore, #tpu.memory_space<semaphore_mem>>) src(%dma_wait3A_293 : memref<80x64xf32, #tpu.memory_space<vmem>>) dst(%dma_wait3A_299 : memref<10240x64xf32, #tpu.memory_space<vmem_shared>>)
      %dma_wait3A_300 = arith.constant 3 : i32
      %dma_wait3A_301 = arith.constant 0 : i32
      %dma_wait3A_302 = arith.constant 0 : i32
      %dma_wait3A_303 = tpu.memref_slice %arg7[%dma_wait3A_300, %dma_wait3A_301, %dma_wait3A_302] : memref<5x80x64xf32, #tpu.memory_space<vmem>> -> memref<1x80x64xf32, #tpu.memory_space<vmem>>
      %dma_wait3A_304 = tpu.memref_squeeze %dma_wait3A_303 : memref<1x80x64xf32, #tpu.memory_space<vmem>> -> memref<80x64xf32, #tpu.memory_space<vmem>>
      %dma_wait3A_305 = arith.constant 0 : i32
      %dma_wait3A_306 = tpu.memref_slice %arg6[%add3A_218, %dma_wait3A_305] : memref<125x80xi32, #tpu.memory_space<vmem>> -> memref<1x80xi32, #tpu.memory_space<vmem>>
      %dma_wait3A_307 = tpu.memref_squeeze %dma_wait3A_306 : memref<1x80xi32, #tpu.memory_space<vmem>> -> memref<80xi32, #tpu.memory_space<vmem>>
      %dma_wait3A_308 = arith.constant 0 : i32
      %dma_wait3A_309 = arith.constant 0 : i32
      %dma_wait3A_310 = tpu.memref_slice %arg8[%dma_wait3A_308, %dma_wait3A_309] : memref<10240x64xf32, #tpu.memory_space<vmem_shared>> -> memref<10240x64xf32, #tpu.memory_space<vmem_shared>>
      tpu.wait_indirect_dma semaphore(%arg17 : memref<!tpu.dma_semaphore, #tpu.memory_space<semaphore_mem>>) src(%dma_wait3A_304 : memref<80x64xf32, #tpu.memory_space<vmem>>) dst(%dma_wait3A_310 : memref<10240x64xf32, #tpu.memory_space<vmem_shared>>)
      %dma_wait3A_311 = arith.constant 4 : i32
      %dma_wait3A_312 = arith.constant 0 : i32
      %dma_wait3A_313 = arith.constant 0 : i32
      %dma_wait3A_314 = tpu.memref_slice %arg7[%dma_wait3A_311, %dma_wait3A_312, %dma_wait3A_313] : memref<5x80x64xf32, #tpu.memory_space<vmem>> -> memref<1x80x64xf32, #tpu.memory_space<vmem>>
      %dma_wait3A_315 = tpu.memref_squeeze %dma_wait3A_314 : memref<1x80x64xf32, #tpu.memory_space<vmem>> -> memref<80x64xf32, #tpu.memory_space<vmem>>
      %dma_wait3A_316 = arith.constant 0 : i32
      %dma_wait3A_317 = tpu.memref_slice %arg6[%add3A_244, %dma_wait3A_316] : memref<125x80xi32, #tpu.memory_space<vmem>> -> memref<1x80xi32, #tpu.memory_space<vmem>>
      %dma_wait3A_318 = tpu.memref_squeeze %dma_wait3A_317 : memref<1x80xi32, #tpu.memory_space<vmem>> -> memref<80xi32, #tpu.memory_space<vmem>>
      %dma_wait3A_319 = arith.constant 0 : i32
      %dma_wait3A_320 = arith.constant 0 : i32
      %dma_wait3A_321 = tpu.memref_slice %arg8[%dma_wait3A_319, %dma_wait3A_320] : memref<10240x64xf32, #tpu.memory_space<vmem_shared>> -> memref<10240x64xf32, #tpu.memory_space<vmem_shared>>
      tpu.wait_indirect_dma semaphore(%arg18 : memref<!tpu.dma_semaphore, #tpu.memory_space<semaphore_mem>>) src(%dma_wait3A_315 : memref<80x64xf32, #tpu.memory_space<vmem>>) dst(%dma_wait3A_321 : memref<10240x64xf32, #tpu.memory_space<vmem_shared>>)
      %scan3A_322 = arith.constant 0 : i32
      scf.yield %scan3A_322 : i32
    }
    %scan3A_56 = arith.constant 25 : i32
    %barrier3A_57 = arith.constant 0 : index
    tpu.barrier barrier_id(%barrier3A_57)
    %mul3A_58 = arith.constant 640 : i32
    %mul3A_59 = arith.muli %arg1, %mul3A_58 : i32
    %mul3A_60 = arith.constant 640 : i32
    %mul3A_61 = arith.muli %arg1, %mul3A_60 : i32
    "tpu.region"() ({
      %run_scoped3A_62 = tpu.sem_alloc : memref<!tpu.dma_semaphore, #tpu.memory_space<semaphore_mem>>
      %dma_start3A = arith.constant 0 : i32
      %dma_start3A_63 = arith.constant 0 : i32
      %dma_start3A_64 = tpu.memref_slice %arg4[%arg0, %dma_start3A, %dma_start3A_63] : memref<2x10240x64xf32, #tpu.memory_space<hbm>> -> memref<1x10240x64xf32, #tpu.memory_space<hbm>>
      %dma_start3A_65 = tpu.memref_squeeze %dma_start3A_64 : memref<1x10240x64xf32, #tpu.memory_space<hbm>> -> memref<10240x64xf32, #tpu.memory_space<hbm>>
      %dma_start3A_66 = arith.constant 0 : i32
      %dma_start3A_67 = tpu.memref_slice %dma_start3A_65[%mul3A_61, %dma_start3A_66] : memref<10240x64xf32, #tpu.memory_space<hbm>> -> memref<640x64xf32, #tpu.memory_space<hbm>>
      %dma_start3A_68 = arith.constant 0 : i32
      %dma_start3A_69 = tpu.memref_slice %arg8[%mul3A_59, %dma_start3A_68] : memref<10240x64xf32, #tpu.memory_space<vmem_shared>> -> memref<640x64xf32, #tpu.memory_space<vmem_shared>>
      tpu.enqueue_dma source(%dma_start3A_69 : memref<640x64xf32, #tpu.memory_space<vmem_shared>>) target(%dma_start3A_67 : memref<640x64xf32, #tpu.memory_space<hbm>>) target_semaphore(%run_scoped3A_62 : memref<!tpu.dma_semaphore, #tpu.memory_space<semaphore_mem>>)
      %dma_wait3A = arith.constant 0 : i32
      %dma_wait3A_70 = arith.constant 0 : i32
      %dma_wait3A_71 = tpu.memref_slice %arg4[%arg0, %dma_wait3A, %dma_wait3A_70] : memref<2x10240x64xf32, #tpu.memory_space<hbm>> -> memref<1x10240x64xf32, #tpu.memory_space<hbm>>
      %dma_wait3A_72 = tpu.memref_squeeze %dma_wait3A_71 : memref<1x10240x64xf32, #tpu.memory_space<hbm>> -> memref<10240x64xf32, #tpu.memory_space<hbm>>
      %dma_wait3A_73 = arith.constant 0 : i32
      %dma_wait3A_74 = tpu.memref_slice %dma_wait3A_72[%mul3A_61, %dma_wait3A_73] : memref<10240x64xf32, #tpu.memory_space<hbm>> -> memref<640x64xf32, #tpu.memory_space<hbm>>
      %dma_wait3A_75 = arith.constant 0 : i32
      %dma_wait3A_76 = tpu.memref_slice %arg8[%mul3A_59, %dma_wait3A_75] : memref<10240x64xf32, #tpu.memory_space<vmem_shared>> -> memref<640x64xf32, #tpu.memory_space<vmem_shared>>
      tpu.wait_dma2 semaphore(%run_scoped3A_62 : memref<!tpu.dma_semaphore, #tpu.memory_space<semaphore_mem>>) src(%dma_wait3A_76 : memref<640x64xf32, #tpu.memory_space<vmem_shared>>) dst(%dma_wait3A_74 : memref<640x64xf32, #tpu.memory_space<hbm>>)
      tpu.yield
    }) : () -> ()
    return
  }
}

module attributes {stable_mosaic.version = 14 : i64} {
  func.func @_tc1_body(%arg0: memref<10000x128xf32, #tpu.memory_space<vmem>>, %arg1: memref<128x128xf32, #tpu.memory_space<vmem>>, %arg2: memref<2x10240xf32, #tpu.memory_space<vmem>>, %arg3: memref<10240x64xf32, #tpu.memory_space<vmem>>, %arg4: memref<10240x64xf32, #tpu.memory_space<vmem>>, %arg5: memref<10000x1xf32, #tpu.memory_space<vmem>>) attributes {dimension_semantics = [], scalar_prefetch = 0 : i64, scratch_operands = 0 : i64, tpu.core_type = #tpu.core_type<tc>} {
    %get3A = arith.constant 0 : index
    %get3A_0 = arith.constant 0 : index
    %get3A_1 = vector.load %arg2[%get3A, %get3A_0] : memref<2x10240xf32, #tpu.memory_space<vmem>>, vector<1x10000xf32>
    %get3A_2 = vector.shape_cast %get3A_1 : vector<1x10000xf32> to vector<10000xf32>
    %get3A_3 = arith.constant 1 : index
    %get3A_4 = arith.constant 0 : index
    %get3A_5 = vector.load %arg2[%get3A_3, %get3A_4] : memref<2x10240xf32, #tpu.memory_space<vmem>>, vector<1x10000xf32>
    %get3A_6 = vector.shape_cast %get3A_5 : vector<1x10000xf32> to vector<10000xf32>
    %add3A = arith.addf %get3A_2, %get3A_6 : vector<10000xf32>
    %add3A_7 = arith.constant 1.000000e+00 : f32
    %add3A_8 = vector.broadcast %add3A_7 : f32 to vector<10000xf32>
    %add3A_9 = arith.addf %add3A, %add3A_8 : vector<10000xf32>
    %rsqrt3A = math.rsqrt %add3A_9 : vector<10000xf32>
    %broadcast_in_dim3A = vector.shape_cast %rsqrt3A : vector<10000xf32> to vector<10000x1xf32>
    %swap3A = arith.constant 0 : index
    %swap3A_10 = arith.constant 0 : index
    %swap3A_11 = vector.load %arg5[%swap3A, %swap3A_10] : memref<10000x1xf32, #tpu.memory_space<vmem>>, vector<10000x1xf32>
    tpu.vector_store %arg5[%swap3A, %swap3A_10], %broadcast_in_dim3A {strides = array<i32>} : memref<10000x1xf32, #tpu.memory_space<vmem>>, vector<10000x1xf32>,
    %get3A_12 = arith.constant 0 : index
    %get3A_13 = arith.constant 0 : index
    %get3A_14 = vector.load %arg0[%get3A_12, %get3A_13] : memref<10000x128xf32, #tpu.memory_space<vmem>>, vector<10000x128xf32>
    %get3A_15 = arith.constant 0 : index
    %get3A_16 = arith.constant 0 : index
    %get3A_17 = vector.load %arg1[%get3A_15, %get3A_16] : memref<128x128xf32, #tpu.memory_space<vmem>>, vector<128x128xf32>
    %dot_general3A = arith.constant dense<0.000000e+00> : vector<10000x128xf32>
    %dot_general3A_18 = tpu.matmul %get3A_14, %get3A_17, %dot_general3A {dimension_numbers = #tpu.dot_dimension_numbers<[1], [1], [0], [0], [0, 0, 1, 0], [], []>, transpose_lhs_hint = false} : vector<10000x128xf32>, vector<128x128xf32>, vector<10000x128xf32> -> vector<10000x128xf32>
    %mul3A = vector.broadcast %broadcast_in_dim3A : vector<10000x1xf32> to vector<10000x128xf32>
    %mul3A_19 = arith.mulf %dot_general3A_18, %mul3A : vector<10000x128xf32>
    %broadcast_in_dim3A_20 = arith.constant 0.000000e+00 : f32
    %broadcast_in_dim3A_21 = vector.broadcast %broadcast_in_dim3A_20 : f32 to vector<240x64xf32>
    %slice3A = vector.extract_strided_slice %mul3A_19 {offsets = [0, 0], sizes = [10000, 64], strides = [1, 1]} : vector<10000x128xf32> to vector<10000x64xf32>
    %swap3A_22 = arith.constant 0 : index
    %swap3A_23 = arith.constant 0 : index
    %swap3A_24 = vector.load %arg3[%swap3A_22, %swap3A_23] : memref<10240x64xf32, #tpu.memory_space<vmem>>, vector<10000x64xf32>
    tpu.vector_store %arg3[%swap3A_22, %swap3A_23], %slice3A {strides = array<i32>} : memref<10240x64xf32, #tpu.memory_space<vmem>>, vector<10000x64xf32>,
    %swap3A_25 = arith.constant 10000 : index
    %swap3A_26 = arith.constant 0 : index
    %swap3A_27 = vector.load %arg3[%swap3A_25, %swap3A_26] : memref<10240x64xf32, #tpu.memory_space<vmem>>, vector<240x64xf32>
    tpu.vector_store %arg3[%swap3A_25, %swap3A_26], %broadcast_in_dim3A_21 {strides = array<i32>} : memref<10240x64xf32, #tpu.memory_space<vmem>>, vector<240x64xf32>,
    %slice3A_28 = vector.extract_strided_slice %mul3A_19 {offsets = [0, 64], sizes = [10000, 64], strides = [1, 1]} : vector<10000x128xf32> to vector<10000x64xf32>
    %swap3A_29 = arith.constant 0 : index
    %swap3A_30 = arith.constant 0 : index
    %swap3A_31 = vector.load %arg4[%swap3A_29, %swap3A_30] : memref<10240x64xf32, #tpu.memory_space<vmem>>, vector<10000x64xf32>
    tpu.vector_store %arg4[%swap3A_29, %swap3A_30], %slice3A_28 {strides = array<i32>} : memref<10240x64xf32, #tpu.memory_space<vmem>>, vector<10000x64xf32>,
    %swap3A_32 = arith.constant 10000 : index
    %swap3A_33 = arith.constant 0 : index
    %swap3A_34 = vector.load %arg4[%swap3A_32, %swap3A_33] : memref<10240x64xf32, #tpu.memory_space<vmem>>, vector<240x64xf32>
    tpu.vector_store %arg4[%swap3A_32, %swap3A_33], %broadcast_in_dim3A_21 {strides = array<i32>} : memref<10240x64xf32, #tpu.memory_space<vmem>>, vector<240x64xf32>,
    return
  }
}

module attributes {stable_mosaic.version = 14 : i64} {
  func.func @_tc2h_body(%arg0: memref<2x10240x64xf32, #tpu.memory_space<vmem>>, %arg1: memref<10240x64xf32, #tpu.memory_space<vmem>>, %arg2: memref<10000x1xf32, #tpu.memory_space<vmem>>, %arg3: memref<10000x64xf32, #tpu.memory_space<vmem>>, %arg4: memref<64xf32, #tpu.memory_space<vmem>>, %arg5: memref<64xf32, #tpu.memory_space<vmem>>, %arg6: memref<64xf32, #tpu.memory_space<vmem>>, %arg7: memref<10000x64xf32, #tpu.memory_space<vmem>>) attributes {dimension_semantics = [], scalar_prefetch = 0 : i64, scratch_operands = 0 : i64, tpu.core_type = #tpu.core_type<tc>} {
    %get3A = arith.constant 0 : index
    %get3A_0 = arith.constant 0 : index
    %get3A_1 = vector.load %arg2[%get3A, %get3A_0] : memref<10000x1xf32, #tpu.memory_space<vmem>>, vector<10000x1xf32>
    %get3A_2 = arith.constant 0 : index
    %get3A_3 = arith.constant 0 : index
    %get3A_4 = arith.constant 0 : index
    %get3A_5 = vector.load %arg0[%get3A_2, %get3A_3, %get3A_4] : memref<2x10240x64xf32, #tpu.memory_space<vmem>>, vector<1x10000x64xf32>
    %get3A_6 = vector.shape_cast %get3A_5 : vector<1x10000x64xf32> to vector<10000x64xf32>
    %get3A_7 = arith.constant 1 : index
    %get3A_8 = arith.constant 0 : index
    %get3A_9 = arith.constant 0 : index
    %get3A_10 = vector.load %arg0[%get3A_7, %get3A_8, %get3A_9] : memref<2x10240x64xf32, #tpu.memory_space<vmem>>, vector<1x10000x64xf32>
    %get3A_11 = vector.shape_cast %get3A_10 : vector<1x10000x64xf32> to vector<10000x64xf32>
    %add3A = arith.addf %get3A_6, %get3A_11 : vector<10000x64xf32>
    %get3A_12 = arith.constant 0 : index
    %get3A_13 = arith.constant 0 : index
    %get3A_14 = vector.load %arg1[%get3A_12, %get3A_13] : memref<10240x64xf32, #tpu.memory_space<vmem>>, vector<10000x64xf32>
    %add3A_15 = arith.addf %add3A, %get3A_14 : vector<10000x64xf32>
    %mul3A = vector.broadcast %get3A_1 : vector<10000x1xf32> to vector<10000x64xf32>
    %mul3A_16 = arith.mulf %mul3A, %add3A_15 : vector<10000x64xf32>
    %get3A_17 = arith.constant 0 : index
    %get3A_18 = vector.load %arg4[%get3A_17] : memref<64xf32, #tpu.memory_space<vmem>>, vector<64xf32>
    %broadcast_in_dim3A = vector.shape_cast %get3A_18 : vector<64xf32> to vector<1x64xf32>
    %add3A_19 = vector.broadcast %broadcast_in_dim3A : vector<1x64xf32> to vector<10000x64xf32>
    %add3A_20 = arith.addf %mul3A_16, %add3A_19 : vector<10000x64xf32>
    %get3A_21 = arith.constant 0 : index
    %get3A_22 = vector.load %arg5[%get3A_21] : memref<64xf32, #tpu.memory_space<vmem>>, vector<64xf32>
    %get3A_23 = arith.constant 0 : index
    %get3A_24 = vector.load %arg6[%get3A_23] : memref<64xf32, #tpu.memory_space<vmem>>, vector<64xf32>
    %reduce_sum3A = arith.constant dense<0.000000e+00> : vector<64xf32>
    %reduce_sum3A_25 = vector.multi_reduction <add>, %add3A_20, %reduce_sum3A [0] : vector<10000x64xf32> to vector<64xf32>
    %broadcast_in_dim3A_26 = vector.shape_cast %reduce_sum3A_25 : vector<64xf32> to vector<1x64xf32>
    %div3A = arith.constant 1.000000e+04 : f32
    %div3A_27 = vector.broadcast %div3A : f32 to vector<1x64xf32>
    %div3A_28 = arith.divf %broadcast_in_dim3A_26, %div3A_27 : vector<1x64xf32>
    %sub3A = vector.broadcast %div3A_28 : vector<1x64xf32> to vector<10000x64xf32>
    %sub3A_29 = arith.subf %add3A_20, %sub3A : vector<10000x64xf32>
    %sub3A_30 = vector.broadcast %div3A_28 : vector<1x64xf32> to vector<10000x64xf32>
    %sub3A_31 = arith.subf %add3A_20, %sub3A_30 : vector<10000x64xf32>
    %mul3A_32 = arith.mulf %sub3A_29, %sub3A_31 : vector<10000x64xf32>
    %reduce_sum3A_33 = arith.constant dense<0.000000e+00> : vector<64xf32>
    %reduce_sum3A_34 = vector.multi_reduction <add>, %mul3A_32, %reduce_sum3A_33 [0] : vector<10000x64xf32> to vector<64xf32>
    %broadcast_in_dim3A_35 = vector.shape_cast %reduce_sum3A_34 : vector<64xf32> to vector<1x64xf32>
    %div3A_36 = arith.constant 1.000000e+04 : f32
    %div3A_37 = vector.broadcast %div3A_36 : f32 to vector<1x64xf32>
    %div3A_38 = arith.divf %broadcast_in_dim3A_35, %div3A_37 : vector<1x64xf32>
    %sub3A_39 = vector.broadcast %div3A_28 : vector<1x64xf32> to vector<10000x64xf32>
    %sub3A_40 = arith.subf %add3A_20, %sub3A_39 : vector<10000x64xf32>
    %add3A_41 = arith.constant 9.99999974E-6 : f32
    %add3A_42 = vector.broadcast %add3A_41 : f32 to vector<1x64xf32>
    %add3A_43 = arith.addf %div3A_38, %add3A_42 : vector<1x64xf32>
    %rsqrt3A = math.rsqrt %add3A_43 : vector<1x64xf32>
    %mul3A_44 = vector.broadcast %rsqrt3A : vector<1x64xf32> to vector<10000x64xf32>
    %mul3A_45 = arith.mulf %sub3A_40, %mul3A_44 : vector<10000x64xf32>
    %broadcast_in_dim3A_46 = vector.shape_cast %get3A_22 : vector<64xf32> to vector<1x64xf32>
    %mul3A_47 = vector.broadcast %broadcast_in_dim3A_46 : vector<1x64xf32> to vector<10000x64xf32>
    %mul3A_48 = arith.mulf %mul3A_45, %mul3A_47 : vector<10000x64xf32>
    %broadcast_in_dim3A_49 = vector.shape_cast %get3A_24 : vector<64xf32> to vector<1x64xf32>
    %add3A_50 = vector.broadcast %broadcast_in_dim3A_49 : vector<1x64xf32> to vector<10000x64xf32>
    %add3A_51 = arith.addf %mul3A_48, %add3A_50 : vector<10000x64xf32>
    %max3A = arith.constant 0.000000e+00 : f32
    %max3A_52 = vector.broadcast %max3A : f32 to vector<10000x64xf32>
    %max3A_53 = arith.maximumf %add3A_51, %max3A_52 : vector<10000x64xf32>
    %get3A_54 = arith.constant 0 : index
    %get3A_55 = arith.constant 0 : index
    %get3A_56 = vector.load %arg3[%get3A_54, %get3A_55] : memref<10000x64xf32, #tpu.memory_space<vmem>>, vector<10000x64xf32>
    %add3A_57 = arith.addf %max3A_53, %get3A_56 : vector<10000x64xf32>
    %max3A_58 = arith.constant 0.000000e+00 : f32
    %max3A_59 = vector.broadcast %max3A_58 : f32 to vector<10000x64xf32>
    %max3A_60 = arith.maximumf %add3A_57, %max3A_59 : vector<10000x64xf32>
    %swap3A = arith.constant 0 : index
    %swap3A_61 = arith.constant 0 : index
    %swap3A_62 = vector.load %arg7[%swap3A, %swap3A_61] : memref<10000x64xf32, #tpu.memory_space<vmem>>, vector<10000x64xf32>
    tpu.vector_store %arg7[%swap3A, %swap3A_61], %max3A_60 {strides = array<i32>} : memref<10000x64xf32, #tpu.memory_space<vmem>>, vector<10000x64xf32>,
    return
  }
}

module attributes {stable_mosaic.version = 14 : i64} {
  func.func @_tc2c_body(%arg0: memref<10000x64xf32, #tpu.memory_space<vmem>>, %arg1: memref<10000x64xf32, #tpu.memory_space<vmem>>, %arg2: memref<10000x1xf32, #tpu.memory_space<vmem>>, %arg3: memref<64x128xf32, #tpu.memory_space<vmem>>, %arg4: memref<64x128xf32, #tpu.memory_space<vmem>>, %arg5: memref<64xf32, #tpu.memory_space<vmem>>, %arg6: memref<10240x64xf32, #tpu.memory_space<vmem>>, %arg7: memref<10000x64xf32, #tpu.memory_space<vmem>>) attributes {dimension_semantics = [], scalar_prefetch = 0 : i64, scratch_operands = 0 : i64, tpu.core_type = #tpu.core_type<tc>} {
    %get3A = arith.constant 0 : index
    %get3A_0 = arith.constant 0 : index
    %get3A_1 = vector.load %arg2[%get3A, %get3A_0] : memref<10000x1xf32, #tpu.memory_space<vmem>>, vector<10000x1xf32>
    %get3A_2 = arith.constant 0 : index
    %get3A_3 = arith.constant 0 : index
    %get3A_4 = vector.load %arg0[%get3A_2, %get3A_3] : memref<10000x64xf32, #tpu.memory_space<vmem>>, vector<10000x64xf32>
    %get3A_5 = arith.constant 0 : index
    %get3A_6 = arith.constant 0 : index
    %get3A_7 = vector.load %arg1[%get3A_5, %get3A_6] : memref<10000x64xf32, #tpu.memory_space<vmem>>, vector<10000x64xf32>
    %get3A_8 = arith.constant 0 : index
    %get3A_9 = arith.constant 0 : index
    %get3A_10 = vector.load %arg3[%get3A_8, %get3A_9] : memref<64x128xf32, #tpu.memory_space<vmem>>, vector<64x128xf32>
    %get3A_11 = arith.constant 0 : index
    %get3A_12 = arith.constant 0 : index
    %get3A_13 = vector.load %arg4[%get3A_11, %get3A_12] : memref<64x128xf32, #tpu.memory_space<vmem>>, vector<64x128xf32>
    %slice3A = vector.extract_strided_slice %get3A_10 {offsets = [0, 0], sizes = [64, 64], strides = [1, 1]} : vector<64x128xf32> to vector<64x64xf32>
    %dot_general3A = arith.constant dense<0.000000e+00> : vector<10000x64xf32>
    %dot_general3A_14 = tpu.matmul %get3A_4, %slice3A, %dot_general3A {dimension_numbers = #tpu.dot_dimension_numbers<[1], [1], [0], [0], [0, 0, 1, 0], [], []>, transpose_lhs_hint = false} : vector<10000x64xf32>, vector<64x64xf32>, vector<10000x64xf32> -> vector<10000x64xf32>
    %slice3A_15 = vector.extract_strided_slice %get3A_10 {offsets = [0, 64], sizes = [64, 64], strides = [1, 1]} : vector<64x128xf32> to vector<64x64xf32>
    %dot_general3A_16 = arith.constant dense<0.000000e+00> : vector<10000x64xf32>
    %dot_general3A_17 = tpu.matmul %get3A_7, %slice3A_15, %dot_general3A_16 {dimension_numbers = #tpu.dot_dimension_numbers<[1], [1], [0], [0], [0, 0, 1, 0], [], []>, transpose_lhs_hint = false} : vector<10000x64xf32>, vector<64x64xf32>, vector<10000x64xf32> -> vector<10000x64xf32>
    %add3A = arith.addf %dot_general3A_14, %dot_general3A_17 : vector<10000x64xf32>
    %mul3A = vector.broadcast %get3A_1 : vector<10000x1xf32> to vector<10000x64xf32>
    %mul3A_18 = arith.mulf %add3A, %mul3A : vector<10000x64xf32>
    %swap3A = arith.constant 0 : index
    %swap3A_19 = arith.constant 0 : index
    %swap3A_20 = vector.load %arg6[%swap3A, %swap3A_19] : memref<10240x64xf32, #tpu.memory_space<vmem>>, vector<10000x64xf32>
    tpu.vector_store %arg6[%swap3A, %swap3A_19], %mul3A_18 {strides = array<i32>} : memref<10240x64xf32, #tpu.memory_space<vmem>>, vector<10000x64xf32>,
    %broadcast_in_dim3A = arith.constant 0.000000e+00 : f32
    %broadcast_in_dim3A_21 = vector.broadcast %broadcast_in_dim3A : f32 to vector<240x64xf32>
    %swap3A_22 = arith.constant 10000 : index
    %swap3A_23 = arith.constant 0 : index
    %swap3A_24 = vector.load %arg6[%swap3A_22, %swap3A_23] : memref<10240x64xf32, #tpu.memory_space<vmem>>, vector<240x64xf32>
    tpu.vector_store %arg6[%swap3A_22, %swap3A_23], %broadcast_in_dim3A_21 {strides = array<i32>} : memref<10240x64xf32, #tpu.memory_space<vmem>>, vector<240x64xf32>,
    %slice3A_25 = vector.extract_strided_slice %get3A_13 {offsets = [0, 0], sizes = [64, 64], strides = [1, 1]} : vector<64x128xf32> to vector<64x64xf32>
    %dot_general3A_26 = arith.constant dense<0.000000e+00> : vector<10000x64xf32>
    %dot_general3A_27 = tpu.matmul %get3A_4, %slice3A_25, %dot_general3A_26 {dimension_numbers = #tpu.dot_dimension_numbers<[1], [1], [0], [0], [0, 0, 1, 0], [], []>, transpose_lhs_hint = false} : vector<10000x64xf32>, vector<64x64xf32>, vector<10000x64xf32> -> vector<10000x64xf32>
    %slice3A_28 = vector.extract_strided_slice %get3A_13 {offsets = [0, 64], sizes = [64, 64], strides = [1, 1]} : vector<64x128xf32> to vector<64x64xf32>
    %dot_general3A_29 = arith.constant dense<0.000000e+00> : vector<10000x64xf32>
    %dot_general3A_30 = tpu.matmul %get3A_7, %slice3A_28, %dot_general3A_29 {dimension_numbers = #tpu.dot_dimension_numbers<[1], [1], [0], [0], [0, 0, 1, 0], [], []>, transpose_lhs_hint = false} : vector<10000x64xf32>, vector<64x64xf32>, vector<10000x64xf32> -> vector<10000x64xf32>
    %add3A_31 = arith.addf %dot_general3A_27, %dot_general3A_30 : vector<10000x64xf32>
    %get3A_32 = arith.constant 0 : index
    %get3A_33 = vector.load %arg5[%get3A_32] : memref<64xf32, #tpu.memory_space<vmem>>, vector<64xf32>
    %broadcast_in_dim3A_34 = vector.shape_cast %get3A_33 : vector<64xf32> to vector<1x64xf32>
    %add3A_35 = vector.broadcast %broadcast_in_dim3A_34 : vector<1x64xf32> to vector<10000x64xf32>
    %add3A_36 = arith.addf %add3A_31, %add3A_35 : vector<10000x64xf32>
    %swap3A_37 = arith.constant 0 : index
    %swap3A_38 = arith.constant 0 : index
    %swap3A_39 = vector.load %arg7[%swap3A_37, %swap3A_38] : memref<10000x64xf32, #tpu.memory_space<vmem>>, vector<10000x64xf32>
    tpu.vector_store %arg7[%swap3A_37, %swap3A_38], %add3A_36 {strides = array<i32>} : memref<10000x64xf32, #tpu.memory_space<vmem>>, vector<10000x64xf32>,
    return
  }
}

module attributes {stable_mosaic.version = 14 : i64} {
  func.func @_tc3_body(%arg0: memref<2x10240x64xf32, #tpu.memory_space<vmem>>, %arg1: memref<10240x64xf32, #tpu.memory_space<vmem>>, %arg2: memref<10000x1xf32, #tpu.memory_space<vmem>>, %arg3: memref<10000x64xf32, #tpu.memory_space<vmem>>, %arg4: memref<10000x1xi32, #tpu.memory_space<vmem>>, %arg5: memref<64xf32, #tpu.memory_space<vmem>>, %arg6: memref<64xf32, #tpu.memory_space<vmem>>, %arg7: memref<64xf32, #tpu.memory_space<vmem>>, %arg8: memref<64x64xf32, #tpu.memory_space<vmem>>, %arg9: memref<64xf32, #tpu.memory_space<vmem>>, %arg10: memref<64xf32, #tpu.memory_space<vmem>>, %arg11: memref<64xf32, #tpu.memory_space<vmem>>, %arg12: memref<128x64xf32, #tpu.memory_space<vmem>>, %arg13: memref<128xf32, #tpu.memory_space<vmem>>, %arg14: memref<128xf32, #tpu.memory_space<vmem>>, %arg15: memref<128xf32, #tpu.memory_space<vmem>>, %arg16: memref<128x128xf32, #tpu.memory_space<vmem>>, %arg17: memref<128xf32, #tpu.memory_space<vmem>>, %arg18: memref<64x64xf32, #tpu.memory_space<vmem>>, %arg19: memref<64xf32, #tpu.memory_space<vmem>>, %arg20: memref<64x64xf32, #tpu.memory_space<vmem>>, %arg21: memref<64xf32, #tpu.memory_space<vmem>>, %arg22: memref<10000x64xf32, #tpu.memory_space<vmem>>, %arg23: memref<10000x128xf32, #tpu.memory_space<vmem>>, %arg24: memref<64x64xf32, #tpu.memory_space<vmem>>) attributes {dimension_semantics = [], scalar_prefetch = 0 : i64, scratch_operands = 0 : i64, tpu.core_type = #tpu.core_type<tc>} {
    %get3A = arith.constant 0 : index
    %get3A_0 = arith.constant 0 : index
    %get3A_1 = vector.load %arg2[%get3A, %get3A_0] : memref<10000x1xf32, #tpu.memory_space<vmem>>, vector<10000x1xf32>
    %get3A_2 = arith.constant 0 : index
    %get3A_3 = arith.constant 0 : index
    %get3A_4 = arith.constant 0 : index
    %get3A_5 = vector.load %arg0[%get3A_2, %get3A_3, %get3A_4] : memref<2x10240x64xf32, #tpu.memory_space<vmem>>, vector<1x10000x64xf32>
    %get3A_6 = vector.shape_cast %get3A_5 : vector<1x10000x64xf32> to vector<10000x64xf32>
    %get3A_7 = arith.constant 1 : index
    %get3A_8 = arith.constant 0 : index
    %get3A_9 = arith.constant 0 : index
    %get3A_10 = vector.load %arg0[%get3A_7, %get3A_8, %get3A_9] : memref<2x10240x64xf32, #tpu.memory_space<vmem>>, vector<1x10000x64xf32>
    %get3A_11 = vector.shape_cast %get3A_10 : vector<1x10000x64xf32> to vector<10000x64xf32>
    %add3A = arith.addf %get3A_6, %get3A_11 : vector<10000x64xf32>
    %get3A_12 = arith.constant 0 : index
    %get3A_13 = arith.constant 0 : index
    %get3A_14 = vector.load %arg1[%get3A_12, %get3A_13] : memref<10240x64xf32, #tpu.memory_space<vmem>>, vector<10000x64xf32>
    %add3A_15 = arith.addf %add3A, %get3A_14 : vector<10000x64xf32>
    %mul3A = vector.broadcast %get3A_1 : vector<10000x1xf32> to vector<10000x64xf32>
    %mul3A_16 = arith.mulf %mul3A, %add3A_15 : vector<10000x64xf32>
    %get3A_17 = arith.constant 0 : index
    %get3A_18 = vector.load %arg5[%get3A_17] : memref<64xf32, #tpu.memory_space<vmem>>, vector<64xf32>
    %broadcast_in_dim3A = vector.shape_cast %get3A_18 : vector<64xf32> to vector<1x64xf32>
    %add3A_19 = vector.broadcast %broadcast_in_dim3A : vector<1x64xf32> to vector<10000x64xf32>
    %add3A_20 = arith.addf %mul3A_16, %add3A_19 : vector<10000x64xf32>
    %get3A_21 = arith.constant 0 : index
    %get3A_22 = vector.load %arg6[%get3A_21] : memref<64xf32, #tpu.memory_space<vmem>>, vector<64xf32>
    %get3A_23 = arith.constant 0 : index
    %get3A_24 = vector.load %arg7[%get3A_23] : memref<64xf32, #tpu.memory_space<vmem>>, vector<64xf32>
    %reduce_sum3A = arith.constant dense<0.000000e+00> : vector<64xf32>
    %reduce_sum3A_25 = vector.multi_reduction <add>, %add3A_20, %reduce_sum3A [0] : vector<10000x64xf32> to vector<64xf32>
    %broadcast_in_dim3A_26 = vector.shape_cast %reduce_sum3A_25 : vector<64xf32> to vector<1x64xf32>
    %div3A = arith.constant 1.000000e+04 : f32
    %div3A_27 = vector.broadcast %div3A : f32 to vector<1x64xf32>
    %div3A_28 = arith.divf %broadcast_in_dim3A_26, %div3A_27 : vector<1x64xf32>
    %sub3A = vector.broadcast %div3A_28 : vector<1x64xf32> to vector<10000x64xf32>
    %sub3A_29 = arith.subf %add3A_20, %sub3A : vector<10000x64xf32>
    %sub3A_30 = vector.broadcast %div3A_28 : vector<1x64xf32> to vector<10000x64xf32>
    %sub3A_31 = arith.subf %add3A_20, %sub3A_30 : vector<10000x64xf32>
    %mul3A_32 = arith.mulf %sub3A_29, %sub3A_31 : vector<10000x64xf32>
    %reduce_sum3A_33 = arith.constant dense<0.000000e+00> : vector<64xf32>
    %reduce_sum3A_34 = vector.multi_reduction <add>, %mul3A_32, %reduce_sum3A_33 [0] : vector<10000x64xf32> to vector<64xf32>
    %broadcast_in_dim3A_35 = vector.shape_cast %reduce_sum3A_34 : vector<64xf32> to vector<1x64xf32>
    %div3A_36 = arith.constant 1.000000e+04 : f32
    %div3A_37 = vector.broadcast %div3A_36 : f32 to vector<1x64xf32>
    %div3A_38 = arith.divf %broadcast_in_dim3A_35, %div3A_37 : vector<1x64xf32>
    %sub3A_39 = vector.broadcast %div3A_28 : vector<1x64xf32> to vector<10000x64xf32>
    %sub3A_40 = arith.subf %add3A_20, %sub3A_39 : vector<10000x64xf32>
    %add3A_41 = arith.constant 9.99999974E-6 : f32
    %add3A_42 = vector.broadcast %add3A_41 : f32 to vector<1x64xf32>
    %add3A_43 = arith.addf %div3A_38, %add3A_42 : vector<1x64xf32>
    %rsqrt3A = math.rsqrt %add3A_43 : vector<1x64xf32>
    %mul3A_44 = vector.broadcast %rsqrt3A : vector<1x64xf32> to vector<10000x64xf32>
    %mul3A_45 = arith.mulf %sub3A_40, %mul3A_44 : vector<10000x64xf32>
    %broadcast_in_dim3A_46 = vector.shape_cast %get3A_22 : vector<64xf32> to vector<1x64xf32>
    %mul3A_47 = vector.broadcast %broadcast_in_dim3A_46 : vector<1x64xf32> to vector<10000x64xf32>
    %mul3A_48 = arith.mulf %mul3A_45, %mul3A_47 : vector<10000x64xf32>
    %broadcast_in_dim3A_49 = vector.shape_cast %get3A_24 : vector<64xf32> to vector<1x64xf32>
    %add3A_50 = vector.broadcast %broadcast_in_dim3A_49 : vector<1x64xf32> to vector<10000x64xf32>
    %add3A_51 = arith.addf %mul3A_48, %add3A_50 : vector<10000x64xf32>
    %max3A = arith.constant 0.000000e+00 : f32
    %max3A_52 = vector.broadcast %max3A : f32 to vector<10000x64xf32>
    %max3A_53 = arith.maximumf %add3A_51, %max3A_52 : vector<10000x64xf32>
    %get3A_54 = arith.constant 0 : index
    %get3A_55 = arith.constant 0 : index
    %get3A_56 = vector.load %arg3[%get3A_54, %get3A_55] : memref<10000x64xf32, #tpu.memory_space<vmem>>, vector<10000x64xf32>
    %add3A_57 = arith.addf %max3A_53, %get3A_56 : vector<10000x64xf32>
    %max3A_58 = arith.constant 0.000000e+00 : f32
    %max3A_59 = vector.broadcast %max3A_58 : f32 to vector<10000x64xf32>
    %max3A_60 = arith.maximumf %add3A_57, %max3A_59 : vector<10000x64xf32>
    %mul3A_61 = arith.mulf %max3A_60, %max3A_60 : vector<10000x64xf32>
    %reduce_sum3A_62 = arith.constant dense<0.000000e+00> : vector<10000xf32>
    %reduce_sum3A_63 = vector.multi_reduction <add>, %mul3A_61, %reduce_sum3A_62 [1] : vector<10000x64xf32> to vector<10000xf32>
    %broadcast_in_dim3A_64 = vector.shape_cast %reduce_sum3A_63 : vector<10000xf32> to vector<10000x1xf32>
    %sqrt3A = math.sqrt %broadcast_in_dim3A_64 : vector<10000x1xf32>
    %max3A_65 = arith.constant 9.99999996E-13 : f32
    %max3A_66 = vector.broadcast %max3A_65 : f32 to vector<10000x1xf32>
    %max3A_67 = arith.maximumf %sqrt3A, %max3A_66 : vector<10000x1xf32>
    %div3A_68 = vector.broadcast %max3A_67 : vector<10000x1xf32> to vector<10000x64xf32>
    %div3A_69 = arith.divf %max3A_60, %div3A_68 : vector<10000x64xf32>
    %swap3A = arith.constant 0 : index
    %swap3A_70 = arith.constant 0 : index
    %swap3A_71 = vector.load %arg22[%swap3A, %swap3A_70] : memref<10000x64xf32, #tpu.memory_space<vmem>>, vector<10000x64xf32>
    tpu.vector_store %arg22[%swap3A, %swap3A_70], %div3A_69 {strides = array<i32>} : memref<10000x64xf32, #tpu.memory_space<vmem>>, vector<10000x64xf32>,
    %get3A_72 = arith.constant 0 : index
    %get3A_73 = arith.constant 0 : index
    %get3A_74 = vector.load %arg8[%get3A_72, %get3A_73] : memref<64x64xf32, #tpu.memory_space<vmem>>, vector<64x64xf32>
    %dot_general3A = arith.constant dense<0.000000e+00> : vector<10000x64xf32>
    %dot_general3A_75 = tpu.matmul %div3A_69, %get3A_74, %dot_general3A {dimension_numbers = #tpu.dot_dimension_numbers<[1], [1], [0], [0], [0, 0, 1, 0], [], []>, transpose_lhs_hint = false} : vector<10000x64xf32>, vector<64x64xf32>, vector<10000x64xf32> -> vector<10000x64xf32>
    %get3A_76 = arith.constant 0 : index
    %get3A_77 = vector.load %arg9[%get3A_76] : memref<64xf32, #tpu.memory_space<vmem>>, vector<64xf32>
    %broadcast_in_dim3A_78 = vector.shape_cast %get3A_77 : vector<64xf32> to vector<1x64xf32>
    %add3A_79 = vector.broadcast %broadcast_in_dim3A_78 : vector<1x64xf32> to vector<10000x64xf32>
    %add3A_80 = arith.addf %dot_general3A_75, %add3A_79 : vector<10000x64xf32>
    %max3A_81 = arith.constant 0.000000e+00 : f32
    %max3A_82 = vector.broadcast %max3A_81 : f32 to vector<10000x64xf32>
    %max3A_83 = arith.maximumf %add3A_80, %max3A_82 : vector<10000x64xf32>
    %get3A_84 = arith.constant 0 : index
    %get3A_85 = vector.load %arg10[%get3A_84] : memref<64xf32, #tpu.memory_space<vmem>>, vector<64xf32>
    %get3A_86 = arith.constant 0 : index
    %get3A_87 = vector.load %arg11[%get3A_86] : memref<64xf32, #tpu.memory_space<vmem>>, vector<64xf32>
    %reduce_sum3A_88 = arith.constant dense<0.000000e+00> : vector<64xf32>
    %reduce_sum3A_89 = vector.multi_reduction <add>, %max3A_83, %reduce_sum3A_88 [0] : vector<10000x64xf32> to vector<64xf32>
    %broadcast_in_dim3A_90 = vector.shape_cast %reduce_sum3A_89 : vector<64xf32> to vector<1x64xf32>
    %div3A_91 = arith.constant 1.000000e+04 : f32
    %div3A_92 = vector.broadcast %div3A_91 : f32 to vector<1x64xf32>
    %div3A_93 = arith.divf %broadcast_in_dim3A_90, %div3A_92 : vector<1x64xf32>
    %sub3A_94 = vector.broadcast %div3A_93 : vector<1x64xf32> to vector<10000x64xf32>
    %sub3A_95 = arith.subf %max3A_83, %sub3A_94 : vector<10000x64xf32>
    %sub3A_96 = vector.broadcast %div3A_93 : vector<1x64xf32> to vector<10000x64xf32>
    %sub3A_97 = arith.subf %max3A_83, %sub3A_96 : vector<10000x64xf32>
    %mul3A_98 = arith.mulf %sub3A_95, %sub3A_97 : vector<10000x64xf32>
    %reduce_sum3A_99 = arith.constant dense<0.000000e+00> : vector<64xf32>
    %reduce_sum3A_100 = vector.multi_reduction <add>, %mul3A_98, %reduce_sum3A_99 [0] : vector<10000x64xf32> to vector<64xf32>
    %broadcast_in_dim3A_101 = vector.shape_cast %reduce_sum3A_100 : vector<64xf32> to vector<1x64xf32>
    %div3A_102 = arith.constant 1.000000e+04 : f32
    %div3A_103 = vector.broadcast %div3A_102 : f32 to vector<1x64xf32>
    %div3A_104 = arith.divf %broadcast_in_dim3A_101, %div3A_103 : vector<1x64xf32>
    %sub3A_105 = vector.broadcast %div3A_93 : vector<1x64xf32> to vector<10000x64xf32>
    %sub3A_106 = arith.subf %max3A_83, %sub3A_105 : vector<10000x64xf32>
    %add3A_107 = arith.constant 9.99999974E-6 : f32
    %add3A_108 = vector.broadcast %add3A_107 : f32 to vector<1x64xf32>
    %add3A_109 = arith.addf %div3A_104, %add3A_108 : vector<1x64xf32>
    %rsqrt3A_110 = math.rsqrt %add3A_109 : vector<1x64xf32>
    %mul3A_111 = vector.broadcast %rsqrt3A_110 : vector<1x64xf32> to vector<10000x64xf32>
    %mul3A_112 = arith.mulf %sub3A_106, %mul3A_111 : vector<10000x64xf32>
    %broadcast_in_dim3A_113 = vector.shape_cast %get3A_85 : vector<64xf32> to vector<1x64xf32>
    %mul3A_114 = vector.broadcast %broadcast_in_dim3A_113 : vector<1x64xf32> to vector<10000x64xf32>
    %mul3A_115 = arith.mulf %mul3A_112, %mul3A_114 : vector<10000x64xf32>
    %broadcast_in_dim3A_116 = vector.shape_cast %get3A_87 : vector<64xf32> to vector<1x64xf32>
    %add3A_117 = vector.broadcast %broadcast_in_dim3A_116 : vector<1x64xf32> to vector<10000x64xf32>
    %add3A_118 = arith.addf %mul3A_115, %add3A_117 : vector<10000x64xf32>
    %get3A_119 = arith.constant 0 : index
    %get3A_120 = arith.constant 0 : index
    %get3A_121 = vector.load %arg12[%get3A_119, %get3A_120] : memref<128x64xf32, #tpu.memory_space<vmem>>, vector<128x64xf32>
    %dot_general3A_122 = arith.constant dense<0.000000e+00> : vector<10000x128xf32>
    %dot_general3A_123 = tpu.matmul %add3A_118, %get3A_121, %dot_general3A_122 {dimension_numbers = #tpu.dot_dimension_numbers<[1], [1], [0], [0], [0, 0, 1, 0], [], []>, transpose_lhs_hint = false} : vector<10000x64xf32>, vector<128x64xf32>, vector<10000x128xf32> -> vector<10000x128xf32>
    %get3A_124 = arith.constant 0 : index
    %get3A_125 = vector.load %arg13[%get3A_124] : memref<128xf32, #tpu.memory_space<vmem>>, vector<128xf32>
    %broadcast_in_dim3A_126 = vector.shape_cast %get3A_125 : vector<128xf32> to vector<1x128xf32>
    %add3A_127 = vector.broadcast %broadcast_in_dim3A_126 : vector<1x128xf32> to vector<10000x128xf32>
    %add3A_128 = arith.addf %dot_general3A_123, %add3A_127 : vector<10000x128xf32>
    %max3A_129 = arith.constant 0.000000e+00 : f32
    %max3A_130 = vector.broadcast %max3A_129 : f32 to vector<10000x128xf32>
    %max3A_131 = arith.maximumf %add3A_128, %max3A_130 : vector<10000x128xf32>
    %get3A_132 = arith.constant 0 : index
    %get3A_133 = vector.load %arg14[%get3A_132] : memref<128xf32, #tpu.memory_space<vmem>>, vector<128xf32>
    %get3A_134 = arith.constant 0 : index
    %get3A_135 = vector.load %arg15[%get3A_134] : memref<128xf32, #tpu.memory_space<vmem>>, vector<128xf32>
    %reduce_sum3A_136 = arith.constant dense<0.000000e+00> : vector<128xf32>
    %reduce_sum3A_137 = vector.multi_reduction <add>, %max3A_131, %reduce_sum3A_136 [0] : vector<10000x128xf32> to vector<128xf32>
    %broadcast_in_dim3A_138 = vector.shape_cast %reduce_sum3A_137 : vector<128xf32> to vector<1x128xf32>
    %div3A_139 = arith.constant 1.000000e+04 : f32
    %div3A_140 = vector.broadcast %div3A_139 : f32 to vector<1x128xf32>
    %div3A_141 = arith.divf %broadcast_in_dim3A_138, %div3A_140 : vector<1x128xf32>
    %sub3A_142 = vector.broadcast %div3A_141 : vector<1x128xf32> to vector<10000x128xf32>
    %sub3A_143 = arith.subf %max3A_131, %sub3A_142 : vector<10000x128xf32>
    %sub3A_144 = vector.broadcast %div3A_141 : vector<1x128xf32> to vector<10000x128xf32>
    %sub3A_145 = arith.subf %max3A_131, %sub3A_144 : vector<10000x128xf32>
    %mul3A_146 = arith.mulf %sub3A_143, %sub3A_145 : vector<10000x128xf32>
    %reduce_sum3A_147 = arith.constant dense<0.000000e+00> : vector<128xf32>
    %reduce_sum3A_148 = vector.multi_reduction <add>, %mul3A_146, %reduce_sum3A_147 [0] : vector<10000x128xf32> to vector<128xf32>
    %broadcast_in_dim3A_149 = vector.shape_cast %reduce_sum3A_148 : vector<128xf32> to vector<1x128xf32>
    %div3A_150 = arith.constant 1.000000e+04 : f32
    %div3A_151 = vector.broadcast %div3A_150 : f32 to vector<1x128xf32>
    %div3A_152 = arith.divf %broadcast_in_dim3A_149, %div3A_151 : vector<1x128xf32>
    %sub3A_153 = vector.broadcast %div3A_141 : vector<1x128xf32> to vector<10000x128xf32>
    %sub3A_154 = arith.subf %max3A_131, %sub3A_153 : vector<10000x128xf32>
    %add3A_155 = arith.constant 9.99999974E-6 : f32
    %add3A_156 = vector.broadcast %add3A_155 : f32 to vector<1x128xf32>
    %add3A_157 = arith.addf %div3A_152, %add3A_156 : vector<1x128xf32>
    %rsqrt3A_158 = math.rsqrt %add3A_157 : vector<1x128xf32>
    %mul3A_159 = vector.broadcast %rsqrt3A_158 : vector<1x128xf32> to vector<10000x128xf32>
    %mul3A_160 = arith.mulf %sub3A_154, %mul3A_159 : vector<10000x128xf32>
    %broadcast_in_dim3A_161 = vector.shape_cast %get3A_133 : vector<128xf32> to vector<1x128xf32>
    %mul3A_162 = vector.broadcast %broadcast_in_dim3A_161 : vector<1x128xf32> to vector<10000x128xf32>
    %mul3A_163 = arith.mulf %mul3A_160, %mul3A_162 : vector<10000x128xf32>
    %broadcast_in_dim3A_164 = vector.shape_cast %get3A_135 : vector<128xf32> to vector<1x128xf32>
    %add3A_165 = vector.broadcast %broadcast_in_dim3A_164 : vector<1x128xf32> to vector<10000x128xf32>
    %add3A_166 = arith.addf %mul3A_163, %add3A_165 : vector<10000x128xf32>
    %get3A_167 = arith.constant 0 : index
    %get3A_168 = arith.constant 0 : index
    %get3A_169 = vector.load %arg16[%get3A_167, %get3A_168] : memref<128x128xf32, #tpu.memory_space<vmem>>, vector<128x128xf32>
    %dot_general3A_170 = arith.constant dense<0.000000e+00> : vector<10000x128xf32>
    %dot_general3A_171 = tpu.matmul %add3A_166, %get3A_169, %dot_general3A_170 {dimension_numbers = #tpu.dot_dimension_numbers<[1], [1], [0], [0], [0, 0, 1, 0], [], []>, transpose_lhs_hint = false} : vector<10000x128xf32>, vector<128x128xf32>, vector<10000x128xf32> -> vector<10000x128xf32>
    %get3A_172 = arith.constant 0 : index
    %get3A_173 = vector.load %arg17[%get3A_172] : memref<128xf32, #tpu.memory_space<vmem>>, vector<128xf32>
    %broadcast_in_dim3A_174 = vector.shape_cast %get3A_173 : vector<128xf32> to vector<1x128xf32>
    %add3A_175 = vector.broadcast %broadcast_in_dim3A_174 : vector<1x128xf32> to vector<10000x128xf32>
    %add3A_176 = arith.addf %dot_general3A_171, %add3A_175 : vector<10000x128xf32>
    %swap3A_177 = arith.constant 0 : index
    %swap3A_178 = arith.constant 0 : index
    %swap3A_179 = vector.load %arg23[%swap3A_177, %swap3A_178] : memref<10000x128xf32, #tpu.memory_space<vmem>>, vector<10000x128xf32>
    tpu.vector_store %arg23[%swap3A_177, %swap3A_178], %add3A_176 {strides = array<i32>} : memref<10000x128xf32, #tpu.memory_space<vmem>>, vector<10000x128xf32>,
    %get3A_180 = arith.constant 0 : index
    %get3A_181 = arith.constant 0 : index
    %get3A_182 = vector.load %arg4[%get3A_180, %get3A_181] : memref<10000x1xi32, #tpu.memory_space<vmem>>, vector<10000x1xi32>
    %iota3A = tpu.iota {dimensions = array<i32: 0>} : vector<64x1xi32>
    %broadcast_in_dim3A_183 = arith.constant 0.000000e+00 : f32
    %broadcast_in_dim3A_184 = vector.broadcast %broadcast_in_dim3A_183 : f32 to vector<64x64xf32>
    %scan3A = arith.constant 0 : i32
    %scan3A_185 = arith.constant 64 : i32
    %scan3A_186 = arith.addi %scan3A, %scan3A_185 : i32
    %scan3A_187 = arith.constant 1 : i32
    %scan3A_188 = scf.for %scan3A_216 = %scan3A to %scan3A_186 step %scan3A_187 iter_args(%scan3A_217 = %broadcast_in_dim3A_184) -> (vector<64x64xf32>)  : i32 {
      %eq3A = vector.broadcast %scan3A_216 : i32 to vector<10000x1xi32>
      %eq3A_218 = arith.cmpi eq, %get3A_182, %eq3A : vector<10000x1xi32>
      %convert_element_type3A = arith.extui %eq3A_218 : vector<10000x1xi1> to vector<10000x1xi32>
      %convert_element_type3A_219 = arith.sitofp %convert_element_type3A : vector<10000x1xi32> to vector<10000x1xf32>
      %mul3A_220 = vector.broadcast %convert_element_type3A_219 : vector<10000x1xf32> to vector<10000x64xf32>
      %mul3A_221 = arith.mulf %div3A_69, %mul3A_220 : vector<10000x64xf32>
      %reduce_max3A = arith.constant dense<0xFF800000> : vector<64xf32>
      %reduce_max3A_222 = vector.multi_reduction <maximumf>, %mul3A_221, %reduce_max3A [0] : vector<10000x64xf32> to vector<64xf32>
      %eq3A_223 = vector.broadcast %scan3A_216 : i32 to vector<64x1xi32>
      %eq3A_224 = arith.cmpi eq, %iota3A, %eq3A_223 : vector<64x1xi32>
      %broadcast_in_dim3A_225 = vector.shape_cast %reduce_max3A_222 : vector<64xf32> to vector<1x64xf32>
      %broadcast_in_dim3A_226 = vector.shape_cast %eq3A_224 : vector<64x1xi1> to vector<64x1xi1>
      %broadcast_in_dim3A_227 = vector.broadcast %broadcast_in_dim3A_226 : vector<64x1xi1> to vector<64x64xi1>
      %broadcast_in_dim3A_228 = vector.shape_cast %broadcast_in_dim3A_225 : vector<1x64xf32> to vector<1x64xf32>
      %broadcast_in_dim3A_229 = vector.broadcast %broadcast_in_dim3A_228 : vector<1x64xf32> to vector<64x64xf32>
      %select_n3A = arith.select %broadcast_in_dim3A_227, %broadcast_in_dim3A_229, %scan3A_217 : vector<64x64xi1>, vector<64x64xf32>
      scf.yield %select_n3A : vector<64x64xf32>
    }
    %scan3A_189 = arith.constant 64 : i32
    %get3A_190 = arith.constant 0 : index
    %get3A_191 = arith.constant 0 : index
    %get3A_192 = vector.load %arg18[%get3A_190, %get3A_191] : memref<64x64xf32, #tpu.memory_space<vmem>>, vector<64x64xf32>
    %dot_general3A_193 = arith.constant dense<0.000000e+00> : vector<64x64xf32>
    %dot_general3A_194 = tpu.matmul %scan3A_188, %get3A_192, %dot_general3A_193 {dimension_numbers = #tpu.dot_dimension_numbers<[1], [1], [0], [0], [0, 0, 1, 0], [], []>, transpose_lhs_hint = false} : vector<64x64xf32>, vector<64x64xf32>, vector<64x64xf32> -> vector<64x64xf32>
    %get3A_195 = arith.constant 0 : index
    %get3A_196 = vector.load %arg19[%get3A_195] : memref<64xf32, #tpu.memory_space<vmem>>, vector<64xf32>
    %broadcast_in_dim3A_197 = vector.shape_cast %get3A_196 : vector<64xf32> to vector<1x64xf32>
    %add3A_198 = vector.broadcast %broadcast_in_dim3A_197 : vector<1x64xf32> to vector<64x64xf32>
    %add3A_199 = arith.addf %dot_general3A_194, %add3A_198 : vector<64x64xf32>
    %max3A_200 = arith.constant 0.000000e+00 : f32
    %max3A_201 = vector.broadcast %max3A_200 : f32 to vector<64x64xf32>
    %max3A_202 = arith.maximumf %add3A_199, %max3A_201 : vector<64x64xf32>
    %get3A_203 = arith.constant 0 : index
    %get3A_204 = arith.constant 0 : index
    %get3A_205 = vector.load %arg20[%get3A_203, %get3A_204] : memref<64x64xf32, #tpu.memory_space<vmem>>, vector<64x64xf32>
    %dot_general3A_206 = arith.constant dense<0.000000e+00> : vector<64x64xf32>
    %dot_general3A_207 = tpu.matmul %max3A_202, %get3A_205, %dot_general3A_206 {dimension_numbers = #tpu.dot_dimension_numbers<[1], [1], [0], [0], [0, 0, 1, 0], [], []>, transpose_lhs_hint = false} : vector<64x64xf32>, vector<64x64xf32>, vector<64x64xf32> -> vector<64x64xf32>
    %get3A_208 = arith.constant 0 : index
    %get3A_209 = vector.load %arg21[%get3A_208] : memref<64xf32, #tpu.memory_space<vmem>>, vector<64xf32>
    %broadcast_in_dim3A_210 = vector.shape_cast %get3A_209 : vector<64xf32> to vector<1x64xf32>
    %add3A_211 = vector.broadcast %broadcast_in_dim3A_210 : vector<1x64xf32> to vector<64x64xf32>
    %add3A_212 = arith.addf %dot_general3A_207, %add3A_211 : vector<64x64xf32>
    %swap3A_213 = arith.constant 0 : index
    %swap3A_214 = arith.constant 0 : index
    %swap3A_215 = vector.load %arg24[%swap3A_213, %swap3A_214] : memref<64x64xf32, #tpu.memory_space<vmem>>, vector<64x64xf32>
    tpu.vector_store %arg24[%swap3A_213, %swap3A_214], %add3A_212 {strides = array<i32>} : memref<64x64xf32, #tpu.memory_space<vmem>>, vector<64x64xf32>,
    return
  }
}

</mosaic_0001>

<sc_bundles>
// kernel: edge_agg_f64.11.cloned.1.call-start
scs
__scs_entry_jumppad:
0x0: {  	(pc) =	sbr.rel $0x88, $3  }
0x1: {  	(tag) =	ssettag $0x0;
	lr =	simm.s32 $0x1  }
0x2: {  	[smem:$0x3F86] =	sst lr;
	_ =	strace $0xD0000000  }
0x3: {  	_ = 	snop  }
0x4: {  	_ = 	snop  }
0x5: {  	_ = 	snop  }
0x6: {  	_ = 	snop  }
0x7: {  	_ = 	snop  }
__scs_overlays_trampoline_lowered:
0x8: {  	[smem:$0x3F95] =	sst s0  }
0x9: {  	[smem:$0x3F96] =	sst s1  }
0xa: {  	[smem:$0x3F97] =	sst s2  }
0xb: {  	[smem:$0x3F98] =	sst s3  }
0xc: {  	[smem:$0x3F99] =	sst s4  }
0xd: {  	[smem:$0x3F9A] =	sst s5  }
0xe: {  	[smem:$0x3F9B] =	sst s6  }
0xf: {  	[smem:$0x3F9C] =	sst s7  }
0x10: {  	[smem:$0x3F9D] =	sst s8  }
0x11: {  	[smem:$0x3F9E] =	sst s9;
	s0 =	simm.s32 @!p0 $0x0  }
0x12: {  	s1 =	sld [smem:$0x3F84];
	s0 =	simm.s32 @p0 $0x1  }
0x13: {  	[smem:$0x3F9F] =	sst s0;
	s0 =	simm.s32 @!p1 $0x0  }
0x14: {  	s2 =	sld [smem:$0x3F83];
	s0 =	simm.s32 @p1 $0x1  }
0x15: {  	[smem:$0x3FA0] =	sst s0;
	s0 =	simm.s32 @!p2 $0x0  }
0x16: {  	s3 =	sld [smem:$0x3FDB];
	s0 =	simm.s32 @p2 $0x1  }
0x17: {  	s4 =	simm.s32 $0x1BF5;
	[smem:$0x3FA2] =	sst s0  }
0x18: {  	s0 =	sld [smem:$0x3F85];
	_ =	swait.ge [sflag:s4], $0x0  }
0x19: {  	s7 =	sld [smem:$0x3F86]  }
0x1a: {  	s8 =	sadd.s32 $0xFFFFE003, lr  }
0x1b: {  	s9 =	sadd.s32 $0xFFFFFEF7, lr;
	s5 =	simm.s32 $0xFFFFFFFF;
	p2 =	slt.u32 s8, $0xFFFFF086  }
0x1c: {  	p1 =	slt.u32 s9, $0xF7A;
	s5 =	simm.s32 @!p2 $0x0  }
0x1d: {  	s5 =	simm.s32 @p1 $0x1;
	p0 =	seq.s32 s7, s2  }
0x1e: {  	s7 =	smul.u32 @!p0 $0xF7A, s2;
	p2 =	seq.s32 @!p0 s5, $0x0  }
0x1f: {  	s9 =	smul.u32 $0xF7A, s1;
	s8 =	simm.s32 @!p0 $0x1BF5;
	p2 =	por !p2, p0  }
0x20: {  	[sflag:s8] =	ssyncset.s32 @!p0 $0xFFFFF086;
	s6 =	sadd.s32 @!p0 s3, s7;
	s7 =	simm.s32 @!p0 $0x108  }
0x21: {  	s3 =	sadd.s32 s3, s9;
	s6 =	sadd.s32 @!p0 $0x88, s6;
	s7 =	simm.s32 @p2 $0x1082  }
0x22: {  	[simem:s7], [sflag:s8] =	dma.local @!p0 [hbm:s6], $0xF7A  }
0x23: {  	s9 =	sor.u32 $0xD0000000, s2;
	s6 =	simm.s32 $0x108;
	_ =	swait.ge @!p0 [sflag:s8], $0x0  }
0x24: {  	s3 =	sadd.s32 $0x88, s3;
	s6 =	simm.s32 @!p1 $0x1082;
	[sflag:s4] =	ssyncset.s32 $0xFFFFF086  }
0x25: {  	[simem:s6], [sflag:s4] =	dma.local [hbm:s3], $0xF7A  }
0x26: {  	[smem:$0x3F86] =	sst s1;
	(tag) =	ssettag s2;
	_ =	strace s9  }
0x27: {  	s1 =	sld [smem:$0x3F96]  }
0x28: {  	s2 =	sld [smem:$0x3F97]  }
0x29: {  	s4 =	sld [smem:$0x3F99]  }
0x2a: {  	p0 =	seq.s32 s5, $0x0;
	s5 =	sld [smem:$0x3F9A]  }
0x2b: {  	s6 =	sld [smem:$0x3F9B]  }
0x2c: {  	s7 =	sld [smem:$0x3F9C]  }
0x2d: {  	s3 =	simm.s32 $0x108;
	s8 =	sld [smem:$0x3F9D]  }
0x2e: {  	s3 =	simm.s32 @!p0 $0x1082;
	s9 =	sld [smem:$0x3F9E]  }
0x2f: {  	lr =	sadd.s32 s0, s3;
	s0 =	sld [smem:$0x3F95]  }
0x30: {  	s3 =	sld [smem:$0x3F98]  }
0x31: {  	[smem:$0x3FA1] =	sst s10  }
0x32: {  	s10 =	sld [smem:$0x3F9F];
	_ =	sdelay $0x3  }
0x33: {  	p0 =	seq.s32 s10, $0x1;
	s10 =	sld [smem:$0x3FA1];
	_ =	sdelay $0x3  }
0x34: {  	[smem:$0x3FA1] =	sst s10  }
0x35: {  	s10 =	sld [smem:$0x3FA0];
	_ =	sdelay $0x3  }
0x36: {  	p1 =	seq.s32 s10, $0x1;
	s10 =	sld [smem:$0x3FA1];
	_ =	sdelay $0x3  }
0x37: {  	[smem:$0x3FA1] =	sst s10  }
0x38: {  	s10 =	sld [smem:$0x3FA2]  }
0x39: {  	_ = 	snop;
	(pc) =	sbr.ind lr, $3  }
0x3a: {  	_ = 	snop  }
0x3b: {  	_ = 	snop  }
0x3c: {  	p2 =	seq.s32 s10, $0x1;
	s10 =	sld [smem:$0x3FA1]  }
0x3d: {  	_ =	shalt  }
0x3e: {  	_ =	shalt  }
0x3f: {  	_ =	shalt  }
0x40: {  	_ =	shalt  }
0x41: {  	_ =	shalt  }
0x42: {  	_ =	shalt  }
0x43: {  	_ =	shalt  }
0x44: {  	_ =	shalt  }
0x45: {  	_ =	shalt  }
0x46: {  	_ =	shalt  }
0x47: {  	_ =	shalt  }
0x48: {  	_ =	shalt  }
0x49: {  	_ =	shalt  }
0x4a: {  	_ =	shalt  }
0x4b: {  	_ =	shalt  }
0x4c: {  	_ =	shalt  }
0x4d: {  	_ =	shalt  }
0x4e: {  	_ =	shalt  }
0x4f: {  	_ =	shalt  }
0x50: {  	_ =	shalt  }
0x51: {  	_ =	shalt  }
0x52: {  	_ =	shalt  }
0x53: {  	_ =	shalt  }
0x54: {  	_ =	shalt  }
0x55: {  	_ =	shalt  }
0x56: {  	_ =	shalt  }
0x57: {  	_ =	shalt  }
0x58: {  	_ =	shalt  }
0x59: {  	_ =	shalt  }
0x5a: {  	_ =	shalt  }
0x5b: {  	_ =	shalt  }
0x5c: {  	_ =	shalt  }
0x5d: {  	_ =	shalt  }
0x5e: {  	_ =	shalt  }
0x5f: {  	_ =	shalt  }
0x60: {  	_ =	shalt  }
0x61: {  	_ =	shalt  }
0x62: {  	_ =	shalt  }
0x63: {  	_ =	shalt  }
0x64: {  	_ =	shalt  }
0x65: {  	_ =	shalt  }
0x66: {  	_ =	shalt  }
0x67: {  	_ =	shalt  }
0x68: {  	_ =	shalt  }
0x69: {  	_ =	shalt  }
0x6a: {  	_ =	shalt  }
0x6b: {  	_ =	shalt  }
0x6c: {  	_ =	shalt  }
0x6d: {  	_ =	shalt  }
0x6e: {  	_ =	shalt  }
0x6f: {  	_ =	shalt  }
0x70: {  	_ =	shalt  }
0x71: {  	_ =	shalt  }
0x72: {  	_ =	shalt  }
0x73: {  	_ =	shalt  }
0x74: {  	_ =	shalt  }
0x75: {  	_ =	shalt  }
0x76: {  	_ =	shalt  }
0x77: {  	_ =	shalt  }
0x78: {  	_ =	shalt  }
0x79: {  	_ =	shalt  }
0x7a: {  	_ =	shalt  }
0x7b: {  	_ =	shalt  }
0x7c: {  	_ =	shalt  }
0x7d: {  	_ =	shalt  }
0x7e: {  	_ =	shalt  }
0x7f: {  	_ =	shalt  }
0x80: {  	_ =	shalt  }
0x81: {  	_ =	shalt  }
0x82: {  	_ =	shalt  }
0x83: {  	_ =	shalt  }
0x84: {  	_ =	shalt  }
0x85: {  	_ =	shalt  }
0x86: {  	_ =	shalt  }
0x87: {  	_ =	shalt  }
.Lfunc_end0:
.L_simem_size_0:
called_computation.3_lowered:
.L_overlay_start_0:
0x88: {  	s2 =	sld [smem:$0x3FD9]  }
0x89: {  	s3 =	sld [smem:$0x3FFE];
	_ =	sdelay $0x1  }
0x8a: {  	s1 =	srdreg.scid  }
0x8b: {  	s0 =	sand.u32 $0x1, s1  }
0x8c: {  	s14 =	sshll.u32 s0, $0xA;
	s2 =	sadd.s32 s3, s2  }
0x8d: {  	s2 =	sadd.s32 s2, s14  }
0x8e: {  	[smem:$0x3FAD] =	sst s2  }
0x8f: {  	_ = 	snop  }
0x90: {  	s2 =	sld [smem:$0x3FD0];
	_ =	sdelay $0x2  }
0x91: {  	s15 =	simm.s32 $0xB;
	s4 =	simm.s32 $0x10  }
0x92: {  	[smem:s4], [sflag:s15] =	dma.local [hbm:s2], $0x1  }
0x93: {  	_ =	swait.eq [sflag:s15], $0x1  }
0x94: {  	[sflag:s15] =	ssyncset.done $0x0  }
0x95: {  	s16 =	sld [smem:$0x10];
	[sflag:s15] =	ssyncadd.s32 $0xFFFFFFFF  }
0x96: {  	s17 =	sld [smem:$0x11];
	(tm) =	ssettm $0x1  }
0x97: {  	s18 =	sld [smem:$0x3FFB];
	_ =	sdelay $0x3  }
0x98: {  	_ =	strace s18  }
0x99: {  	s4 =	sld [smem:$0x3FFC];
	_ =	sdelay $0x3  }
0x9a: {  	_ =	strace s4  }
0x9b: {  	s4 =	sld [smem:$0x3FFD];
	_ =	sdelay $0x3  }
0x9c: {  	_ =	strace s4  }
0x9d: {  	_ =	strace $0x8FFFFFFF  }
0x9e: {  	s19 =	sld [smem:$0x3FDB];
	_ =	sdelay $0x1  }
0x9f: {  	s5 =	simm.s32 $_scs_section_size  }
0xa0: {  	s6 =	simm.s32 $_size__tile_overlayer_lowered;
	s7 =	simm.s32 $_tile_overlayer_lowered  }
0xa1: {  	s22 =	simm.s32 $0x1BFF;
	s21 =	sshll.u32 s7, $0x1;
	s4 =	sadd.s32 s5, s19  }
0xa2: {  	s8 =	simm.s32 $0x0;
	s20 =	sshll.u32 s6, $0x1;
	s6 =	sadd.s32 s21, s4  }
0xa3: {  	[timem:s8], [sflag:s22] =	dma.local [hbm:s6], s20  }
0xa4: {  	_ =	swait.ge [sflag:s22], s20  }
0xa5: {  	s5 =	ssub.s32 $0x0, s20;
	[sflag:s22] =	ssyncset.done $0x0  }
0xa6: {  	[sflag:s22] =	ssyncadd.s32 s5;
	_ =	sdelay $0x1  }
0xa7: {  	s23 =	simm.s32 $0x1B8B  }
0xa8: {  	_ =	swait.ge [sflag:s23], $0x1  }
0xa9: {  	[sflag:s23] =	ssyncset.done $0x0  }
0xaa: {  	s25 =	simm.s32 $0x1B8E;
	s24 =	sld [smem:$0x3FFE];
	[sflag:s23] =	ssyncadd.s32 $0xFFFFFFFF  }
0xab: {  	s26 =	simm.s32 $execute0_lowered;
	[smem:$0x3FD2] =	sst s25  }
0xac: {  	s6 =	sshll.u32 s26, $0x1;
	_ =	strace $0x8000004F;
	[dreg:$0x1] =	wrdreg $0xFFFFFFFF  }
0xad: {  	s28 =	simm.s32 $_size_execute0_lowered;
	s4 =	sadd.s32 s4, s6;
	[dreg:$0x0] =	wrdreg $0x0  }
0xae: {  	s6 =	sshll.u32 s28, $0x1;
	[dreg:$0x2] =	wrdreg s4  }
0xaf: {  	[dreg:$0x3] =	wrdreg s6  }
0xb0: {  	[dreg:$0x4] =	wrdreg $0xC0  }
0xb1: {  	_ =	task [dreg:s8], $0x5FFFF  }
0xb2: {  	[dreg:$0x1] =	wrdreg $0xFFFFFFFF  }
0xb3: {  	[dreg:$0x0] =	wrdreg $0x60  }
0xb4: {  	[dreg:$0x2] =	wrdreg s17  }
0xb5: {  	[dreg:$0x3] =	wrdreg s16  }
0xb6: {  	[dreg:$0x4] =	wrdreg s24  }
0xb7: {  	[dreg:$0x5] =	wrdreg $0xB2200  }
0xb8: {  	[dreg:$0x6] =	wrdreg $0x9  }
0xb9: {  	_ =	task.clear_ibuf [dreg:s8], $0x7FFFF;
	_ =	strace $0x9000004F  }
0xba: {  	s29 =	simm.s32 $0x9;
	_ =	strace $0x80000051  }
0xbb: {  	_ =	swait.ge [sflag:s29], $0x1  }
0xbc: {  	[sflag:s29] =	ssyncadd.s32 $0xFFFFFFFF  }
0xbd: {  	_ =	strace $0x90000051  }
0xbe: {  	_ =	sfence  }
0xbf: {  	s30 =	sld [smem:$0x0];
	_ =	sdelay $0x2  }
0xc0: {  	s31 =	sshll.u32 s1, $0xD;
	s1 =	sshrl.u32 s1, $0x2  }
0xc1: {  	s3 =	sand.u32 $0x4000, s31;
	s1 =	sadd.s32 s1, s30  }
0xc2: {  	s0 =	sor.u32 s3, s0;
	s1 =	sshll.u32 s1, $0x11  }
0xc3: {  	s0 =	sor.u32 s1, s0  }
0xc4: {  	s0 =	sadd.s32 $0x8F2B, s0  }
0xc5: {  	[sflag:s0] =	ssyncadd.remote.s32 $0x1  }
0xc6: {  	_ =	sfence.sel $0xFFFF  }
0xc7: {  	[dreg:$0x0] =	wrdreg $0xFFFFFFFF;
	(pc) =	sbr.abs _section_cstart, $3  }
0xc8: {  	[dreg:$0x1] =	wrdreg $0xFFFFFFFF  }
0xc9: {  	_ =	task.clear_ibuf [dreg:s8], $0x2FFFF;
	_ =	strace $0x9FFFFFFF  }
0xca: {  	(tm) =	ssettm $0x7FFFFFFF  }
0xcb: {  	_ =	shalt  }
tec
execute0_lowered:
.L_overlay_start_1:
0x0: {  	(tag) =	ssettag $0x1  }
0x1: {  	s1 =	rddreg [dreg:$0x0]  }
0x2: {  	s0 =	rddreg [dreg:$0x1]  }
0x3: {  	s4 =	rddreg [dreg:$0x2]  }
0x4: {  	s2 =	rddreg [dreg:$0x3];
	s3 =	simm.s32 $0x0  }
0x5: {  	s5 =	srdreg.scid;
	s10 =	stileid.u32;
	s15 =	simm.s32 $0x4E20  }
0x6: {  	s16 =	simm.s32 $0xB;
	s28 =	simm.s32 $0x3;
	s29 =	simm.s32 $0x4  }
0x7: {  	s30 =	simm.s32 $0x5;
	s31 =	simm.s32 $0x6;
	s8 =	smul.u32 $0x28000, s10  }
0x8: {  	[smem:$0x7FF] =	sst s3;
	s5 =	sand.u32 $0x1, s5;
	s9 =	smul.u32 $0xA000, s10  }
0x9: {  	s6 =	smul.u32 $0x14000, s5;
	_ =	strace $0x80000050;
	s7 =	ssub.s32 $0x2, s5  }
0xa: {  	s20 =	sshll.u32 s5, $0x4;
	s18 =	sshrl.u32 s7, $0x1;
	s19 =	sshrl.u32 s8, $0x2  }
0xb: {  	s5 =	sadd.s32 s9, s2;
	s8 =	sor.u32 s10, s20;
	s26 =	sshrl.u32 s9, $0x3  }
0xc: {  	s20 =	simm.s32 $0x6220;
	s4 =	sadd.s32 s6, s4;
	s6 =	ssub.s32 s7, s18  }
0xd: {  	s7 =	sadd.s32 s19, s2;
	s8 =	smul.u32 $0x4E2, s8;
	s19 =	simm.s32 $0x50  }
0xe: {  	s18 =	simm.s32 $0x8;
	s21 =	sadd.s32 $0x1400, s7;
	s22 =	sadd.s32 $0x2800, s7  }
0xf: {  	s23 =	sadd.s32 $0x3C00, s7;
	s24 =	sadd.s32 $0x5000, s7;
	[dreg:$0x5] =	wrdreg s21  }
0x10: {  	s25 =	sadd.s32 $0x6400, s7;
	s11 =	sadd.s32 $0x7800, s7;
	[dreg:$0x6] =	wrdreg s22  }
0x11: {  	s12 =	sadd.s32 $0x8C00, s7;
	s4 =	sadd.s32 $0x2EC00, s4;
	[dreg:$0x7] =	wrdreg s23  }
0x12: {  	s14 =	smax.u32 s6, $0x1;
	s6 =	simm.s32 $0xA;
	[dreg:$0x8] =	wrdreg s24  }
0x13: {  	[dreg:$0x9] =	wrdreg s25;
	s13 =	sadd.s32 s0, s8;
	s0 =	sadd.s32 $0x9C40, s0  }
0x14: {  	s21 =	simm.s32 $0x7620;
	s22 =	simm.s32 $0x8A20;
	s23 =	simm.s32 $0x9E20  }
0x15: {  	s24 =	sadd.s32 s26, s4;
	s25 =	simm.s32 $0x1;
	s26 =	simm.s32 $0x2  }
0x16: {  	v0 =	vimm.f32 $0.0e+00;
	s4 =	simm.s32 $0x9;
	s17 =	sadd.s32 s8, s0;
	s0 =	simm.s32 $0x7  }
.LBB2_1:
0x17: {  	s8 =	simm.s32 $0x100;
	s7 =	simm.s32 $0x0  }
.LBB2_2:
0x18: {  	p0 =	sne.s32 s8, $0x4F00;
	[tilespmem:s7+$0x4E50] =	vst v0;
	s9 =	smov.u32 s8;
	s8 =	sadd.s32 $0x100, s8  }
.Ltmp0:
0x19: {  	[tilespmem:s7+$0x4E40] =	vst v0;
	(pc) =	sbr.rel @p0 .LBB2_2-.Ltmp0, $3  }
0x1a: {  	[tilespmem:s7+$0x4E20] =	vst v0  }
0x1b: {  	[tilespmem:s7+$0x4E30] =	vst v0;
	_ =	sdelay $0x1  }
0x1c: {  	s7 =	sshra.s32 s9, $0x2  }
0x1d: {  	[tilespmem:s7+$0x4E50] =	vst v0  }
0x1e: {  	[tilespmem:s7+$0x4E40] =	vst v0  }
0x1f: {  	[tilespmem:s7+$0x4E20] =	vst v0  }
0x20: {  	[tilespmem:s7+$0x4E30] =	vst v0  }
0x21: {  	[spmem:s5] =	stream.linear.scatter [tilespmem:s15], [sflag:$0xB], $0x1400, $0x38;
	[tilespmem:$0x15220] =	vst v63  }
0x22: {  	_ =	swait.ge [sflag:s16], $0x1400  }
0x23: {  	[sflag:s16] =	ssyncset.done $0x0  }
0x24: {  	s10 =	rddreg [dreg:$0x5];
	[sflag:s16] =	ssyncadd.s32 $0xFFFFEC00  }
0x25: {  	[spmem:s10] =	stream.linear.scatter [tilespmem:s15], [sflag:$0xB], $0x1400, $0x38;
	[tilespmem:$0x15220] =	vst v63  }
0x26: {  	_ =	swait.ge [sflag:s16], $0x1400  }
0x27: {  	[sflag:s16] =	ssyncset.done $0x0  }
0x28: {  	s8 =	rddreg [dreg:$0x6];
	[sflag:s16] =	ssyncadd.s32 $0xFFFFEC00  }
0x29: {  	[spmem:s8] =	stream.linear.scatter [tilespmem:s15], [sflag:$0xB], $0x1400, $0x38;
	[tilespmem:$0x15220] =	vst v63  }
0x2a: {  	_ =	swait.ge [sflag:s16], $0x1400  }
0x2b: {  	[sflag:s16] =	ssyncset.done $0x0  }
0x2c: {  	s9 =	rddreg [dreg:$0x7];
	[sflag:s16] =	ssyncadd.s32 $0xFFFFEC00  }
0x2d: {  	[spmem:s9] =	stream.linear.scatter [tilespmem:s15], [sflag:$0xB], $0x1400, $0x38;
	[tilespmem:$0x15220] =	vst v63  }
0x2e: {  	_ =	swait.ge [sflag:s16], $0x1400  }
0x2f: {  	[sflag:s16] =	ssyncset.done $0x0  }
0x30: {  	s10 =	rddreg [dreg:$0x8];
	[sflag:s16] =	ssyncadd.s32 $0xFFFFEC00  }
0x31: {  	[spmem:s10] =	stream.linear.scatter [tilespmem:s15], [sflag:$0xB], $0x1400, $0x38;
	[tilespmem:$0x15220] =	vst v63  }
0x32: {  	_ =	swait.ge [sflag:s16], $0x1400  }
0x33: {  	[sflag:s16] =	ssyncset.done $0x0  }
0x34: {  	s8 =	rddreg [dreg:$0x9];
	[sflag:s16] =	ssyncadd.s32 $0xFFFFEC00  }
0x35: {  	[spmem:s8] =	stream.linear.scatter [tilespmem:s15], [sflag:$0xB], $0x1400, $0x38;
	[tilespmem:$0x15220] =	vst v63  }
0x36: {  	_ =	swait.ge [sflag:s16], $0x1400  }
0x37: {  	[sflag:s16] =	ssyncset.done $0x0  }
0x38: {  	[sflag:s16] =	ssyncadd.s32 $0xFFFFEC00  }
0x39: {  	[spmem:s11] =	stream.linear.scatter [tilespmem:s15], [sflag:$0xB], $0x1400, $0x38;
	[tilespmem:$0x15220] =	vst v63  }
0x3a: {  	_ =	swait.ge [sflag:s16], $0x1400  }
0x3b: {  	[sflag:s16] =	ssyncset.done $0x0  }
0x3c: {  	[sflag:s16] =	ssyncadd.s32 $0xFFFFEC00  }
0x3d: {  	[spmem:s12] =	stream.linear.scatter [tilespmem:s15], [sflag:$0xB], $0x1400, $0x38;
	[tilespmem:$0x15220] =	vst v63  }
0x3e: {  	_ =	swait.ge [sflag:s16], $0x1400  }
0x3f: {  	[sflag:s16] =	ssyncset.done $0x0  }
0x40: {  	[sflag:s16] =	ssyncadd.s32 $0xFFFFEC00  }
0x41: {  	s9 =	simm.s32 $0x0;
	[bflag:$0x0] =	sbarrier.arrive $0xFFFF  }
0x42: {  	[tilespmem:s9], [sflag:$0xB] =	stream.linear.gather [hbm4b:s13+s9], $0x2710, $0x38;
	[tilespmem:$0x15220] =	vst v63  }
0x43: {  	_ =	swait.ge [sflag:s16], $0x2710  }
0x44: {  	[sflag:s16] =	ssyncset.done $0x0  }
0x45: {  	s8 =	simm.s32 $0x2710;
	[sflag:s16] =	ssyncadd.s32 $0xFFFFD8F0  }
0x46: {  	[tilespmem:s8], [sflag:$0xB] =	stream.linear.gather [hbm4b:s17+s9], $0x2710, $0x38;
	[tilespmem:$0x15220] =	vst v63  }
0x47: {  	_ =	swait.ge [sflag:s16], $0x2710  }
0x48: {  	[sflag:s16] =	ssyncset.done $0x0  }
0x49: {  	s10 =	simm.s32 $0x0;
	[sflag:s16] =	ssyncadd.s32 $0xFFFFD8F0  }
0x4a: {  	[tilespmem:s15], [sflag:$0x1] =	stream.indirect.gather [hbm4b:s1+s19], $0x40, s10, s19, $0xb8;
	[tilespmem:$0x15220] =	vst v63  }
0x4b: {  	s8 =	simm.s32 $0x50  }
0x4c: {  	[tilespmem:s20], [sflag:$0x2] =	stream.indirect.gather [hbm4b:s1+s19], $0x40, s8, s19, $0xb8;
	[tilespmem:$0x15220] =	vst v63  }
0x4d: {  	s9 =	simm.s32 $0xA0  }
0x4e: {  	[tilespmem:s21], [sflag:$0x3] =	stream.indirect.gather [hbm4b:s1+s19], $0x40, s9, s19, $0xb8;
	[tilespmem:$0x15220] =	vst v63  }
0x4f: {  	s10 =	simm.s32 $0xF0  }
0x50: {  	[tilespmem:s22], [sflag:$0x4] =	stream.indirect.gather [hbm4b:s1+s19], $0x40, s10, s19, $0xb8;
	[tilespmem:$0x15220] =	vst v63  }
0x51: {  	s8 =	simm.s32 $0x140  }
0x52: {  	[tilespmem:s23], [sflag:$0x5] =	stream.indirect.gather [hbm4b:s1+s19], $0x40, s8, s19, $0xb8;
	[tilespmem:$0x15220] =	vst v63  }
0x53: {  	_ =	swait.ge [sflag:s25], $0x1400  }
0x54: {  	[sflag:s25] =	ssyncset.done $0x0  }
0x55: {  	s9 =	simm.s32 $0x2710;
	[sflag:s25] =	ssyncadd.s32 $0xFFFFEC00  }
0x56: {  	[spmem:s2] =	stream.indirect.scatter.add.f32 [tilespmem:s15], [sflag:$0x6], $0x40, s9, s19, $0xb8;
	[tilespmem:$0x15220] =	vst v63  }
0x57: {  	_ =	swait.ge [sflag:s26], $0x1400  }
0x58: {  	[sflag:s26] =	ssyncset.done $0x0  }
0x59: {  	s10 =	simm.s32 $0x2760;
	[sflag:s26] =	ssyncadd.s32 $0xFFFFEC00  }
0x5a: {  	[spmem:s2] =	stream.indirect.scatter.add.f32 [tilespmem:s20], [sflag:$0x7], $0x40, s10, s19, $0xb8;
	[tilespmem:$0x15220] =	vst v63  }
0x5b: {  	_ =	swait.ge [sflag:s28], $0x1400  }
0x5c: {  	[sflag:s28] =	ssyncset.done $0x0  }
0x5d: {  	s8 =	simm.s32 $0x27B0;
	[sflag:s28] =	ssyncadd.s32 $0xFFFFEC00  }
0x5e: {  	[spmem:s2] =	stream.indirect.scatter.add.f32 [tilespmem:s21], [sflag:$0x8], $0x40, s8, s19, $0xb8;
	[tilespmem:$0x15220] =	vst v63  }
0x5f: {  	_ =	swait.ge [sflag:s29], $0x1400  }
0x60: {  	[sflag:s29] =	ssyncset.done $0x0  }
0x61: {  	s9 =	simm.s32 $0x2800;
	[sflag:s29] =	ssyncadd.s32 $0xFFFFEC00  }
0x62: {  	[spmem:s2] =	stream.indirect.scatter.add.f32 [tilespmem:s22], [sflag:$0x9], $0x40, s9, s19, $0xb8;
	[tilespmem:$0x15220] =	vst v63  }
0x63: {  	_ =	swait.ge [sflag:s30], $0x1400  }
0x64: {  	[sflag:s30] =	ssyncset.done $0x0  }
0x65: {  	s10 =	simm.s32 $0x2850;
	[sflag:s30] =	ssyncadd.s32 $0xFFFFEC00  }
0x66: {  	[spmem:s2] =	stream.indirect.scatter.add.f32 [tilespmem:s23], [sflag:$0xA], $0x40, s10, s19, $0xb8;
	[tilespmem:$0x15220] =	vst v63  }
0x67: {  	_ =	swait.ge [sflag:s31], $0x1400  }
0x68: {  	[sflag:s31] =	ssyncset.done $0x0  }
0x69: {  	[sflag:s31] =	ssyncadd.s32 $0xFFFFEC00  }
0x6a: {  	_ =	swait.ge [sflag:s0], $0x1400  }
0x6b: {  	[sflag:s0] =	ssyncset.done $0x0  }
0x6c: {  	[sflag:s0] =	ssyncadd.s32 $0xFFFFEC00  }
0x6d: {  	_ =	swait.ge [sflag:s18], $0x1400  }
0x6e: {  	[sflag:s18] =	ssyncset.done $0x0  }
0x6f: {  	[sflag:s18] =	ssyncadd.s32 $0xFFFFEC00  }
0x70: {  	_ =	swait.ge [sflag:s4], $0x1400  }
0x71: {  	[sflag:s4] =	ssyncset.done $0x0  }
0x72: {  	[sflag:s4] =	ssyncadd.s32 $0xFFFFEC00  }
0x73: {  	_ =	swait.ge [sflag:s6], $0x1400  }
0x74: {  	s7 =	simm.s32 $0x640;
	s8 =	simm.s32 $0xC80;
	[sflag:s6] =	ssyncset.done $0x0  }
.LBB2_4:
0x75: {  	s9 =	sshra.s32 s7, $0x2  }
0x76: {  	[sflag:s6] =	ssyncadd.s32 $0xFFFFEC00;
	s7 =	smov.u32 s8;
	s10 =	sadd.s32 $0x640, s8  }
0x77: {  	[tilespmem:s15], [sflag:$0x1] =	stream.indirect.gather [hbm4b:s1+s19], $0x40, s9, s19, $0xb8;
	[tilespmem:$0x15220] =	vst v63  }
0x78: {  	p0 =	sne.s32 s8, $0x9600;
	s8 =	sadd.s32 $0x50, s9  }
0x79: {  	[tilespmem:s20], [sflag:$0x2] =	stream.indirect.gather [hbm4b:s1+s19], $0x40, s8, s19, $0xb8;
	[tilespmem:$0x15220] =	vst v63  }
0x7a: {  	s8 =	sadd.s32 $0xA0, s9  }
0x7b: {  	[tilespmem:s21], [sflag:$0x3] =	stream.indirect.gather [hbm4b:s1+s19], $0x40, s8, s19, $0xb8;
	[tilespmem:$0x15220] =	vst v63  }
0x7c: {  	s8 =	sadd.s32 $0xF0, s9  }
0x7d: {  	[tilespmem:s22], [sflag:$0x4] =	stream.indirect.gather [hbm4b:s1+s19], $0x40, s8, s19, $0xb8;
	[tilespmem:$0x15220] =	vst v63  }
0x7e: {  	s8 =	sadd.s32 $0x140, s9  }
0x7f: {  	[tilespmem:s23], [sflag:$0x5] =	stream.indirect.gather [hbm4b:s1+s19], $0x40, s8, s19, $0xb8;
	[tilespmem:$0x15220] =	vst v63  }
0x80: {  	_ =	swait.ge [sflag:s25], $0x1400  }
0x81: {  	[sflag:s25] =	ssyncset.done $0x0  }
0x82: {  	s8 =	sadd.s32 $0x2710, s9;
	[sflag:s25] =	ssyncadd.s32 $0xFFFFEC00  }
0x83: {  	[spmem:s2] =	stream.indirect.scatter.add.f32 [tilespmem:s15], [sflag:$0x6], $0x40, s8, s19, $0xb8;
	[tilespmem:$0x15220] =	vst v63  }
0x84: {  	_ =	swait.ge [sflag:s26], $0x1400  }
0x85: {  	[sflag:s26] =	ssyncset.done $0x0  }
0x86: {  	s8 =	sadd.s32 $0x2760, s9;
	[sflag:s26] =	ssyncadd.s32 $0xFFFFEC00  }
0x87: {  	[spmem:s2] =	stream.indirect.scatter.add.f32 [tilespmem:s20], [sflag:$0x7], $0x40, s8, s19, $0xb8;
	[tilespmem:$0x15220] =	vst v63  }
0x88: {  	_ =	swait.ge [sflag:s28], $0x1400  }
0x89: {  	[sflag:s28] =	ssyncset.done $0x0  }
0x8a: {  	s8 =	sadd.s32 $0x27B0, s9;
	[sflag:s28] =	ssyncadd.s32 $0xFFFFEC00  }
0x8b: {  	[spmem:s2] =	stream.indirect.scatter.add.f32 [tilespmem:s21], [sflag:$0x8], $0x40, s8, s19, $0xb8;
	[tilespmem:$0x15220] =	vst v63  }
0x8c: {  	_ =	swait.ge [sflag:s29], $0x1400  }
0x8d: {  	[sflag:s29] =	ssyncset.done $0x0  }
0x8e: {  	s8 =	sadd.s32 $0x2800, s9;
	[sflag:s29] =	ssyncadd.s32 $0xFFFFEC00  }
0x8f: {  	[spmem:s2] =	stream.indirect.scatter.add.f32 [tilespmem:s22], [sflag:$0x9], $0x40, s8, s19, $0xb8;
	[tilespmem:$0x15220] =	vst v63  }
0x90: {  	_ =	swait.ge [sflag:s30], $0x1400  }
0x91: {  	[sflag:s30] =	ssyncset.done $0x0  }
0x92: {  	s8 =	sadd.s32 $0x2850, s9;
	[sflag:s30] =	ssyncadd.s32 $0xFFFFEC00  }
0x93: {  	[spmem:s2] =	stream.indirect.scatter.add.f32 [tilespmem:s23], [sflag:$0xA], $0x40, s8, s19, $0xb8;
	[tilespmem:$0x15220] =	vst v63  }
0x94: {  	_ =	swait.ge [sflag:s31], $0x1400  }
0x95: {  	[sflag:s31] =	ssyncset.done $0x0  }
0x96: {  	[sflag:s31] =	ssyncadd.s32 $0xFFFFEC00  }
0x97: {  	_ =	swait.ge [sflag:s0], $0x1400  }
0x98: {  	[sflag:s0] =	ssyncset.done $0x0  }
0x99: {  	[sflag:s0] =	ssyncadd.s32 $0xFFFFEC00  }
0x9a: {  	_ =	swait.ge [sflag:s18], $0x1400  }
0x9b: {  	[sflag:s18] =	ssyncset.done $0x0  }
0x9c: {  	[sflag:s18] =	ssyncadd.s32 $0xFFFFEC00  }
.Ltmp1:
0x9d: {  	_ =	swait.ge [sflag:s4], $0x1400;
	(pc) =	sbr.rel @p0 .LBB2_4-.Ltmp1, $4  }
0x9e: {  	[sflag:s4] =	ssyncset.done $0x0  }
0x9f: {  	[sflag:s4] =	ssyncadd.s32 $0xFFFFEC00  }
0xa0: {  	_ =	swait.ge [sflag:s6], $0x1400  }
0xa1: {  	s8 =	smov.u32 s10;
	[sflag:s6] =	ssyncset.done $0x0  }
0xa2: {  	s7 =	sshra.s32 s7, $0x2;
	[sflag:s6] =	ssyncadd.s32 $0xFFFFEC00  }
0xa3: {  	[tilespmem:s15], [sflag:$0x1] =	stream.indirect.gather [hbm4b:s1+s19], $0x40, s7, s19, $0xb8;
	[tilespmem:$0x15220] =	vst v63  }
0xa4: {  	s8 =	sadd.s32 $0x50, s7  }
0xa5: {  	[tilespmem:s20], [sflag:$0x2] =	stream.indirect.gather [hbm4b:s1+s19], $0x40, s8, s19, $0xb8;
	[tilespmem:$0x15220] =	vst v63  }
0xa6: {  	s10 =	sadd.s32 $0xA0, s7  }
0xa7: {  	[tilespmem:s21], [sflag:$0x3] =	stream.indirect.gather [hbm4b:s1+s19], $0x40, s10, s19, $0xb8;
	[tilespmem:$0x15220] =	vst v63  }
0xa8: {  	s9 =	sadd.s32 $0xF0, s7  }
0xa9: {  	[tilespmem:s22], [sflag:$0x4] =	stream.indirect.gather [hbm4b:s1+s19], $0x40, s9, s19, $0xb8;
	[tilespmem:$0x15220] =	vst v63  }
0xaa: {  	s10 =	sadd.s32 $0x140, s7  }
0xab: {  	[tilespmem:s23], [sflag:$0x5] =	stream.indirect.gather [hbm4b:s1+s19], $0x40, s10, s19, $0xb8;
	[tilespmem:$0x15220] =	vst v63  }
0xac: {  	_ =	swait.ge [sflag:s25], $0x1400  }
0xad: {  	[sflag:s25] =	ssyncset.done $0x0  }
0xae: {  	s9 =	sadd.s32 $0x2710, s7;
	[sflag:s25] =	ssyncadd.s32 $0xFFFFEC00  }
0xaf: {  	[spmem:s2] =	stream.indirect.scatter.add.f32 [tilespmem:s15], [sflag:$0x6], $0x40, s9, s19, $0xb8;
	[tilespmem:$0x15220] =	vst v63  }
0xb0: {  	_ =	swait.ge [sflag:s26], $0x1400  }
0xb1: {  	[sflag:s26] =	ssyncset.done $0x0  }
0xb2: {  	s10 =	sadd.s32 $0x2760, s7;
	[sflag:s26] =	ssyncadd.s32 $0xFFFFEC00  }
0xb3: {  	[spmem:s2] =	stream.indirect.scatter.add.f32 [tilespmem:s20], [sflag:$0x7], $0x40, s10, s19, $0xb8;
	[tilespmem:$0x15220] =	vst v63  }
0xb4: {  	_ =	swait.ge [sflag:s28], $0x1400  }
0xb5: {  	[sflag:s28] =	ssyncset.done $0x0  }
0xb6: {  	s9 =	sadd.s32 $0x27B0, s7;
	[sflag:s28] =	ssyncadd.s32 $0xFFFFEC00  }
0xb7: {  	[spmem:s2] =	stream.indirect.scatter.add.f32 [tilespmem:s21], [sflag:$0x8], $0x40, s9, s19, $0xb8;
	[tilespmem:$0x15220] =	vst v63  }
0xb8: {  	_ =	swait.ge [sflag:s29], $0x1400  }
0xb9: {  	[sflag:s29] =	ssyncset.done $0x0  }
0xba: {  	s10 =	sadd.s32 $0x2800, s7;
	[sflag:s29] =	ssyncadd.s32 $0xFFFFEC00  }
0xbb: {  	[spmem:s2] =	stream.indirect.scatter.add.f32 [tilespmem:s22], [sflag:$0x9], $0x40, s10, s19, $0xb8;
	[tilespmem:$0x15220] =	vst v63  }
0xbc: {  	_ =	swait.ge [sflag:s30], $0x1400  }
0xbd: {  	[sflag:s30] =	ssyncset.done $0x0  }
0xbe: {  	s7 =	sadd.s32 $0x2850, s7;
	[sflag:s30] =	ssyncadd.s32 $0xFFFFEC00  }
0xbf: {  	[spmem:s2] =	stream.indirect.scatter.add.f32 [tilespmem:s23], [sflag:$0xA], $0x40, s7, s19, $0xb8;
	[tilespmem:$0x15220] =	vst v63  }
0xc0: {  	_ =	swait.ge [sflag:s31], $0x1400  }
0xc1: {  	[sflag:s31] =	ssyncset.done $0x0  }
0xc2: {  	[sflag:s31] =	ssyncadd.s32 $0xFFFFEC00  }
0xc3: {  	_ =	swait.ge [sflag:s0], $0x1400  }
0xc4: {  	[sflag:s0] =	ssyncset.done $0x0  }
0xc5: {  	[sflag:s0] =	ssyncadd.s32 $0xFFFFEC00  }
0xc6: {  	_ =	swait.ge [sflag:s18], $0x1400  }
0xc7: {  	[sflag:s18] =	ssyncset.done $0x0  }
0xc8: {  	[sflag:s18] =	ssyncadd.s32 $0xFFFFEC00  }
0xc9: {  	_ =	swait.ge [sflag:s4], $0x1400  }
0xca: {  	[sflag:s4] =	ssyncset.done $0x0  }
0xcb: {  	[sflag:s4] =	ssyncadd.s32 $0xFFFFEC00  }
0xcc: {  	s3 =	sadd.s32 $0x1, s3;
	_ =	swait.ge [sflag:s6], $0x1400  }
0xcd: {  	p0 =	sne.s32 s3, s14;
	s9 =	stileid.u32;
	[sflag:s6] =	ssyncset.done $0x0  }
0xce: {  	s10 =	sshrl.u32 s5, $0x3;
	s7 =	sshll.u32 s9, $0x6;
	[sflag:s6] =	ssyncadd.s32 $0xFFFFEC00  }
.Ltmp2:
0xcf: {  	s7 =	sor.u32 $0x1C0B, s7;
	[bflag:$0x0] =	sbarrier.arrive $0xFFFF;
	(pc) =	sbr.rel @p0 .LBB2_1-.Ltmp2, $4  }
0xd0: {  	[hbm:s24], [sflag:s7] =	dma.local [spmem:s10], $0x1400  }
0xd1: {  	_ =	swait.ge [sflag:s16], $0x1400  }
0xd2: {  	[sflag:s16] =	ssyncset.done $0x0  }
0xd3: {  	[sflag:s16] =	ssyncadd.s32 $0xFFFFEC00  }
0xd4: {  	_ =	sfence.sel $0x180000  }
0xd5: {  	[bflag:$0x0] =	sbarrier.arrive $0xFFFF  }
0xd6: {  	_ =	strace $0x90000050  }
0xd7: {  	s0 =	stileid.u32;
	[bflag:$0x2] =	sbarrier.arrive $0xFFFF  }
0xd8: {  	p0 =	sne.s32 s0, $0x0;
	s0 =	rddreg [dreg:$0x4]  }
0xd9: {  	s0 =	sadd.s32 @!p0 $0x100000, s0  }
0xda: {  	[sflag:s0] =	ssyncadd.tile.s32 @!p0 $0x1;
	_ =	shalt  }
.Lfunc_end2:
_tile_overlayer_lowered:
.L_overlay_start_2:
0xdb: {  	(tag) =	ssettag $0x2  }
0xdc: {  	s0 =	rddreg [dreg:$0x0];
	s2 =	stileid.u32  }
0xdd: {  	s1 =	rddreg [dreg:$0x1];
	p0 =	sne.s32 s2, $0x0  }
0xde: {  	s3 =	rddreg [dreg:$0x2];
	[bflag:$0x3] =	sbarrier.arrive $0xFFFF;
	s2 =	simm.s32 @!p0 $0x1C0B  }
0xdf: {  	[timem:s3], [sflag:s2] =	dma.local @!p0 [hbm:s0], s1  }
0xe0: {  	s0 =	simm.s32 @!p0 $0xB  }
0xe1: {  	_ =	swait.ge @!p0 [sflag:s0], s1  }
0xe2: {  	s1 =	ssub.s32 @!p0 $0x0, s1;
	[sflag:s0] =	ssyncset.done @!p0 $0x0  }
0xe3: {  	[sflag:s0] =	ssyncadd.s32 @!p0 s1  }
0xe4: {  	[bflag:$0x3] =	sbarrier.arrive $0xFFFF  }
0xe5: {  	_ =	shalt  }

// kernel: edge_agg_f64.5.cloned.1.call-start
scs
__scs_entry_jumppad:
0x0: {  	(pc) =	sbr.rel $0x88, $3  }
0x1: {  	(tag) =	ssettag $0x0;
	lr =	simm.s32 $0x1  }
0x2: {  	[smem:$0x3F86] =	sst lr;
	_ =	strace $0xD0000000  }
0x3: {  	_ = 	snop  }
0x4: {  	_ = 	snop  }
0x5: {  	_ = 	snop  }
0x6: {  	_ = 	snop  }
0x7: {  	_ = 	snop  }
__scs_overlays_trampoline_lowered:
0x8: {  	[smem:$0x3F95] =	sst s0  }
0x9: {  	[smem:$0x3F96] =	sst s1  }
0xa: {  	[smem:$0x3F97] =	sst s2  }
0xb: {  	[smem:$0x3F98] =	sst s3  }
0xc: {  	[smem:$0x3F99] =	sst s4  }
0xd: {  	[smem:$0x3F9A] =	sst s5  }
0xe: {  	[smem:$0x3F9B] =	sst s6  }
0xf: {  	[smem:$0x3F9C] =	sst s7  }
0x10: {  	[smem:$0x3F9D] =	sst s8  }
0x11: {  	[smem:$0x3F9E] =	sst s9;
	s0 =	simm.s32 @!p0 $0x0  }
0x12: {  	s1 =	sld [smem:$0x3F84];
	s0 =	simm.s32 @p0 $0x1  }
0x13: {  	[smem:$0x3F9F] =	sst s0;
	s0 =	simm.s32 @!p1 $0x0  }
0x14: {  	s2 =	sld [smem:$0x3F83];
	s0 =	simm.s32 @p1 $0x1  }
0x15: {  	[smem:$0x3FA0] =	sst s0;
	s0 =	simm.s32 @!p2 $0x0  }
0x16: {  	s3 =	sld [smem:$0x3FDB];
	s0 =	simm.s32 @p2 $0x1  }
0x17: {  	s4 =	simm.s32 $0x1BF5;
	[smem:$0x3FA2] =	sst s0  }
0x18: {  	s0 =	sld [smem:$0x3F85];
	_ =	swait.ge [sflag:s4], $0x0  }
0x19: {  	s7 =	sld [smem:$0x3F86]  }
0x1a: {  	s8 =	sadd.s32 $0xFFFFE003, lr  }
0x1b: {  	s9 =	sadd.s32 $0xFFFFFEF7, lr;
	s5 =	simm.s32 $0xFFFFFFFF;
	p2 =	slt.u32 s8, $0xFFFFF086  }
0x1c: {  	p1 =	slt.u32 s9, $0xF7A;
	s5 =	simm.s32 @!p2 $0x0  }
0x1d: {  	s5 =	simm.s32 @p1 $0x1;
	p0 =	seq.s32 s7, s2  }
0x1e: {  	s7 =	smul.u32 @!p0 $0xF7A, s2;
	p2 =	seq.s32 @!p0 s5, $0x0  }
0x1f: {  	s9 =	smul.u32 $0xF7A, s1;
	s8 =	simm.s32 @!p0 $0x1BF5;
	p2 =	por !p2, p0  }
0x20: {  	[sflag:s8] =	ssyncset.s32 @!p0 $0xFFFFF086;
	s6 =	sadd.s32 @!p0 s3, s7;
	s7 =	simm.s32 @!p0 $0x108  }
0x21: {  	s3 =	sadd.s32 s3, s9;
	s6 =	sadd.s32 @!p0 $0x88, s6;
	s7 =	simm.s32 @p2 $0x1082  }
0x22: {  	[simem:s7], [sflag:s8] =	dma.local @!p0 [hbm:s6], $0xF7A  }
0x23: {  	s9 =	sor.u32 $0xD0000000, s2;
	s6 =	simm.s32 $0x108;
	_ =	swait.ge @!p0 [sflag:s8], $0x0  }
0x24: {  	s3 =	sadd.s32 $0x88, s3;
	s6 =	simm.s32 @!p1 $0x1082;
	[sflag:s4] =	ssyncset.s32 $0xFFFFF086  }
0x25: {  	[simem:s6], [sflag:s4] =	dma.local [hbm:s3], $0xF7A  }
0x26: {  	[smem:$0x3F86] =	sst s1;
	(tag) =	ssettag s2;
	_ =	strace s9  }
0x27: {  	s1 =	sld [smem:$0x3F96]  }
0x28: {  	s2 =	sld [smem:$0x3F97]  }
0x29: {  	s4 =	sld [smem:$0x3F99]  }
0x2a: {  	p0 =	seq.s32 s5, $0x0;
	s5 =	sld [smem:$0x3F9A]  }
0x2b: {  	s6 =	sld [smem:$0x3F9B]  }
0x2c: {  	s7 =	sld [smem:$0x3F9C]  }
0x2d: {  	s3 =	simm.s32 $0x108;
	s8 =	sld [smem:$0x3F9D]  }
0x2e: {  	s3 =	simm.s32 @!p0 $0x1082;
	s9 =	sld [smem:$0x3F9E]  }
0x2f: {  	lr =	sadd.s32 s0, s3;
	s0 =	sld [smem:$0x3F95]  }
0x30: {  	s3 =	sld [smem:$0x3F98]  }
0x31: {  	[smem:$0x3FA1] =	sst s10  }
0x32: {  	s10 =	sld [smem:$0x3F9F];
	_ =	sdelay $0x3  }
0x33: {  	p0 =	seq.s32 s10, $0x1;
	s10 =	sld [smem:$0x3FA1];
	_ =	sdelay $0x3  }
0x34: {  	[smem:$0x3FA1] =	sst s10  }
0x35: {  	s10 =	sld [smem:$0x3FA0];
	_ =	sdelay $0x3  }
0x36: {  	p1 =	seq.s32 s10, $0x1;
	s10 =	sld [smem:$0x3FA1];
	_ =	sdelay $0x3  }
0x37: {  	[smem:$0x3FA1] =	sst s10  }
0x38: {  	s10 =	sld [smem:$0x3FA2]  }
0x39: {  	_ = 	snop;
	(pc) =	sbr.ind lr, $3  }
0x3a: {  	_ = 	snop  }
0x3b: {  	_ = 	snop  }
0x3c: {  	p2 =	seq.s32 s10, $0x1;
	s10 =	sld [smem:$0x3FA1]  }
0x3d: {  	_ =	shalt  }
0x3e: {  	_ =	shalt  }
0x3f: {  	_ =	shalt  }
0x40: {  	_ =	shalt  }
0x41: {  	_ =	shalt  }
0x42: {  	_ =	shalt  }
0x43: {  	_ =	shalt  }
0x44: {  	_ =	shalt  }
0x45: {  	_ =	shalt  }
0x46: {  	_ =	shalt  }
0x47: {  	_ =	shalt  }
0x48: {  	_ =	shalt  }
0x49: {  	_ =	shalt  }
0x4a: {  	_ =	shalt  }
0x4b: {  	_ =	shalt  }
0x4c: {  	_ =	shalt  }
0x4d: {  	_ =	shalt  }
0x4e: {  	_ =	shalt  }
0x4f: {  	_ =	shalt  }
0x50: {  	_ =	shalt  }
0x51: {  	_ =	shalt  }
0x52: {  	_ =	shalt  }
0x53: {  	_ =	shalt  }
0x54: {  	_ =	shalt  }
0x55: {  	_ =	shalt  }
0x56: {  	_ =	shalt  }
0x57: {  	_ =	shalt  }
0x58: {  	_ =	shalt  }
0x59: {  	_ =	shalt  }
0x5a: {  	_ =	shalt  }
0x5b: {  	_ =	shalt  }
0x5c: {  	_ =	shalt  }
0x5d: {  	_ =	shalt  }
0x5e: {  	_ =	shalt  }
0x5f: {  	_ =	shalt  }
0x60: {  	_ =	shalt  }
0x61: {  	_ =	shalt  }
0x62: {  	_ =	shalt  }
0x63: {  	_ =	shalt  }
0x64: {  	_ =	shalt  }
0x65: {  	_ =	shalt  }
0x66: {  	_ =	shalt  }
0x67: {  	_ =	shalt  }
0x68: {  	_ =	shalt  }
0x69: {  	_ =	shalt  }
0x6a: {  	_ =	shalt  }
0x6b: {  	_ =	shalt  }
0x6c: {  	_ =	shalt  }
0x6d: {  	_ =	shalt  }
0x6e: {  	_ =	shalt  }
0x6f: {  	_ =	shalt  }
0x70: {  	_ =	shalt  }
0x71: {  	_ =	shalt  }
0x72: {  	_ =	shalt  }
0x73: {  	_ =	shalt  }
0x74: {  	_ =	shalt  }
0x75: {  	_ =	shalt  }
0x76: {  	_ =	shalt  }
0x77: {  	_ =	shalt  }
0x78: {  	_ =	shalt  }
0x79: {  	_ =	shalt  }
0x7a: {  	_ =	shalt  }
0x7b: {  	_ =	shalt  }
0x7c: {  	_ =	shalt  }
0x7d: {  	_ =	shalt  }
0x7e: {  	_ =	shalt  }
0x7f: {  	_ =	shalt  }
0x80: {  	_ =	shalt  }
0x81: {  	_ =	shalt  }
0x82: {  	_ =	shalt  }
0x83: {  	_ =	shalt  }
0x84: {  	_ =	shalt  }
0x85: {  	_ =	shalt  }
0x86: {  	_ =	shalt  }
0x87: {  	_ =	shalt  }
.Lfunc_end0:
.L_simem_size_0:
called_computation.1_lowered:
.L_overlay_start_0:
0x88: {  	s2 =	sld [smem:$0x3FD9]  }
0x89: {  	s3 =	sld [smem:$0x3FFE];
	_ =	sdelay $0x1  }
0x8a: {  	s1 =	srdreg.scid  }
0x8b: {  	s0 =	sand.u32 $0x1, s1  }
0x8c: {  	s15 =	sshll.u32 s0, $0xA;
	s2 =	sadd.s32 s3, s2  }
0x8d: {  	s2 =	sadd.s32 s2, s15  }
0x8e: {  	[smem:$0x3FAD] =	sst s2  }
0x8f: {  	_ = 	snop  }
0x90: {  	s2 =	sld [smem:$0x3FD0];
	_ =	sdelay $0x2  }
0x91: {  	s4 =	simm.s32 $0xB;
	s16 =	simm.s32 $0x10  }
0x92: {  	[smem:s16], [sflag:s4] =	dma.local [hbm:s2], $0x1  }
0x93: {  	_ =	swait.eq [sflag:s4], $0x1  }
0x94: {  	[sflag:s4] =	ssyncset.done $0x0  }
0x95: {  	s17 =	sld [smem:$0x10];
	[sflag:s4] =	ssyncadd.s32 $0xFFFFFFFF  }
0x96: {  	s18 =	sld [smem:$0x11];
	(tm) =	ssettm $0x1  }
0x97: {  	s19 =	sld [smem:$0x3FFB];
	_ =	sdelay $0x3  }
0x98: {  	_ =	strace s19  }
0x99: {  	s2 =	sld [smem:$0x3FFC];
	_ =	sdelay $0x3  }
0x9a: {  	_ =	strace s2  }
0x9b: {  	s2 =	sld [smem:$0x3FFD];
	_ =	sdelay $0x3  }
0x9c: {  	_ =	strace s2  }
0x9d: {  	_ =	strace $0x8FFFFFFF  }
0x9e: {  	s20 =	sld [smem:$0x3FDB];
	_ =	sdelay $0x1  }
0x9f: {  	s5 =	simm.s32 $_scs_section_size  }
0xa0: {  	s6 =	simm.s32 $_size__tile_overlayer_lowered;
	s7 =	simm.s32 $_tile_overlayer_lowered  }
0xa1: {  	s8 =	simm.s32 $0x1BFF;
	s21 =	sshll.u32 s7, $0x1;
	s5 =	sadd.s32 s5, s20  }
0xa2: {  	s22 =	simm.s32 $0x0;
	s6 =	sshll.u32 s6, $0x1;
	s7 =	sadd.s32 s21, s5  }
0xa3: {  	[timem:s22], [sflag:s8] =	dma.local [hbm:s7], s6  }
0xa4: {  	_ =	swait.ge [sflag:s8], s6  }
0xa5: {  	s6 =	ssub.s32 $0x0, s6;
	[sflag:s8] =	ssyncset.done $0x0  }
0xa6: {  	[sflag:s8] =	ssyncadd.s32 s6;
	_ =	sdelay $0x1  }
0xa7: {  	s23 =	simm.s32 $0x1B8B  }
0xa8: {  	_ =	swait.ge [sflag:s23], $0x1  }
0xa9: {  	[sflag:s23] =	ssyncset.done $0x0  }
0xaa: {  	[sflag:s23] =	ssyncadd.s32 $0xFFFFFFFF  }
0xab: {  	s6 =	sld [smem:$0x0]  }
0xac: {  	s7 =	sand.u32 $0xFFFFFFFE, s1  }
0xad: {  	p0 =	sne.s32 s1, s7  }
0xae: {  	s7 =	sshll.u32 @p0 s7, $0xE  }
0xaf: {  	s7 =	sadd.s32 @p0 $0x11B8D, s7;
	s8 =	sshll.u32 @p0 s6, $0x11  }
0xb0: {  	s7 =	sor.u32 @p0 s8, s7  }
0xb1: {  	[sflag:s7] =	ssyncadd.remote.s32 @p0 $0x1;
	_ =	sdelay $0x1  }
0xb2: {  	s7 =	simm.s32 @p0 $0x1B8D  }
0xb3: {  	_ =	swait.eq @p0 [sflag:s7], $0x1  }
0xb4: {  	[sflag:s7] =	ssyncadd.s32 @p0 $0xFFFFFFFF  }
0xb5: {  	s8 =	sshll.u32 @!p0 s1, $0xE  }
0xb6: {  	s8 =	sor.u32 @!p0 $0x4000, s8;
	s7 =	simm.s32 @!p0 $0x1B8D  }
0xb7: {  	s6 =	sshll.u32 @!p0 s6, $0x11;
	s8 =	sadd.s32 @!p0 $0x11B8D, s8;
	_ =	swait.eq @!p0 [sflag:s7], $0x1  }
0xb8: {  	s6 =	sor.u32 @!p0 s6, s8;
	[sflag:s7] =	ssyncadd.s32 @!p0 $0xFFFFFFFF  }
0xb9: {  	s25 =	simm.s32 $0x1B8E;
	s24 =	sld [smem:$0x3FFE];
	[sflag:s6] =	ssyncadd.remote.s32 @!p0 $0x1  }
0xba: {  	s26 =	simm.s32 $execute0_lowered;
	[smem:$0x3FD2] =	sst s25  }
0xbb: {  	s7 =	sshll.u32 s26, $0x1;
	_ =	strace $0x8000004C;
	[dreg:$0x1] =	wrdreg $0xFFFFFFFF  }
0xbc: {  	s28 =	simm.s32 $_size_execute0_lowered;
	s5 =	sadd.s32 s5, s7;
	[dreg:$0x0] =	wrdreg $0x0  }
0xbd: {  	s7 =	sshll.u32 s28, $0x1;
	[dreg:$0x2] =	wrdreg s5  }
0xbe: {  	[dreg:$0x3] =	wrdreg s7  }
0xbf: {  	[dreg:$0x4] =	wrdreg $0xC0  }
0xc0: {  	_ =	task [dreg:s22], $0x5FFFF  }
0xc1: {  	[dreg:$0x1] =	wrdreg $0xFFFFFFFF  }
0xc2: {  	[dreg:$0x0] =	wrdreg $0x60  }
0xc3: {  	[dreg:$0x2] =	wrdreg s18  }
0xc4: {  	[dreg:$0x3] =	wrdreg s17  }
0xc5: {  	[dreg:$0x4] =	wrdreg s24  }
0xc6: {  	[dreg:$0x5] =	wrdreg $0xB2200  }
0xc7: {  	[dreg:$0x6] =	wrdreg $0x9  }
0xc8: {  	_ =	task.clear_ibuf [dreg:s22], $0x7FFFF;
	_ =	strace $0x9000004C  }
0xc9: {  	s29 =	simm.s32 $0x9;
	_ =	strace $0x8000004E  }
0xca: {  	_ =	swait.ge [sflag:s29], $0x1  }
0xcb: {  	[sflag:s29] =	ssyncadd.s32 $0xFFFFFFFF  }
0xcc: {  	_ =	strace $0x9000004E  }
0xcd: {  	_ =	sfence  }
0xce: {  	s30 =	sld [smem:$0x0];
	_ =	sdelay $0x2  }
0xcf: {  	s31 =	sshll.u32 s1, $0xD;
	s1 =	sshrl.u32 s1, $0x2  }
0xd0: {  	s4 =	sand.u32 $0x4000, s31;
	s1 =	sadd.s32 s1, s30  }
0xd1: {  	s0 =	sor.u32 s4, s0;
	s1 =	sshll.u32 s1, $0x11  }
0xd2: {  	s0 =	sor.u32 s1, s0  }
0xd3: {  	s0 =	sadd.s32 $0x8F2B, s0  }
0xd4: {  	[sflag:s0] =	ssyncadd.remote.s32 $0x1  }
0xd5: {  	_ =	sfence.sel $0xFFFF  }
0xd6: {  	[dreg:$0x0] =	wrdreg $0xFFFFFFFF;
	(pc) =	sbr.abs _section_cstart, $3  }
0xd7: {  	[dreg:$0x1] =	wrdreg $0xFFFFFFFF  }
0xd8: {  	_ =	task.clear_ibuf [dreg:s22], $0x2FFFF;
	_ =	strace $0x9FFFFFFF  }
0xd9: {  	(tm) =	ssettm $0x7FFFFFFF  }
tec
execute0_lowered:
.L_overlay_start_1:
0x0: {  	(tag) =	ssettag $0x1  }
0x1: {  	s1 =	rddreg [dreg:$0x0]  }
0x2: {  	s0 =	rddreg [dreg:$0x1]  }
0x3: {  	s4 =	rddreg [dreg:$0x2]  }
0x4: {  	s2 =	rddreg [dreg:$0x3];
	s3 =	simm.s32 $0x0  }
0x5: {  	s5 =	srdreg.scid;
	s10 =	stileid.u32;
	s15 =	simm.s32 $0x4E20  }
0x6: {  	s16 =	simm.s32 $0xB;
	s28 =	simm.s32 $0x3;
	s29 =	simm.s32 $0x4  }
0x7: {  	s30 =	simm.s32 $0x5;
	s31 =	simm.s32 $0x6;
	s8 =	smul.u32 $0x28000, s10  }
0x8: {  	[smem:$0x7FF] =	sst s3;
	s5 =	sand.u32 $0x1, s5;
	s9 =	smul.u32 $0xA000, s10  }
0x9: {  	s6 =	smul.u32 $0x14000, s5;
	_ =	strace $0x8000004D;
	s7 =	ssub.s32 $0x2, s5  }
0xa: {  	s20 =	sshll.u32 s5, $0x4;
	s18 =	sshrl.u32 s7, $0x1;
	s19 =	sshrl.u32 s8, $0x2  }
0xb: {  	s5 =	sadd.s32 s9, s2;
	s8 =	sor.u32 s10, s20;
	s26 =	sshrl.u32 s9, $0x3  }
0xc: {  	s20 =	simm.s32 $0x6220;
	s4 =	sadd.s32 s6, s4;
	s6 =	ssub.s32 s7, s18  }
0xd: {  	s7 =	sadd.s32 s19, s2;
	s8 =	smul.u32 $0x4E2, s8;
	s19 =	simm.s32 $0x50  }
0xe: {  	s18 =	simm.s32 $0x8;
	s21 =	sadd.s32 $0x1400, s7;
	s22 =	sadd.s32 $0x2800, s7  }
0xf: {  	s23 =	sadd.s32 $0x3C00, s7;
	s24 =	sadd.s32 $0x5000, s7;
	[dreg:$0x5] =	wrdreg s21  }
0x10: {  	s25 =	sadd.s32 $0x6400, s7;
	s11 =	sadd.s32 $0x7800, s7;
	[dreg:$0x6] =	wrdreg s22  }
0x11: {  	s12 =	sadd.s32 $0x8C00, s7;
	s4 =	sadd.s32 $0x6AC00, s4;
	[dreg:$0x7] =	wrdreg s23  }
0x12: {  	s14 =	smax.u32 s6, $0x1;
	s6 =	simm.s32 $0xA;
	[dreg:$0x8] =	wrdreg s24  }
0x13: {  	[dreg:$0x9] =	wrdreg s25;
	s13 =	sadd.s32 s0, s8;
	s0 =	sadd.s32 $0x9C40, s0  }
0x14: {  	s21 =	simm.s32 $0x7620;
	s22 =	simm.s32 $0x8A20;
	s23 =	simm.s32 $0x9E20  }
0x15: {  	s24 =	sadd.s32 s26, s4;
	s25 =	simm.s32 $0x1;
	s26 =	simm.s32 $0x2  }
0x16: {  	v0 =	vimm.f32 $0.0e+00;
	s4 =	simm.s32 $0x9;
	s17 =	sadd.s32 s8, s0;
	s0 =	simm.s32 $0x7  }
.LBB2_1:
0x17: {  	s8 =	simm.s32 $0x100;
	s7 =	simm.s32 $0x0  }
.LBB2_2:
0x18: {  	p0 =	sne.s32 s8, $0x4F00;
	[tilespmem:s7+$0x4E50] =	vst v0;
	s9 =	smov.u32 s8;
	s8 =	sadd.s32 $0x100, s8  }
.Ltmp0:
0x19: {  	[tilespmem:s7+$0x4E40] =	vst v0;
	(pc) =	sbr.rel @p0 .LBB2_2-.Ltmp0, $3  }
0x1a: {  	[tilespmem:s7+$0x4E20] =	vst v0  }
0x1b: {  	[tilespmem:s7+$0x4E30] =	vst v0;
	_ =	sdelay $0x1  }
0x1c: {  	s7 =	sshra.s32 s9, $0x2  }
0x1d: {  	[tilespmem:s7+$0x4E50] =	vst v0  }
0x1e: {  	[tilespmem:s7+$0x4E40] =	vst v0  }
0x1f: {  	[tilespmem:s7+$0x4E20] =	vst v0  }
0x20: {  	[tilespmem:s7+$0x4E30] =	vst v0  }
0x21: {  	[spmem:s5] =	stream.linear.scatter [tilespmem:s15], [sflag:$0xB], $0x1400, $0x38;
	[tilespmem:$0x15220] =	vst v63  }
0x22: {  	_ =	swait.ge [sflag:s16], $0x1400  }
0x23: {  	[sflag:s16] =	ssyncset.done $0x0  }
0x24: {  	s10 =	rddreg [dreg:$0x5];
	[sflag:s16] =	ssyncadd.s32 $0xFFFFEC00  }
0x25: {  	[spmem:s10] =	stream.linear.scatter [tilespmem:s15], [sflag:$0xB], $0x1400, $0x38;
	[tilespmem:$0x15220] =	vst v63  }
0x26: {  	_ =	swait.ge [sflag:s16], $0x1400  }
0x27: {  	[sflag:s16] =	ssyncset.done $0x0  }
0x28: {  	s8 =	rddreg [dreg:$0x6];
	[sflag:s16] =	ssyncadd.s32 $0xFFFFEC00  }
0x29: {  	[spmem:s8] =	stream.linear.scatter [tilespmem:s15], [sflag:$0xB], $0x1400, $0x38;
	[tilespmem:$0x15220] =	vst v63  }
0x2a: {  	_ =	swait.ge [sflag:s16], $0x1400  }
0x2b: {  	[sflag:s16] =	ssyncset.done $0x0  }
0x2c: {  	s9 =	rddreg [dreg:$0x7];
	[sflag:s16] =	ssyncadd.s32 $0xFFFFEC00  }
0x2d: {  	[spmem:s9] =	stream.linear.scatter [tilespmem:s15], [sflag:$0xB], $0x1400, $0x38;
	[tilespmem:$0x15220] =	vst v63  }
0x2e: {  	_ =	swait.ge [sflag:s16], $0x1400  }
0x2f: {  	[sflag:s16] =	ssyncset.done $0x0  }
0x30: {  	s10 =	rddreg [dreg:$0x8];
	[sflag:s16] =	ssyncadd.s32 $0xFFFFEC00  }
0x31: {  	[spmem:s10] =	stream.linear.scatter [tilespmem:s15], [sflag:$0xB], $0x1400, $0x38;
	[tilespmem:$0x15220] =	vst v63  }
0x32: {  	_ =	swait.ge [sflag:s16], $0x1400  }
0x33: {  	[sflag:s16] =	ssyncset.done $0x0  }
0x34: {  	s8 =	rddreg [dreg:$0x9];
	[sflag:s16] =	ssyncadd.s32 $0xFFFFEC00  }
0x35: {  	[spmem:s8] =	stream.linear.scatter [tilespmem:s15], [sflag:$0xB], $0x1400, $0x38;
	[tilespmem:$0x15220] =	vst v63  }
0x36: {  	_ =	swait.ge [sflag:s16], $0x1400  }
0x37: {  	[sflag:s16] =	ssyncset.done $0x0  }
0x38: {  	[sflag:s16] =	ssyncadd.s32 $0xFFFFEC00  }
0x39: {  	[spmem:s11] =	stream.linear.scatter [tilespmem:s15], [sflag:$0xB], $0x1400, $0x38;
	[tilespmem:$0x15220] =	vst v63  }
0x3a: {  	_ =	swait.ge [sflag:s16], $0x1400  }
0x3b: {  	[sflag:s16] =	ssyncset.done $0x0  }
0x3c: {  	[sflag:s16] =	ssyncadd.s32 $0xFFFFEC00  }
0x3d: {  	[spmem:s12] =	stream.linear.scatter [tilespmem:s15], [sflag:$0xB], $0x1400, $0x38;
	[tilespmem:$0x15220] =	vst v63  }
0x3e: {  	_ =	swait.ge [sflag:s16], $0x1400  }
0x3f: {  	[sflag:s16] =	ssyncset.done $0x0  }
0x40: {  	[sflag:s16] =	ssyncadd.s32 $0xFFFFEC00  }
0x41: {  	s9 =	simm.s32 $0x0;
	[bflag:$0x0] =	sbarrier.arrive $0xFFFF  }
0x42: {  	[tilespmem:s9], [sflag:$0xB] =	stream.linear.gather [hbm4b:s13+s9], $0x2710, $0x38;
	[tilespmem:$0x15220] =	vst v63  }
0x43: {  	_ =	swait.ge [sflag:s16], $0x2710  }
0x44: {  	[sflag:s16] =	ssyncset.done $0x0  }
0x45: {  	s8 =	simm.s32 $0x2710;
	[sflag:s16] =	ssyncadd.s32 $0xFFFFD8F0  }
0x46: {  	[tilespmem:s8], [sflag:$0xB] =	stream.linear.gather [hbm4b:s17+s9], $0x2710, $0x38;
	[tilespmem:$0x15220] =	vst v63  }
0x47: {  	_ =	swait.ge [sflag:s16], $0x2710  }
0x48: {  	[sflag:s16] =	ssyncset.done $0x0  }
0x49: {  	s10 =	simm.s32 $0x0;
	[sflag:s16] =	ssyncadd.s32 $0xFFFFD8F0  }
0x4a: {  	[tilespmem:s15], [sflag:$0x1] =	stream.indirect.gather [hbm4b:s1+s19], $0x40, s10, s19, $0xb8;
	[tilespmem:$0x15220] =	vst v63  }
0x4b: {  	s8 =	simm.s32 $0x50  }
0x4c: {  	[tilespmem:s20], [sflag:$0x2] =	stream.indirect.gather [hbm4b:s1+s19], $0x40, s8, s19, $0xb8;
	[tilespmem:$0x15220] =	vst v63  }
0x4d: {  	s9 =	simm.s32 $0xA0  }
0x4e: {  	[tilespmem:s21], [sflag:$0x3] =	stream.indirect.gather [hbm4b:s1+s19], $0x40, s9, s19, $0xb8;
	[tilespmem:$0x15220] =	vst v63  }
0x4f: {  	s10 =	simm.s32 $0xF0  }
0x50: {  	[tilespmem:s22], [sflag:$0x4] =	stream.indirect.gather [hbm4b:s1+s19], $0x40, s10, s19, $0xb8;
	[tilespmem:$0x15220] =	vst v63  }
0x51: {  	s8 =	simm.s32 $0x140  }
0x52: {  	[tilespmem:s23], [sflag:$0x5] =	stream.indirect.gather [hbm4b:s1+s19], $0x40, s8, s19, $0xb8;
	[tilespmem:$0x15220] =	vst v63  }
0x53: {  	_ =	swait.ge [sflag:s25], $0x1400  }
0x54: {  	[sflag:s25] =	ssyncset.done $0x0  }
0x55: {  	s9 =	simm.s32 $0x2710;
	[sflag:s25] =	ssyncadd.s32 $0xFFFFEC00  }
0x56: {  	[spmem:s2] =	stream.indirect.scatter.add.f32 [tilespmem:s15], [sflag:$0x6], $0x40, s9, s19, $0xb8;
	[tilespmem:$0x15220] =	vst v63  }
0x57: {  	_ =	swait.ge [sflag:s26], $0x1400  }
0x58: {  	[sflag:s26] =	ssyncset.done $0x0  }
0x59: {  	s10 =	simm.s32 $0x2760;
	[sflag:s26] =	ssyncadd.s32 $0xFFFFEC00  }
0x5a: {  	[spmem:s2] =	stream.indirect.scatter.add.f32 [tilespmem:s20], [sflag:$0x7], $0x40, s10, s19, $0xb8;
	[tilespmem:$0x15220] =	vst v63  }
0x5b: {  	_ =	swait.ge [sflag:s28], $0x1400  }
0x5c: {  	[sflag:s28] =	ssyncset.done $0x0  }
0x5d: {  	s8 =	simm.s32 $0x27B0;
	[sflag:s28] =	ssyncadd.s32 $0xFFFFEC00  }
0x5e: {  	[spmem:s2] =	stream.indirect.scatter.add.f32 [tilespmem:s21], [sflag:$0x8], $0x40, s8, s19, $0xb8;
	[tilespmem:$0x15220] =	vst v63  }
0x5f: {  	_ =	swait.ge [sflag:s29], $0x1400  }
0x60: {  	[sflag:s29] =	ssyncset.done $0x0  }
0x61: {  	s9 =	simm.s32 $0x2800;
	[sflag:s29] =	ssyncadd.s32 $0xFFFFEC00  }
0x62: {  	[spmem:s2] =	stream.indirect.scatter.add.f32 [tilespmem:s22], [sflag:$0x9], $0x40, s9, s19, $0xb8;
	[tilespmem:$0x15220] =	vst v63  }
0x63: {  	_ =	swait.ge [sflag:s30], $0x1400  }
0x64: {  	[sflag:s30] =	ssyncset.done $0x0  }
0x65: {  	s10 =	simm.s32 $0x2850;
	[sflag:s30] =	ssyncadd.s32 $0xFFFFEC00  }
0x66: {  	[spmem:s2] =	stream.indirect.scatter.add.f32 [tilespmem:s23], [sflag:$0xA], $0x40, s10, s19, $0xb8;
	[tilespmem:$0x15220] =	vst v63  }
0x67: {  	_ =	swait.ge [sflag:s31], $0x1400  }
0x68: {  	[sflag:s31] =	ssyncset.done $0x0  }
0x69: {  	[sflag:s31] =	ssyncadd.s32 $0xFFFFEC00  }
0x6a: {  	_ =	swait.ge [sflag:s0], $0x1400  }
0x6b: {  	[sflag:s0] =	ssyncset.done $0x0  }
0x6c: {  	[sflag:s0] =	ssyncadd.s32 $0xFFFFEC00  }
0x6d: {  	_ =	swait.ge [sflag:s18], $0x1400  }
0x6e: {  	[sflag:s18] =	ssyncset.done $0x0  }
0x6f: {  	[sflag:s18] =	ssyncadd.s32 $0xFFFFEC00  }
0x70: {  	_ =	swait.ge [sflag:s4], $0x1400  }
0x71: {  	[sflag:s4] =	ssyncset.done $0x0  }
0x72: {  	[sflag:s4] =	ssyncadd.s32 $0xFFFFEC00  }
0x73: {  	_ =	swait.ge [sflag:s6], $0x1400  }
0x74: {  	s7 =	simm.s32 $0x640;
	s8 =	simm.s32 $0xC80;
	[sflag:s6] =	ssyncset.done $0x0  }
.LBB2_4:
0x75: {  	s9 =	sshra.s32 s7, $0x2  }
0x76: {  	[sflag:s6] =	ssyncadd.s32 $0xFFFFEC00;
	s7 =	smov.u32 s8;
	s10 =	sadd.s32 $0x640, s8  }
0x77: {  	[tilespmem:s15], [sflag:$0x1] =	stream.indirect.gather [hbm4b:s1+s19], $0x40, s9, s19, $0xb8;
	[tilespmem:$0x15220] =	vst v63  }
0x78: {  	p0 =	sne.s32 s8, $0x9600;
	s8 =	sadd.s32 $0x50, s9  }
0x79: {  	[tilespmem:s20], [sflag:$0x2] =	stream.indirect.gather [hbm4b:s1+s19], $0x40, s8, s19, $0xb8;
	[tilespmem:$0x15220] =	vst v63  }
0x7a: {  	s8 =	sadd.s32 $0xA0, s9  }
0x7b: {  	[tilespmem:s21], [sflag:$0x3] =	stream.indirect.gather [hbm4b:s1+s19], $0x40, s8, s19, $0xb8;
	[tilespmem:$0x15220] =	vst v63  }
0x7c: {  	s8 =	sadd.s32 $0xF0, s9  }
0x7d: {  	[tilespmem:s22], [sflag:$0x4] =	stream.indirect.gather [hbm4b:s1+s19], $0x40, s8, s19, $0xb8;
	[tilespmem:$0x15220] =	vst v63  }
0x7e: {  	s8 =	sadd.s32 $0x140, s9  }
0x7f: {  	[tilespmem:s23], [sflag:$0x5] =	stream.indirect.gather [hbm4b:s1+s19], $0x40, s8, s19, $0xb8;
	[tilespmem:$0x15220] =	vst v63  }
0x80: {  	_ =	swait.ge [sflag:s25], $0x1400  }
0x81: {  	[sflag:s25] =	ssyncset.done $0x0  }
0x82: {  	s8 =	sadd.s32 $0x2710, s9;
	[sflag:s25] =	ssyncadd.s32 $0xFFFFEC00  }
0x83: {  	[spmem:s2] =	stream.indirect.scatter.add.f32 [tilespmem:s15], [sflag:$0x6], $0x40, s8, s19, $0xb8;
	[tilespmem:$0x15220] =	vst v63  }
0x84: {  	_ =	swait.ge [sflag:s26], $0x1400  }
0x85: {  	[sflag:s26] =	ssyncset.done $0x0  }
0x86: {  	s8 =	sadd.s32 $0x2760, s9;
	[sflag:s26] =	ssyncadd.s32 $0xFFFFEC00  }
0x87: {  	[spmem:s2] =	stream.indirect.scatter.add.f32 [tilespmem:s20], [sflag:$0x7], $0x40, s8, s19, $0xb8;
	[tilespmem:$0x15220] =	vst v63  }
0x88: {  	_ =	swait.ge [sflag:s28], $0x1400  }
0x89: {  	[sflag:s28] =	ssyncset.done $0x0  }
0x8a: {  	s8 =	sadd.s32 $0x27B0, s9;
	[sflag:s28] =	ssyncadd.s32 $0xFFFFEC00  }
0x8b: {  	[spmem:s2] =	stream.indirect.scatter.add.f32 [tilespmem:s21], [sflag:$0x8], $0x40, s8, s19, $0xb8;
	[tilespmem:$0x15220] =	vst v63  }
0x8c: {  	_ =	swait.ge [sflag:s29], $0x1400  }
0x8d: {  	[sflag:s29] =	ssyncset.done $0x0  }
0x8e: {  	s8 =	sadd.s32 $0x2800, s9;
	[sflag:s29] =	ssyncadd.s32 $0xFFFFEC00  }
0x8f: {  	[spmem:s2] =	stream.indirect.scatter.add.f32 [tilespmem:s22], [sflag:$0x9], $0x40, s8, s19, $0xb8;
	[tilespmem:$0x15220] =	vst v63  }
0x90: {  	_ =	swait.ge [sflag:s30], $0x1400  }
0x91: {  	[sflag:s30] =	ssyncset.done $0x0  }
0x92: {  	s8 =	sadd.s32 $0x2850, s9;
	[sflag:s30] =	ssyncadd.s32 $0xFFFFEC00  }
0x93: {  	[spmem:s2] =	stream.indirect.scatter.add.f32 [tilespmem:s23], [sflag:$0xA], $0x40, s8, s19, $0xb8;
	[tilespmem:$0x15220] =	vst v63  }
0x94: {  	_ =	swait.ge [sflag:s31], $0x1400  }
0x95: {  	[sflag:s31] =	ssyncset.done $0x0  }
0x96: {  	[sflag:s31] =	ssyncadd.s32 $0xFFFFEC00  }
0x97: {  	_ =	swait.ge [sflag:s0], $0x1400  }
0x98: {  	[sflag:s0] =	ssyncset.done $0x0  }
0x99: {  	[sflag:s0] =	ssyncadd.s32 $0xFFFFEC00  }
0x9a: {  	_ =	swait.ge [sflag:s18], $0x1400  }
0x9b: {  	[sflag:s18] =	ssyncset.done $0x0  }
0x9c: {  	[sflag:s18] =	ssyncadd.s32 $0xFFFFEC00  }
.Ltmp1:
0x9d: {  	_ =	swait.ge [sflag:s4], $0x1400;
	(pc) =	sbr.rel @p0 .LBB2_4-.Ltmp1, $4  }
0x9e: {  	[sflag:s4] =	ssyncset.done $0x0  }
0x9f: {  	[sflag:s4] =	ssyncadd.s32 $0xFFFFEC00  }
0xa0: {  	_ =	swait.ge [sflag:s6], $0x1400  }
0xa1: {  	s8 =	smov.u32 s10;
	[sflag:s6] =	ssyncset.done $0x0  }
0xa2: {  	s7 =	sshra.s32 s7, $0x2;
	[sflag:s6] =	ssyncadd.s32 $0xFFFFEC00  }
0xa3: {  	[tilespmem:s15], [sflag:$0x1] =	stream.indirect.gather [hbm4b:s1+s19], $0x40, s7, s19, $0xb8;
	[tilespmem:$0x15220] =	vst v63  }
0xa4: {  	s8 =	sadd.s32 $0x50, s7  }
0xa5: {  	[tilespmem:s20], [sflag:$0x2] =	stream.indirect.gather [hbm4b:s1+s19], $0x40, s8, s19, $0xb8;
	[tilespmem:$0x15220] =	vst v63  }
0xa6: {  	s10 =	sadd.s32 $0xA0, s7  }
0xa7: {  	[tilespmem:s21], [sflag:$0x3] =	stream.indirect.gather [hbm4b:s1+s19], $0x40, s10, s19, $0xb8;
	[tilespmem:$0x15220] =	vst v63  }
0xa8: {  	s9 =	sadd.s32 $0xF0, s7  }
0xa9: {  	[tilespmem:s22], [sflag:$0x4] =	stream.indirect.gather [hbm4b:s1+s19], $0x40, s9, s19, $0xb8;
	[tilespmem:$0x15220] =	vst v63  }
0xaa: {  	s10 =	sadd.s32 $0x140, s7  }
0xab: {  	[tilespmem:s23], [sflag:$0x5] =	stream.indirect.gather [hbm4b:s1+s19], $0x40, s10, s19, $0xb8;
	[tilespmem:$0x15220] =	vst v63  }
0xac: {  	_ =	swait.ge [sflag:s25], $0x1400  }
0xad: {  	[sflag:s25] =	ssyncset.done $0x0  }
0xae: {  	s9 =	sadd.s32 $0x2710, s7;
	[sflag:s25] =	ssyncadd.s32 $0xFFFFEC00  }
0xaf: {  	[spmem:s2] =	stream.indirect.scatter.add.f32 [tilespmem:s15], [sflag:$0x6], $0x40, s9, s19, $0xb8;
	[tilespmem:$0x15220] =	vst v63  }
0xb0: {  	_ =	swait.ge [sflag:s26], $0x1400  }
0xb1: {  	[sflag:s26] =	ssyncset.done $0x0  }
0xb2: {  	s10 =	sadd.s32 $0x2760, s7;
	[sflag:s26] =	ssyncadd.s32 $0xFFFFEC00  }
0xb3: {  	[spmem:s2] =	stream.indirect.scatter.add.f32 [tilespmem:s20], [sflag:$0x7], $0x40, s10, s19, $0xb8;
	[tilespmem:$0x15220] =	vst v63  }
0xb4: {  	_ =	swait.ge [sflag:s28], $0x1400  }
0xb5: {  	[sflag:s28] =	ssyncset.done $0x0  }
0xb6: {  	s9 =	sadd.s32 $0x27B0, s7;
	[sflag:s28] =	ssyncadd.s32 $0xFFFFEC00  }
0xb7: {  	[spmem:s2] =	stream.indirect.scatter.add.f32 [tilespmem:s21], [sflag:$0x8], $0x40, s9, s19, $0xb8;
	[tilespmem:$0x15220] =	vst v63  }
0xb8: {  	_ =	swait.ge [sflag:s29], $0x1400  }
0xb9: {  	[sflag:s29] =	ssyncset.done $0x0  }
0xba: {  	s10 =	sadd.s32 $0x2800, s7;
	[sflag:s29] =	ssyncadd.s32 $0xFFFFEC00  }
0xbb: {  	[spmem:s2] =	stream.indirect.scatter.add.f32 [tilespmem:s22], [sflag:$0x9], $0x40, s10, s19, $0xb8;
	[tilespmem:$0x15220] =	vst v63  }
0xbc: {  	_ =	swait.ge [sflag:s30], $0x1400  }
0xbd: {  	[sflag:s30] =	ssyncset.done $0x0  }
0xbe: {  	s7 =	sadd.s32 $0x2850, s7;
	[sflag:s30] =	ssyncadd.s32 $0xFFFFEC00  }
0xbf: {  	[spmem:s2] =	stream.indirect.scatter.add.f32 [tilespmem:s23], [sflag:$0xA], $0x40, s7, s19, $0xb8;
	[tilespmem:$0x15220] =	vst v63  }
0xc0: {  	_ =	swait.ge [sflag:s31], $0x1400  }
0xc1: {  	[sflag:s31] =	ssyncset.done $0x0  }
0xc2: {  	[sflag:s31] =	ssyncadd.s32 $0xFFFFEC00  }
0xc3: {  	_ =	swait.ge [sflag:s0], $0x1400  }
0xc4: {  	[sflag:s0] =	ssyncset.done $0x0  }
0xc5: {  	[sflag:s0] =	ssyncadd.s32 $0xFFFFEC00  }
0xc6: {  	_ =	swait.ge [sflag:s18], $0x1400  }
0xc7: {  	[sflag:s18] =	ssyncset.done $0x0  }
0xc8: {  	[sflag:s18] =	ssyncadd.s32 $0xFFFFEC00  }
0xc9: {  	_ =	swait.ge [sflag:s4], $0x1400  }
0xca: {  	[sflag:s4] =	ssyncset.done $0x0  }
0xcb: {  	[sflag:s4] =	ssyncadd.s32 $0xFFFFEC00  }
0xcc: {  	s3 =	sadd.s32 $0x1, s3;
	_ =	swait.ge [sflag:s6], $0x1400  }
0xcd: {  	p0 =	sne.s32 s3, s14;
	s9 =	stileid.u32;
	[sflag:s6] =	ssyncset.done $0x0  }
0xce: {  	s10 =	sshrl.u32 s5, $0x3;
	s7 =	sshll.u32 s9, $0x6;
	[sflag:s6] =	ssyncadd.s32 $0xFFFFEC00  }
.Ltmp2:
0xcf: {  	s7 =	sor.u32 $0x1C0B, s7;
	[bflag:$0x0] =	sbarrier.arrive $0xFFFF;
	(pc) =	sbr.rel @p0 .LBB2_1-.Ltmp2, $4  }
0xd0: {  	[hbm:s24], [sflag:s7] =	dma.local [spmem:s10], $0x1400  }
0xd1: {  	_ =	swait.ge [sflag:s16], $0x1400  }
0xd2: {  	[sflag:s16] =	ssyncset.done $0x0  }
0xd3: {  	[sflag:s16] =	ssyncadd.s32 $0xFFFFEC00  }
0xd4: {  	_ =	sfence.sel $0x180000  }
0xd5: {  	[bflag:$0x0] =	sbarrier.arrive $0xFFFF  }
0xd6: {  	_ =	strace $0x9000004D  }
0xd7: {  	s0 =	stileid.u32;
	[bflag:$0x2] =	sbarrier.arrive $0xFFFF  }
0xd8: {  	p0 =	sne.s32 s0, $0x0;
	s0 =	rddreg [dreg:$0x4]  }
0xd9: {  	s0 =	sadd.s32 @!p0 $0x100000, s0  }
0xda: {  	[sflag:s0] =	ssyncadd.tile.s32 @!p0 $0x1;
	_ =	shalt  }
.Lfunc_end2:
_tile_overlayer_lowered:
.L_overlay_start_2:
0xdb: {  	(tag) =	ssettag $0x2  }
0xdc: {  	s0 =	rddreg [dreg:$0x0];
	s2 =	stileid.u32  }
0xdd: {  	s1 =	rddreg [dreg:$0x1];
	p0 =	sne.s32 s2, $0x0  }
0xde: {  	s3 =	rddreg [dreg:$0x2];
	[bflag:$0x3] =	sbarrier.arrive $0xFFFF;
	s2 =	simm.s32 @!p0 $0x1C0B  }
0xdf: {  	[timem:s3], [sflag:s2] =	dma.local @!p0 [hbm:s0], s1  }
0xe0: {  	s0 =	simm.s32 @!p0 $0xB  }
0xe1: {  	_ =	swait.ge @!p0 [sflag:s0], s1  }
0xe2: {  	s1 =	ssub.s32 @!p0 $0x0, s1;
	[sflag:s0] =	ssyncset.done @!p0 $0x0  }
0xe3: {  	[sflag:s0] =	ssyncadd.s32 @!p0 s1  }
0xe4: {  	[bflag:$0x3] =	sbarrier.arrive $0xFFFF  }
0xe5: {  	_ =	shalt  }

// kernel: edge_agg_f64.8.cloned.1.call-start
scs
__scs_entry_jumppad:
0x0: {  	(pc) =	sbr.rel $0x88, $3  }
0x1: {  	(tag) =	ssettag $0x0;
	lr =	simm.s32 $0x1  }
0x2: {  	[smem:$0x3F86] =	sst lr;
	_ =	strace $0xD0000000  }
0x3: {  	_ = 	snop  }
0x4: {  	_ = 	snop  }
0x5: {  	_ = 	snop  }
0x6: {  	_ = 	snop  }
0x7: {  	_ = 	snop  }
__scs_overlays_trampoline_lowered:
0x8: {  	[smem:$0x3F95] =	sst s0  }
0x9: {  	[smem:$0x3F96] =	sst s1  }
0xa: {  	[smem:$0x3F97] =	sst s2  }
0xb: {  	[smem:$0x3F98] =	sst s3  }
0xc: {  	[smem:$0x3F99] =	sst s4  }
0xd: {  	[smem:$0x3F9A] =	sst s5  }
0xe: {  	[smem:$0x3F9B] =	sst s6  }
0xf: {  	[smem:$0x3F9C] =	sst s7  }
0x10: {  	[smem:$0x3F9D] =	sst s8  }
0x11: {  	[smem:$0x3F9E] =	sst s9;
	s0 =	simm.s32 @!p0 $0x0  }
0x12: {  	s1 =	sld [smem:$0x3F84];
	s0 =	simm.s32 @p0 $0x1  }
0x13: {  	[smem:$0x3F9F] =	sst s0;
	s0 =	simm.s32 @!p1 $0x0  }
0x14: {  	s2 =	sld [smem:$0x3F83];
	s0 =	simm.s32 @p1 $0x1  }
0x15: {  	[smem:$0x3FA0] =	sst s0;
	s0 =	simm.s32 @!p2 $0x0  }
0x16: {  	s3 =	sld [smem:$0x3FDB];
	s0 =	simm.s32 @p2 $0x1  }
0x17: {  	s4 =	simm.s32 $0x1BF5;
	[smem:$0x3FA2] =	sst s0  }
0x18: {  	s0 =	sld [smem:$0x3F85];
	_ =	swait.ge [sflag:s4], $0x0  }
0x19: {  	s7 =	sld [smem:$0x3F86]  }
0x1a: {  	s8 =	sadd.s32 $0xFFFFE003, lr  }
0x1b: {  	s9 =	sadd.s32 $0xFFFFFEF7, lr;
	s5 =	simm.s32 $0xFFFFFFFF;
	p2 =	slt.u32 s8, $0xFFFFF086  }
0x1c: {  	p1 =	slt.u32 s9, $0xF7A;
	s5 =	simm.s32 @!p2 $0x0  }
0x1d: {  	s5 =	simm.s32 @p1 $0x1;
	p0 =	seq.s32 s7, s2  }
0x1e: {  	s7 =	smul.u32 @!p0 $0xF7A, s2;
	p2 =	seq.s32 @!p0 s5, $0x0  }
0x1f: {  	s9 =	smul.u32 $0xF7A, s1;
	s8 =	simm.s32 @!p0 $0x1BF5;
	p2 =	por !p2, p0  }
0x20: {  	[sflag:s8] =	ssyncset.s32 @!p0 $0xFFFFF086;
	s6 =	sadd.s32 @!p0 s3, s7;
	s7 =	simm.s32 @!p0 $0x108  }
0x21: {  	s3 =	sadd.s32 s3, s9;
	s6 =	sadd.s32 @!p0 $0x88, s6;
	s7 =	simm.s32 @p2 $0x1082  }
0x22: {  	[simem:s7], [sflag:s8] =	dma.local @!p0 [hbm:s6], $0xF7A  }
0x23: {  	s9 =	sor.u32 $0xD0000000, s2;
	s6 =	simm.s32 $0x108;
	_ =	swait.ge @!p0 [sflag:s8], $0x0  }
0x24: {  	s3 =	sadd.s32 $0x88, s3;
	s6 =	simm.s32 @!p1 $0x1082;
	[sflag:s4] =	ssyncset.s32 $0xFFFFF086  }
0x25: {  	[simem:s6], [sflag:s4] =	dma.local [hbm:s3], $0xF7A  }
0x26: {  	[smem:$0x3F86] =	sst s1;
	(tag) =	ssettag s2;
	_ =	strace s9  }
0x27: {  	s1 =	sld [smem:$0x3F96]  }
0x28: {  	s2 =	sld [smem:$0x3F97]  }
0x29: {  	s4 =	sld [smem:$0x3F99]  }
0x2a: {  	p0 =	seq.s32 s5, $0x0;
	s5 =	sld [smem:$0x3F9A]  }
0x2b: {  	s6 =	sld [smem:$0x3F9B]  }
0x2c: {  	s7 =	sld [smem:$0x3F9C]  }
0x2d: {  	s3 =	simm.s32 $0x108;
	s8 =	sld [smem:$0x3F9D]  }
0x2e: {  	s3 =	simm.s32 @!p0 $0x1082;
	s9 =	sld [smem:$0x3F9E]  }
0x2f: {  	lr =	sadd.s32 s0, s3;
	s0 =	sld [smem:$0x3F95]  }
0x30: {  	s3 =	sld [smem:$0x3F98]  }
0x31: {  	[smem:$0x3FA1] =	sst s10  }
0x32: {  	s10 =	sld [smem:$0x3F9F];
	_ =	sdelay $0x3  }
0x33: {  	p0 =	seq.s32 s10, $0x1;
	s10 =	sld [smem:$0x3FA1];
	_ =	sdelay $0x3  }
0x34: {  	[smem:$0x3FA1] =	sst s10  }
0x35: {  	s10 =	sld [smem:$0x3FA0];
	_ =	sdelay $0x3  }
0x36: {  	p1 =	seq.s32 s10, $0x1;
	s10 =	sld [smem:$0x3FA1];
	_ =	sdelay $0x3  }
0x37: {  	[smem:$0x3FA1] =	sst s10  }
0x38: {  	s10 =	sld [smem:$0x3FA2]  }
0x39: {  	_ = 	snop;
	(pc) =	sbr.ind lr, $3  }
0x3a: {  	_ = 	snop  }
0x3b: {  	_ = 	snop  }
0x3c: {  	p2 =	seq.s32 s10, $0x1;
	s10 =	sld [smem:$0x3FA1]  }
0x3d: {  	_ =	shalt  }
0x3e: {  	_ =	shalt  }
0x3f: {  	_ =	shalt  }
0x40: {  	_ =	shalt  }
0x41: {  	_ =	shalt  }
0x42: {  	_ =	shalt  }
0x43: {  	_ =	shalt  }
0x44: {  	_ =	shalt  }
0x45: {  	_ =	shalt  }
0x46: {  	_ =	shalt  }
0x47: {  	_ =	shalt  }
0x48: {  	_ =	shalt  }
0x49: {  	_ =	shalt  }
0x4a: {  	_ =	shalt  }
0x4b: {  	_ =	shalt  }
0x4c: {  	_ =	shalt  }
0x4d: {  	_ =	shalt  }
0x4e: {  	_ =	shalt  }
0x4f: {  	_ =	shalt  }
0x50: {  	_ =	shalt  }
0x51: {  	_ =	shalt  }
0x52: {  	_ =	shalt  }
0x53: {  	_ =	shalt  }
0x54: {  	_ =	shalt  }
0x55: {  	_ =	shalt  }
0x56: {  	_ =	shalt  }
0x57: {  	_ =	shalt  }
0x58: {  	_ =	shalt  }
0x59: {  	_ =	shalt  }
0x5a: {  	_ =	shalt  }
0x5b: {  	_ =	shalt  }
0x5c: {  	_ =	shalt  }
0x5d: {  	_ =	shalt  }
0x5e: {  	_ =	shalt  }
0x5f: {  	_ =	shalt  }
0x60: {  	_ =	shalt  }
0x61: {  	_ =	shalt  }
0x62: {  	_ =	shalt  }
0x63: {  	_ =	shalt  }
0x64: {  	_ =	shalt  }
0x65: {  	_ =	shalt  }
0x66: {  	_ =	shalt  }
0x67: {  	_ =	shalt  }
0x68: {  	_ =	shalt  }
0x69: {  	_ =	shalt  }
0x6a: {  	_ =	shalt  }
0x6b: {  	_ =	shalt  }
0x6c: {  	_ =	shalt  }
0x6d: {  	_ =	shalt  }
0x6e: {  	_ =	shalt  }
0x6f: {  	_ =	shalt  }
0x70: {  	_ =	shalt  }
0x71: {  	_ =	shalt  }
0x72: {  	_ =	shalt  }
0x73: {  	_ =	shalt  }
0x74: {  	_ =	shalt  }
0x75: {  	_ =	shalt  }
0x76: {  	_ =	shalt  }
0x77: {  	_ =	shalt  }
0x78: {  	_ =	shalt  }
0x79: {  	_ =	shalt  }
0x7a: {  	_ =	shalt  }
0x7b: {  	_ =	shalt  }
0x7c: {  	_ =	shalt  }
0x7d: {  	_ =	shalt  }
0x7e: {  	_ =	shalt  }
0x7f: {  	_ =	shalt  }
0x80: {  	_ =	shalt  }
0x81: {  	_ =	shalt  }
0x82: {  	_ =	shalt  }
0x83: {  	_ =	shalt  }
0x84: {  	_ =	shalt  }
0x85: {  	_ =	shalt  }
0x86: {  	_ =	shalt  }
0x87: {  	_ =	shalt  }
.Lfunc_end0:
.L_simem_size_0:
called_computation.2_lowered:
.L_overlay_start_0:
0x88: {  	s2 =	sld [smem:$0x3FD9]  }
0x89: {  	s3 =	sld [smem:$0x3FFE];
	_ =	sdelay $0x1  }
0x8a: {  	s1 =	srdreg.scid  }
0x8b: {  	s0 =	sand.u32 $0x1, s1  }
0x8c: {  	s14 =	sshll.u32 s0, $0xA;
	s2 =	sadd.s32 s3, s2  }
0x8d: {  	s2 =	sadd.s32 s2, s14  }
0x8e: {  	[smem:$0x3FAD] =	sst s2  }
0x8f: {  	_ = 	snop  }
0x90: {  	s2 =	sld [smem:$0x3FD0];
	_ =	sdelay $0x2  }
0x91: {  	s15 =	simm.s32 $0xB;
	s4 =	simm.s32 $0x10  }
0x92: {  	[smem:s4], [sflag:s15] =	dma.local [hbm:s2], $0x1  }
0x93: {  	_ =	swait.eq [sflag:s15], $0x1  }
0x94: {  	[sflag:s15] =	ssyncset.done $0x0  }
0x95: {  	[sflag:s15] =	ssyncadd.s32 $0xFFFFFFFF  }
0x96: {  	s16 =	sld [smem:$0x10];
	(tm) =	ssettm $0x1  }
0x97: {  	s17 =	sld [smem:$0x3FFB];
	_ =	sdelay $0x3  }
0x98: {  	_ =	strace s17  }
0x99: {  	s3 =	sld [smem:$0x3FFC];
	_ =	sdelay $0x3  }
0x9a: {  	_ =	strace s3  }
0x9b: {  	s3 =	sld [smem:$0x3FFD];
	_ =	sdelay $0x3  }
0x9c: {  	_ =	strace s3  }
0x9d: {  	_ =	strace $0x8FFFFFFF  }
0x9e: {  	s18 =	sld [smem:$0x3FDB];
	_ =	sdelay $0x1  }
0x9f: {  	s19 =	simm.s32 $_scs_section_size  }
0xa0: {  	s5 =	simm.s32 $_size__tile_overlayer_lowered;
	s6 =	simm.s32 $_tile_overlayer_lowered  }
0xa1: {  	s22 =	simm.s32 $0x1BFF;
	s21 =	sshll.u32 s6, $0x1;
	s3 =	sadd.s32 s19, s18  }
0xa2: {  	s7 =	simm.s32 $0x0;
	s20 =	sshll.u32 s5, $0x1;
	s5 =	sadd.s32 s21, s3  }
0xa3: {  	[timem:s7], [sflag:s22] =	dma.local [hbm:s5], s20  }
0xa4: {  	_ =	swait.ge [sflag:s22], s20  }
0xa5: {  	s4 =	ssub.s32 $0x0, s20;
	[sflag:s22] =	ssyncset.done $0x0  }
0xa6: {  	[sflag:s22] =	ssyncadd.s32 s4;
	_ =	sdelay $0x1  }
0xa7: {  	s23 =	simm.s32 $0x1B8B  }
0xa8: {  	_ =	swait.ge [sflag:s23], $0x1  }
0xa9: {  	[sflag:s23] =	ssyncset.done $0x0  }
0xaa: {  	s25 =	simm.s32 $0x1B8E;
	s24 =	sld [smem:$0x3FFE];
	[sflag:s23] =	ssyncadd.s32 $0xFFFFFFFF  }
0xab: {  	s26 =	simm.s32 $execute0_lowered;
	[smem:$0x3FD2] =	sst s25  }
0xac: {  	s5 =	sshll.u32 s26, $0x1;
	_ =	strace $0x80000049;
	[dreg:$0x1] =	wrdreg $0xFFFFFFFF  }
0xad: {  	s28 =	simm.s32 $_size_execute0_lowered;
	s3 =	sadd.s32 s3, s5;
	[dreg:$0x0] =	wrdreg $0x0  }
0xae: {  	s5 =	sshll.u32 s28, $0x1;
	[dreg:$0x2] =	wrdreg s3  }
0xaf: {  	[dreg:$0x3] =	wrdreg s5  }
0xb0: {  	[dreg:$0x4] =	wrdreg $0xC0  }
0xb1: {  	_ =	task [dreg:s7], $0x5FFFF  }
0xb2: {  	[dreg:$0x1] =	wrdreg $0xFFFFFFFF  }
0xb3: {  	[dreg:$0x0] =	wrdreg $0x60  }
0xb4: {  	[dreg:$0x2] =	wrdreg s24  }
0xb5: {  	[dreg:$0x3] =	wrdreg s16  }
0xb6: {  	[dreg:$0x4] =	wrdreg $0xB2200  }
0xb7: {  	[dreg:$0x5] =	wrdreg $0xA  }
0xb8: {  	_ =	task.clear_ibuf [dreg:s7], $0x6FFFF;
	_ =	strace $0x90000049  }
0xb9: {  	s29 =	simm.s32 $0xA;
	_ =	strace $0x8000004B  }
0xba: {  	_ =	swait.ge [sflag:s29], $0x1  }
0xbb: {  	[sflag:s29] =	ssyncadd.s32 $0xFFFFFFFF  }
0xbc: {  	_ =	strace $0x9000004B  }
0xbd: {  	_ =	sfence  }
0xbe: {  	s30 =	sld [smem:$0x0];
	_ =	sdelay $0x2  }
0xbf: {  	s31 =	sshll.u32 s1, $0xD;
	s1 =	sshrl.u32 s1, $0x2  }
0xc0: {  	s3 =	sand.u32 $0x4000, s31;
	s1 =	sadd.s32 s1, s30  }
0xc1: {  	s0 =	sor.u32 s3, s0;
	s1 =	sshll.u32 s1, $0x11  }
0xc2: {  	s0 =	sor.u32 s1, s0  }
0xc3: {  	s0 =	sadd.s32 $0x8F2B, s0  }
0xc4: {  	[sflag:s0] =	ssyncadd.remote.s32 $0x1  }
0xc5: {  	_ =	sfence.sel $0xFFFF  }
0xc6: {  	[dreg:$0x0] =	wrdreg $0xFFFFFFFF;
	(pc) =	sbr.abs _section_cstart, $3  }
0xc7: {  	[dreg:$0x1] =	wrdreg $0xFFFFFFFF  }
0xc8: {  	_ =	task.clear_ibuf [dreg:s7], $0x2FFFF;
	_ =	strace $0x9FFFFFFF  }
0xc9: {  	(tm) =	ssettm $0x7FFFFFFF  }
tec
execute0_lowered:
.L_overlay_start_1:
0x0: {  	(tag) =	ssettag $0x1  }
0x1: {  	s0 =	rddreg [dreg:$0x0]  }
0x2: {  	s3 =	rddreg [dreg:$0x1]  }
0x3: {  	s1 =	rddreg [dreg:$0x2];
	s2 =	simm.s32 $0x0;
	s4 =	srdreg.scid  }
0x4: {  	s10 =	stileid.u32;
	s15 =	simm.s32 $0x4E20;
	s16 =	simm.s32 $0xB  }
0x5: {  	s28 =	simm.s32 $0x3;
	s29 =	simm.s32 $0x4;
	s30 =	simm.s32 $0x5  }
0x6: {  	s31 =	simm.s32 $0x6;
	[smem:$0x7FF] =	sst s2;
	s8 =	smul.u32 $0x28000, s10  }
0x7: {  	s5 =	sand.u32 $0x1, s4;
	s4 =	sadd.s32 $0x2EC00, s0;
	s9 =	smul.u32 $0xA000, s10  }
0x8: {  	_ =	strace $0x8000004A;
	s6 =	smul.u32 $0x14000, s5;
	s7 =	ssub.s32 $0x2, s5  }
0x9: {  	s20 =	sshll.u32 s5, $0x4;
	s18 =	sshrl.u32 s7, $0x1;
	s19 =	sshrl.u32 s8, $0x2  }
0xa: {  	s5 =	sadd.s32 s9, s1;
	s8 =	sor.u32 s10, s20;
	s26 =	sshrl.u32 s9, $0x3  }
0xb: {  	s20 =	simm.s32 $0x6220;
	s0 =	sadd.s32 s6, s0;
	s6 =	ssub.s32 s7, s18  }
0xc: {  	s7 =	sadd.s32 s19, s1;
	s8 =	smul.u32 $0x4E2, s8;
	s19 =	simm.s32 $0x50  }
0xd: {  	s18 =	simm.s32 $0x8;
	s21 =	sadd.s32 $0x1400, s7;
	s22 =	sadd.s32 $0x2800, s7  }
0xe: {  	s23 =	sadd.s32 $0x3C00, s7;
	s24 =	sadd.s32 $0x5000, s7;
	[dreg:$0x4] =	wrdreg s21  }
0xf: {  	s25 =	sadd.s32 $0x6400, s7;
	s11 =	sadd.s32 $0x7800, s7;
	[dreg:$0x5] =	wrdreg s22  }
0x10: {  	s12 =	sadd.s32 $0x8C00, s7;
	s0 =	sadd.s32 $0x42C00, s0;
	[dreg:$0x6] =	wrdreg s23  }
0x11: {  	s14 =	smax.u32 s6, $0x1;
	s6 =	simm.s32 $0xA;
	[dreg:$0x7] =	wrdreg s24  }
0x12: {  	[dreg:$0x8] =	wrdreg s25;
	s13 =	sadd.s32 s3, s8;
	s3 =	sadd.s32 $0x9C40, s3  }
0x13: {  	s21 =	simm.s32 $0x7620;
	s22 =	simm.s32 $0x8A20;
	s23 =	simm.s32 $0x9E20  }
0x14: {  	s24 =	sadd.s32 s26, s0;
	s25 =	simm.s32 $0x1;
	s26 =	simm.s32 $0x2  }
0x15: {  	v0 =	vimm.f32 $0.0e+00;
	s0 =	simm.s32 $0x7;
	s17 =	sadd.s32 s8, s3;
	s3 =	simm.s32 $0x9  }
.LBB2_1:
0x16: {  	s8 =	simm.s32 $0x100;
	s7 =	simm.s32 $0x0  }
.LBB2_2:
0x17: {  	p0 =	sne.s32 s8, $0x4F00;
	[tilespmem:s7+$0x4E50] =	vst v0;
	s9 =	smov.u32 s8;
	s8 =	sadd.s32 $0x100, s8  }
.Ltmp0:
0x18: {  	[tilespmem:s7+$0x4E40] =	vst v0;
	(pc) =	sbr.rel @p0 .LBB2_2-.Ltmp0, $3  }
0x19: {  	[tilespmem:s7+$0x4E20] =	vst v0  }
0x1a: {  	[tilespmem:s7+$0x4E30] =	vst v0;
	_ =	sdelay $0x1  }
0x1b: {  	s7 =	sshra.s32 s9, $0x2  }
0x1c: {  	[tilespmem:s7+$0x4E50] =	vst v0  }
0x1d: {  	[tilespmem:s7+$0x4E40] =	vst v0  }
0x1e: {  	[tilespmem:s7+$0x4E20] =	vst v0  }
0x1f: {  	[tilespmem:s7+$0x4E30] =	vst v0  }
0x20: {  	[spmem:s5] =	stream.linear.scatter [tilespmem:s15], [sflag:$0xB], $0x1400, $0x38;
	[tilespmem:$0x15220] =	vst v63  }
0x21: {  	_ =	swait.ge [sflag:s16], $0x1400  }
0x22: {  	[sflag:s16] =	ssyncset.done $0x0  }
0x23: {  	s10 =	rddreg [dreg:$0x4];
	[sflag:s16] =	ssyncadd.s32 $0xFFFFEC00  }
0x24: {  	[spmem:s10] =	stream.linear.scatter [tilespmem:s15], [sflag:$0xB], $0x1400, $0x38;
	[tilespmem:$0x15220] =	vst v63  }
0x25: {  	_ =	swait.ge [sflag:s16], $0x1400  }
0x26: {  	[sflag:s16] =	ssyncset.done $0x0  }
0x27: {  	s8 =	rddreg [dreg:$0x5];
	[sflag:s16] =	ssyncadd.s32 $0xFFFFEC00  }
0x28: {  	[spmem:s8] =	stream.linear.scatter [tilespmem:s15], [sflag:$0xB], $0x1400, $0x38;
	[tilespmem:$0x15220] =	vst v63  }
0x29: {  	_ =	swait.ge [sflag:s16], $0x1400  }
0x2a: {  	[sflag:s16] =	ssyncset.done $0x0  }
0x2b: {  	s9 =	rddreg [dreg:$0x6];
	[sflag:s16] =	ssyncadd.s32 $0xFFFFEC00  }
0x2c: {  	[spmem:s9] =	stream.linear.scatter [tilespmem:s15], [sflag:$0xB], $0x1400, $0x38;
	[tilespmem:$0x15220] =	vst v63  }
0x2d: {  	_ =	swait.ge [sflag:s16], $0x1400  }
0x2e: {  	[sflag:s16] =	ssyncset.done $0x0  }
0x2f: {  	s10 =	rddreg [dreg:$0x7];
	[sflag:s16] =	ssyncadd.s32 $0xFFFFEC00  }
0x30: {  	[spmem:s10] =	stream.linear.scatter [tilespmem:s15], [sflag:$0xB], $0x1400, $0x38;
	[tilespmem:$0x15220] =	vst v63  }
0x31: {  	_ =	swait.ge [sflag:s16], $0x1400  }
0x32: {  	[sflag:s16] =	ssyncset.done $0x0  }
0x33: {  	s8 =	rddreg [dreg:$0x8];
	[sflag:s16] =	ssyncadd.s32 $0xFFFFEC00  }
0x34: {  	[spmem:s8] =	stream.linear.scatter [tilespmem:s15], [sflag:$0xB], $0x1400, $0x38;
	[tilespmem:$0x15220] =	vst v63  }
0x35: {  	_ =	swait.ge [sflag:s16], $0x1400  }
0x36: {  	[sflag:s16] =	ssyncset.done $0x0  }
0x37: {  	[sflag:s16] =	ssyncadd.s32 $0xFFFFEC00  }
0x38: {  	[spmem:s11] =	stream.linear.scatter [tilespmem:s15], [sflag:$0xB], $0x1400, $0x38;
	[tilespmem:$0x15220] =	vst v63  }
0x39: {  	_ =	swait.ge [sflag:s16], $0x1400  }
0x3a: {  	[sflag:s16] =	ssyncset.done $0x0  }
0x3b: {  	[sflag:s16] =	ssyncadd.s32 $0xFFFFEC00  }
0x3c: {  	[spmem:s12] =	stream.linear.scatter [tilespmem:s15], [sflag:$0xB], $0x1400, $0x38;
	[tilespmem:$0x15220] =	vst v63  }
0x3d: {  	_ =	swait.ge [sflag:s16], $0x1400  }
0x3e: {  	[sflag:s16] =	ssyncset.done $0x0  }
0x3f: {  	[sflag:s16] =	ssyncadd.s32 $0xFFFFEC00  }
0x40: {  	s9 =	simm.s32 $0x0;
	[bflag:$0x0] =	sbarrier.arrive $0xFFFF  }
0x41: {  	[tilespmem:s9], [sflag:$0xB] =	stream.linear.gather [hbm4b:s13+s9], $0x2710, $0x38;
	[tilespmem:$0x15220] =	vst v63  }
0x42: {  	_ =	swait.ge [sflag:s16], $0x2710  }
0x43: {  	[sflag:s16] =	ssyncset.done $0x0  }
0x44: {  	s8 =	simm.s32 $0x2710;
	[sflag:s16] =	ssyncadd.s32 $0xFFFFD8F0  }
0x45: {  	[tilespmem:s8], [sflag:$0xB] =	stream.linear.gather [hbm4b:s17+s9], $0x2710, $0x38;
	[tilespmem:$0x15220] =	vst v63  }
0x46: {  	_ =	swait.ge [sflag:s16], $0x2710  }
0x47: {  	[sflag:s16] =	ssyncset.done $0x0  }
0x48: {  	s10 =	simm.s32 $0x0;
	[sflag:s16] =	ssyncadd.s32 $0xFFFFD8F0  }
0x49: {  	[tilespmem:s15], [sflag:$0x1] =	stream.indirect.gather [hbm4b:s4+s19], $0x40, s10, s19, $0xb8;
	[tilespmem:$0x15220] =	vst v63  }
0x4a: {  	s8 =	simm.s32 $0x50  }
0x4b: {  	[tilespmem:s20], [sflag:$0x2] =	stream.indirect.gather [hbm4b:s4+s19], $0x40, s8, s19, $0xb8;
	[tilespmem:$0x15220] =	vst v63  }
0x4c: {  	s9 =	simm.s32 $0xA0  }
0x4d: {  	[tilespmem:s21], [sflag:$0x3] =	stream.indirect.gather [hbm4b:s4+s19], $0x40, s9, s19, $0xb8;
	[tilespmem:$0x15220] =	vst v63  }
0x4e: {  	s10 =	simm.s32 $0xF0  }
0x4f: {  	[tilespmem:s22], [sflag:$0x4] =	stream.indirect.gather [hbm4b:s4+s19], $0x40, s10, s19, $0xb8;
	[tilespmem:$0x15220] =	vst v63  }
0x50: {  	s8 =	simm.s32 $0x140  }
0x51: {  	[tilespmem:s23], [sflag:$0x5] =	stream.indirect.gather [hbm4b:s4+s19], $0x40, s8, s19, $0xb8;
	[tilespmem:$0x15220] =	vst v63  }
0x52: {  	_ =	swait.ge [sflag:s25], $0x1400  }
0x53: {  	[sflag:s25] =	ssyncset.done $0x0  }
0x54: {  	s9 =	simm.s32 $0x2710;
	[sflag:s25] =	ssyncadd.s32 $0xFFFFEC00  }
0x55: {  	[spmem:s1] =	stream.indirect.scatter.add.f32 [tilespmem:s15], [sflag:$0x6], $0x40, s9, s19, $0xb8;
	[tilespmem:$0x15220] =	vst v63  }
0x56: {  	_ =	swait.ge [sflag:s26], $0x1400  }
0x57: {  	[sflag:s26] =	ssyncset.done $0x0  }
0x58: {  	s10 =	simm.s32 $0x2760;
	[sflag:s26] =	ssyncadd.s32 $0xFFFFEC00  }
0x59: {  	[spmem:s1] =	stream.indirect.scatter.add.f32 [tilespmem:s20], [sflag:$0x7], $0x40, s10, s19, $0xb8;
	[tilespmem:$0x15220] =	vst v63  }
0x5a: {  	_ =	swait.ge [sflag:s28], $0x1400  }
0x5b: {  	[sflag:s28] =	ssyncset.done $0x0  }
0x5c: {  	s8 =	simm.s32 $0x27B0;
	[sflag:s28] =	ssyncadd.s32 $0xFFFFEC00  }
0x5d: {  	[spmem:s1] =	stream.indirect.scatter.add.f32 [tilespmem:s21], [sflag:$0x8], $0x40, s8, s19, $0xb8;
	[tilespmem:$0x15220] =	vst v63  }
0x5e: {  	_ =	swait.ge [sflag:s29], $0x1400  }
0x5f: {  	[sflag:s29] =	ssyncset.done $0x0  }
0x60: {  	s9 =	simm.s32 $0x2800;
	[sflag:s29] =	ssyncadd.s32 $0xFFFFEC00  }
0x61: {  	[spmem:s1] =	stream.indirect.scatter.add.f32 [tilespmem:s22], [sflag:$0x9], $0x40, s9, s19, $0xb8;
	[tilespmem:$0x15220] =	vst v63  }
0x62: {  	_ =	swait.ge [sflag:s30], $0x1400  }
0x63: {  	[sflag:s30] =	ssyncset.done $0x0  }
0x64: {  	s10 =	simm.s32 $0x2850;
	[sflag:s30] =	ssyncadd.s32 $0xFFFFEC00  }
0x65: {  	[spmem:s1] =	stream.indirect.scatter.add.f32 [tilespmem:s23], [sflag:$0xA], $0x40, s10, s19, $0xb8;
	[tilespmem:$0x15220] =	vst v63  }
0x66: {  	_ =	swait.ge [sflag:s31], $0x1400  }
0x67: {  	[sflag:s31] =	ssyncset.done $0x0  }
0x68: {  	[sflag:s31] =	ssyncadd.s32 $0xFFFFEC00  }
0x69: {  	_ =	swait.ge [sflag:s0], $0x1400  }
0x6a: {  	[sflag:s0] =	ssyncset.done $0x0  }
0x6b: {  	[sflag:s0] =	ssyncadd.s32 $0xFFFFEC00  }
0x6c: {  	_ =	swait.ge [sflag:s18], $0x1400  }
0x6d: {  	[sflag:s18] =	ssyncset.done $0x0  }
0x6e: {  	[sflag:s18] =	ssyncadd.s32 $0xFFFFEC00  }
0x6f: {  	_ =	swait.ge [sflag:s3], $0x1400  }
0x70: {  	[sflag:s3] =	ssyncset.done $0x0  }
0x71: {  	[sflag:s3] =	ssyncadd.s32 $0xFFFFEC00  }
0x72: {  	_ =	swait.ge [sflag:s6], $0x1400  }
0x73: {  	s7 =	simm.s32 $0x640;
	s8 =	simm.s32 $0xC80;
	[sflag:s6] =	ssyncset.done $0x0  }
.LBB2_4:
0x74: {  	s9 =	sshra.s32 s7, $0x2  }
0x75: {  	[sflag:s6] =	ssyncadd.s32 $0xFFFFEC00;
	s7 =	smov.u32 s8;
	s10 =	sadd.s32 $0x640, s8  }
0x76: {  	[tilespmem:s15], [sflag:$0x1] =	stream.indirect.gather [hbm4b:s4+s19], $0x40, s9, s19, $0xb8;
	[tilespmem:$0x15220] =	vst v63  }
0x77: {  	p0 =	sne.s32 s8, $0x9600;
	s8 =	sadd.s32 $0x50, s9  }
0x78: {  	[tilespmem:s20], [sflag:$0x2] =	stream.indirect.gather [hbm4b:s4+s19], $0x40, s8, s19, $0xb8;
	[tilespmem:$0x15220] =	vst v63  }
0x79: {  	s8 =	sadd.s32 $0xA0, s9  }
0x7a: {  	[tilespmem:s21], [sflag:$0x3] =	stream.indirect.gather [hbm4b:s4+s19], $0x40, s8, s19, $0xb8;
	[tilespmem:$0x15220] =	vst v63  }
0x7b: {  	s8 =	sadd.s32 $0xF0, s9  }
0x7c: {  	[tilespmem:s22], [sflag:$0x4] =	stream.indirect.gather [hbm4b:s4+s19], $0x40, s8, s19, $0xb8;
	[tilespmem:$0x15220] =	vst v63  }
0x7d: {  	s8 =	sadd.s32 $0x140, s9  }
0x7e: {  	[tilespmem:s23], [sflag:$0x5] =	stream.indirect.gather [hbm4b:s4+s19], $0x40, s8, s19, $0xb8;
	[tilespmem:$0x15220] =	vst v63  }
0x7f: {  	_ =	swait.ge [sflag:s25], $0x1400  }
0x80: {  	[sflag:s25] =	ssyncset.done $0x0  }
0x81: {  	s8 =	sadd.s32 $0x2710, s9;
	[sflag:s25] =	ssyncadd.s32 $0xFFFFEC00  }
0x82: {  	[spmem:s1] =	stream.indirect.scatter.add.f32 [tilespmem:s15], [sflag:$0x6], $0x40, s8, s19, $0xb8;
	[tilespmem:$0x15220] =	vst v63  }
0x83: {  	_ =	swait.ge [sflag:s26], $0x1400  }
0x84: {  	[sflag:s26] =	ssyncset.done $0x0  }
0x85: {  	s8 =	sadd.s32 $0x2760, s9;
	[sflag:s26] =	ssyncadd.s32 $0xFFFFEC00  }
0x86: {  	[spmem:s1] =	stream.indirect.scatter.add.f32 [tilespmem:s20], [sflag:$0x7], $0x40, s8, s19, $0xb8;
	[tilespmem:$0x15220] =	vst v63  }
0x87: {  	_ =	swait.ge [sflag:s28], $0x1400  }
0x88: {  	[sflag:s28] =	ssyncset.done $0x0  }
0x89: {  	s8 =	sadd.s32 $0x27B0, s9;
	[sflag:s28] =	ssyncadd.s32 $0xFFFFEC00  }
0x8a: {  	[spmem:s1] =	stream.indirect.scatter.add.f32 [tilespmem:s21], [sflag:$0x8], $0x40, s8, s19, $0xb8;
	[tilespmem:$0x15220] =	vst v63  }
0x8b: {  	_ =	swait.ge [sflag:s29], $0x1400  }
0x8c: {  	[sflag:s29] =	ssyncset.done $0x0  }
0x8d: {  	s8 =	sadd.s32 $0x2800, s9;
	[sflag:s29] =	ssyncadd.s32 $0xFFFFEC00  }
0x8e: {  	[spmem:s1] =	stream.indirect.scatter.add.f32 [tilespmem:s22], [sflag:$0x9], $0x40, s8, s19, $0xb8;
	[tilespmem:$0x15220] =	vst v63  }
0x8f: {  	_ =	swait.ge [sflag:s30], $0x1400  }
0x90: {  	[sflag:s30] =	ssyncset.done $0x0  }
0x91: {  	s8 =	sadd.s32 $0x2850, s9;
	[sflag:s30] =	ssyncadd.s32 $0xFFFFEC00  }
0x92: {  	[spmem:s1] =	stream.indirect.scatter.add.f32 [tilespmem:s23], [sflag:$0xA], $0x40, s8, s19, $0xb8;
	[tilespmem:$0x15220] =	vst v63  }
0x93: {  	_ =	swait.ge [sflag:s31], $0x1400  }
0x94: {  	[sflag:s31] =	ssyncset.done $0x0  }
0x95: {  	[sflag:s31] =	ssyncadd.s32 $0xFFFFEC00  }
0x96: {  	_ =	swait.ge [sflag:s0], $0x1400  }
0x97: {  	[sflag:s0] =	ssyncset.done $0x0  }
0x98: {  	[sflag:s0] =	ssyncadd.s32 $0xFFFFEC00  }
0x99: {  	_ =	swait.ge [sflag:s18], $0x1400  }
0x9a: {  	[sflag:s18] =	ssyncset.done $0x0  }
0x9b: {  	[sflag:s18] =	ssyncadd.s32 $0xFFFFEC00  }
.Ltmp1:
0x9c: {  	_ =	swait.ge [sflag:s3], $0x1400;
	(pc) =	sbr.rel @p0 .LBB2_4-.Ltmp1, $4  }
0x9d: {  	[sflag:s3] =	ssyncset.done $0x0  }
0x9e: {  	[sflag:s3] =	ssyncadd.s32 $0xFFFFEC00  }
0x9f: {  	_ =	swait.ge [sflag:s6], $0x1400  }
0xa0: {  	s8 =	smov.u32 s10;
	[sflag:s6] =	ssyncset.done $0x0  }
0xa1: {  	s7 =	sshra.s32 s7, $0x2;
	[sflag:s6] =	ssyncadd.s32 $0xFFFFEC00  }
0xa2: {  	[tilespmem:s15], [sflag:$0x1] =	stream.indirect.gather [hbm4b:s4+s19], $0x40, s7, s19, $0xb8;
	[tilespmem:$0x15220] =	vst v63  }
0xa3: {  	s8 =	sadd.s32 $0x50, s7  }
0xa4: {  	[tilespmem:s20], [sflag:$0x2] =	stream.indirect.gather [hbm4b:s4+s19], $0x40, s8, s19, $0xb8;
	[tilespmem:$0x15220] =	vst v63  }
0xa5: {  	s10 =	sadd.s32 $0xA0, s7  }
0xa6: {  	[tilespmem:s21], [sflag:$0x3] =	stream.indirect.gather [hbm4b:s4+s19], $0x40, s10, s19, $0xb8;
	[tilespmem:$0x15220] =	vst v63  }
0xa7: {  	s9 =	sadd.s32 $0xF0, s7  }
0xa8: {  	[tilespmem:s22], [sflag:$0x4] =	stream.indirect.gather [hbm4b:s4+s19], $0x40, s9, s19, $0xb8;
	[tilespmem:$0x15220] =	vst v63  }
0xa9: {  	s10 =	sadd.s32 $0x140, s7  }
0xaa: {  	[tilespmem:s23], [sflag:$0x5] =	stream.indirect.gather [hbm4b:s4+s19], $0x40, s10, s19, $0xb8;
	[tilespmem:$0x15220] =	vst v63  }
0xab: {  	_ =	swait.ge [sflag:s25], $0x1400  }
0xac: {  	[sflag:s25] =	ssyncset.done $0x0  }
0xad: {  	s9 =	sadd.s32 $0x2710, s7;
	[sflag:s25] =	ssyncadd.s32 $0xFFFFEC00  }
0xae: {  	[spmem:s1] =	stream.indirect.scatter.add.f32 [tilespmem:s15], [sflag:$0x6], $0x40, s9, s19, $0xb8;
	[tilespmem:$0x15220] =	vst v63  }
0xaf: {  	_ =	swait.ge [sflag:s26], $0x1400  }
0xb0: {  	[sflag:s26] =	ssyncset.done $0x0  }
0xb1: {  	s10 =	sadd.s32 $0x2760, s7;
	[sflag:s26] =	ssyncadd.s32 $0xFFFFEC00  }
0xb2: {  	[spmem:s1] =	stream.indirect.scatter.add.f32 [tilespmem:s20], [sflag:$0x7], $0x40, s10, s19, $0xb8;
	[tilespmem:$0x15220] =	vst v63  }
0xb3: {  	_ =	swait.ge [sflag:s28], $0x1400  }
0xb4: {  	[sflag:s28] =	ssyncset.done $0x0  }
0xb5: {  	s9 =	sadd.s32 $0x27B0, s7;
	[sflag:s28] =	ssyncadd.s32 $0xFFFFEC00  }
0xb6: {  	[spmem:s1] =	stream.indirect.scatter.add.f32 [tilespmem:s21], [sflag:$0x8], $0x40, s9, s19, $0xb8;
	[tilespmem:$0x15220] =	vst v63  }
0xb7: {  	_ =	swait.ge [sflag:s29], $0x1400  }
0xb8: {  	[sflag:s29] =	ssyncset.done $0x0  }
0xb9: {  	s10 =	sadd.s32 $0x2800, s7;
	[sflag:s29] =	ssyncadd.s32 $0xFFFFEC00  }
0xba: {  	[spmem:s1] =	stream.indirect.scatter.add.f32 [tilespmem:s22], [sflag:$0x9], $0x40, s10, s19, $0xb8;
	[tilespmem:$0x15220] =	vst v63  }
0xbb: {  	_ =	swait.ge [sflag:s30], $0x1400  }
0xbc: {  	[sflag:s30] =	ssyncset.done $0x0  }
0xbd: {  	s7 =	sadd.s32 $0x2850, s7;
	[sflag:s30] =	ssyncadd.s32 $0xFFFFEC00  }
0xbe: {  	[spmem:s1] =	stream.indirect.scatter.add.f32 [tilespmem:s23], [sflag:$0xA], $0x40, s7, s19, $0xb8;
	[tilespmem:$0x15220] =	vst v63  }
0xbf: {  	_ =	swait.ge [sflag:s31], $0x1400  }
0xc0: {  	[sflag:s31] =	ssyncset.done $0x0  }
0xc1: {  	[sflag:s31] =	ssyncadd.s32 $0xFFFFEC00  }
0xc2: {  	_ =	swait.ge [sflag:s0], $0x1400  }
0xc3: {  	[sflag:s0] =	ssyncset.done $0x0  }
0xc4: {  	[sflag:s0] =	ssyncadd.s32 $0xFFFFEC00  }
0xc5: {  	_ =	swait.ge [sflag:s18], $0x1400  }
0xc6: {  	[sflag:s18] =	ssyncset.done $0x0  }
0xc7: {  	[sflag:s18] =	ssyncadd.s32 $0xFFFFEC00  }
0xc8: {  	_ =	swait.ge [sflag:s3], $0x1400  }
0xc9: {  	[sflag:s3] =	ssyncset.done $0x0  }
0xca: {  	[sflag:s3] =	ssyncadd.s32 $0xFFFFEC00  }
0xcb: {  	s2 =	sadd.s32 $0x1, s2;
	_ =	swait.ge [sflag:s6], $0x1400  }
0xcc: {  	p0 =	sne.s32 s2, s14;
	s9 =	stileid.u32;
	[sflag:s6] =	ssyncset.done $0x0  }
0xcd: {  	s10 =	sshrl.u32 s5, $0x3;
	s7 =	sshll.u32 s9, $0x6;
	[sflag:s6] =	ssyncadd.s32 $0xFFFFEC00  }
.Ltmp2:
0xce: {  	s7 =	sor.u32 $0x1C0B, s7;
	[bflag:$0x0] =	sbarrier.arrive $0xFFFF;
	(pc) =	sbr.rel @p0 .LBB2_1-.Ltmp2, $4  }
0xcf: {  	[hbm:s24], [sflag:s7] =	dma.local [spmem:s10], $0x1400  }
0xd0: {  	_ =	swait.ge [sflag:s16], $0x1400  }
0xd1: {  	[sflag:s16] =	ssyncset.done $0x0  }
0xd2: {  	[sflag:s16] =	ssyncadd.s32 $0xFFFFEC00  }
0xd3: {  	_ =	sfence.sel $0x180000  }
0xd4: {  	[bflag:$0x0] =	sbarrier.arrive $0xFFFF  }
0xd5: {  	_ =	strace $0x9000004A  }
0xd6: {  	s0 =	stileid.u32;
	[bflag:$0x2] =	sbarrier.arrive $0xFFFF  }
0xd7: {  	p0 =	sne.s32 s0, $0x0;
	s0 =	rddreg [dreg:$0x3]  }
0xd8: {  	s0 =	sadd.s32 @!p0 $0x100000, s0  }
0xd9: {  	[sflag:s0] =	ssyncadd.tile.s32 @!p0 $0x1;
	_ =	shalt  }
.Lfunc_end2:
_tile_overlayer_lowered:
.L_overlay_start_2:
0xda: {  	(tag) =	ssettag $0x2  }
0xdb: {  	s0 =	rddreg [dreg:$0x0];
	s2 =	stileid.u32  }
0xdc: {  	s1 =	rddreg [dreg:$0x1];
	p0 =	sne.s32 s2, $0x0  }
0xdd: {  	s3 =	rddreg [dreg:$0x2];
	[bflag:$0x3] =	sbarrier.arrive $0xFFFF;
	s2 =	simm.s32 @!p0 $0x1C0B  }
0xde: {  	[timem:s3], [sflag:s2] =	dma.local @!p0 [hbm:s0], s1  }
0xdf: {  	s0 =	simm.s32 @!p0 $0xB  }
0xe0: {  	_ =	swait.ge @!p0 [sflag:s0], s1  }
0xe1: {  	s1 =	ssub.s32 @!p0 $0x0, s1;
	[sflag:s0] =	ssyncset.done @!p0 $0x0  }
0xe2: {  	[sflag:s0] =	ssyncadd.s32 @!p0 s1  }
0xe3: {  	[bflag:$0x3] =	sbarrier.arrive $0xFFFF  }
0xe4: {  	_ =	shalt  }

// kernel: kernel.8.cloned.1.call-start
scs
__scs_entry_jumppad:
0x0: {  	(pc) =	sbr.rel $0x88, $3  }
0x1: {  	(tag) =	ssettag $0x0;
	lr =	simm.s32 $0x1  }
0x2: {  	[smem:$0x3F86] =	sst lr;
	_ =	strace $0xD0000000  }
0x3: {  	_ = 	snop  }
0x4: {  	_ = 	snop  }
0x5: {  	_ = 	snop  }
0x6: {  	_ = 	snop  }
0x7: {  	_ = 	snop  }
__scs_overlays_trampoline_lowered:
0x8: {  	[smem:$0x3F95] =	sst s0  }
0x9: {  	[smem:$0x3F96] =	sst s1  }
0xa: {  	[smem:$0x3F97] =	sst s2  }
0xb: {  	[smem:$0x3F98] =	sst s3  }
0xc: {  	[smem:$0x3F99] =	sst s4  }
0xd: {  	[smem:$0x3F9A] =	sst s5  }
0xe: {  	[smem:$0x3F9B] =	sst s6  }
0xf: {  	[smem:$0x3F9C] =	sst s7  }
0x10: {  	[smem:$0x3F9D] =	sst s8  }
0x11: {  	[smem:$0x3F9E] =	sst s9;
	s0 =	simm.s32 @!p0 $0x0  }
0x12: {  	s1 =	sld [smem:$0x3F84];
	s0 =	simm.s32 @p0 $0x1  }
0x13: {  	[smem:$0x3F9F] =	sst s0;
	s0 =	simm.s32 @!p1 $0x0  }
0x14: {  	s2 =	sld [smem:$0x3F83];
	s0 =	simm.s32 @p1 $0x1  }
0x15: {  	[smem:$0x3FA0] =	sst s0;
	s0 =	simm.s32 @!p2 $0x0  }
0x16: {  	s3 =	sld [smem:$0x3FDB];
	s0 =	simm.s32 @p2 $0x1  }
0x17: {  	s4 =	simm.s32 $0x1BF5;
	[smem:$0x3FA2] =	sst s0  }
0x18: {  	s0 =	sld [smem:$0x3F85];
	_ =	swait.ge [sflag:s4], $0x0  }
0x19: {  	s7 =	sld [smem:$0x3F86]  }
0x1a: {  	s8 =	sadd.s32 $0xFFFFE003, lr  }
0x1b: {  	s9 =	sadd.s32 $0xFFFFFEF7, lr;
	s5 =	simm.s32 $0xFFFFFFFF;
	p2 =	slt.u32 s8, $0xFFFFF086  }
0x1c: {  	p1 =	slt.u32 s9, $0xF7A;
	s5 =	simm.s32 @!p2 $0x0  }
0x1d: {  	s5 =	simm.s32 @p1 $0x1;
	p0 =	seq.s32 s7, s2  }
0x1e: {  	s7 =	smul.u32 @!p0 $0xF7A, s2;
	p2 =	seq.s32 @!p0 s5, $0x0  }
0x1f: {  	s9 =	smul.u32 $0xF7A, s1;
	s8 =	simm.s32 @!p0 $0x1BF5;
	p2 =	por !p2, p0  }
0x20: {  	[sflag:s8] =	ssyncset.s32 @!p0 $0xFFFFF086;
	s6 =	sadd.s32 @!p0 s3, s7;
	s7 =	simm.s32 @!p0 $0x108  }
0x21: {  	s3 =	sadd.s32 s3, s9;
	s6 =	sadd.s32 @!p0 $0x88, s6;
	s7 =	simm.s32 @p2 $0x1082  }
0x22: {  	[simem:s7], [sflag:s8] =	dma.local @!p0 [hbm:s6], $0xF7A  }
0x23: {  	s9 =	sor.u32 $0xD0000000, s2;
	s6 =	simm.s32 $0x108;
	_ =	swait.ge @!p0 [sflag:s8], $0x0  }
0x24: {  	s3 =	sadd.s32 $0x88, s3;
	s6 =	simm.s32 @!p1 $0x1082;
	[sflag:s4] =	ssyncset.s32 $0xFFFFF086  }
0x25: {  	[simem:s6], [sflag:s4] =	dma.local [hbm:s3], $0xF7A  }
0x26: {  	[smem:$0x3F86] =	sst s1;
	(tag) =	ssettag s2;
	_ =	strace s9  }
0x27: {  	s1 =	sld [smem:$0x3F96]  }
0x28: {  	s2 =	sld [smem:$0x3F97]  }
0x29: {  	s4 =	sld [smem:$0x3F99]  }
0x2a: {  	p0 =	seq.s32 s5, $0x0;
	s5 =	sld [smem:$0x3F9A]  }
0x2b: {  	s6 =	sld [smem:$0x3F9B]  }
0x2c: {  	s7 =	sld [smem:$0x3F9C]  }
0x2d: {  	s3 =	simm.s32 $0x108;
	s8 =	sld [smem:$0x3F9D]  }
0x2e: {  	s3 =	simm.s32 @!p0 $0x1082;
	s9 =	sld [smem:$0x3F9E]  }
0x2f: {  	lr =	sadd.s32 s0, s3;
	s0 =	sld [smem:$0x3F95]  }
0x30: {  	s3 =	sld [smem:$0x3F98]  }
0x31: {  	[smem:$0x3FA1] =	sst s10  }
0x32: {  	s10 =	sld [smem:$0x3F9F];
	_ =	sdelay $0x3  }
0x33: {  	p0 =	seq.s32 s10, $0x1;
	s10 =	sld [smem:$0x3FA1];
	_ =	sdelay $0x3  }
0x34: {  	[smem:$0x3FA1] =	sst s10  }
0x35: {  	s10 =	sld [smem:$0x3FA0];
	_ =	sdelay $0x3  }
0x36: {  	p1 =	seq.s32 s10, $0x1;
	s10 =	sld [smem:$0x3FA1];
	_ =	sdelay $0x3  }
0x37: {  	[smem:$0x3FA1] =	sst s10  }
0x38: {  	s10 =	sld [smem:$0x3FA2]  }
0x39: {  	_ = 	snop;
	(pc) =	sbr.ind lr, $3  }
0x3a: {  	_ = 	snop  }
0x3b: {  	_ = 	snop  }
0x3c: {  	p2 =	seq.s32 s10, $0x1;
	s10 =	sld [smem:$0x3FA1]  }
0x3d: {  	_ =	shalt  }
0x3e: {  	_ =	shalt  }
0x3f: {  	_ =	shalt  }
0x40: {  	_ =	shalt  }
0x41: {  	_ =	shalt  }
0x42: {  	_ =	shalt  }
0x43: {  	_ =	shalt  }
0x44: {  	_ =	shalt  }
0x45: {  	_ =	shalt  }
0x46: {  	_ =	shalt  }
0x47: {  	_ =	shalt  }
0x48: {  	_ =	shalt  }
0x49: {  	_ =	shalt  }
0x4a: {  	_ =	shalt  }
0x4b: {  	_ =	shalt  }
0x4c: {  	_ =	shalt  }
0x4d: {  	_ =	shalt  }
0x4e: {  	_ =	shalt  }
0x4f: {  	_ =	shalt  }
0x50: {  	_ =	shalt  }
0x51: {  	_ =	shalt  }
0x52: {  	_ =	shalt  }
0x53: {  	_ =	shalt  }
0x54: {  	_ =	shalt  }
0x55: {  	_ =	shalt  }
0x56: {  	_ =	shalt  }
0x57: {  	_ =	shalt  }
0x58: {  	_ =	shalt  }
0x59: {  	_ =	shalt  }
0x5a: {  	_ =	shalt  }
0x5b: {  	_ =	shalt  }
0x5c: {  	_ =	shalt  }
0x5d: {  	_ =	shalt  }
0x5e: {  	_ =	shalt  }
0x5f: {  	_ =	shalt  }
0x60: {  	_ =	shalt  }
0x61: {  	_ =	shalt  }
0x62: {  	_ =	shalt  }
0x63: {  	_ =	shalt  }
0x64: {  	_ =	shalt  }
0x65: {  	_ =	shalt  }
0x66: {  	_ =	shalt  }
0x67: {  	_ =	shalt  }
0x68: {  	_ =	shalt  }
0x69: {  	_ =	shalt  }
0x6a: {  	_ =	shalt  }
0x6b: {  	_ =	shalt  }
0x6c: {  	_ =	shalt  }
0x6d: {  	_ =	shalt  }
0x6e: {  	_ =	shalt  }
0x6f: {  	_ =	shalt  }
0x70: {  	_ =	shalt  }
0x71: {  	_ =	shalt  }
0x72: {  	_ =	shalt  }
0x73: {  	_ =	shalt  }
0x74: {  	_ =	shalt  }
0x75: {  	_ =	shalt  }
0x76: {  	_ =	shalt  }
0x77: {  	_ =	shalt  }
0x78: {  	_ =	shalt  }
0x79: {  	_ =	shalt  }
0x7a: {  	_ =	shalt  }
0x7b: {  	_ =	shalt  }
0x7c: {  	_ =	shalt  }
0x7d: {  	_ =	shalt  }
0x7e: {  	_ =	shalt  }
0x7f: {  	_ =	shalt  }
0x80: {  	_ =	shalt  }
0x81: {  	_ =	shalt  }
0x82: {  	_ =	shalt  }
0x83: {  	_ =	shalt  }
0x84: {  	_ =	shalt  }
0x85: {  	_ =	shalt  }
0x86: {  	_ =	shalt  }
0x87: {  	_ =	shalt  }
.Lfunc_end0:
.L_simem_size_0:
called_computation_lowered:
.L_overlay_start_0:
0x88: {  	s2 =	sld [smem:$0x3FD9]  }
0x89: {  	s3 =	sld [smem:$0x3FFE];
	_ =	sdelay $0x1  }
0x8a: {  	s1 =	srdreg.scid  }
0x8b: {  	s0 =	sand.u32 $0x1, s1  }
0x8c: {  	s14 =	sshll.u32 s0, $0xA;
	s2 =	sadd.s32 s3, s2  }
0x8d: {  	s2 =	sadd.s32 s2, s14  }
0x8e: {  	[smem:$0x3FAD] =	sst s2  }
0x8f: {  	_ = 	snop  }
0x90: {  	s2 =	sld [smem:$0x3FD0];
	_ =	sdelay $0x2  }
0x91: {  	s15 =	simm.s32 $0xB;
	s4 =	simm.s32 $0x10  }
0x92: {  	[smem:s4], [sflag:s15] =	dma.local [hbm:s2], $0x1  }
0x93: {  	_ =	swait.eq [sflag:s15], $0x1  }
0x94: {  	[sflag:s15] =	ssyncset.done $0x0  }
0x95: {  	[sflag:s15] =	ssyncadd.s32 $0xFFFFFFFF  }
0x96: {  	s16 =	sld [smem:$0x11];
	(tm) =	ssettm $0x1  }
0x97: {  	s17 =	sld [smem:$0x3FFB];
	_ =	sdelay $0x3  }
0x98: {  	_ =	strace s17  }
0x99: {  	s3 =	sld [smem:$0x3FFC];
	_ =	sdelay $0x3  }
0x9a: {  	_ =	strace s3  }
0x9b: {  	s3 =	sld [smem:$0x3FFD];
	_ =	sdelay $0x3  }
0x9c: {  	_ =	strace s3  }
0x9d: {  	_ =	strace $0x8FFFFFFF  }
0x9e: {  	s18 =	sld [smem:$0x3FDB];
	_ =	sdelay $0x1  }
0x9f: {  	s19 =	simm.s32 $_scs_section_size  }
0xa0: {  	s5 =	simm.s32 $_size__tile_overlayer_lowered;
	s6 =	simm.s32 $_tile_overlayer_lowered  }
0xa1: {  	s22 =	simm.s32 $0x1BFF;
	s21 =	sshll.u32 s6, $0x1;
	s3 =	sadd.s32 s19, s18  }
0xa2: {  	s7 =	simm.s32 $0x0;
	s20 =	sshll.u32 s5, $0x1;
	s5 =	sadd.s32 s21, s3  }
0xa3: {  	[timem:s7], [sflag:s22] =	dma.local [hbm:s5], s20  }
0xa4: {  	_ =	swait.ge [sflag:s22], s20  }
0xa5: {  	s4 =	ssub.s32 $0x0, s20;
	[sflag:s22] =	ssyncset.done $0x0  }
0xa6: {  	[sflag:s22] =	ssyncadd.s32 s4;
	_ =	sdelay $0x1  }
0xa7: {  	s23 =	simm.s32 $0x1B8B  }
0xa8: {  	_ =	swait.ge [sflag:s23], $0x1  }
0xa9: {  	[sflag:s23] =	ssyncset.done $0x0  }
0xaa: {  	s25 =	simm.s32 $0x1B8E;
	s24 =	sld [smem:$0x3FFE];
	[sflag:s23] =	ssyncadd.s32 $0xFFFFFFFF  }
0xab: {  	s26 =	simm.s32 $execute0_lowered;
	[smem:$0x3FD2] =	sst s25  }
0xac: {  	s5 =	sshll.u32 s26, $0x1;
	_ =	strace $0x80000046;
	[dreg:$0x1] =	wrdreg $0xFFFFFFFF  }
0xad: {  	s28 =	simm.s32 $_size_execute0_lowered;
	s3 =	sadd.s32 s3, s5;
	[dreg:$0x0] =	wrdreg $0x0  }
0xae: {  	s5 =	sshll.u32 s28, $0x1;
	[dreg:$0x2] =	wrdreg s3  }
0xaf: {  	[dreg:$0x3] =	wrdreg s5  }
0xb0: {  	[dreg:$0x4] =	wrdreg $0xC0  }
0xb1: {  	_ =	task [dreg:s7], $0x5FFFF  }
0xb2: {  	[dreg:$0x1] =	wrdreg $0xFFFFFFFF  }
0xb3: {  	[dreg:$0x0] =	wrdreg $0x60  }
0xb4: {  	[dreg:$0x2] =	wrdreg s16  }
0xb5: {  	[dreg:$0x3] =	wrdreg s24  }
0xb6: {  	[dreg:$0x4] =	wrdreg $0x40800  }
0xb7: {  	[dreg:$0x5] =	wrdreg $0x9  }
0xb8: {  	_ =	task.clear_ibuf [dreg:s7], $0x6FFFF;
	_ =	strace $0x90000046  }
0xb9: {  	s29 =	simm.s32 $0x9;
	_ =	strace $0x80000048  }
0xba: {  	_ =	swait.ge [sflag:s29], $0x1  }
0xbb: {  	[sflag:s29] =	ssyncadd.s32 $0xFFFFFFFF  }
0xbc: {  	_ =	strace $0x90000048  }
0xbd: {  	_ =	sfence  }
0xbe: {  	s30 =	sld [smem:$0x0];
	_ =	sdelay $0x2  }
0xbf: {  	s31 =	sshll.u32 s1, $0xD;
	s1 =	sshrl.u32 s1, $0x2  }
0xc0: {  	s3 =	sand.u32 $0x4000, s31;
	s1 =	sadd.s32 s1, s30  }
0xc1: {  	s0 =	sor.u32 s3, s0;
	s1 =	sshll.u32 s1, $0x11  }
0xc2: {  	s0 =	sor.u32 s1, s0  }
0xc3: {  	s0 =	sadd.s32 $0x8F2B, s0  }
0xc4: {  	[sflag:s0] =	ssyncadd.remote.s32 $0x1  }
0xc5: {  	_ =	sfence.sel $0xFFFF  }
0xc6: {  	[dreg:$0x0] =	wrdreg $0xFFFFFFFF;
	(pc) =	sbr.abs _section_cstart, $3  }
0xc7: {  	[dreg:$0x1] =	wrdreg $0xFFFFFFFF  }
0xc8: {  	_ =	task.clear_ibuf [dreg:s7], $0x2FFFF;
	_ =	strace $0x9FFFFFFF  }
0xc9: {  	(tm) =	ssettm $0x7FFFFFFF  }
tec
execute0_lowered:
.L_overlay_start_1:
0x0: {  	(tag) =	ssettag $0x1  }
0x1: {  	s12 =	rddreg [dreg:$0x0]  }
0x2: {  	s5 =	rddreg [dreg:$0x1]  }
0x3: {  	s2 =	rddreg [dreg:$0x2]  }
0x4: {  	s0 =	rddreg [dreg:$0x3]  }
0x5: {  	s1 =	stileid.u32;
	s3 =	simm.s32 $0x0;
	s4 =	srdreg.scid  }
0x6: {  	s21 =	simm.s32 $0x10;
	s22 =	simm.s32 $0x0;
	s6 =	smul.u32 $0xA00, s1  }
0x7: {  	[smem:$0x7FF] =	sst s3;
	s13 =	sand.u32 $0x1, s4;
	s16 =	sadd.s32 $0x10000, s12  }
0x8: {  	s31 =	sshll.u32 s1, $0xB;
	s19 =	smul.u32 $0xA0, s1;
	s20 =	sshll.u32 s1, $0x6  }
0x9: {  	_ =	strace $0x80000047;
	s7 =	ssub.s32 $0x2, s13;
	s29 =	sshll.u32 s13, $0x4  }
0xa: {  	s30 =	sshll.u32 s13, $0xF;
	s13 =	simm.s32 $0x4000;
	s28 =	sshrl.u32 s6, $0x2  }
0xb: {  	s8 =	sshrl.u32 s7, $0x1;
	s14 =	sadd.s32 s29, s5;
	s17 =	sor.u32 s31, s30  }
0xc: {  	s4 =	sadd.s32 s28, s2;
	s15 =	ssub.s32 s7, s8;
	s18 =	sadd.s32 $0x6C00, s14  }
0xd: {  	s14 =	simm.s32 $0x1;
	s5 =	sadd.s32 $0x50, s4;
	s6 =	sadd.s32 $0xA0, s4  }
0xe: {  	s7 =	sadd.s32 $0xF0, s4;
	s8 =	sadd.s32 $0x140, s4;
	s9 =	sadd.s32 $0x190, s4  }
0xf: {  	s10 =	sadd.s32 $0x1E0, s4;
	s11 =	sadd.s32 $0x230, s4;
	s12 =	smax.u32 s15, $0x1  }
0x10: {  	s15 =	sadd.s32 s16, s17;
	s16 =	simm.s32 $0x50;
	s17 =	sadd.s32 s19, s18  }
0x11: {  	v0 =	vimm.f32 $0.0e+00;
	v1 =	vimm.f32 $1.000000000e+00;
	s18 =	sor.u32 $0x1C01, s20;
	s19 =	sshrl.u32 s4, $0x3;
	s20 =	simm.s32 $0x20  }
.LBB2_1:
0x12: {  	[tilespmem:$0x4000] =	vst v0  }
0x13: {  	[tilespmem:$0x4010] =	vst v0  }
0x14: {  	[tilespmem:$0x4020] =	vst v0  }
0x15: {  	[tilespmem:$0x4030] =	vst v0  }
0x16: {  	[tilespmem:$0x4040] =	vst v0  }
0x17: {  	[spmem:s4] =	stream.linear.scatter [tilespmem:s13], [sflag:$0x1], $0x50, $0x38;
	[tilespmem:$0x4300] =	vst v63  }
0x18: {  	_ =	swait.ge [sflag:s14], $0x50  }
0x19: {  	[sflag:s14] =	ssyncset.done $0x0  }
0x1a: {  	[sflag:s14] =	ssyncadd.s32 $0xFFFFFFB0  }
0x1b: {  	[spmem:s5] =	stream.linear.scatter [tilespmem:s13], [sflag:$0x1], $0x50, $0x38;
	[tilespmem:$0x4300] =	vst v63  }
0x1c: {  	_ =	swait.ge [sflag:s14], $0x50  }
0x1d: {  	[sflag:s14] =	ssyncset.done $0x0  }
0x1e: {  	[sflag:s14] =	ssyncadd.s32 $0xFFFFFFB0  }
0x1f: {  	[spmem:s6] =	stream.linear.scatter [tilespmem:s13], [sflag:$0x1], $0x50, $0x38;
	[tilespmem:$0x4300] =	vst v63  }
0x20: {  	_ =	swait.ge [sflag:s14], $0x50  }
0x21: {  	[sflag:s14] =	ssyncset.done $0x0  }
0x22: {  	[sflag:s14] =	ssyncadd.s32 $0xFFFFFFB0  }
0x23: {  	[spmem:s7] =	stream.linear.scatter [tilespmem:s13], [sflag:$0x1], $0x50, $0x38;
	[tilespmem:$0x4300] =	vst v63  }
0x24: {  	_ =	swait.ge [sflag:s14], $0x50  }
0x25: {  	[sflag:s14] =	ssyncset.done $0x0  }
0x26: {  	[sflag:s14] =	ssyncadd.s32 $0xFFFFFFB0  }
0x27: {  	[spmem:s8] =	stream.linear.scatter [tilespmem:s13], [sflag:$0x1], $0x50, $0x38;
	[tilespmem:$0x4300] =	vst v63  }
0x28: {  	_ =	swait.ge [sflag:s14], $0x50  }
0x29: {  	[sflag:s14] =	ssyncset.done $0x0  }
0x2a: {  	[sflag:s14] =	ssyncadd.s32 $0xFFFFFFB0  }
0x2b: {  	[spmem:s9] =	stream.linear.scatter [tilespmem:s13], [sflag:$0x1], $0x50, $0x38;
	[tilespmem:$0x4300] =	vst v63  }
0x2c: {  	_ =	swait.ge [sflag:s14], $0x50  }
0x2d: {  	[sflag:s14] =	ssyncset.done $0x0  }
0x2e: {  	[sflag:s14] =	ssyncadd.s32 $0xFFFFFFB0  }
0x2f: {  	[spmem:s10] =	stream.linear.scatter [tilespmem:s13], [sflag:$0x1], $0x50, $0x38;
	[tilespmem:$0x4300] =	vst v63  }
0x30: {  	_ =	swait.ge [sflag:s14], $0x50  }
0x31: {  	[sflag:s14] =	ssyncset.done $0x0  }
0x32: {  	[sflag:s14] =	ssyncadd.s32 $0xFFFFFFB0  }
0x33: {  	[spmem:s11] =	stream.linear.scatter [tilespmem:s13], [sflag:$0x1], $0x50, $0x38;
	[tilespmem:$0x4300] =	vst v63  }
0x34: {  	_ =	swait.ge [sflag:s14], $0x50  }
0x35: {  	[sflag:s14] =	ssyncset.done $0x0  }
0x36: {  	[sflag:s14] =	ssyncadd.s32 $0xFFFFFFB0  }
0x37: {  	[bflag:$0x0] =	sbarrier.arrive $0xFFFF  }
0x38: {  	[tilespmem:$0x4000] =	vst v1  }
0x39: {  	[tilespmem:$0x4010] =	vst v1  }
0x3a: {  	[tilespmem:$0x4020] =	vst v1  }
0x3b: {  	[tilespmem:$0x4030] =	vst v1  }
0x3c: {  	[tilespmem:$0x4040] =	vst v1  }
0x3d: {  	[tilespmem:s3], [sflag:$0x1] =	stream.linear.gather [hbm4b:s15+s3], $0x3E80, $0x38;
	[tilespmem:$0x4300] =	vst v63  }
0x3e: {  	_ =	swait.ge [sflag:s14], $0x3E80  }
0x3f: {  	[sflag:s14] =	ssyncset.done $0x0  }
0x40: {  	s23 =	simm.s32 $0x0;
	[sflag:s14] =	ssyncadd.s32 $0xFFFFC180  }
0x41: {  	[spmem:s2] =	stream.indirect.scatter.add.f32 [tilespmem:s13], [sflag:$0x1], $0x1, s23, s16, $0xb8;
	[tilespmem:$0x4300] =	vst v63  }
0x42: {  	_ =	swait.ge [sflag:s14], $0x50  }
0x43: {  	s23 =	simm.s32 $0x200;
	[sflag:s14] =	ssyncset.done $0x0  }
.LBB2_2:
0x44: {  	s24 =	sshra.s32 s23, $0x2;
	[sflag:s14] =	ssyncadd.s32 $0xFFFFFFB0;
	p0 =	sne.s32 s23, $0xF800  }
0x45: {  	[spmem:s2] =	stream.indirect.scatter.add.f32 [tilespmem:s13], [sflag:$0x1], $0x1, s24, s16, $0xb8;
	[tilespmem:$0x4300] =	vst v63  }
.Ltmp0:
0x46: {  	_ = 	snop;
	(pc) =	sbr.rel @p0 .LBB2_2-.Ltmp0, $4  }
0x47: {  	_ = 	snop  }
0x48: {  	s23 =	sadd.s32 $0x200, s23  }
0x49: {  	_ =	swait.ge [sflag:s14], $0x50  }
0x4a: {  	[sflag:s14] =	ssyncset.done $0x0  }
0x4b: {  	s22 =	sadd.s32 $0x1, s22  }
0x4c: {  	[sflag:s14] =	ssyncadd.s32 $0xFFFFFFB0;
	p0 =	sne.s32 s22, s12  }
.Ltmp1:
0x4d: {  	[bflag:$0x0] =	sbarrier.arrive $0xFFFF;
	(pc) =	sbr.rel @p0 .LBB2_1-.Ltmp1, $4  }
0x4e: {  	[hbm:s17@s20], [sflag:s18] =	dma.strided [spmem:s19@s21], $0x50, s14, $0x10   }
0x4f: {  	_ =	swait.ge [sflag:s14], $0x50  }
0x50: {  	[sflag:s14] =	ssyncset.done $0x0  }
0x51: {  	[sflag:s14] =	ssyncadd.s32 $0xFFFFFFB0  }
0x52: {  	_ =	sfence.sel $0x180000  }
0x53: {  	[bflag:$0x0] =	sbarrier.arrive $0xFFFF  }
0x54: {  	p0 =	sne.s32 s1, $0x0;
	_ =	strace $0x90000047  }
0x55: {  	s0 =	sadd.s32 @!p0 $0x100000, s0;
	[bflag:$0x2] =	sbarrier.arrive $0xFFFF  }
0x56: {  	[sflag:s0] =	ssyncadd.tile.s32 @!p0 $0x1;
	_ =	shalt  }
.Lfunc_end2:
_tile_overlayer_lowered:
.L_overlay_start_2:
0x57: {  	(tag) =	ssettag $0x2  }
0x58: {  	s0 =	rddreg [dreg:$0x0];
	s2 =	stileid.u32  }
0x59: {  	s1 =	rddreg [dreg:$0x1];
	p0 =	sne.s32 s2, $0x0  }
0x5a: {  	s3 =	rddreg [dreg:$0x2];
	[bflag:$0x3] =	sbarrier.arrive $0xFFFF;
	s2 =	simm.s32 @!p0 $0x1C01  }
0x5b: {  	[timem:s3], [sflag:s2] =	dma.local @!p0 [hbm:s0], s1  }
0x5c: {  	s0 =	simm.s32 @!p0 $0x1  }
0x5d: {  	_ =	swait.ge @!p0 [sflag:s0], s1  }
0x5e: {  	s1 =	ssub.s32 @!p0 $0x0, s1;
	[sflag:s0] =	ssyncset.done @!p0 $0x0  }
0x5f: {  	[sflag:s0] =	ssyncadd.s32 @!p0 s1  }
0x60: {  	[bflag:$0x3] =	sbarrier.arrive $0xFFFF  }
0x61: {  	_ =	shalt  }

</sc_bundles>
